<compile_context>
chip_gen: v7x
topology: tpu7x:2x2x1
jax: 0.10.2.dev20260603
libtpu: 0.0.44.dev20260713+nightly
codegen_flags: <defaults>
</compile_context>

<pallas_src>
import functools

import jax
import jax.numpy as jnp
from jax import lax
from jax.experimental import pallas as pl
from jax.experimental.pallas import tpu as pltpu
from jax.experimental.pallas import tpu_sc as plsc

N_ROOMS = 10000
D_IN = 128
D_HID = 128
D_OUT = 32

NC = 2
NS = 16
CHUNK = 128
GRP = 19

ACC_ROWS = N_ROOMS + 112
ROWS_PER_TILE = ACC_ROWS // NS

_UNTILED = pltpu.CompilerParams(use_tc_tiling_on_sc=False)


def _sc_mesh():
    return plsc.VectorSubcoreMesh(
        core_axis_name="c", subcore_axis_name="s", num_cores=NC, num_subcores=NS
    )


def _pad_edges(edge_index, n_pad_rows):
    e = edge_index.shape[1]
    total = n_pad_rows * CHUNK
    src = jnp.concatenate(
        [edge_index[0], jnp.zeros((total - e,), jnp.int32)]).reshape(n_pad_rows, CHUNK)
    dst = jnp.concatenate(
        [edge_index[1], jnp.full((total - e,), N_ROOMS, jnp.int32)]).reshape(n_pad_rows, CHUNK)
    return src, dst


def _phase0_call(dst_or, dst_ro, zeros16, ones16, blocks_per_tile):
    f32 = jnp.float32
    ng = blocks_per_tile // GRP

    @functools.partial(
        pl.kernel,
        out_type=[
            jax.ShapeDtypeStruct((ACC_ROWS, 16), f32),
            jax.ShapeDtypeStruct((ACC_ROWS, 16), f32),
        ],
        mesh=_sc_mesh(),
        scratch_types=[
            pltpu.VMEM((GRP, CHUNK), jnp.int32),
            pltpu.VMEM((CHUNK, 16), f32),
            pltpu.VMEM_SHARED((ACC_ROWS, 16), f32),
            pltpu.SemaphoreType.DMA,
        ],
        compiler_params=_UNTILED,
    )
    def phase0(dst_or_hbm, dst_ro_hbm, z16_hbm, ones_hbm,
               cnt_or_out, cnt_ro_out, dstv, onesv, cnt_sh, sem):
        c = lax.axis_index("c")
        s = lax.axis_index("s")
        row0 = s * ROWS_PER_TILE
        base = s * ng

        pltpu.sync_copy(z16_hbm.at[pl.ds(row0, ROWS_PER_TILE)],
                        cnt_sh.at[pl.ds(row0, ROWS_PER_TILE)])
        pltpu.sync_copy(ones_hbm, onesv)

        plsc.subcore_barrier()

        def run(dst_hbm):
            def group(g, carry):
                pltpu.sync_copy(dst_hbm.at[base + g], dstv)
                descs = []
                for j in range(GRP):
                    descs.append(pltpu.async_copy(
                        onesv, cnt_sh.at[dstv.at[j]], sem, add=True))
                for d in descs:
                    d.wait()
                return carry
            lax.fori_loop(0, ng, group, 0)

        pl.when(c == 0)(lambda: run(dst_or_hbm))
        pl.when(c == 1)(lambda: run(dst_ro_hbm))

        plsc.subcore_barrier()

        def copy_out(cnt_out):
            pltpu.sync_copy(cnt_sh.at[pl.ds(row0, ROWS_PER_TILE)],
                            cnt_out.at[pl.ds(row0, ROWS_PER_TILE)])

        pl.when(c == 0)(lambda: copy_out(cnt_or_out))
        pl.when(c == 1)(lambda: copy_out(cnt_ro_out))

    return phase0(dst_or, dst_ro, zeros16, ones16)


def _pipelined_segsum(x_hbm, src3, dst3, acc_sh, rows0, rows1, srcv, dstv,
                      gsem0, gsem1, ssem0, ssem1, base, ng, grp):
    bufs = ((rows0, gsem0), (rows1, gsem1))
    ssems = (ssem0, ssem1)

    pltpu.sync_copy(src3.at[base], srcv)
    pltpu.sync_copy(dst3.at[base], dstv)
    pltpu.async_copy(x_hbm.at[srcv.at[0]], rows0, gsem0)

    def group(g, carry):
        scat = [None, None]
        for j in range(grp):
            buf, gs = bufs[j % 2]
            pltpu.make_async_copy(x_hbm.at[srcv.at[j]], buf, gs).wait()
            if j + 1 < grp:
                p = (j + 1) % 2
                nb, ngs = bufs[p]
                if scat[p] is not None:
                    scat[p].wait()
                    scat[p] = None
                pltpu.async_copy(x_hbm.at[srcv.at[j + 1]], nb, ngs)
            scat[j % 2] = pltpu.async_copy(
                buf, acc_sh.at[dstv.at[j]], ssems[j % 2], add=True)
        for d in scat:
            if d is not None:
                d.wait()

        @pl.when(g + 1 < ng)
        def _next_group():
            pltpu.sync_copy(src3.at[base + g + 1], srcv)
            pltpu.sync_copy(dst3.at[base + g + 1], dstv)
            pltpu.async_copy(x_hbm.at[srcv.at[0]], rows0, gsem0)

        return carry

    lax.fori_loop(0, ng, group, 0)


def _phase1_call(x_objects, x_rooms, src_or, dst_or, src_ro, dst_ro,
                 zeros128, blocks_per_tile):
    f32 = jnp.float32
    ng = blocks_per_tile // GRP

    @functools.partial(
        pl.kernel,
        out_type=[
            jax.ShapeDtypeStruct((ACC_ROWS, D_IN), f32),
            jax.ShapeDtypeStruct((ACC_ROWS, D_IN), f32),
        ],
        mesh=_sc_mesh(),
        scratch_types=[
            pltpu.VMEM((GRP, CHUNK), jnp.int32),
            pltpu.VMEM((GRP, CHUNK), jnp.int32),
            pltpu.VMEM((CHUNK, D_IN), f32),
            pltpu.VMEM((CHUNK, D_IN), f32),
            pltpu.VMEM_SHARED((ACC_ROWS, D_IN), f32),
            pltpu.SemaphoreType.DMA,
            pltpu.SemaphoreType.DMA,
            pltpu.SemaphoreType.DMA,
            pltpu.SemaphoreType.DMA,
        ],
        compiler_params=_UNTILED,
    )
    def phase1(xo_hbm, xr_hbm, src_or_hbm, dst_or_hbm, src_ro_hbm, dst_ro_hbm,
               z128_hbm, agg_or_out, agg_ro_out,
               srcv, dstv, rows0, rows1, acc_sh, gsem0, gsem1, ssem0, ssem1):
        c = lax.axis_index("c")
        s = lax.axis_index("s")
        row0 = s * ROWS_PER_TILE
        base = s * ng

        pltpu.sync_copy(z128_hbm.at[pl.ds(row0, ROWS_PER_TILE)],
                        acc_sh.at[pl.ds(row0, ROWS_PER_TILE)])

        plsc.subcore_barrier()

        def run(x_hbm, src3, dst3):
            _pipelined_segsum(x_hbm, src3, dst3, acc_sh, rows0, rows1,
                              srcv, dstv, gsem0, gsem1, ssem0, ssem1,
                              base, ng, GRP)

        pl.when(c == 0)(lambda: run(xo_hbm, src_or_hbm, dst_or_hbm))
        pl.when(c == 1)(lambda: run(xr_hbm, src_ro_hbm, dst_ro_hbm))

        plsc.subcore_barrier()

        def copy_out(agg_out):
            pltpu.sync_copy(acc_sh.at[pl.ds(row0, ROWS_PER_TILE)],
                            agg_out.at[pl.ds(row0, ROWS_PER_TILE)])

        pl.when(c == 0)(lambda: copy_out(agg_or_out))
        pl.when(c == 1)(lambda: copy_out(agg_ro_out))

    return phase1(x_objects, x_rooms, src_or, dst_or, src_ro, dst_ro, zeros128)


def _phase2_call(q, src_or, dst_or, zeros32, blocks_per_tile, grp2):
    f32 = jnp.float32
    ng = blocks_per_tile // grp2

    @functools.partial(
        pl.kernel,
        out_type=[
            jax.ShapeDtypeStruct((ACC_ROWS, D_OUT), f32),
            jax.ShapeDtypeStruct((ACC_ROWS, D_OUT), f32),
        ],
        mesh=_sc_mesh(),
        scratch_types=[
            pltpu.VMEM((grp2, CHUNK), jnp.int32),
            pltpu.VMEM((grp2, CHUNK), jnp.int32),
            pltpu.VMEM((CHUNK, D_OUT), f32),
            pltpu.VMEM((CHUNK, D_OUT), f32),
            pltpu.VMEM_SHARED((ACC_ROWS, D_OUT), f32),
            pltpu.SemaphoreType.DMA,
            pltpu.SemaphoreType.DMA,
            pltpu.SemaphoreType.DMA,
            pltpu.SemaphoreType.DMA,
        ],
        compiler_params=_UNTILED,
    )
    def phase2(q_hbm, src_hbm, dst_hbm, z32_hbm, p0_out, p1_out,
               srcv, dstv, rows0, rows1, acc_sh, gsem0, gsem1, ssem0, ssem1):
        c = lax.axis_index("c")
        s = lax.axis_index("s")
        row0 = s * ROWS_PER_TILE
        base = (c * NS + s) * ng

        pltpu.sync_copy(z32_hbm.at[pl.ds(row0, ROWS_PER_TILE)],
                        acc_sh.at[pl.ds(row0, ROWS_PER_TILE)])

        plsc.subcore_barrier()

        _pipelined_segsum(q_hbm, src_hbm, dst_hbm, acc_sh, rows0, rows1,
                          srcv, dstv, gsem0, gsem1, ssem0, ssem1,
                          base, ng, grp2)

        plsc.subcore_barrier()

        def copy_out(p_out):
            pltpu.sync_copy(acc_sh.at[pl.ds(row0, ROWS_PER_TILE)],
                            p_out.at[pl.ds(row0, ROWS_PER_TILE)])

        pl.when(c == 0)(lambda: copy_out(p0_out))
        pl.when(c == 1)(lambda: copy_out(p1_out))

    return phase2(q, src_or, dst_or, zeros32)


_TC_BLK = 1000


def _tc1_body(agg_or, cnt_or, xr, agg_ro, cnt_ro, xo,
              wl0or, wr0or, b0or, wl0ro, wr0ro, b0ro, wl1or, wr1or, b1or,
              q_ref, t_ref):
    hp = jax.lax.Precision.HIGHEST
    inv_or = 1.0 / jnp.maximum(cnt_or[:, 0:1], 1.0)
    mean_or = agg_or[...] * inv_or
    h_rooms = jnp.maximum(
        jnp.dot(mean_or, wl0or[...], precision=hp)
        + jnp.dot(xr[...], wr0or[...], precision=hp) + b0or[...], 0.0)
    inv_ro = 1.0 / jnp.maximum(cnt_ro[:, 0:1], 1.0)
    mean_ro = agg_ro[...] * inv_ro
    h_obj = jnp.maximum(
        jnp.dot(mean_ro, wl0ro[...], precision=hp)
        + jnp.dot(xo[...], wr0ro[...], precision=hp) + b0ro[...], 0.0)
    q_ref[...] = jnp.dot(h_obj, wl1or[...], precision=hp)
    t_ref[...] = jnp.dot(h_rooms, wr1or[...], precision=hp) + b1or[...]


def _tc1_call(agg_or, cnt_or, x_rooms, agg_ro, cnt_ro, x_objects,
              Wl0_or, Wr0_or, b0_or, Wl0_ro, Wr0_ro, b0_ro,
              Wl1_or, Wr1_or, b1_or):
    f32 = jnp.float32
    n_blk = N_ROOMS // _TC_BLK
    row_spec = lambda w: pl.BlockSpec((_TC_BLK, w), lambda i: (i, 0))
    full_spec = lambda a, b: pl.BlockSpec((a, b), lambda i: (0, 0))
    return pl.pallas_call(
        _tc1_body,
        grid=(n_blk,),
        in_specs=[
            row_spec(D_IN), row_spec(16), row_spec(D_IN),
            row_spec(D_IN), row_spec(16), row_spec(D_IN),
            full_spec(D_IN, D_HID), full_spec(D_IN, D_HID), full_spec(1, D_HID),
            full_spec(D_IN, D_HID), full_spec(D_IN, D_HID), full_spec(1, D_HID),
            full_spec(D_HID, D_OUT), full_spec(D_HID, D_OUT), full_spec(1, D_OUT),
        ],
        out_specs=[row_spec(D_OUT), row_spec(D_OUT)],
        out_shape=[
            jax.ShapeDtypeStruct((N_ROOMS, D_OUT), f32),
            jax.ShapeDtypeStruct((N_ROOMS, D_OUT), f32),
        ],
    )(agg_or, cnt_or, x_rooms, agg_ro, cnt_ro, x_objects,
      Wl0_or, Wr0_or, b0_or, Wl0_ro, Wr0_ro, b0_ro, Wl1_or, Wr1_or, b1_or)


def _tc2_body(p0, p1, cnt, t, out_ref):
    inv = 1.0 / jnp.maximum(cnt[:, 0:1], 1.0)
    out_ref[...] = (p0[...] + p1[...]) * inv + t[...]


def _tc2_call(p0, p1, cnt_or, t):
    n_blk = N_ROOMS // _TC_BLK
    row_spec = lambda w: pl.BlockSpec((_TC_BLK, w), lambda i: (i, 0))
    return pl.pallas_call(
        _tc2_body,
        grid=(n_blk,),
        in_specs=[row_spec(D_OUT), row_spec(D_OUT), row_spec(16), row_spec(D_OUT)],
        out_specs=row_spec(D_OUT),
        out_shape=jax.ShapeDtypeStruct((N_ROOMS, D_OUT), jnp.float32),
    )(p0, p1, cnt_or, t)


def kernel(x_rooms, x_objects, edge_index_or, edge_index_ro,
           Wl0_or, Wr0_or, b0_or, Wl0_ro, Wr0_ro, b0_ro,
           Wl1_or, Wr1_or, b1_or, Wl1_ro, Wr1_ro, b1_ro):
    del Wl1_ro, Wr1_ro, b1_ro
    f32 = jnp.float32
    e = edge_index_or.shape[1]
    grp2 = GRP
    n_rows = -(-e // (CHUNK * NS * GRP)) * (NS * GRP)
    src_or, dst_or = _pad_edges(edge_index_or, n_rows)
    src_ro, dst_ro = _pad_edges(edge_index_ro, n_rows)

    zeros128 = jnp.zeros((ACC_ROWS, D_IN), f32)
    zeros16 = jnp.zeros((ACC_ROWS, 16), f32)
    zeros32 = jnp.zeros((ACC_ROWS, D_OUT), f32)
    ones16 = jnp.ones((CHUNK, 16), f32)

    bpt1 = n_rows // NS
    bpt2 = n_rows // (NS * NC)
    r1 = lambda a: a.reshape(NS * (bpt1 // GRP), GRP, CHUNK)
    r2 = lambda a: a.reshape(NS * NC * (bpt2 // grp2), grp2, CHUNK)

    cnt_or, cnt_ro = _phase0_call(r1(dst_or), r1(dst_ro), zeros16, ones16,
                                  blocks_per_tile=bpt1)

    agg_or, agg_ro = _phase1_call(
        x_objects, x_rooms, r1(src_or), r1(dst_or), r1(src_ro), r1(dst_ro),
        zeros128, blocks_per_tile=bpt1)

    q, t = _tc1_call(
        agg_or[:N_ROOMS], cnt_or[:N_ROOMS], x_rooms,
        agg_ro[:N_ROOMS], cnt_ro[:N_ROOMS], x_objects[:N_ROOMS],
        Wl0_or, Wr0_or, b0_or.reshape(1, -1),
        Wl0_ro, Wr0_ro, b0_ro.reshape(1, -1),
        Wl1_or, Wr1_or, b1_or.reshape(1, -1))

    p0, p1 = _phase2_call(q, r2(src_or), r2(dst_or), zeros32,
                          blocks_per_tile=bpt2, grp2=grp2)

    return _tc2_call(p0[:N_ROOMS], p1[:N_ROOMS], cnt_or[:N_ROOMS], t)

# --- scband reference (transcript-rebuilt; emitter-appended) ---
"""Pipeline reference for scband-heterogeneous-network-72988674228852 (READ-ONLY COPY).

The authoritative reference and input builder live on the scoring server;
editing this copy changes nothing except your own understanding.
"""

import jax, jax.numpy as jnp
import numpy as np

N_ROOMS = 10000
N_OBJ = 40000
D_IN = 128
D_HID = 128
D_OUT = 32
E = 300000


def setup_inputs(seed: int = 0) -> dict:
    key = jax.random.key(seed)
    ks = jax.random.split(key, 24)
    inp = {}
    inp["x_rooms"] = jax.random.normal(ks[0], (N_ROOMS, D_IN), dtype=jnp.float32)
    inp["x_objects"] = jax.random.normal(ks[1], (N_OBJ, D_IN), dtype=jnp.float32)
    # edge_index rows: [src, dst]; values capped at 10000 so both src and dst are in range
    inp["edge_index_or"] = jax.random.randint(ks[2], (2, E), 0, N_ROOMS, dtype=jnp.int32)  # objects -> rooms
    inp["edge_index_ro"] = jax.random.randint(ks[3], (2, E), 0, N_ROOMS, dtype=jnp.int32)  # rooms -> objects
    # SAGEConv params per (layer, edge_type): W_l (aggregated src), W_r (self/dst), bias
    s = 0.05
    inp["Wl0_or"] = jax.random.normal(ks[4], (D_IN, D_HID), jnp.float32) * s
    inp["Wr0_or"] = jax.random.normal(ks[5], (D_IN, D_HID), jnp.float32) * s
    inp["b0_or"] = jnp.zeros((D_HID,), jnp.float32)
    inp["Wl0_ro"] = jax.random.normal(ks[6], (D_IN, D_HID), jnp.float32) * s
    inp["Wr0_ro"] = jax.random.normal(ks[7], (D_IN, D_HID), jnp.float32) * s
    inp["b0_ro"] = jnp.zeros((D_HID,), jnp.float32)
    inp["Wl1_or"] = jax.random.normal(ks[8], (D_HID, D_OUT), jnp.float32) * s
    inp["Wr1_or"] = jax.random.normal(ks[9], (D_HID, D_OUT), jnp.float32) * s
    inp["b1_or"] = jnp.zeros((D_OUT,), jnp.float32)
    inp["Wl1_ro"] = jax.random.normal(ks[10], (D_HID, D_OUT), jnp.float32) * s
    inp["Wr1_ro"] = jax.random.normal(ks[11], (D_HID, D_OUT), jnp.float32) * s
    inp["b1_ro"] = jnp.zeros((D_OUT,), jnp.float32)
    return inp


def _sage_conv(x_src, x_dst, edge_index, Wl, Wr, b):
    # PyG SAGEConv with mean aggregation: lin_l(mean_agg(x_src)) + lin_r(x_dst)
    src = edge_index[0]
    dst = edge_index[1]
    num_dst = x_dst.shape[0]
    msg = jnp.take(x_src, src, axis=0)  # gather, memory-bound
    agg = jax.ops.segment_sum(msg, dst, num_segments=num_dst)  # scatter-add
    cnt = jax.ops.segment_sum(jnp.ones_like(dst, dtype=x_src.dtype), dst, num_segments=num_dst)
    mean = agg / jnp.maximum(cnt, 1.0)[:, None]
    return mean @ Wl + x_dst @ Wr + b


def reference(x_rooms, x_objects, edge_index_or, edge_index_ro,
              Wl0_or, Wr0_or, b0_or, Wl0_ro, Wr0_ro, b0_ro,
              Wl1_or, Wr1_or, b1_or, Wl1_ro, Wr1_ro, b1_ro):
    # Layer 0 (HeteroConv over 2 edge types) + ReLU; dropout is identity in eval
    h_rooms = jax.nn.relu(_sage_conv(x_objects, x_rooms, edge_index_or, Wl0_or, Wr0_or, b0_or))
    h_obj = jax.nn.relu(_sage_conv(x_rooms, x_objects, edge_index_ro, Wl0_ro, Wr0_ro, b0_ro))
    # Layer 1 (last layer: no activation/dropout)
    out_rooms = _sage_conv(h_obj, h_rooms, edge_index_or, Wl1_or, Wr1_or, b1_or)
    out_obj = _sage_conv(h_rooms, h_obj, edge_index_ro, Wl1_ro, Wr1_ro, b1_ro)  # computed by HeteroConv, not returned
    del out_obj
    return out_rooms

if __name__ == "__main__":
    import jax
    _d = setup_inputs()
    print(jax.jit(kernel)(*tuple(_d.values())))

</pallas_src>

<mosaic_0001>
#map = affine_map<(d0, d1) -> (0, 0, 0)>
#map1 = affine_map<(d0, d1) -> (0, 0)>
module attributes {stable_mosaic.version = 14 : i64} {
  func.func @phase0(%arg0: i32, %arg1: i32, %arg2: memref<128x19x128xi32, #tpu.memory_space<hbm>>, %arg3: memref<128x19x128xi32, #tpu.memory_space<hbm>>, %arg4: memref<10112x16xf32, #tpu.memory_space<hbm>>, %arg5: memref<128x16xf32, #tpu.memory_space<hbm>>, %arg6: memref<10112x16xf32, #tpu.memory_space<hbm>>, %arg7: memref<10112x16xf32, #tpu.memory_space<hbm>>, %arg8: memref<19x128xi32, #tpu.memory_space<vmem>>, %arg9: memref<128x16xf32, #tpu.memory_space<vmem>>, %arg10: memref<10112x16xf32, #tpu.memory_space<vmem_shared>>, %arg11: memref<!tpu.dma_semaphore, #tpu.memory_space<semaphore_mem>>) attributes {dimension_semantics = [#tpu.dimension_semantics<core_parallel>, #tpu.dimension_semantics<subcore_parallel>], iteration_bounds = array<i64: 2, 16>, scalar_prefetch = 0 : i64, scratch_operands = 4 : i64, tpu.core_type = #tpu.core_type<sc_vector_subcore>, window_params = [{transform_indices = #map}, {transform_indices = #map}, {transform_indices = #map1}, {transform_indices = #map1}, {transform_indices = #map1}, {transform_indices = #map1}]} {
    %mul3A = arith.constant 632 : i32
    %mul3A_0 = arith.muli %arg1, %mul3A : i32
    %mul3A_1 = arith.constant 8 : i32
    %mul3A_2 = arith.muli %arg1, %mul3A_1 : i32
    "tpu.region"() ({
      %run_scoped3A = tpu.sem_alloc : memref<!tpu.dma_semaphore, #tpu.memory_space<semaphore_mem>>
      %dma_start3A = arith.constant 0 : i32
      %dma_start3A_21 = tpu.memref_slice %arg10[%mul3A_0, %dma_start3A] : memref<10112x16xf32, #tpu.memory_space<vmem_shared>> -> memref<632x16xf32, #tpu.memory_space<vmem_shared>>
      %dma_start3A_22 = arith.constant 0 : i32
      %dma_start3A_23 = tpu.memref_slice %arg4[%mul3A_0, %dma_start3A_22] : memref<10112x16xf32, #tpu.memory_space<hbm>> -> memref<632x16xf32, #tpu.memory_space<hbm>>
      tpu.enqueue_dma source(%dma_start3A_23 : memref<632x16xf32, #tpu.memory_space<hbm>>) target(%dma_start3A_21 : memref<632x16xf32, #tpu.memory_space<vmem_shared>>) target_semaphore(%run_scoped3A : memref<!tpu.dma_semaphore, #tpu.memory_space<semaphore_mem>>)
      %dma_wait3A = arith.constant 0 : i32
      %dma_wait3A_24 = tpu.memref_slice %arg10[%mul3A_0, %dma_wait3A] : memref<10112x16xf32, #tpu.memory_space<vmem_shared>> -> memref<632x16xf32, #tpu.memory_space<vmem_shared>>
      %dma_wait3A_25 = arith.constant 0 : i32
      %dma_wait3A_26 = tpu.memref_slice %arg4[%mul3A_0, %dma_wait3A_25] : memref<10112x16xf32, #tpu.memory_space<hbm>> -> memref<632x16xf32, #tpu.memory_space<hbm>>
      tpu.wait_dma2 semaphore(%run_scoped3A : memref<!tpu.dma_semaphore, #tpu.memory_space<semaphore_mem>>) src(%dma_wait3A_26 : memref<632x16xf32, #tpu.memory_space<hbm>>) dst(%dma_wait3A_24 : memref<632x16xf32, #tpu.memory_space<vmem_shared>>)
      tpu.yield
    }) : () -> ()
    "tpu.region"() ({
      %run_scoped3A = tpu.sem_alloc : memref<!tpu.dma_semaphore, #tpu.memory_space<semaphore_mem>>
      tpu.enqueue_dma source(%arg5 : memref<128x16xf32, #tpu.memory_space<hbm>>) target(%arg9 : memref<128x16xf32, #tpu.memory_space<vmem>>) target_semaphore(%run_scoped3A : memref<!tpu.dma_semaphore, #tpu.memory_space<semaphore_mem>>)
      tpu.wait_dma2 semaphore(%run_scoped3A : memref<!tpu.dma_semaphore, #tpu.memory_space<semaphore_mem>>) src(%arg5 : memref<128x16xf32, #tpu.memory_space<hbm>>) dst(%arg9 : memref<128x16xf32, #tpu.memory_space<vmem>>)
      tpu.yield
    }) : () -> ()
    %barrier3A = arith.constant 0 : index
    tpu.barrier barrier_id(%barrier3A)
    %eq3A = arith.constant 0 : i32
    %eq3A_3 = arith.cmpi eq, %arg0, %eq3A : i32
    %convert_element_type3A = arith.extui %eq3A_3 : i1 to i32
    %cond3A = arith.constant 0 : i32
    %cond3A_4 = arith.cmpi ne, %convert_element_type3A, %cond3A : i32
    scf.if %cond3A_4 {
      %scan3A = arith.constant 0 : i32
      %scan3A_21 = arith.constant 0 : i32
      %scan3A_22 = arith.constant 8 : i32
      %scan3A_23 = arith.addi %scan3A_21, %scan3A_22 : i32
      %scan3A_24 = arith.constant 1 : i32
      scf.for %scan3A_26 = %scan3A_21 to %scan3A_23 step %scan3A_24  : i32 {
        %add3A = arith.addi %mul3A_2, %scan3A_26 : i32
        "tpu.region"() ({
          %run_scoped3A = tpu.sem_alloc : memref<!tpu.dma_semaphore, #tpu.memory_space<semaphore_mem>>
          %dma_start3A_291 = arith.constant 0 : i32
          %dma_start3A_292 = arith.constant 0 : i32
          %dma_start3A_293 = tpu.memref_slice %arg2[%add3A, %dma_start3A_291, %dma_start3A_292] : memref<128x19x128xi32, #tpu.memory_space<hbm>> -> memref<1x19x128xi32, #tpu.memory_space<hbm>>
          %dma_start3A_294 = tpu.memref_squeeze %dma_start3A_293 : memref<1x19x128xi32, #tpu.memory_space<hbm>> -> memref<19x128xi32, #tpu.memory_space<hbm>>
          %dma_start3A_295 = arith.constant 0 : i32
          %dma_start3A_296 = arith.constant 0 : i32
          %dma_start3A_297 = tpu.memref_slice %arg2[%add3A, %dma_start3A_295, %dma_start3A_296] : memref<128x19x128xi32, #tpu.memory_space<hbm>> -> memref<1x19x128xi32, #tpu.memory_space<hbm>>
          %dma_start3A_298 = tpu.memref_squeeze %dma_start3A_297 : memref<1x19x128xi32, #tpu.memory_space<hbm>> -> memref<19x128xi32, #tpu.memory_space<hbm>>
          tpu.enqueue_dma source(%dma_start3A_298 : memref<19x128xi32, #tpu.memory_space<hbm>>) target(%arg8 : memref<19x128xi32, #tpu.memory_space<vmem>>) target_semaphore(%run_scoped3A : memref<!tpu.dma_semaphore, #tpu.memory_space<semaphore_mem>>)
          %dma_wait3A_299 = arith.constant 0 : i32
          %dma_wait3A_300 = arith.constant 0 : i32
          %dma_wait3A_301 = tpu.memref_slice %arg2[%add3A, %dma_wait3A_299, %dma_wait3A_300] : memref<128x19x128xi32, #tpu.memory_space<hbm>> -> memref<1x19x128xi32, #tpu.memory_space<hbm>>
          %dma_wait3A_302 = tpu.memref_squeeze %dma_wait3A_301 : memref<1x19x128xi32, #tpu.memory_space<hbm>> -> memref<19x128xi32, #tpu.memory_space<hbm>>
          %dma_wait3A_303 = arith.constant 0 : i32
          %dma_wait3A_304 = arith.constant 0 : i32
          %dma_wait3A_305 = tpu.memref_slice %arg2[%add3A, %dma_wait3A_303, %dma_wait3A_304] : memref<128x19x128xi32, #tpu.memory_space<hbm>> -> memref<1x19x128xi32, #tpu.memory_space<hbm>>
          %dma_wait3A_306 = tpu.memref_squeeze %dma_wait3A_305 : memref<1x19x128xi32, #tpu.memory_space<hbm>> -> memref<19x128xi32, #tpu.memory_space<hbm>>
          tpu.wait_dma2 semaphore(%run_scoped3A : memref<!tpu.dma_semaphore, #tpu.memory_space<semaphore_mem>>) src(%dma_wait3A_306 : memref<19x128xi32, #tpu.memory_space<hbm>>) dst(%arg8 : memref<19x128xi32, #tpu.memory_space<vmem>>)
          tpu.yield
        }) : () -> ()
        %dma_start3A = arith.constant 0 : i32
        %dma_start3A_27 = arith.constant 0 : i32
        %dma_start3A_28 = tpu.memref_slice %arg8[%dma_start3A, %dma_start3A_27] : memref<19x128xi32, #tpu.memory_space<vmem>> -> memref<1x128xi32, #tpu.memory_space<vmem>>
        %dma_start3A_29 = tpu.memref_squeeze %dma_start3A_28 : memref<1x128xi32, #tpu.memory_space<vmem>> -> memref<128xi32, #tpu.memory_space<vmem>>
        %dma_start3A_30 = arith.constant 0 : i32
        %dma_start3A_31 = arith.constant 0 : i32
        %dma_start3A_32 = tpu.memref_slice %arg10[%dma_start3A_30, %dma_start3A_31] : memref<10112x16xf32, #tpu.memory_space<vmem_shared>> -> memref<10112x16xf32, #tpu.memory_space<vmem_shared>>
        tpu.enqueue_indirect_dma source(%arg9 : memref<128x16xf32, #tpu.memory_space<vmem>>) target(%dma_start3A_32 : memref<10112x16xf32, #tpu.memory_space<vmem_shared>>) offsets(%dma_start3A_29 : memref<128xi32, #tpu.memory_space<vmem>>) semaphore(%arg11 : memref<!tpu.dma_semaphore, #tpu.memory_space<semaphore_mem>>) {add = true}
        %dma_start3A_33 = arith.constant 1 : i32
        %dma_start3A_34 = arith.constant 0 : i32
        %dma_start3A_35 = tpu.memref_slice %arg8[%dma_start3A_33, %dma_start3A_34] : memref<19x128xi32, #tpu.memory_space<vmem>> -> memref<1x128xi32, #tpu.memory_space<vmem>>
        %dma_start3A_36 = tpu.memref_squeeze %dma_start3A_35 : memref<1x128xi32, #tpu.memory_space<vmem>> -> memref<128xi32, #tpu.memory_space<vmem>>
        %dma_start3A_37 = arith.constant 0 : i32
        %dma_start3A_38 = arith.constant 0 : i32
        %dma_start3A_39 = tpu.memref_slice %arg10[%dma_start3A_37, %dma_start3A_38] : memref<10112x16xf32, #tpu.memory_space<vmem_shared>> -> memref<10112x16xf32, #tpu.memory_space<vmem_shared>>
        tpu.enqueue_indirect_dma source(%arg9 : memref<128x16xf32, #tpu.memory_space<vmem>>) target(%dma_start3A_39 : memref<10112x16xf32, #tpu.memory_space<vmem_shared>>) offsets(%dma_start3A_36 : memref<128xi32, #tpu.memory_space<vmem>>) semaphore(%arg11 : memref<!tpu.dma_semaphore, #tpu.memory_space<semaphore_mem>>) {add = true}
        %dma_start3A_40 = arith.constant 2 : i32
        %dma_start3A_41 = arith.constant 0 : i32
        %dma_start3A_42 = tpu.memref_slice %arg8[%dma_start3A_40, %dma_start3A_41] : memref<19x128xi32, #tpu.memory_space<vmem>> -> memref<1x128xi32, #tpu.memory_space<vmem>>
        %dma_start3A_43 = tpu.memref_squeeze %dma_start3A_42 : memref<1x128xi32, #tpu.memory_space<vmem>> -> memref<128xi32, #tpu.memory_space<vmem>>
        %dma_start3A_44 = arith.constant 0 : i32
        %dma_start3A_45 = arith.constant 0 : i32
        %dma_start3A_46 = tpu.memref_slice %arg10[%dma_start3A_44, %dma_start3A_45] : memref<10112x16xf32, #tpu.memory_space<vmem_shared>> -> memref<10112x16xf32, #tpu.memory_space<vmem_shared>>
        tpu.enqueue_indirect_dma source(%arg9 : memref<128x16xf32, #tpu.memory_space<vmem>>) target(%dma_start3A_46 : memref<10112x16xf32, #tpu.memory_space<vmem_shared>>) offsets(%dma_start3A_43 : memref<128xi32, #tpu.memory_space<vmem>>) semaphore(%arg11 : memref<!tpu.dma_semaphore, #tpu.memory_space<semaphore_mem>>) {add = true}
        %dma_start3A_47 = arith.constant 3 : i32
        %dma_start3A_48 = arith.constant 0 : i32
        %dma_start3A_49 = tpu.memref_slice %arg8[%dma_start3A_47, %dma_start3A_48] : memref<19x128xi32, #tpu.memory_space<vmem>> -> memref<1x128xi32, #tpu.memory_space<vmem>>
        %dma_start3A_50 = tpu.memref_squeeze %dma_start3A_49 : memref<1x128xi32, #tpu.memory_space<vmem>> -> memref<128xi32, #tpu.memory_space<vmem>>
        %dma_start3A_51 = arith.constant 0 : i32
        %dma_start3A_52 = arith.constant 0 : i32
        %dma_start3A_53 = tpu.memref_slice %arg10[%dma_start3A_51, %dma_start3A_52] : memref<10112x16xf32, #tpu.memory_space<vmem_shared>> -> memref<10112x16xf32, #tpu.memory_space<vmem_shared>>
        tpu.enqueue_indirect_dma source(%arg9 : memref<128x16xf32, #tpu.memory_space<vmem>>) target(%dma_start3A_53 : memref<10112x16xf32, #tpu.memory_space<vmem_shared>>) offsets(%dma_start3A_50 : memref<128xi32, #tpu.memory_space<vmem>>) semaphore(%arg11 : memref<!tpu.dma_semaphore, #tpu.memory_space<semaphore_mem>>) {add = true}
        %dma_start3A_54 = arith.constant 4 : i32
        %dma_start3A_55 = arith.constant 0 : i32
        %dma_start3A_56 = tpu.memref_slice %arg8[%dma_start3A_54, %dma_start3A_55] : memref<19x128xi32, #tpu.memory_space<vmem>> -> memref<1x128xi32, #tpu.memory_space<vmem>>
        %dma_start3A_57 = tpu.memref_squeeze %dma_start3A_56 : memref<1x128xi32, #tpu.memory_space<vmem>> -> memref<128xi32, #tpu.memory_space<vmem>>
        %dma_start3A_58 = arith.constant 0 : i32
        %dma_start3A_59 = arith.constant 0 : i32
        %dma_start3A_60 = tpu.memref_slice %arg10[%dma_start3A_58, %dma_start3A_59] : memref<10112x16xf32, #tpu.memory_space<vmem_shared>> -> memref<10112x16xf32, #tpu.memory_space<vmem_shared>>
        tpu.enqueue_indirect_dma source(%arg9 : memref<128x16xf32, #tpu.memory_space<vmem>>) target(%dma_start3A_60 : memref<10112x16xf32, #tpu.memory_space<vmem_shared>>) offsets(%dma_start3A_57 : memref<128xi32, #tpu.memory_space<vmem>>) semaphore(%arg11 : memref<!tpu.dma_semaphore, #tpu.memory_space<semaphore_mem>>) {add = true}
        %dma_start3A_61 = arith.constant 5 : i32
        %dma_start3A_62 = arith.constant 0 : i32
        %dma_start3A_63 = tpu.memref_slice %arg8[%dma_start3A_61, %dma_start3A_62] : memref<19x128xi32, #tpu.memory_space<vmem>> -> memref<1x128xi32, #tpu.memory_space<vmem>>
        %dma_start3A_64 = tpu.memref_squeeze %dma_start3A_63 : memref<1x128xi32, #tpu.memory_space<vmem>> -> memref<128xi32, #tpu.memory_space<vmem>>
        %dma_start3A_65 = arith.constant 0 : i32
        %dma_start3A_66 = arith.constant 0 : i32
        %dma_start3A_67 = tpu.memref_slice %arg10[%dma_start3A_65, %dma_start3A_66] : memref<10112x16xf32, #tpu.memory_space<vmem_shared>> -> memref<10112x16xf32, #tpu.memory_space<vmem_shared>>
        tpu.enqueue_indirect_dma source(%arg9 : memref<128x16xf32, #tpu.memory_space<vmem>>) target(%dma_start3A_67 : memref<10112x16xf32, #tpu.memory_space<vmem_shared>>) offsets(%dma_start3A_64 : memref<128xi32, #tpu.memory_space<vmem>>) semaphore(%arg11 : memref<!tpu.dma_semaphore, #tpu.memory_space<semaphore_mem>>) {add = true}
        %dma_start3A_68 = arith.constant 6 : i32
        %dma_start3A_69 = arith.constant 0 : i32
        %dma_start3A_70 = tpu.memref_slice %arg8[%dma_start3A_68, %dma_start3A_69] : memref<19x128xi32, #tpu.memory_space<vmem>> -> memref<1x128xi32, #tpu.memory_space<vmem>>
        %dma_start3A_71 = tpu.memref_squeeze %dma_start3A_70 : memref<1x128xi32, #tpu.memory_space<vmem>> -> memref<128xi32, #tpu.memory_space<vmem>>
        %dma_start3A_72 = arith.constant 0 : i32
        %dma_start3A_73 = arith.constant 0 : i32
        %dma_start3A_74 = tpu.memref_slice %arg10[%dma_start3A_72, %dma_start3A_73] : memref<10112x16xf32, #tpu.memory_space<vmem_shared>> -> memref<10112x16xf32, #tpu.memory_space<vmem_shared>>
        tpu.enqueue_indirect_dma source(%arg9 : memref<128x16xf32, #tpu.memory_space<vmem>>) target(%dma_start3A_74 : memref<10112x16xf32, #tpu.memory_space<vmem_shared>>) offsets(%dma_start3A_71 : memref<128xi32, #tpu.memory_space<vmem>>) semaphore(%arg11 : memref<!tpu.dma_semaphore, #tpu.memory_space<semaphore_mem>>) {add = true}
        %dma_start3A_75 = arith.constant 7 : i32
        %dma_start3A_76 = arith.constant 0 : i32
        %dma_start3A_77 = tpu.memref_slice %arg8[%dma_start3A_75, %dma_start3A_76] : memref<19x128xi32, #tpu.memory_space<vmem>> -> memref<1x128xi32, #tpu.memory_space<vmem>>
        %dma_start3A_78 = tpu.memref_squeeze %dma_start3A_77 : memref<1x128xi32, #tpu.memory_space<vmem>> -> memref<128xi32, #tpu.memory_space<vmem>>
        %dma_start3A_79 = arith.constant 0 : i32
        %dma_start3A_80 = arith.constant 0 : i32
        %dma_start3A_81 = tpu.memref_slice %arg10[%dma_start3A_79, %dma_start3A_80] : memref<10112x16xf32, #tpu.memory_space<vmem_shared>> -> memref<10112x16xf32, #tpu.memory_space<vmem_shared>>
        tpu.enqueue_indirect_dma source(%arg9 : memref<128x16xf32, #tpu.memory_space<vmem>>) target(%dma_start3A_81 : memref<10112x16xf32, #tpu.memory_space<vmem_shared>>) offsets(%dma_start3A_78 : memref<128xi32, #tpu.memory_space<vmem>>) semaphore(%arg11 : memref<!tpu.dma_semaphore, #tpu.memory_space<semaphore_mem>>) {add = true}
        %dma_start3A_82 = arith.constant 8 : i32
        %dma_start3A_83 = arith.constant 0 : i32
        %dma_start3A_84 = tpu.memref_slice %arg8[%dma_start3A_82, %dma_start3A_83] : memref<19x128xi32, #tpu.memory_space<vmem>> -> memref<1x128xi32, #tpu.memory_space<vmem>>
        %dma_start3A_85 = tpu.memref_squeeze %dma_start3A_84 : memref<1x128xi32, #tpu.memory_space<vmem>> -> memref<128xi32, #tpu.memory_space<vmem>>
        %dma_start3A_86 = arith.constant 0 : i32
        %dma_start3A_87 = arith.constant 0 : i32
        %dma_start3A_88 = tpu.memref_slice %arg10[%dma_start3A_86, %dma_start3A_87] : memref<10112x16xf32, #tpu.memory_space<vmem_shared>> -> memref<10112x16xf32, #tpu.memory_space<vmem_shared>>
        tpu.enqueue_indirect_dma source(%arg9 : memref<128x16xf32, #tpu.memory_space<vmem>>) target(%dma_start3A_88 : memref<10112x16xf32, #tpu.memory_space<vmem_shared>>) offsets(%dma_start3A_85 : memref<128xi32, #tpu.memory_space<vmem>>) semaphore(%arg11 : memref<!tpu.dma_semaphore, #tpu.memory_space<semaphore_mem>>) {add = true}
        %dma_start3A_89 = arith.constant 9 : i32
        %dma_start3A_90 = arith.constant 0 : i32
        %dma_start3A_91 = tpu.memref_slice %arg8[%dma_start3A_89, %dma_start3A_90] : memref<19x128xi32, #tpu.memory_space<vmem>> -> memref<1x128xi32, #tpu.memory_space<vmem>>
        %dma_start3A_92 = tpu.memref_squeeze %dma_start3A_91 : memref<1x128xi32, #tpu.memory_space<vmem>> -> memref<128xi32, #tpu.memory_space<vmem>>
        %dma_start3A_93 = arith.constant 0 : i32
        %dma_start3A_94 = arith.constant 0 : i32
        %dma_start3A_95 = tpu.memref_slice %arg10[%dma_start3A_93, %dma_start3A_94] : memref<10112x16xf32, #tpu.memory_space<vmem_shared>> -> memref<10112x16xf32, #tpu.memory_space<vmem_shared>>
        tpu.enqueue_indirect_dma source(%arg9 : memref<128x16xf32, #tpu.memory_space<vmem>>) target(%dma_start3A_95 : memref<10112x16xf32, #tpu.memory_space<vmem_shared>>) offsets(%dma_start3A_92 : memref<128xi32, #tpu.memory_space<vmem>>) semaphore(%arg11 : memref<!tpu.dma_semaphore, #tpu.memory_space<semaphore_mem>>) {add = true}
        %dma_start3A_96 = arith.constant 10 : i32
        %dma_start3A_97 = arith.constant 0 : i32
        %dma_start3A_98 = tpu.memref_slice %arg8[%dma_start3A_96, %dma_start3A_97] : memref<19x128xi32, #tpu.memory_space<vmem>> -> memref<1x128xi32, #tpu.memory_space<vmem>>
        %dma_start3A_99 = tpu.memref_squeeze %dma_start3A_98 : memref<1x128xi32, #tpu.memory_space<vmem>> -> memref<128xi32, #tpu.memory_space<vmem>>
        %dma_start3A_100 = arith.constant 0 : i32
        %dma_start3A_101 = arith.constant 0 : i32
        %dma_start3A_102 = tpu.memref_slice %arg10[%dma_start3A_100, %dma_start3A_101] : memref<10112x16xf32, #tpu.memory_space<vmem_shared>> -> memref<10112x16xf32, #tpu.memory_space<vmem_shared>>
        tpu.enqueue_indirect_dma source(%arg9 : memref<128x16xf32, #tpu.memory_space<vmem>>) target(%dma_start3A_102 : memref<10112x16xf32, #tpu.memory_space<vmem_shared>>) offsets(%dma_start3A_99 : memref<128xi32, #tpu.memory_space<vmem>>) semaphore(%arg11 : memref<!tpu.dma_semaphore, #tpu.memory_space<semaphore_mem>>) {add = true}
        %dma_start3A_103 = arith.constant 11 : i32
        %dma_start3A_104 = arith.constant 0 : i32
        %dma_start3A_105 = tpu.memref_slice %arg8[%dma_start3A_103, %dma_start3A_104] : memref<19x128xi32, #tpu.memory_space<vmem>> -> memref<1x128xi32, #tpu.memory_space<vmem>>
        %dma_start3A_106 = tpu.memref_squeeze %dma_start3A_105 : memref<1x128xi32, #tpu.memory_space<vmem>> -> memref<128xi32, #tpu.memory_space<vmem>>
        %dma_start3A_107 = arith.constant 0 : i32
        %dma_start3A_108 = arith.constant 0 : i32
        %dma_start3A_109 = tpu.memref_slice %arg10[%dma_start3A_107, %dma_start3A_108] : memref<10112x16xf32, #tpu.memory_space<vmem_shared>> -> memref<10112x16xf32, #tpu.memory_space<vmem_shared>>
        tpu.enqueue_indirect_dma source(%arg9 : memref<128x16xf32, #tpu.memory_space<vmem>>) target(%dma_start3A_109 : memref<10112x16xf32, #tpu.memory_space<vmem_shared>>) offsets(%dma_start3A_106 : memref<128xi32, #tpu.memory_space<vmem>>) semaphore(%arg11 : memref<!tpu.dma_semaphore, #tpu.memory_space<semaphore_mem>>) {add = true}
        %dma_start3A_110 = arith.constant 12 : i32
        %dma_start3A_111 = arith.constant 0 : i32
        %dma_start3A_112 = tpu.memref_slice %arg8[%dma_start3A_110, %dma_start3A_111] : memref<19x128xi32, #tpu.memory_space<vmem>> -> memref<1x128xi32, #tpu.memory_space<vmem>>
        %dma_start3A_113 = tpu.memref_squeeze %dma_start3A_112 : memref<1x128xi32, #tpu.memory_space<vmem>> -> memref<128xi32, #tpu.memory_space<vmem>>
        %dma_start3A_114 = arith.constant 0 : i32
        %dma_start3A_115 = arith.constant 0 : i32
        %dma_start3A_116 = tpu.memref_slice %arg10[%dma_start3A_114, %dma_start3A_115] : memref<10112x16xf32, #tpu.memory_space<vmem_shared>> -> memref<10112x16xf32, #tpu.memory_space<vmem_shared>>
        tpu.enqueue_indirect_dma source(%arg9 : memref<128x16xf32, #tpu.memory_space<vmem>>) target(%dma_start3A_116 : memref<10112x16xf32, #tpu.memory_space<vmem_shared>>) offsets(%dma_start3A_113 : memref<128xi32, #tpu.memory_space<vmem>>) semaphore(%arg11 : memref<!tpu.dma_semaphore, #tpu.memory_space<semaphore_mem>>) {add = true}
        %dma_start3A_117 = arith.constant 13 : i32
        %dma_start3A_118 = arith.constant 0 : i32
        %dma_start3A_119 = tpu.memref_slice %arg8[%dma_start3A_117, %dma_start3A_118] : memref<19x128xi32, #tpu.memory_space<vmem>> -> memref<1x128xi32, #tpu.memory_space<vmem>>
        %dma_start3A_120 = tpu.memref_squeeze %dma_start3A_119 : memref<1x128xi32, #tpu.memory_space<vmem>> -> memref<128xi32, #tpu.memory_space<vmem>>
        %dma_start3A_121 = arith.constant 0 : i32
        %dma_start3A_122 = arith.constant 0 : i32
        %dma_start3A_123 = tpu.memref_slice %arg10[%dma_start3A_121, %dma_start3A_122] : memref<10112x16xf32, #tpu.memory_space<vmem_shared>> -> memref<10112x16xf32, #tpu.memory_space<vmem_shared>>
        tpu.enqueue_indirect_dma source(%arg9 : memref<128x16xf32, #tpu.memory_space<vmem>>) target(%dma_start3A_123 : memref<10112x16xf32, #tpu.memory_space<vmem_shared>>) offsets(%dma_start3A_120 : memref<128xi32, #tpu.memory_space<vmem>>) semaphore(%arg11 : memref<!tpu.dma_semaphore, #tpu.memory_space<semaphore_mem>>) {add = true}
        %dma_start3A_124 = arith.constant 14 : i32
        %dma_start3A_125 = arith.constant 0 : i32
        %dma_start3A_126 = tpu.memref_slice %arg8[%dma_start3A_124, %dma_start3A_125] : memref<19x128xi32, #tpu.memory_space<vmem>> -> memref<1x128xi32, #tpu.memory_space<vmem>>
        %dma_start3A_127 = tpu.memref_squeeze %dma_start3A_126 : memref<1x128xi32, #tpu.memory_space<vmem>> -> memref<128xi32, #tpu.memory_space<vmem>>
        %dma_start3A_128 = arith.constant 0 : i32
        %dma_start3A_129 = arith.constant 0 : i32
        %dma_start3A_130 = tpu.memref_slice %arg10[%dma_start3A_128, %dma_start3A_129] : memref<10112x16xf32, #tpu.memory_space<vmem_shared>> -> memref<10112x16xf32, #tpu.memory_space<vmem_shared>>
        tpu.enqueue_indirect_dma source(%arg9 : memref<128x16xf32, #tpu.memory_space<vmem>>) target(%dma_start3A_130 : memref<10112x16xf32, #tpu.memory_space<vmem_shared>>) offsets(%dma_start3A_127 : memref<128xi32, #tpu.memory_space<vmem>>) semaphore(%arg11 : memref<!tpu.dma_semaphore, #tpu.memory_space<semaphore_mem>>) {add = true}
        %dma_start3A_131 = arith.constant 15 : i32
        %dma_start3A_132 = arith.constant 0 : i32
        %dma_start3A_133 = tpu.memref_slice %arg8[%dma_start3A_131, %dma_start3A_132] : memref<19x128xi32, #tpu.memory_space<vmem>> -> memref<1x128xi32, #tpu.memory_space<vmem>>
        %dma_start3A_134 = tpu.memref_squeeze %dma_start3A_133 : memref<1x128xi32, #tpu.memory_space<vmem>> -> memref<128xi32, #tpu.memory_space<vmem>>
        %dma_start3A_135 = arith.constant 0 : i32
        %dma_start3A_136 = arith.constant 0 : i32
        %dma_start3A_137 = tpu.memref_slice %arg10[%dma_start3A_135, %dma_start3A_136] : memref<10112x16xf32, #tpu.memory_space<vmem_shared>> -> memref<10112x16xf32, #tpu.memory_space<vmem_shared>>
        tpu.enqueue_indirect_dma source(%arg9 : memref<128x16xf32, #tpu.memory_space<vmem>>) target(%dma_start3A_137 : memref<10112x16xf32, #tpu.memory_space<vmem_shared>>) offsets(%dma_start3A_134 : memref<128xi32, #tpu.memory_space<vmem>>) semaphore(%arg11 : memref<!tpu.dma_semaphore, #tpu.memory_space<semaphore_mem>>) {add = true}
        %dma_start3A_138 = arith.constant 16 : i32
        %dma_start3A_139 = arith.constant 0 : i32
        %dma_start3A_140 = tpu.memref_slice %arg8[%dma_start3A_138, %dma_start3A_139] : memref<19x128xi32, #tpu.memory_space<vmem>> -> memref<1x128xi32, #tpu.memory_space<vmem>>
        %dma_start3A_141 = tpu.memref_squeeze %dma_start3A_140 : memref<1x128xi32, #tpu.memory_space<vmem>> -> memref<128xi32, #tpu.memory_space<vmem>>
        %dma_start3A_142 = arith.constant 0 : i32
        %dma_start3A_143 = arith.constant 0 : i32
        %dma_start3A_144 = tpu.memref_slice %arg10[%dma_start3A_142, %dma_start3A_143] : memref<10112x16xf32, #tpu.memory_space<vmem_shared>> -> memref<10112x16xf32, #tpu.memory_space<vmem_shared>>
        tpu.enqueue_indirect_dma source(%arg9 : memref<128x16xf32, #tpu.memory_space<vmem>>) target(%dma_start3A_144 : memref<10112x16xf32, #tpu.memory_space<vmem_shared>>) offsets(%dma_start3A_141 : memref<128xi32, #tpu.memory_space<vmem>>) semaphore(%arg11 : memref<!tpu.dma_semaphore, #tpu.memory_space<semaphore_mem>>) {add = true}
        %dma_start3A_145 = arith.constant 17 : i32
        %dma_start3A_146 = arith.constant 0 : i32
        %dma_start3A_147 = tpu.memref_slice %arg8[%dma_start3A_145, %dma_start3A_146] : memref<19x128xi32, #tpu.memory_space<vmem>> -> memref<1x128xi32, #tpu.memory_space<vmem>>
        %dma_start3A_148 = tpu.memref_squeeze %dma_start3A_147 : memref<1x128xi32, #tpu.memory_space<vmem>> -> memref<128xi32, #tpu.memory_space<vmem>>
        %dma_start3A_149 = arith.constant 0 : i32
        %dma_start3A_150 = arith.constant 0 : i32
        %dma_start3A_151 = tpu.memref_slice %arg10[%dma_start3A_149, %dma_start3A_150] : memref<10112x16xf32, #tpu.memory_space<vmem_shared>> -> memref<10112x16xf32, #tpu.memory_space<vmem_shared>>
        tpu.enqueue_indirect_dma source(%arg9 : memref<128x16xf32, #tpu.memory_space<vmem>>) target(%dma_start3A_151 : memref<10112x16xf32, #tpu.memory_space<vmem_shared>>) offsets(%dma_start3A_148 : memref<128xi32, #tpu.memory_space<vmem>>) semaphore(%arg11 : memref<!tpu.dma_semaphore, #tpu.memory_space<semaphore_mem>>) {add = true}
        %dma_start3A_152 = arith.constant 18 : i32
        %dma_start3A_153 = arith.constant 0 : i32
        %dma_start3A_154 = tpu.memref_slice %arg8[%dma_start3A_152, %dma_start3A_153] : memref<19x128xi32, #tpu.memory_space<vmem>> -> memref<1x128xi32, #tpu.memory_space<vmem>>
        %dma_start3A_155 = tpu.memref_squeeze %dma_start3A_154 : memref<1x128xi32, #tpu.memory_space<vmem>> -> memref<128xi32, #tpu.memory_space<vmem>>
        %dma_start3A_156 = arith.constant 0 : i32
        %dma_start3A_157 = arith.constant 0 : i32
        %dma_start3A_158 = tpu.memref_slice %arg10[%dma_start3A_156, %dma_start3A_157] : memref<10112x16xf32, #tpu.memory_space<vmem_shared>> -> memref<10112x16xf32, #tpu.memory_space<vmem_shared>>
        tpu.enqueue_indirect_dma source(%arg9 : memref<128x16xf32, #tpu.memory_space<vmem>>) target(%dma_start3A_158 : memref<10112x16xf32, #tpu.memory_space<vmem_shared>>) offsets(%dma_start3A_155 : memref<128xi32, #tpu.memory_space<vmem>>) semaphore(%arg11 : memref<!tpu.dma_semaphore, #tpu.memory_space<semaphore_mem>>) {add = true}
        %dma_wait3A = arith.constant 0 : i32
        %dma_wait3A_159 = arith.constant 0 : i32
        %dma_wait3A_160 = tpu.memref_slice %arg8[%dma_wait3A, %dma_wait3A_159] : memref<19x128xi32, #tpu.memory_space<vmem>> -> memref<1x128xi32, #tpu.memory_space<vmem>>
        %dma_wait3A_161 = tpu.memref_squeeze %dma_wait3A_160 : memref<1x128xi32, #tpu.memory_space<vmem>> -> memref<128xi32, #tpu.memory_space<vmem>>
        %dma_wait3A_162 = arith.constant 0 : i32
        %dma_wait3A_163 = arith.constant 0 : i32
        %dma_wait3A_164 = tpu.memref_slice %arg10[%dma_wait3A_162, %dma_wait3A_163] : memref<10112x16xf32, #tpu.memory_space<vmem_shared>> -> memref<10112x16xf32, #tpu.memory_space<vmem_shared>>
        tpu.wait_indirect_dma semaphore(%arg11 : memref<!tpu.dma_semaphore, #tpu.memory_space<semaphore_mem>>) src(%arg9 : memref<128x16xf32, #tpu.memory_space<vmem>>) dst(%dma_wait3A_164 : memref<10112x16xf32, #tpu.memory_space<vmem_shared>>)
        %dma_wait3A_165 = arith.constant 1 : i32
        %dma_wait3A_166 = arith.constant 0 : i32
        %dma_wait3A_167 = tpu.memref_slice %arg8[%dma_wait3A_165, %dma_wait3A_166] : memref<19x128xi32, #tpu.memory_space<vmem>> -> memref<1x128xi32, #tpu.memory_space<vmem>>
        %dma_wait3A_168 = tpu.memref_squeeze %dma_wait3A_167 : memref<1x128xi32, #tpu.memory_space<vmem>> -> memref<128xi32, #tpu.memory_space<vmem>>
        %dma_wait3A_169 = arith.constant 0 : i32
        %dma_wait3A_170 = arith.constant 0 : i32
        %dma_wait3A_171 = tpu.memref_slice %arg10[%dma_wait3A_169, %dma_wait3A_170] : memref<10112x16xf32, #tpu.memory_space<vmem_shared>> -> memref<10112x16xf32, #tpu.memory_space<vmem_shared>>
        tpu.wait_indirect_dma semaphore(%arg11 : memref<!tpu.dma_semaphore, #tpu.memory_space<semaphore_mem>>) src(%arg9 : memref<128x16xf32, #tpu.memory_space<vmem>>) dst(%dma_wait3A_171 : memref<10112x16xf32, #tpu.memory_space<vmem_shared>>)
        %dma_wait3A_172 = arith.constant 2 : i32
        %dma_wait3A_173 = arith.constant 0 : i32
        %dma_wait3A_174 = tpu.memref_slice %arg8[%dma_wait3A_172, %dma_wait3A_173] : memref<19x128xi32, #tpu.memory_space<vmem>> -> memref<1x128xi32, #tpu.memory_space<vmem>>
        %dma_wait3A_175 = tpu.memref_squeeze %dma_wait3A_174 : memref<1x128xi32, #tpu.memory_space<vmem>> -> memref<128xi32, #tpu.memory_space<vmem>>
        %dma_wait3A_176 = arith.constant 0 : i32
        %dma_wait3A_177 = arith.constant 0 : i32
        %dma_wait3A_178 = tpu.memref_slice %arg10[%dma_wait3A_176, %dma_wait3A_177] : memref<10112x16xf32, #tpu.memory_space<vmem_shared>> -> memref<10112x16xf32, #tpu.memory_space<vmem_shared>>
        tpu.wait_indirect_dma semaphore(%arg11 : memref<!tpu.dma_semaphore, #tpu.memory_space<semaphore_mem>>) src(%arg9 : memref<128x16xf32, #tpu.memory_space<vmem>>) dst(%dma_wait3A_178 : memref<10112x16xf32, #tpu.memory_space<vmem_shared>>)
        %dma_wait3A_179 = arith.constant 3 : i32
        %dma_wait3A_180 = arith.constant 0 : i32
        %dma_wait3A_181 = tpu.memref_slice %arg8[%dma_wait3A_179, %dma_wait3A_180] : memref<19x128xi32, #tpu.memory_space<vmem>> -> memref<1x128xi32, #tpu.memory_space<vmem>>
        %dma_wait3A_182 = tpu.memref_squeeze %dma_wait3A_181 : memref<1x128xi32, #tpu.memory_space<vmem>> -> memref<128xi32, #tpu.memory_space<vmem>>
        %dma_wait3A_183 = arith.constant 0 : i32
        %dma_wait3A_184 = arith.constant 0 : i32
        %dma_wait3A_185 = tpu.memref_slice %arg10[%dma_wait3A_183, %dma_wait3A_184] : memref<10112x16xf32, #tpu.memory_space<vmem_shared>> -> memref<10112x16xf32, #tpu.memory_space<vmem_shared>>
        tpu.wait_indirect_dma semaphore(%arg11 : memref<!tpu.dma_semaphore, #tpu.memory_space<semaphore_mem>>) src(%arg9 : memref<128x16xf32, #tpu.memory_space<vmem>>) dst(%dma_wait3A_185 : memref<10112x16xf32, #tpu.memory_space<vmem_shared>>)
        %dma_wait3A_186 = arith.constant 4 : i32
        %dma_wait3A_187 = arith.constant 0 : i32
        %dma_wait3A_188 = tpu.memref_slice %arg8[%dma_wait3A_186, %dma_wait3A_187] : memref<19x128xi32, #tpu.memory_space<vmem>> -> memref<1x128xi32, #tpu.memory_space<vmem>>
        %dma_wait3A_189 = tpu.memref_squeeze %dma_wait3A_188 : memref<1x128xi32, #tpu.memory_space<vmem>> -> memref<128xi32, #tpu.memory_space<vmem>>
        %dma_wait3A_190 = arith.constant 0 : i32
        %dma_wait3A_191 = arith.constant 0 : i32
        %dma_wait3A_192 = tpu.memref_slice %arg10[%dma_wait3A_190, %dma_wait3A_191] : memref<10112x16xf32, #tpu.memory_space<vmem_shared>> -> memref<10112x16xf32, #tpu.memory_space<vmem_shared>>
        tpu.wait_indirect_dma semaphore(%arg11 : memref<!tpu.dma_semaphore, #tpu.memory_space<semaphore_mem>>) src(%arg9 : memref<128x16xf32, #tpu.memory_space<vmem>>) dst(%dma_wait3A_192 : memref<10112x16xf32, #tpu.memory_space<vmem_shared>>)
        %dma_wait3A_193 = arith.constant 5 : i32
        %dma_wait3A_194 = arith.constant 0 : i32
        %dma_wait3A_195 = tpu.memref_slice %arg8[%dma_wait3A_193, %dma_wait3A_194] : memref<19x128xi32, #tpu.memory_space<vmem>> -> memref<1x128xi32, #tpu.memory_space<vmem>>
        %dma_wait3A_196 = tpu.memref_squeeze %dma_wait3A_195 : memref<1x128xi32, #tpu.memory_space<vmem>> -> memref<128xi32, #tpu.memory_space<vmem>>
        %dma_wait3A_197 = arith.constant 0 : i32
        %dma_wait3A_198 = arith.constant 0 : i32
        %dma_wait3A_199 = tpu.memref_slice %arg10[%dma_wait3A_197, %dma_wait3A_198] : memref<10112x16xf32, #tpu.memory_space<vmem_shared>> -> memref<10112x16xf32, #tpu.memory_space<vmem_shared>>
        tpu.wait_indirect_dma semaphore(%arg11 : memref<!tpu.dma_semaphore, #tpu.memory_space<semaphore_mem>>) src(%arg9 : memref<128x16xf32, #tpu.memory_space<vmem>>) dst(%dma_wait3A_199 : memref<10112x16xf32, #tpu.memory_space<vmem_shared>>)
        %dma_wait3A_200 = arith.constant 6 : i32
        %dma_wait3A_201 = arith.constant 0 : i32
        %dma_wait3A_202 = tpu.memref_slice %arg8[%dma_wait3A_200, %dma_wait3A_201] : memref<19x128xi32, #tpu.memory_space<vmem>> -> memref<1x128xi32, #tpu.memory_space<vmem>>
        %dma_wait3A_203 = tpu.memref_squeeze %dma_wait3A_202 : memref<1x128xi32, #tpu.memory_space<vmem>> -> memref<128xi32, #tpu.memory_space<vmem>>
        %dma_wait3A_204 = arith.constant 0 : i32
        %dma_wait3A_205 = arith.constant 0 : i32
        %dma_wait3A_206 = tpu.memref_slice %arg10[%dma_wait3A_204, %dma_wait3A_205] : memref<10112x16xf32, #tpu.memory_space<vmem_shared>> -> memref<10112x16xf32, #tpu.memory_space<vmem_shared>>
        tpu.wait_indirect_dma semaphore(%arg11 : memref<!tpu.dma_semaphore, #tpu.memory_space<semaphore_mem>>) src(%arg9 : memref<128x16xf32, #tpu.memory_space<vmem>>) dst(%dma_wait3A_206 : memref<10112x16xf32, #tpu.memory_space<vmem_shared>>)
        %dma_wait3A_207 = arith.constant 7 : i32
        %dma_wait3A_208 = arith.constant 0 : i32
        %dma_wait3A_209 = tpu.memref_slice %arg8[%dma_wait3A_207, %dma_wait3A_208] : memref<19x128xi32, #tpu.memory_space<vmem>> -> memref<1x128xi32, #tpu.memory_space<vmem>>
        %dma_wait3A_210 = tpu.memref_squeeze %dma_wait3A_209 : memref<1x128xi32, #tpu.memory_space<vmem>> -> memref<128xi32, #tpu.memory_space<vmem>>
        %dma_wait3A_211 = arith.constant 0 : i32
        %dma_wait3A_212 = arith.constant 0 : i32
        %dma_wait3A_213 = tpu.memref_slice %arg10[%dma_wait3A_211, %dma_wait3A_212] : memref<10112x16xf32, #tpu.memory_space<vmem_shared>> -> memref<10112x16xf32, #tpu.memory_space<vmem_shared>>
        tpu.wait_indirect_dma semaphore(%arg11 : memref<!tpu.dma_semaphore, #tpu.memory_space<semaphore_mem>>) src(%arg9 : memref<128x16xf32, #tpu.memory_space<vmem>>) dst(%dma_wait3A_213 : memref<10112x16xf32, #tpu.memory_space<vmem_shared>>)
        %dma_wait3A_214 = arith.constant 8 : i32
        %dma_wait3A_215 = arith.constant 0 : i32
        %dma_wait3A_216 = tpu.memref_slice %arg8[%dma_wait3A_214, %dma_wait3A_215] : memref<19x128xi32, #tpu.memory_space<vmem>> -> memref<1x128xi32, #tpu.memory_space<vmem>>
        %dma_wait3A_217 = tpu.memref_squeeze %dma_wait3A_216 : memref<1x128xi32, #tpu.memory_space<vmem>> -> memref<128xi32, #tpu.memory_space<vmem>>
        %dma_wait3A_218 = arith.constant 0 : i32
        %dma_wait3A_219 = arith.constant 0 : i32
        %dma_wait3A_220 = tpu.memref_slice %arg10[%dma_wait3A_218, %dma_wait3A_219] : memref<10112x16xf32, #tpu.memory_space<vmem_shared>> -> memref<10112x16xf32, #tpu.memory_space<vmem_shared>>
        tpu.wait_indirect_dma semaphore(%arg11 : memref<!tpu.dma_semaphore, #tpu.memory_space<semaphore_mem>>) src(%arg9 : memref<128x16xf32, #tpu.memory_space<vmem>>) dst(%dma_wait3A_220 : memref<10112x16xf32, #tpu.memory_space<vmem_shared>>)
        %dma_wait3A_221 = arith.constant 9 : i32
        %dma_wait3A_222 = arith.constant 0 : i32
        %dma_wait3A_223 = tpu.memref_slice %arg8[%dma_wait3A_221, %dma_wait3A_222] : memref<19x128xi32, #tpu.memory_space<vmem>> -> memref<1x128xi32, #tpu.memory_space<vmem>>
        %dma_wait3A_224 = tpu.memref_squeeze %dma_wait3A_223 : memref<1x128xi32, #tpu.memory_space<vmem>> -> memref<128xi32, #tpu.memory_space<vmem>>
        %dma_wait3A_225 = arith.constant 0 : i32
        %dma_wait3A_226 = arith.constant 0 : i32
        %dma_wait3A_227 = tpu.memref_slice %arg10[%dma_wait3A_225, %dma_wait3A_226] : memref<10112x16xf32, #tpu.memory_space<vmem_shared>> -> memref<10112x16xf32, #tpu.memory_space<vmem_shared>>
        tpu.wait_indirect_dma semaphore(%arg11 : memref<!tpu.dma_semaphore, #tpu.memory_space<semaphore_mem>>) src(%arg9 : memref<128x16xf32, #tpu.memory_space<vmem>>) dst(%dma_wait3A_227 : memref<10112x16xf32, #tpu.memory_space<vmem_shared>>)
        %dma_wait3A_228 = arith.constant 10 : i32
        %dma_wait3A_229 = arith.constant 0 : i32
        %dma_wait3A_230 = tpu.memref_slice %arg8[%dma_wait3A_228, %dma_wait3A_229] : memref<19x128xi32, #tpu.memory_space<vmem>> -> memref<1x128xi32, #tpu.memory_space<vmem>>
        %dma_wait3A_231 = tpu.memref_squeeze %dma_wait3A_230 : memref<1x128xi32, #tpu.memory_space<vmem>> -> memref<128xi32, #tpu.memory_space<vmem>>
        %dma_wait3A_232 = arith.constant 0 : i32
        %dma_wait3A_233 = arith.constant 0 : i32
        %dma_wait3A_234 = tpu.memref_slice %arg10[%dma_wait3A_232, %dma_wait3A_233] : memref<10112x16xf32, #tpu.memory_space<vmem_shared>> -> memref<10112x16xf32, #tpu.memory_space<vmem_shared>>
        tpu.wait_indirect_dma semaphore(%arg11 : memref<!tpu.dma_semaphore, #tpu.memory_space<semaphore_mem>>) src(%arg9 : memref<128x16xf32, #tpu.memory_space<vmem>>) dst(%dma_wait3A_234 : memref<10112x16xf32, #tpu.memory_space<vmem_shared>>)
        %dma_wait3A_235 = arith.constant 11 : i32
        %dma_wait3A_236 = arith.constant 0 : i32
        %dma_wait3A_237 = tpu.memref_slice %arg8[%dma_wait3A_235, %dma_wait3A_236] : memref<19x128xi32, #tpu.memory_space<vmem>> -> memref<1x128xi32, #tpu.memory_space<vmem>>
        %dma_wait3A_238 = tpu.memref_squeeze %dma_wait3A_237 : memref<1x128xi32, #tpu.memory_space<vmem>> -> memref<128xi32, #tpu.memory_space<vmem>>
        %dma_wait3A_239 = arith.constant 0 : i32
        %dma_wait3A_240 = arith.constant 0 : i32
        %dma_wait3A_241 = tpu.memref_slice %arg10[%dma_wait3A_239, %dma_wait3A_240] : memref<10112x16xf32, #tpu.memory_space<vmem_shared>> -> memref<10112x16xf32, #tpu.memory_space<vmem_shared>>
        tpu.wait_indirect_dma semaphore(%arg11 : memref<!tpu.dma_semaphore, #tpu.memory_space<semaphore_mem>>) src(%arg9 : memref<128x16xf32, #tpu.memory_space<vmem>>) dst(%dma_wait3A_241 : memref<10112x16xf32, #tpu.memory_space<vmem_shared>>)
        %dma_wait3A_242 = arith.constant 12 : i32
        %dma_wait3A_243 = arith.constant 0 : i32
        %dma_wait3A_244 = tpu.memref_slice %arg8[%dma_wait3A_242, %dma_wait3A_243] : memref<19x128xi32, #tpu.memory_space<vmem>> -> memref<1x128xi32, #tpu.memory_space<vmem>>
        %dma_wait3A_245 = tpu.memref_squeeze %dma_wait3A_244 : memref<1x128xi32, #tpu.memory_space<vmem>> -> memref<128xi32, #tpu.memory_space<vmem>>
        %dma_wait3A_246 = arith.constant 0 : i32
        %dma_wait3A_247 = arith.constant 0 : i32
        %dma_wait3A_248 = tpu.memref_slice %arg10[%dma_wait3A_246, %dma_wait3A_247] : memref<10112x16xf32, #tpu.memory_space<vmem_shared>> -> memref<10112x16xf32, #tpu.memory_space<vmem_shared>>
        tpu.wait_indirect_dma semaphore(%arg11 : memref<!tpu.dma_semaphore, #tpu.memory_space<semaphore_mem>>) src(%arg9 : memref<128x16xf32, #tpu.memory_space<vmem>>) dst(%dma_wait3A_248 : memref<10112x16xf32, #tpu.memory_space<vmem_shared>>)
        %dma_wait3A_249 = arith.constant 13 : i32
        %dma_wait3A_250 = arith.constant 0 : i32
        %dma_wait3A_251 = tpu.memref_slice %arg8[%dma_wait3A_249, %dma_wait3A_250] : memref<19x128xi32, #tpu.memory_space<vmem>> -> memref<1x128xi32, #tpu.memory_space<vmem>>
        %dma_wait3A_252 = tpu.memref_squeeze %dma_wait3A_251 : memref<1x128xi32, #tpu.memory_space<vmem>> -> memref<128xi32, #tpu.memory_space<vmem>>
        %dma_wait3A_253 = arith.constant 0 : i32
        %dma_wait3A_254 = arith.constant 0 : i32
        %dma_wait3A_255 = tpu.memref_slice %arg10[%dma_wait3A_253, %dma_wait3A_254] : memref<10112x16xf32, #tpu.memory_space<vmem_shared>> -> memref<10112x16xf32, #tpu.memory_space<vmem_shared>>
        tpu.wait_indirect_dma semaphore(%arg11 : memref<!tpu.dma_semaphore, #tpu.memory_space<semaphore_mem>>) src(%arg9 : memref<128x16xf32, #tpu.memory_space<vmem>>) dst(%dma_wait3A_255 : memref<10112x16xf32, #tpu.memory_space<vmem_shared>>)
        %dma_wait3A_256 = arith.constant 14 : i32
        %dma_wait3A_257 = arith.constant 0 : i32
        %dma_wait3A_258 = tpu.memref_slice %arg8[%dma_wait3A_256, %dma_wait3A_257] : memref<19x128xi32, #tpu.memory_space<vmem>> -> memref<1x128xi32, #tpu.memory_space<vmem>>
        %dma_wait3A_259 = tpu.memref_squeeze %dma_wait3A_258 : memref<1x128xi32, #tpu.memory_space<vmem>> -> memref<128xi32, #tpu.memory_space<vmem>>
        %dma_wait3A_260 = arith.constant 0 : i32
        %dma_wait3A_261 = arith.constant 0 : i32
        %dma_wait3A_262 = tpu.memref_slice %arg10[%dma_wait3A_260, %dma_wait3A_261] : memref<10112x16xf32, #tpu.memory_space<vmem_shared>> -> memref<10112x16xf32, #tpu.memory_space<vmem_shared>>
        tpu.wait_indirect_dma semaphore(%arg11 : memref<!tpu.dma_semaphore, #tpu.memory_space<semaphore_mem>>) src(%arg9 : memref<128x16xf32, #tpu.memory_space<vmem>>) dst(%dma_wait3A_262 : memref<10112x16xf32, #tpu.memory_space<vmem_shared>>)
        %dma_wait3A_263 = arith.constant 15 : i32
        %dma_wait3A_264 = arith.constant 0 : i32
        %dma_wait3A_265 = tpu.memref_slice %arg8[%dma_wait3A_263, %dma_wait3A_264] : memref<19x128xi32, #tpu.memory_space<vmem>> -> memref<1x128xi32, #tpu.memory_space<vmem>>
        %dma_wait3A_266 = tpu.memref_squeeze %dma_wait3A_265 : memref<1x128xi32, #tpu.memory_space<vmem>> -> memref<128xi32, #tpu.memory_space<vmem>>
        %dma_wait3A_267 = arith.constant 0 : i32
        %dma_wait3A_268 = arith.constant 0 : i32
        %dma_wait3A_269 = tpu.memref_slice %arg10[%dma_wait3A_267, %dma_wait3A_268] : memref<10112x16xf32, #tpu.memory_space<vmem_shared>> -> memref<10112x16xf32, #tpu.memory_space<vmem_shared>>
        tpu.wait_indirect_dma semaphore(%arg11 : memref<!tpu.dma_semaphore, #tpu.memory_space<semaphore_mem>>) src(%arg9 : memref<128x16xf32, #tpu.memory_space<vmem>>) dst(%dma_wait3A_269 : memref<10112x16xf32, #tpu.memory_space<vmem_shared>>)
        %dma_wait3A_270 = arith.constant 16 : i32
        %dma_wait3A_271 = arith.constant 0 : i32
        %dma_wait3A_272 = tpu.memref_slice %arg8[%dma_wait3A_270, %dma_wait3A_271] : memref<19x128xi32, #tpu.memory_space<vmem>> -> memref<1x128xi32, #tpu.memory_space<vmem>>
        %dma_wait3A_273 = tpu.memref_squeeze %dma_wait3A_272 : memref<1x128xi32, #tpu.memory_space<vmem>> -> memref<128xi32, #tpu.memory_space<vmem>>
        %dma_wait3A_274 = arith.constant 0 : i32
        %dma_wait3A_275 = arith.constant 0 : i32
        %dma_wait3A_276 = tpu.memref_slice %arg10[%dma_wait3A_274, %dma_wait3A_275] : memref<10112x16xf32, #tpu.memory_space<vmem_shared>> -> memref<10112x16xf32, #tpu.memory_space<vmem_shared>>
        tpu.wait_indirect_dma semaphore(%arg11 : memref<!tpu.dma_semaphore, #tpu.memory_space<semaphore_mem>>) src(%arg9 : memref<128x16xf32, #tpu.memory_space<vmem>>) dst(%dma_wait3A_276 : memref<10112x16xf32, #tpu.memory_space<vmem_shared>>)
        %dma_wait3A_277 = arith.constant 17 : i32
        %dma_wait3A_278 = arith.constant 0 : i32
        %dma_wait3A_279 = tpu.memref_slice %arg8[%dma_wait3A_277, %dma_wait3A_278] : memref<19x128xi32, #tpu.memory_space<vmem>> -> memref<1x128xi32, #tpu.memory_space<vmem>>
        %dma_wait3A_280 = tpu.memref_squeeze %dma_wait3A_279 : memref<1x128xi32, #tpu.memory_space<vmem>> -> memref<128xi32, #tpu.memory_space<vmem>>
        %dma_wait3A_281 = arith.constant 0 : i32
        %dma_wait3A_282 = arith.constant 0 : i32
        %dma_wait3A_283 = tpu.memref_slice %arg10[%dma_wait3A_281, %dma_wait3A_282] : memref<10112x16xf32, #tpu.memory_space<vmem_shared>> -> memref<10112x16xf32, #tpu.memory_space<vmem_shared>>
        tpu.wait_indirect_dma semaphore(%arg11 : memref<!tpu.dma_semaphore, #tpu.memory_space<semaphore_mem>>) src(%arg9 : memref<128x16xf32, #tpu.memory_space<vmem>>) dst(%dma_wait3A_283 : memref<10112x16xf32, #tpu.memory_space<vmem_shared>>)
        %dma_wait3A_284 = arith.constant 18 : i32
        %dma_wait3A_285 = arith.constant 0 : i32
        %dma_wait3A_286 = tpu.memref_slice %arg8[%dma_wait3A_284, %dma_wait3A_285] : memref<19x128xi32, #tpu.memory_space<vmem>> -> memref<1x128xi32, #tpu.memory_space<vmem>>
        %dma_wait3A_287 = tpu.memref_squeeze %dma_wait3A_286 : memref<1x128xi32, #tpu.memory_space<vmem>> -> memref<128xi32, #tpu.memory_space<vmem>>
        %dma_wait3A_288 = arith.constant 0 : i32
        %dma_wait3A_289 = arith.constant 0 : i32
        %dma_wait3A_290 = tpu.memref_slice %arg10[%dma_wait3A_288, %dma_wait3A_289] : memref<10112x16xf32, #tpu.memory_space<vmem_shared>> -> memref<10112x16xf32, #tpu.memory_space<vmem_shared>>
        tpu.wait_indirect_dma semaphore(%arg11 : memref<!tpu.dma_semaphore, #tpu.memory_space<semaphore_mem>>) src(%arg9 : memref<128x16xf32, #tpu.memory_space<vmem>>) dst(%dma_wait3A_290 : memref<10112x16xf32, #tpu.memory_space<vmem_shared>>)
      }
      %scan3A_25 = arith.constant 8 : i32
    } else {
    }
    %eq3A_5 = arith.constant 1 : i32
    %eq3A_6 = arith.cmpi eq, %arg0, %eq3A_5 : i32
    %convert_element_type3A_7 = arith.extui %eq3A_6 : i1 to i32
    %cond3A_8 = arith.constant 0 : i32
    %cond3A_9 = arith.cmpi ne, %convert_element_type3A_7, %cond3A_8 : i32
    scf.if %cond3A_9 {
      %scan3A = arith.constant 0 : i32
      %scan3A_21 = arith.constant 0 : i32
      %scan3A_22 = arith.constant 8 : i32
      %scan3A_23 = arith.addi %scan3A_21, %scan3A_22 : i32
      %scan3A_24 = arith.constant 1 : i32
      scf.for %scan3A_26 = %scan3A_21 to %scan3A_23 step %scan3A_24  : i32 {
        %add3A = arith.addi %mul3A_2, %scan3A_26 : i32
        "tpu.region"() ({
          %run_scoped3A = tpu.sem_alloc : memref<!tpu.dma_semaphore, #tpu.memory_space<semaphore_mem>>
          %dma_start3A_291 = arith.constant 0 : i32
          %dma_start3A_292 = arith.constant 0 : i32
          %dma_start3A_293 = tpu.memref_slice %arg3[%add3A, %dma_start3A_291, %dma_start3A_292] : memref<128x19x128xi32, #tpu.memory_space<hbm>> -> memref<1x19x128xi32, #tpu.memory_space<hbm>>
          %dma_start3A_294 = tpu.memref_squeeze %dma_start3A_293 : memref<1x19x128xi32, #tpu.memory_space<hbm>> -> memref<19x128xi32, #tpu.memory_space<hbm>>
          %dma_start3A_295 = arith.constant 0 : i32
          %dma_start3A_296 = arith.constant 0 : i32
          %dma_start3A_297 = tpu.memref_slice %arg3[%add3A, %dma_start3A_295, %dma_start3A_296] : memref<128x19x128xi32, #tpu.memory_space<hbm>> -> memref<1x19x128xi32, #tpu.memory_space<hbm>>
          %dma_start3A_298 = tpu.memref_squeeze %dma_start3A_297 : memref<1x19x128xi32, #tpu.memory_space<hbm>> -> memref<19x128xi32, #tpu.memory_space<hbm>>
          tpu.enqueue_dma source(%dma_start3A_298 : memref<19x128xi32, #tpu.memory_space<hbm>>) target(%arg8 : memref<19x128xi32, #tpu.memory_space<vmem>>) target_semaphore(%run_scoped3A : memref<!tpu.dma_semaphore, #tpu.memory_space<semaphore_mem>>)
          %dma_wait3A_299 = arith.constant 0 : i32
          %dma_wait3A_300 = arith.constant 0 : i32
          %dma_wait3A_301 = tpu.memref_slice %arg3[%add3A, %dma_wait3A_299, %dma_wait3A_300] : memref<128x19x128xi32, #tpu.memory_space<hbm>> -> memref<1x19x128xi32, #tpu.memory_space<hbm>>
          %dma_wait3A_302 = tpu.memref_squeeze %dma_wait3A_301 : memref<1x19x128xi32, #tpu.memory_space<hbm>> -> memref<19x128xi32, #tpu.memory_space<hbm>>
          %dma_wait3A_303 = arith.constant 0 : i32
          %dma_wait3A_304 = arith.constant 0 : i32
          %dma_wait3A_305 = tpu.memref_slice %arg3[%add3A, %dma_wait3A_303, %dma_wait3A_304] : memref<128x19x128xi32, #tpu.memory_space<hbm>> -> memref<1x19x128xi32, #tpu.memory_space<hbm>>
          %dma_wait3A_306 = tpu.memref_squeeze %dma_wait3A_305 : memref<1x19x128xi32, #tpu.memory_space<hbm>> -> memref<19x128xi32, #tpu.memory_space<hbm>>
          tpu.wait_dma2 semaphore(%run_scoped3A : memref<!tpu.dma_semaphore, #tpu.memory_space<semaphore_mem>>) src(%dma_wait3A_306 : memref<19x128xi32, #tpu.memory_space<hbm>>) dst(%arg8 : memref<19x128xi32, #tpu.memory_space<vmem>>)
          tpu.yield
        }) : () -> ()
        %dma_start3A = arith.constant 0 : i32
        %dma_start3A_27 = arith.constant 0 : i32
        %dma_start3A_28 = tpu.memref_slice %arg8[%dma_start3A, %dma_start3A_27] : memref<19x128xi32, #tpu.memory_space<vmem>> -> memref<1x128xi32, #tpu.memory_space<vmem>>
        %dma_start3A_29 = tpu.memref_squeeze %dma_start3A_28 : memref<1x128xi32, #tpu.memory_space<vmem>> -> memref<128xi32, #tpu.memory_space<vmem>>
        %dma_start3A_30 = arith.constant 0 : i32
        %dma_start3A_31 = arith.constant 0 : i32
        %dma_start3A_32 = tpu.memref_slice %arg10[%dma_start3A_30, %dma_start3A_31] : memref<10112x16xf32, #tpu.memory_space<vmem_shared>> -> memref<10112x16xf32, #tpu.memory_space<vmem_shared>>
        tpu.enqueue_indirect_dma source(%arg9 : memref<128x16xf32, #tpu.memory_space<vmem>>) target(%dma_start3A_32 : memref<10112x16xf32, #tpu.memory_space<vmem_shared>>) offsets(%dma_start3A_29 : memref<128xi32, #tpu.memory_space<vmem>>) semaphore(%arg11 : memref<!tpu.dma_semaphore, #tpu.memory_space<semaphore_mem>>) {add = true}
        %dma_start3A_33 = arith.constant 1 : i32
        %dma_start3A_34 = arith.constant 0 : i32
        %dma_start3A_35 = tpu.memref_slice %arg8[%dma_start3A_33, %dma_start3A_34] : memref<19x128xi32, #tpu.memory_space<vmem>> -> memref<1x128xi32, #tpu.memory_space<vmem>>
        %dma_start3A_36 = tpu.memref_squeeze %dma_start3A_35 : memref<1x128xi32, #tpu.memory_space<vmem>> -> memref<128xi32, #tpu.memory_space<vmem>>
        %dma_start3A_37 = arith.constant 0 : i32
        %dma_start3A_38 = arith.constant 0 : i32
        %dma_start3A_39 = tpu.memref_slice %arg10[%dma_start3A_37, %dma_start3A_38] : memref<10112x16xf32, #tpu.memory_space<vmem_shared>> -> memref<10112x16xf32, #tpu.memory_space<vmem_shared>>
        tpu.enqueue_indirect_dma source(%arg9 : memref<128x16xf32, #tpu.memory_space<vmem>>) target(%dma_start3A_39 : memref<10112x16xf32, #tpu.memory_space<vmem_shared>>) offsets(%dma_start3A_36 : memref<128xi32, #tpu.memory_space<vmem>>) semaphore(%arg11 : memref<!tpu.dma_semaphore, #tpu.memory_space<semaphore_mem>>) {add = true}
        %dma_start3A_40 = arith.constant 2 : i32
        %dma_start3A_41 = arith.constant 0 : i32
        %dma_start3A_42 = tpu.memref_slice %arg8[%dma_start3A_40, %dma_start3A_41] : memref<19x128xi32, #tpu.memory_space<vmem>> -> memref<1x128xi32, #tpu.memory_space<vmem>>
        %dma_start3A_43 = tpu.memref_squeeze %dma_start3A_42 : memref<1x128xi32, #tpu.memory_space<vmem>> -> memref<128xi32, #tpu.memory_space<vmem>>
        %dma_start3A_44 = arith.constant 0 : i32
        %dma_start3A_45 = arith.constant 0 : i32
        %dma_start3A_46 = tpu.memref_slice %arg10[%dma_start3A_44, %dma_start3A_45] : memref<10112x16xf32, #tpu.memory_space<vmem_shared>> -> memref<10112x16xf32, #tpu.memory_space<vmem_shared>>
        tpu.enqueue_indirect_dma source(%arg9 : memref<128x16xf32, #tpu.memory_space<vmem>>) target(%dma_start3A_46 : memref<10112x16xf32, #tpu.memory_space<vmem_shared>>) offsets(%dma_start3A_43 : memref<128xi32, #tpu.memory_space<vmem>>) semaphore(%arg11 : memref<!tpu.dma_semaphore, #tpu.memory_space<semaphore_mem>>) {add = true}
        %dma_start3A_47 = arith.constant 3 : i32
        %dma_start3A_48 = arith.constant 0 : i32
        %dma_start3A_49 = tpu.memref_slice %arg8[%dma_start3A_47, %dma_start3A_48] : memref<19x128xi32, #tpu.memory_space<vmem>> -> memref<1x128xi32, #tpu.memory_space<vmem>>
        %dma_start3A_50 = tpu.memref_squeeze %dma_start3A_49 : memref<1x128xi32, #tpu.memory_space<vmem>> -> memref<128xi32, #tpu.memory_space<vmem>>
        %dma_start3A_51 = arith.constant 0 : i32
        %dma_start3A_52 = arith.constant 0 : i32
        %dma_start3A_53 = tpu.memref_slice %arg10[%dma_start3A_51, %dma_start3A_52] : memref<10112x16xf32, #tpu.memory_space<vmem_shared>> -> memref<10112x16xf32, #tpu.memory_space<vmem_shared>>
        tpu.enqueue_indirect_dma source(%arg9 : memref<128x16xf32, #tpu.memory_space<vmem>>) target(%dma_start3A_53 : memref<10112x16xf32, #tpu.memory_space<vmem_shared>>) offsets(%dma_start3A_50 : memref<128xi32, #tpu.memory_space<vmem>>) semaphore(%arg11 : memref<!tpu.dma_semaphore, #tpu.memory_space<semaphore_mem>>) {add = true}
        %dma_start3A_54 = arith.constant 4 : i32
        %dma_start3A_55 = arith.constant 0 : i32
        %dma_start3A_56 = tpu.memref_slice %arg8[%dma_start3A_54, %dma_start3A_55] : memref<19x128xi32, #tpu.memory_space<vmem>> -> memref<1x128xi32, #tpu.memory_space<vmem>>
        %dma_start3A_57 = tpu.memref_squeeze %dma_start3A_56 : memref<1x128xi32, #tpu.memory_space<vmem>> -> memref<128xi32, #tpu.memory_space<vmem>>
        %dma_start3A_58 = arith.constant 0 : i32
        %dma_start3A_59 = arith.constant 0 : i32
        %dma_start3A_60 = tpu.memref_slice %arg10[%dma_start3A_58, %dma_start3A_59] : memref<10112x16xf32, #tpu.memory_space<vmem_shared>> -> memref<10112x16xf32, #tpu.memory_space<vmem_shared>>
        tpu.enqueue_indirect_dma source(%arg9 : memref<128x16xf32, #tpu.memory_space<vmem>>) target(%dma_start3A_60 : memref<10112x16xf32, #tpu.memory_space<vmem_shared>>) offsets(%dma_start3A_57 : memref<128xi32, #tpu.memory_space<vmem>>) semaphore(%arg11 : memref<!tpu.dma_semaphore, #tpu.memory_space<semaphore_mem>>) {add = true}
        %dma_start3A_61 = arith.constant 5 : i32
        %dma_start3A_62 = arith.constant 0 : i32
        %dma_start3A_63 = tpu.memref_slice %arg8[%dma_start3A_61, %dma_start3A_62] : memref<19x128xi32, #tpu.memory_space<vmem>> -> memref<1x128xi32, #tpu.memory_space<vmem>>
        %dma_start3A_64 = tpu.memref_squeeze %dma_start3A_63 : memref<1x128xi32, #tpu.memory_space<vmem>> -> memref<128xi32, #tpu.memory_space<vmem>>
        %dma_start3A_65 = arith.constant 0 : i32
        %dma_start3A_66 = arith.constant 0 : i32
        %dma_start3A_67 = tpu.memref_slice %arg10[%dma_start3A_65, %dma_start3A_66] : memref<10112x16xf32, #tpu.memory_space<vmem_shared>> -> memref<10112x16xf32, #tpu.memory_space<vmem_shared>>
        tpu.enqueue_indirect_dma source(%arg9 : memref<128x16xf32, #tpu.memory_space<vmem>>) target(%dma_start3A_67 : memref<10112x16xf32, #tpu.memory_space<vmem_shared>>) offsets(%dma_start3A_64 : memref<128xi32, #tpu.memory_space<vmem>>) semaphore(%arg11 : memref<!tpu.dma_semaphore, #tpu.memory_space<semaphore_mem>>) {add = true}
        %dma_start3A_68 = arith.constant 6 : i32
        %dma_start3A_69 = arith.constant 0 : i32
        %dma_start3A_70 = tpu.memref_slice %arg8[%dma_start3A_68, %dma_start3A_69] : memref<19x128xi32, #tpu.memory_space<vmem>> -> memref<1x128xi32, #tpu.memory_space<vmem>>
        %dma_start3A_71 = tpu.memref_squeeze %dma_start3A_70 : memref<1x128xi32, #tpu.memory_space<vmem>> -> memref<128xi32, #tpu.memory_space<vmem>>
        %dma_start3A_72 = arith.constant 0 : i32
        %dma_start3A_73 = arith.constant 0 : i32
        %dma_start3A_74 = tpu.memref_slice %arg10[%dma_start3A_72, %dma_start3A_73] : memref<10112x16xf32, #tpu.memory_space<vmem_shared>> -> memref<10112x16xf32, #tpu.memory_space<vmem_shared>>
        tpu.enqueue_indirect_dma source(%arg9 : memref<128x16xf32, #tpu.memory_space<vmem>>) target(%dma_start3A_74 : memref<10112x16xf32, #tpu.memory_space<vmem_shared>>) offsets(%dma_start3A_71 : memref<128xi32, #tpu.memory_space<vmem>>) semaphore(%arg11 : memref<!tpu.dma_semaphore, #tpu.memory_space<semaphore_mem>>) {add = true}
        %dma_start3A_75 = arith.constant 7 : i32
        %dma_start3A_76 = arith.constant 0 : i32
        %dma_start3A_77 = tpu.memref_slice %arg8[%dma_start3A_75, %dma_start3A_76] : memref<19x128xi32, #tpu.memory_space<vmem>> -> memref<1x128xi32, #tpu.memory_space<vmem>>
        %dma_start3A_78 = tpu.memref_squeeze %dma_start3A_77 : memref<1x128xi32, #tpu.memory_space<vmem>> -> memref<128xi32, #tpu.memory_space<vmem>>
        %dma_start3A_79 = arith.constant 0 : i32
        %dma_start3A_80 = arith.constant 0 : i32
        %dma_start3A_81 = tpu.memref_slice %arg10[%dma_start3A_79, %dma_start3A_80] : memref<10112x16xf32, #tpu.memory_space<vmem_shared>> -> memref<10112x16xf32, #tpu.memory_space<vmem_shared>>
        tpu.enqueue_indirect_dma source(%arg9 : memref<128x16xf32, #tpu.memory_space<vmem>>) target(%dma_start3A_81 : memref<10112x16xf32, #tpu.memory_space<vmem_shared>>) offsets(%dma_start3A_78 : memref<128xi32, #tpu.memory_space<vmem>>) semaphore(%arg11 : memref<!tpu.dma_semaphore, #tpu.memory_space<semaphore_mem>>) {add = true}
        %dma_start3A_82 = arith.constant 8 : i32
        %dma_start3A_83 = arith.constant 0 : i32
        %dma_start3A_84 = tpu.memref_slice %arg8[%dma_start3A_82, %dma_start3A_83] : memref<19x128xi32, #tpu.memory_space<vmem>> -> memref<1x128xi32, #tpu.memory_space<vmem>>
        %dma_start3A_85 = tpu.memref_squeeze %dma_start3A_84 : memref<1x128xi32, #tpu.memory_space<vmem>> -> memref<128xi32, #tpu.memory_space<vmem>>
        %dma_start3A_86 = arith.constant 0 : i32
        %dma_start3A_87 = arith.constant 0 : i32
        %dma_start3A_88 = tpu.memref_slice %arg10[%dma_start3A_86, %dma_start3A_87] : memref<10112x16xf32, #tpu.memory_space<vmem_shared>> -> memref<10112x16xf32, #tpu.memory_space<vmem_shared>>
        tpu.enqueue_indirect_dma source(%arg9 : memref<128x16xf32, #tpu.memory_space<vmem>>) target(%dma_start3A_88 : memref<10112x16xf32, #tpu.memory_space<vmem_shared>>) offsets(%dma_start3A_85 : memref<128xi32, #tpu.memory_space<vmem>>) semaphore(%arg11 : memref<!tpu.dma_semaphore, #tpu.memory_space<semaphore_mem>>) {add = true}
        %dma_start3A_89 = arith.constant 9 : i32
        %dma_start3A_90 = arith.constant 0 : i32
        %dma_start3A_91 = tpu.memref_slice %arg8[%dma_start3A_89, %dma_start3A_90] : memref<19x128xi32, #tpu.memory_space<vmem>> -> memref<1x128xi32, #tpu.memory_space<vmem>>
        %dma_start3A_92 = tpu.memref_squeeze %dma_start3A_91 : memref<1x128xi32, #tpu.memory_space<vmem>> -> memref<128xi32, #tpu.memory_space<vmem>>
        %dma_start3A_93 = arith.constant 0 : i32
        %dma_start3A_94 = arith.constant 0 : i32
        %dma_start3A_95 = tpu.memref_slice %arg10[%dma_start3A_93, %dma_start3A_94] : memref<10112x16xf32, #tpu.memory_space<vmem_shared>> -> memref<10112x16xf32, #tpu.memory_space<vmem_shared>>
        tpu.enqueue_indirect_dma source(%arg9 : memref<128x16xf32, #tpu.memory_space<vmem>>) target(%dma_start3A_95 : memref<10112x16xf32, #tpu.memory_space<vmem_shared>>) offsets(%dma_start3A_92 : memref<128xi32, #tpu.memory_space<vmem>>) semaphore(%arg11 : memref<!tpu.dma_semaphore, #tpu.memory_space<semaphore_mem>>) {add = true}
        %dma_start3A_96 = arith.constant 10 : i32
        %dma_start3A_97 = arith.constant 0 : i32
        %dma_start3A_98 = tpu.memref_slice %arg8[%dma_start3A_96, %dma_start3A_97] : memref<19x128xi32, #tpu.memory_space<vmem>> -> memref<1x128xi32, #tpu.memory_space<vmem>>
        %dma_start3A_99 = tpu.memref_squeeze %dma_start3A_98 : memref<1x128xi32, #tpu.memory_space<vmem>> -> memref<128xi32, #tpu.memory_space<vmem>>
        %dma_start3A_100 = arith.constant 0 : i32
        %dma_start3A_101 = arith.constant 0 : i32
        %dma_start3A_102 = tpu.memref_slice %arg10[%dma_start3A_100, %dma_start3A_101] : memref<10112x16xf32, #tpu.memory_space<vmem_shared>> -> memref<10112x16xf32, #tpu.memory_space<vmem_shared>>
        tpu.enqueue_indirect_dma source(%arg9 : memref<128x16xf32, #tpu.memory_space<vmem>>) target(%dma_start3A_102 : memref<10112x16xf32, #tpu.memory_space<vmem_shared>>) offsets(%dma_start3A_99 : memref<128xi32, #tpu.memory_space<vmem>>) semaphore(%arg11 : memref<!tpu.dma_semaphore, #tpu.memory_space<semaphore_mem>>) {add = true}
        %dma_start3A_103 = arith.constant 11 : i32
        %dma_start3A_104 = arith.constant 0 : i32
        %dma_start3A_105 = tpu.memref_slice %arg8[%dma_start3A_103, %dma_start3A_104] : memref<19x128xi32, #tpu.memory_space<vmem>> -> memref<1x128xi32, #tpu.memory_space<vmem>>
        %dma_start3A_106 = tpu.memref_squeeze %dma_start3A_105 : memref<1x128xi32, #tpu.memory_space<vmem>> -> memref<128xi32, #tpu.memory_space<vmem>>
        %dma_start3A_107 = arith.constant 0 : i32
        %dma_start3A_108 = arith.constant 0 : i32
        %dma_start3A_109 = tpu.memref_slice %arg10[%dma_start3A_107, %dma_start3A_108] : memref<10112x16xf32, #tpu.memory_space<vmem_shared>> -> memref<10112x16xf32, #tpu.memory_space<vmem_shared>>
        tpu.enqueue_indirect_dma source(%arg9 : memref<128x16xf32, #tpu.memory_space<vmem>>) target(%dma_start3A_109 : memref<10112x16xf32, #tpu.memory_space<vmem_shared>>) offsets(%dma_start3A_106 : memref<128xi32, #tpu.memory_space<vmem>>) semaphore(%arg11 : memref<!tpu.dma_semaphore, #tpu.memory_space<semaphore_mem>>) {add = true}
        %dma_start3A_110 = arith.constant 12 : i32
        %dma_start3A_111 = arith.constant 0 : i32
        %dma_start3A_112 = tpu.memref_slice %arg8[%dma_start3A_110, %dma_start3A_111] : memref<19x128xi32, #tpu.memory_space<vmem>> -> memref<1x128xi32, #tpu.memory_space<vmem>>
        %dma_start3A_113 = tpu.memref_squeeze %dma_start3A_112 : memref<1x128xi32, #tpu.memory_space<vmem>> -> memref<128xi32, #tpu.memory_space<vmem>>
        %dma_start3A_114 = arith.constant 0 : i32
        %dma_start3A_115 = arith.constant 0 : i32
        %dma_start3A_116 = tpu.memref_slice %arg10[%dma_start3A_114, %dma_start3A_115] : memref<10112x16xf32, #tpu.memory_space<vmem_shared>> -> memref<10112x16xf32, #tpu.memory_space<vmem_shared>>
        tpu.enqueue_indirect_dma source(%arg9 : memref<128x16xf32, #tpu.memory_space<vmem>>) target(%dma_start3A_116 : memref<10112x16xf32, #tpu.memory_space<vmem_shared>>) offsets(%dma_start3A_113 : memref<128xi32, #tpu.memory_space<vmem>>) semaphore(%arg11 : memref<!tpu.dma_semaphore, #tpu.memory_space<semaphore_mem>>) {add = true}
        %dma_start3A_117 = arith.constant 13 : i32
        %dma_start3A_118 = arith.constant 0 : i32
        %dma_start3A_119 = tpu.memref_slice %arg8[%dma_start3A_117, %dma_start3A_118] : memref<19x128xi32, #tpu.memory_space<vmem>> -> memref<1x128xi32, #tpu.memory_space<vmem>>
        %dma_start3A_120 = tpu.memref_squeeze %dma_start3A_119 : memref<1x128xi32, #tpu.memory_space<vmem>> -> memref<128xi32, #tpu.memory_space<vmem>>
        %dma_start3A_121 = arith.constant 0 : i32
        %dma_start3A_122 = arith.constant 0 : i32
        %dma_start3A_123 = tpu.memref_slice %arg10[%dma_start3A_121, %dma_start3A_122] : memref<10112x16xf32, #tpu.memory_space<vmem_shared>> -> memref<10112x16xf32, #tpu.memory_space<vmem_shared>>
        tpu.enqueue_indirect_dma source(%arg9 : memref<128x16xf32, #tpu.memory_space<vmem>>) target(%dma_start3A_123 : memref<10112x16xf32, #tpu.memory_space<vmem_shared>>) offsets(%dma_start3A_120 : memref<128xi32, #tpu.memory_space<vmem>>) semaphore(%arg11 : memref<!tpu.dma_semaphore, #tpu.memory_space<semaphore_mem>>) {add = true}
        %dma_start3A_124 = arith.constant 14 : i32
        %dma_start3A_125 = arith.constant 0 : i32
        %dma_start3A_126 = tpu.memref_slice %arg8[%dma_start3A_124, %dma_start3A_125] : memref<19x128xi32, #tpu.memory_space<vmem>> -> memref<1x128xi32, #tpu.memory_space<vmem>>
        %dma_start3A_127 = tpu.memref_squeeze %dma_start3A_126 : memref<1x128xi32, #tpu.memory_space<vmem>> -> memref<128xi32, #tpu.memory_space<vmem>>
        %dma_start3A_128 = arith.constant 0 : i32
        %dma_start3A_129 = arith.constant 0 : i32
        %dma_start3A_130 = tpu.memref_slice %arg10[%dma_start3A_128, %dma_start3A_129] : memref<10112x16xf32, #tpu.memory_space<vmem_shared>> -> memref<10112x16xf32, #tpu.memory_space<vmem_shared>>
        tpu.enqueue_indirect_dma source(%arg9 : memref<128x16xf32, #tpu.memory_space<vmem>>) target(%dma_start3A_130 : memref<10112x16xf32, #tpu.memory_space<vmem_shared>>) offsets(%dma_start3A_127 : memref<128xi32, #tpu.memory_space<vmem>>) semaphore(%arg11 : memref<!tpu.dma_semaphore, #tpu.memory_space<semaphore_mem>>) {add = true}
        %dma_start3A_131 = arith.constant 15 : i32
        %dma_start3A_132 = arith.constant 0 : i32
        %dma_start3A_133 = tpu.memref_slice %arg8[%dma_start3A_131, %dma_start3A_132] : memref<19x128xi32, #tpu.memory_space<vmem>> -> memref<1x128xi32, #tpu.memory_space<vmem>>
        %dma_start3A_134 = tpu.memref_squeeze %dma_start3A_133 : memref<1x128xi32, #tpu.memory_space<vmem>> -> memref<128xi32, #tpu.memory_space<vmem>>
        %dma_start3A_135 = arith.constant 0 : i32
        %dma_start3A_136 = arith.constant 0 : i32
        %dma_start3A_137 = tpu.memref_slice %arg10[%dma_start3A_135, %dma_start3A_136] : memref<10112x16xf32, #tpu.memory_space<vmem_shared>> -> memref<10112x16xf32, #tpu.memory_space<vmem_shared>>
        tpu.enqueue_indirect_dma source(%arg9 : memref<128x16xf32, #tpu.memory_space<vmem>>) target(%dma_start3A_137 : memref<10112x16xf32, #tpu.memory_space<vmem_shared>>) offsets(%dma_start3A_134 : memref<128xi32, #tpu.memory_space<vmem>>) semaphore(%arg11 : memref<!tpu.dma_semaphore, #tpu.memory_space<semaphore_mem>>) {add = true}
        %dma_start3A_138 = arith.constant 16 : i32
        %dma_start3A_139 = arith.constant 0 : i32
        %dma_start3A_140 = tpu.memref_slice %arg8[%dma_start3A_138, %dma_start3A_139] : memref<19x128xi32, #tpu.memory_space<vmem>> -> memref<1x128xi32, #tpu.memory_space<vmem>>
        %dma_start3A_141 = tpu.memref_squeeze %dma_start3A_140 : memref<1x128xi32, #tpu.memory_space<vmem>> -> memref<128xi32, #tpu.memory_space<vmem>>
        %dma_start3A_142 = arith.constant 0 : i32
        %dma_start3A_143 = arith.constant 0 : i32
        %dma_start3A_144 = tpu.memref_slice %arg10[%dma_start3A_142, %dma_start3A_143] : memref<10112x16xf32, #tpu.memory_space<vmem_shared>> -> memref<10112x16xf32, #tpu.memory_space<vmem_shared>>
        tpu.enqueue_indirect_dma source(%arg9 : memref<128x16xf32, #tpu.memory_space<vmem>>) target(%dma_start3A_144 : memref<10112x16xf32, #tpu.memory_space<vmem_shared>>) offsets(%dma_start3A_141 : memref<128xi32, #tpu.memory_space<vmem>>) semaphore(%arg11 : memref<!tpu.dma_semaphore, #tpu.memory_space<semaphore_mem>>) {add = true}
        %dma_start3A_145 = arith.constant 17 : i32
        %dma_start3A_146 = arith.constant 0 : i32
        %dma_start3A_147 = tpu.memref_slice %arg8[%dma_start3A_145, %dma_start3A_146] : memref<19x128xi32, #tpu.memory_space<vmem>> -> memref<1x128xi32, #tpu.memory_space<vmem>>
        %dma_start3A_148 = tpu.memref_squeeze %dma_start3A_147 : memref<1x128xi32, #tpu.memory_space<vmem>> -> memref<128xi32, #tpu.memory_space<vmem>>
        %dma_start3A_149 = arith.constant 0 : i32
        %dma_start3A_150 = arith.constant 0 : i32
        %dma_start3A_151 = tpu.memref_slice %arg10[%dma_start3A_149, %dma_start3A_150] : memref<10112x16xf32, #tpu.memory_space<vmem_shared>> -> memref<10112x16xf32, #tpu.memory_space<vmem_shared>>
        tpu.enqueue_indirect_dma source(%arg9 : memref<128x16xf32, #tpu.memory_space<vmem>>) target(%dma_start3A_151 : memref<10112x16xf32, #tpu.memory_space<vmem_shared>>) offsets(%dma_start3A_148 : memref<128xi32, #tpu.memory_space<vmem>>) semaphore(%arg11 : memref<!tpu.dma_semaphore, #tpu.memory_space<semaphore_mem>>) {add = true}
        %dma_start3A_152 = arith.constant 18 : i32
        %dma_start3A_153 = arith.constant 0 : i32
        %dma_start3A_154 = tpu.memref_slice %arg8[%dma_start3A_152, %dma_start3A_153] : memref<19x128xi32, #tpu.memory_space<vmem>> -> memref<1x128xi32, #tpu.memory_space<vmem>>
        %dma_start3A_155 = tpu.memref_squeeze %dma_start3A_154 : memref<1x128xi32, #tpu.memory_space<vmem>> -> memref<128xi32, #tpu.memory_space<vmem>>
        %dma_start3A_156 = arith.constant 0 : i32
        %dma_start3A_157 = arith.constant 0 : i32
        %dma_start3A_158 = tpu.memref_slice %arg10[%dma_start3A_156, %dma_start3A_157] : memref<10112x16xf32, #tpu.memory_space<vmem_shared>> -> memref<10112x16xf32, #tpu.memory_space<vmem_shared>>
        tpu.enqueue_indirect_dma source(%arg9 : memref<128x16xf32, #tpu.memory_space<vmem>>) target(%dma_start3A_158 : memref<10112x16xf32, #tpu.memory_space<vmem_shared>>) offsets(%dma_start3A_155 : memref<128xi32, #tpu.memory_space<vmem>>) semaphore(%arg11 : memref<!tpu.dma_semaphore, #tpu.memory_space<semaphore_mem>>) {add = true}
        %dma_wait3A = arith.constant 0 : i32
        %dma_wait3A_159 = arith.constant 0 : i32
        %dma_wait3A_160 = tpu.memref_slice %arg8[%dma_wait3A, %dma_wait3A_159] : memref<19x128xi32, #tpu.memory_space<vmem>> -> memref<1x128xi32, #tpu.memory_space<vmem>>
        %dma_wait3A_161 = tpu.memref_squeeze %dma_wait3A_160 : memref<1x128xi32, #tpu.memory_space<vmem>> -> memref<128xi32, #tpu.memory_space<vmem>>
        %dma_wait3A_162 = arith.constant 0 : i32
        %dma_wait3A_163 = arith.constant 0 : i32
        %dma_wait3A_164 = tpu.memref_slice %arg10[%dma_wait3A_162, %dma_wait3A_163] : memref<10112x16xf32, #tpu.memory_space<vmem_shared>> -> memref<10112x16xf32, #tpu.memory_space<vmem_shared>>
        tpu.wait_indirect_dma semaphore(%arg11 : memref<!tpu.dma_semaphore, #tpu.memory_space<semaphore_mem>>) src(%arg9 : memref<128x16xf32, #tpu.memory_space<vmem>>) dst(%dma_wait3A_164 : memref<10112x16xf32, #tpu.memory_space<vmem_shared>>)
        %dma_wait3A_165 = arith.constant 1 : i32
        %dma_wait3A_166 = arith.constant 0 : i32
        %dma_wait3A_167 = tpu.memref_slice %arg8[%dma_wait3A_165, %dma_wait3A_166] : memref<19x128xi32, #tpu.memory_space<vmem>> -> memref<1x128xi32, #tpu.memory_space<vmem>>
        %dma_wait3A_168 = tpu.memref_squeeze %dma_wait3A_167 : memref<1x128xi32, #tpu.memory_space<vmem>> -> memref<128xi32, #tpu.memory_space<vmem>>
        %dma_wait3A_169 = arith.constant 0 : i32
        %dma_wait3A_170 = arith.constant 0 : i32
        %dma_wait3A_171 = tpu.memref_slice %arg10[%dma_wait3A_169, %dma_wait3A_170] : memref<10112x16xf32, #tpu.memory_space<vmem_shared>> -> memref<10112x16xf32, #tpu.memory_space<vmem_shared>>
        tpu.wait_indirect_dma semaphore(%arg11 : memref<!tpu.dma_semaphore, #tpu.memory_space<semaphore_mem>>) src(%arg9 : memref<128x16xf32, #tpu.memory_space<vmem>>) dst(%dma_wait3A_171 : memref<10112x16xf32, #tpu.memory_space<vmem_shared>>)
        %dma_wait3A_172 = arith.constant 2 : i32
        %dma_wait3A_173 = arith.constant 0 : i32
        %dma_wait3A_174 = tpu.memref_slice %arg8[%dma_wait3A_172, %dma_wait3A_173] : memref<19x128xi32, #tpu.memory_space<vmem>> -> memref<1x128xi32, #tpu.memory_space<vmem>>
        %dma_wait3A_175 = tpu.memref_squeeze %dma_wait3A_174 : memref<1x128xi32, #tpu.memory_space<vmem>> -> memref<128xi32, #tpu.memory_space<vmem>>
        %dma_wait3A_176 = arith.constant 0 : i32
        %dma_wait3A_177 = arith.constant 0 : i32
        %dma_wait3A_178 = tpu.memref_slice %arg10[%dma_wait3A_176, %dma_wait3A_177] : memref<10112x16xf32, #tpu.memory_space<vmem_shared>> -> memref<10112x16xf32, #tpu.memory_space<vmem_shared>>
        tpu.wait_indirect_dma semaphore(%arg11 : memref<!tpu.dma_semaphore, #tpu.memory_space<semaphore_mem>>) src(%arg9 : memref<128x16xf32, #tpu.memory_space<vmem>>) dst(%dma_wait3A_178 : memref<10112x16xf32, #tpu.memory_space<vmem_shared>>)
        %dma_wait3A_179 = arith.constant 3 : i32
        %dma_wait3A_180 = arith.constant 0 : i32
        %dma_wait3A_181 = tpu.memref_slice %arg8[%dma_wait3A_179, %dma_wait3A_180] : memref<19x128xi32, #tpu.memory_space<vmem>> -> memref<1x128xi32, #tpu.memory_space<vmem>>
        %dma_wait3A_182 = tpu.memref_squeeze %dma_wait3A_181 : memref<1x128xi32, #tpu.memory_space<vmem>> -> memref<128xi32, #tpu.memory_space<vmem>>
        %dma_wait3A_183 = arith.constant 0 : i32
        %dma_wait3A_184 = arith.constant 0 : i32
        %dma_wait3A_185 = tpu.memref_slice %arg10[%dma_wait3A_183, %dma_wait3A_184] : memref<10112x16xf32, #tpu.memory_space<vmem_shared>> -> memref<10112x16xf32, #tpu.memory_space<vmem_shared>>
        tpu.wait_indirect_dma semaphore(%arg11 : memref<!tpu.dma_semaphore, #tpu.memory_space<semaphore_mem>>) src(%arg9 : memref<128x16xf32, #tpu.memory_space<vmem>>) dst(%dma_wait3A_185 : memref<10112x16xf32, #tpu.memory_space<vmem_shared>>)
        %dma_wait3A_186 = arith.constant 4 : i32
        %dma_wait3A_187 = arith.constant 0 : i32
        %dma_wait3A_188 = tpu.memref_slice %arg8[%dma_wait3A_186, %dma_wait3A_187] : memref<19x128xi32, #tpu.memory_space<vmem>> -> memref<1x128xi32, #tpu.memory_space<vmem>>
        %dma_wait3A_189 = tpu.memref_squeeze %dma_wait3A_188 : memref<1x128xi32, #tpu.memory_space<vmem>> -> memref<128xi32, #tpu.memory_space<vmem>>
        %dma_wait3A_190 = arith.constant 0 : i32
        %dma_wait3A_191 = arith.constant 0 : i32
        %dma_wait3A_192 = tpu.memref_slice %arg10[%dma_wait3A_190, %dma_wait3A_191] : memref<10112x16xf32, #tpu.memory_space<vmem_shared>> -> memref<10112x16xf32, #tpu.memory_space<vmem_shared>>
        tpu.wait_indirect_dma semaphore(%arg11 : memref<!tpu.dma_semaphore, #tpu.memory_space<semaphore_mem>>) src(%arg9 : memref<128x16xf32, #tpu.memory_space<vmem>>) dst(%dma_wait3A_192 : memref<10112x16xf32, #tpu.memory_space<vmem_shared>>)
        %dma_wait3A_193 = arith.constant 5 : i32
        %dma_wait3A_194 = arith.constant 0 : i32
        %dma_wait3A_195 = tpu.memref_slice %arg8[%dma_wait3A_193, %dma_wait3A_194] : memref<19x128xi32, #tpu.memory_space<vmem>> -> memref<1x128xi32, #tpu.memory_space<vmem>>
        %dma_wait3A_196 = tpu.memref_squeeze %dma_wait3A_195 : memref<1x128xi32, #tpu.memory_space<vmem>> -> memref<128xi32, #tpu.memory_space<vmem>>
        %dma_wait3A_197 = arith.constant 0 : i32
        %dma_wait3A_198 = arith.constant 0 : i32
        %dma_wait3A_199 = tpu.memref_slice %arg10[%dma_wait3A_197, %dma_wait3A_198] : memref<10112x16xf32, #tpu.memory_space<vmem_shared>> -> memref<10112x16xf32, #tpu.memory_space<vmem_shared>>
        tpu.wait_indirect_dma semaphore(%arg11 : memref<!tpu.dma_semaphore, #tpu.memory_space<semaphore_mem>>) src(%arg9 : memref<128x16xf32, #tpu.memory_space<vmem>>) dst(%dma_wait3A_199 : memref<10112x16xf32, #tpu.memory_space<vmem_shared>>)
        %dma_wait3A_200 = arith.constant 6 : i32
        %dma_wait3A_201 = arith.constant 0 : i32
        %dma_wait3A_202 = tpu.memref_slice %arg8[%dma_wait3A_200, %dma_wait3A_201] : memref<19x128xi32, #tpu.memory_space<vmem>> -> memref<1x128xi32, #tpu.memory_space<vmem>>
        %dma_wait3A_203 = tpu.memref_squeeze %dma_wait3A_202 : memref<1x128xi32, #tpu.memory_space<vmem>> -> memref<128xi32, #tpu.memory_space<vmem>>
        %dma_wait3A_204 = arith.constant 0 : i32
        %dma_wait3A_205 = arith.constant 0 : i32
        %dma_wait3A_206 = tpu.memref_slice %arg10[%dma_wait3A_204, %dma_wait3A_205] : memref<10112x16xf32, #tpu.memory_space<vmem_shared>> -> memref<10112x16xf32, #tpu.memory_space<vmem_shared>>
        tpu.wait_indirect_dma semaphore(%arg11 : memref<!tpu.dma_semaphore, #tpu.memory_space<semaphore_mem>>) src(%arg9 : memref<128x16xf32, #tpu.memory_space<vmem>>) dst(%dma_wait3A_206 : memref<10112x16xf32, #tpu.memory_space<vmem_shared>>)
        %dma_wait3A_207 = arith.constant 7 : i32
        %dma_wait3A_208 = arith.constant 0 : i32
        %dma_wait3A_209 = tpu.memref_slice %arg8[%dma_wait3A_207, %dma_wait3A_208] : memref<19x128xi32, #tpu.memory_space<vmem>> -> memref<1x128xi32, #tpu.memory_space<vmem>>
        %dma_wait3A_210 = tpu.memref_squeeze %dma_wait3A_209 : memref<1x128xi32, #tpu.memory_space<vmem>> -> memref<128xi32, #tpu.memory_space<vmem>>
        %dma_wait3A_211 = arith.constant 0 : i32
        %dma_wait3A_212 = arith.constant 0 : i32
        %dma_wait3A_213 = tpu.memref_slice %arg10[%dma_wait3A_211, %dma_wait3A_212] : memref<10112x16xf32, #tpu.memory_space<vmem_shared>> -> memref<10112x16xf32, #tpu.memory_space<vmem_shared>>
        tpu.wait_indirect_dma semaphore(%arg11 : memref<!tpu.dma_semaphore, #tpu.memory_space<semaphore_mem>>) src(%arg9 : memref<128x16xf32, #tpu.memory_space<vmem>>) dst(%dma_wait3A_213 : memref<10112x16xf32, #tpu.memory_space<vmem_shared>>)
        %dma_wait3A_214 = arith.constant 8 : i32
        %dma_wait3A_215 = arith.constant 0 : i32
        %dma_wait3A_216 = tpu.memref_slice %arg8[%dma_wait3A_214, %dma_wait3A_215] : memref<19x128xi32, #tpu.memory_space<vmem>> -> memref<1x128xi32, #tpu.memory_space<vmem>>
        %dma_wait3A_217 = tpu.memref_squeeze %dma_wait3A_216 : memref<1x128xi32, #tpu.memory_space<vmem>> -> memref<128xi32, #tpu.memory_space<vmem>>
        %dma_wait3A_218 = arith.constant 0 : i32
        %dma_wait3A_219 = arith.constant 0 : i32
        %dma_wait3A_220 = tpu.memref_slice %arg10[%dma_wait3A_218, %dma_wait3A_219] : memref<10112x16xf32, #tpu.memory_space<vmem_shared>> -> memref<10112x16xf32, #tpu.memory_space<vmem_shared>>
        tpu.wait_indirect_dma semaphore(%arg11 : memref<!tpu.dma_semaphore, #tpu.memory_space<semaphore_mem>>) src(%arg9 : memref<128x16xf32, #tpu.memory_space<vmem>>) dst(%dma_wait3A_220 : memref<10112x16xf32, #tpu.memory_space<vmem_shared>>)
        %dma_wait3A_221 = arith.constant 9 : i32
        %dma_wait3A_222 = arith.constant 0 : i32
        %dma_wait3A_223 = tpu.memref_slice %arg8[%dma_wait3A_221, %dma_wait3A_222] : memref<19x128xi32, #tpu.memory_space<vmem>> -> memref<1x128xi32, #tpu.memory_space<vmem>>
        %dma_wait3A_224 = tpu.memref_squeeze %dma_wait3A_223 : memref<1x128xi32, #tpu.memory_space<vmem>> -> memref<128xi32, #tpu.memory_space<vmem>>
        %dma_wait3A_225 = arith.constant 0 : i32
        %dma_wait3A_226 = arith.constant 0 : i32
        %dma_wait3A_227 = tpu.memref_slice %arg10[%dma_wait3A_225, %dma_wait3A_226] : memref<10112x16xf32, #tpu.memory_space<vmem_shared>> -> memref<10112x16xf32, #tpu.memory_space<vmem_shared>>
        tpu.wait_indirect_dma semaphore(%arg11 : memref<!tpu.dma_semaphore, #tpu.memory_space<semaphore_mem>>) src(%arg9 : memref<128x16xf32, #tpu.memory_space<vmem>>) dst(%dma_wait3A_227 : memref<10112x16xf32, #tpu.memory_space<vmem_shared>>)
        %dma_wait3A_228 = arith.constant 10 : i32
        %dma_wait3A_229 = arith.constant 0 : i32
        %dma_wait3A_230 = tpu.memref_slice %arg8[%dma_wait3A_228, %dma_wait3A_229] : memref<19x128xi32, #tpu.memory_space<vmem>> -> memref<1x128xi32, #tpu.memory_space<vmem>>
        %dma_wait3A_231 = tpu.memref_squeeze %dma_wait3A_230 : memref<1x128xi32, #tpu.memory_space<vmem>> -> memref<128xi32, #tpu.memory_space<vmem>>
        %dma_wait3A_232 = arith.constant 0 : i32
        %dma_wait3A_233 = arith.constant 0 : i32
        %dma_wait3A_234 = tpu.memref_slice %arg10[%dma_wait3A_232, %dma_wait3A_233] : memref<10112x16xf32, #tpu.memory_space<vmem_shared>> -> memref<10112x16xf32, #tpu.memory_space<vmem_shared>>
        tpu.wait_indirect_dma semaphore(%arg11 : memref<!tpu.dma_semaphore, #tpu.memory_space<semaphore_mem>>) src(%arg9 : memref<128x16xf32, #tpu.memory_space<vmem>>) dst(%dma_wait3A_234 : memref<10112x16xf32, #tpu.memory_space<vmem_shared>>)
        %dma_wait3A_235 = arith.constant 11 : i32
        %dma_wait3A_236 = arith.constant 0 : i32
        %dma_wait3A_237 = tpu.memref_slice %arg8[%dma_wait3A_235, %dma_wait3A_236] : memref<19x128xi32, #tpu.memory_space<vmem>> -> memref<1x128xi32, #tpu.memory_space<vmem>>
        %dma_wait3A_238 = tpu.memref_squeeze %dma_wait3A_237 : memref<1x128xi32, #tpu.memory_space<vmem>> -> memref<128xi32, #tpu.memory_space<vmem>>
        %dma_wait3A_239 = arith.constant 0 : i32
        %dma_wait3A_240 = arith.constant 0 : i32
        %dma_wait3A_241 = tpu.memref_slice %arg10[%dma_wait3A_239, %dma_wait3A_240] : memref<10112x16xf32, #tpu.memory_space<vmem_shared>> -> memref<10112x16xf32, #tpu.memory_space<vmem_shared>>
        tpu.wait_indirect_dma semaphore(%arg11 : memref<!tpu.dma_semaphore, #tpu.memory_space<semaphore_mem>>) src(%arg9 : memref<128x16xf32, #tpu.memory_space<vmem>>) dst(%dma_wait3A_241 : memref<10112x16xf32, #tpu.memory_space<vmem_shared>>)
        %dma_wait3A_242 = arith.constant 12 : i32
        %dma_wait3A_243 = arith.constant 0 : i32
        %dma_wait3A_244 = tpu.memref_slice %arg8[%dma_wait3A_242, %dma_wait3A_243] : memref<19x128xi32, #tpu.memory_space<vmem>> -> memref<1x128xi32, #tpu.memory_space<vmem>>
        %dma_wait3A_245 = tpu.memref_squeeze %dma_wait3A_244 : memref<1x128xi32, #tpu.memory_space<vmem>> -> memref<128xi32, #tpu.memory_space<vmem>>
        %dma_wait3A_246 = arith.constant 0 : i32
        %dma_wait3A_247 = arith.constant 0 : i32
        %dma_wait3A_248 = tpu.memref_slice %arg10[%dma_wait3A_246, %dma_wait3A_247] : memref<10112x16xf32, #tpu.memory_space<vmem_shared>> -> memref<10112x16xf32, #tpu.memory_space<vmem_shared>>
        tpu.wait_indirect_dma semaphore(%arg11 : memref<!tpu.dma_semaphore, #tpu.memory_space<semaphore_mem>>) src(%arg9 : memref<128x16xf32, #tpu.memory_space<vmem>>) dst(%dma_wait3A_248 : memref<10112x16xf32, #tpu.memory_space<vmem_shared>>)
        %dma_wait3A_249 = arith.constant 13 : i32
        %dma_wait3A_250 = arith.constant 0 : i32
        %dma_wait3A_251 = tpu.memref_slice %arg8[%dma_wait3A_249, %dma_wait3A_250] : memref<19x128xi32, #tpu.memory_space<vmem>> -> memref<1x128xi32, #tpu.memory_space<vmem>>
        %dma_wait3A_252 = tpu.memref_squeeze %dma_wait3A_251 : memref<1x128xi32, #tpu.memory_space<vmem>> -> memref<128xi32, #tpu.memory_space<vmem>>
        %dma_wait3A_253 = arith.constant 0 : i32
        %dma_wait3A_254 = arith.constant 0 : i32
        %dma_wait3A_255 = tpu.memref_slice %arg10[%dma_wait3A_253, %dma_wait3A_254] : memref<10112x16xf32, #tpu.memory_space<vmem_shared>> -> memref<10112x16xf32, #tpu.memory_space<vmem_shared>>
        tpu.wait_indirect_dma semaphore(%arg11 : memref<!tpu.dma_semaphore, #tpu.memory_space<semaphore_mem>>) src(%arg9 : memref<128x16xf32, #tpu.memory_space<vmem>>) dst(%dma_wait3A_255 : memref<10112x16xf32, #tpu.memory_space<vmem_shared>>)
        %dma_wait3A_256 = arith.constant 14 : i32
        %dma_wait3A_257 = arith.constant 0 : i32
        %dma_wait3A_258 = tpu.memref_slice %arg8[%dma_wait3A_256, %dma_wait3A_257] : memref<19x128xi32, #tpu.memory_space<vmem>> -> memref<1x128xi32, #tpu.memory_space<vmem>>
        %dma_wait3A_259 = tpu.memref_squeeze %dma_wait3A_258 : memref<1x128xi32, #tpu.memory_space<vmem>> -> memref<128xi32, #tpu.memory_space<vmem>>
        %dma_wait3A_260 = arith.constant 0 : i32
        %dma_wait3A_261 = arith.constant 0 : i32
        %dma_wait3A_262 = tpu.memref_slice %arg10[%dma_wait3A_260, %dma_wait3A_261] : memref<10112x16xf32, #tpu.memory_space<vmem_shared>> -> memref<10112x16xf32, #tpu.memory_space<vmem_shared>>
        tpu.wait_indirect_dma semaphore(%arg11 : memref<!tpu.dma_semaphore, #tpu.memory_space<semaphore_mem>>) src(%arg9 : memref<128x16xf32, #tpu.memory_space<vmem>>) dst(%dma_wait3A_262 : memref<10112x16xf32, #tpu.memory_space<vmem_shared>>)
        %dma_wait3A_263 = arith.constant 15 : i32
        %dma_wait3A_264 = arith.constant 0 : i32
        %dma_wait3A_265 = tpu.memref_slice %arg8[%dma_wait3A_263, %dma_wait3A_264] : memref<19x128xi32, #tpu.memory_space<vmem>> -> memref<1x128xi32, #tpu.memory_space<vmem>>
        %dma_wait3A_266 = tpu.memref_squeeze %dma_wait3A_265 : memref<1x128xi32, #tpu.memory_space<vmem>> -> memref<128xi32, #tpu.memory_space<vmem>>
        %dma_wait3A_267 = arith.constant 0 : i32
        %dma_wait3A_268 = arith.constant 0 : i32
        %dma_wait3A_269 = tpu.memref_slice %arg10[%dma_wait3A_267, %dma_wait3A_268] : memref<10112x16xf32, #tpu.memory_space<vmem_shared>> -> memref<10112x16xf32, #tpu.memory_space<vmem_shared>>
        tpu.wait_indirect_dma semaphore(%arg11 : memref<!tpu.dma_semaphore, #tpu.memory_space<semaphore_mem>>) src(%arg9 : memref<128x16xf32, #tpu.memory_space<vmem>>) dst(%dma_wait3A_269 : memref<10112x16xf32, #tpu.memory_space<vmem_shared>>)
        %dma_wait3A_270 = arith.constant 16 : i32
        %dma_wait3A_271 = arith.constant 0 : i32
        %dma_wait3A_272 = tpu.memref_slice %arg8[%dma_wait3A_270, %dma_wait3A_271] : memref<19x128xi32, #tpu.memory_space<vmem>> -> memref<1x128xi32, #tpu.memory_space<vmem>>
        %dma_wait3A_273 = tpu.memref_squeeze %dma_wait3A_272 : memref<1x128xi32, #tpu.memory_space<vmem>> -> memref<128xi32, #tpu.memory_space<vmem>>
        %dma_wait3A_274 = arith.constant 0 : i32
        %dma_wait3A_275 = arith.constant 0 : i32
        %dma_wait3A_276 = tpu.memref_slice %arg10[%dma_wait3A_274, %dma_wait3A_275] : memref<10112x16xf32, #tpu.memory_space<vmem_shared>> -> memref<10112x16xf32, #tpu.memory_space<vmem_shared>>
        tpu.wait_indirect_dma semaphore(%arg11 : memref<!tpu.dma_semaphore, #tpu.memory_space<semaphore_mem>>) src(%arg9 : memref<128x16xf32, #tpu.memory_space<vmem>>) dst(%dma_wait3A_276 : memref<10112x16xf32, #tpu.memory_space<vmem_shared>>)
        %dma_wait3A_277 = arith.constant 17 : i32
        %dma_wait3A_278 = arith.constant 0 : i32
        %dma_wait3A_279 = tpu.memref_slice %arg8[%dma_wait3A_277, %dma_wait3A_278] : memref<19x128xi32, #tpu.memory_space<vmem>> -> memref<1x128xi32, #tpu.memory_space<vmem>>
        %dma_wait3A_280 = tpu.memref_squeeze %dma_wait3A_279 : memref<1x128xi32, #tpu.memory_space<vmem>> -> memref<128xi32, #tpu.memory_space<vmem>>
        %dma_wait3A_281 = arith.constant 0 : i32
        %dma_wait3A_282 = arith.constant 0 : i32
        %dma_wait3A_283 = tpu.memref_slice %arg10[%dma_wait3A_281, %dma_wait3A_282] : memref<10112x16xf32, #tpu.memory_space<vmem_shared>> -> memref<10112x16xf32, #tpu.memory_space<vmem_shared>>
        tpu.wait_indirect_dma semaphore(%arg11 : memref<!tpu.dma_semaphore, #tpu.memory_space<semaphore_mem>>) src(%arg9 : memref<128x16xf32, #tpu.memory_space<vmem>>) dst(%dma_wait3A_283 : memref<10112x16xf32, #tpu.memory_space<vmem_shared>>)
        %dma_wait3A_284 = arith.constant 18 : i32
        %dma_wait3A_285 = arith.constant 0 : i32
        %dma_wait3A_286 = tpu.memref_slice %arg8[%dma_wait3A_284, %dma_wait3A_285] : memref<19x128xi32, #tpu.memory_space<vmem>> -> memref<1x128xi32, #tpu.memory_space<vmem>>
        %dma_wait3A_287 = tpu.memref_squeeze %dma_wait3A_286 : memref<1x128xi32, #tpu.memory_space<vmem>> -> memref<128xi32, #tpu.memory_space<vmem>>
        %dma_wait3A_288 = arith.constant 0 : i32
        %dma_wait3A_289 = arith.constant 0 : i32
        %dma_wait3A_290 = tpu.memref_slice %arg10[%dma_wait3A_288, %dma_wait3A_289] : memref<10112x16xf32, #tpu.memory_space<vmem_shared>> -> memref<10112x16xf32, #tpu.memory_space<vmem_shared>>
        tpu.wait_indirect_dma semaphore(%arg11 : memref<!tpu.dma_semaphore, #tpu.memory_space<semaphore_mem>>) src(%arg9 : memref<128x16xf32, #tpu.memory_space<vmem>>) dst(%dma_wait3A_290 : memref<10112x16xf32, #tpu.memory_space<vmem_shared>>)
      }
      %scan3A_25 = arith.constant 8 : i32
    } else {
    }
    %barrier3A_10 = arith.constant 0 : index
    tpu.barrier barrier_id(%barrier3A_10)
    %eq3A_11 = arith.constant 0 : i32
    %eq3A_12 = arith.cmpi eq, %arg0, %eq3A_11 : i32
    %convert_element_type3A_13 = arith.extui %eq3A_12 : i1 to i32
    %cond3A_14 = arith.constant 0 : i32
    %cond3A_15 = arith.cmpi ne, %convert_element_type3A_13, %cond3A_14 : i32
    scf.if %cond3A_15 {
      "tpu.region"() ({
        %run_scoped3A = tpu.sem_alloc : memref<!tpu.dma_semaphore, #tpu.memory_space<semaphore_mem>>
        %dma_start3A = arith.constant 0 : i32
        %dma_start3A_21 = tpu.memref_slice %arg6[%mul3A_0, %dma_start3A] : memref<10112x16xf32, #tpu.memory_space<hbm>> -> memref<632x16xf32, #tpu.memory_space<hbm>>
        %dma_start3A_22 = arith.constant 0 : i32
        %dma_start3A_23 = tpu.memref_slice %arg10[%mul3A_0, %dma_start3A_22] : memref<10112x16xf32, #tpu.memory_space<vmem_shared>> -> memref<632x16xf32, #tpu.memory_space<vmem_shared>>
        tpu.enqueue_dma source(%dma_start3A_23 : memref<632x16xf32, #tpu.memory_space<vmem_shared>>) target(%dma_start3A_21 : memref<632x16xf32, #tpu.memory_space<hbm>>) target_semaphore(%run_scoped3A : memref<!tpu.dma_semaphore, #tpu.memory_space<semaphore_mem>>)
        %dma_wait3A = arith.constant 0 : i32
        %dma_wait3A_24 = tpu.memref_slice %arg6[%mul3A_0, %dma_wait3A] : memref<10112x16xf32, #tpu.memory_space<hbm>> -> memref<632x16xf32, #tpu.memory_space<hbm>>
        %dma_wait3A_25 = arith.constant 0 : i32
        %dma_wait3A_26 = tpu.memref_slice %arg10[%mul3A_0, %dma_wait3A_25] : memref<10112x16xf32, #tpu.memory_space<vmem_shared>> -> memref<632x16xf32, #tpu.memory_space<vmem_shared>>
        tpu.wait_dma2 semaphore(%run_scoped3A : memref<!tpu.dma_semaphore, #tpu.memory_space<semaphore_mem>>) src(%dma_wait3A_26 : memref<632x16xf32, #tpu.memory_space<vmem_shared>>) dst(%dma_wait3A_24 : memref<632x16xf32, #tpu.memory_space<hbm>>)
        tpu.yield
      }) : () -> ()
    } else {
    }
    %eq3A_16 = arith.constant 1 : i32
    %eq3A_17 = arith.cmpi eq, %arg0, %eq3A_16 : i32
    %convert_element_type3A_18 = arith.extui %eq3A_17 : i1 to i32
    %cond3A_19 = arith.constant 0 : i32
    %cond3A_20 = arith.cmpi ne, %convert_element_type3A_18, %cond3A_19 : i32
    scf.if %cond3A_20 {
      "tpu.region"() ({
        %run_scoped3A = tpu.sem_alloc : memref<!tpu.dma_semaphore, #tpu.memory_space<semaphore_mem>>
        %dma_start3A = arith.constant 0 : i32
        %dma_start3A_21 = tpu.memref_slice %arg7[%mul3A_0, %dma_start3A] : memref<10112x16xf32, #tpu.memory_space<hbm>> -> memref<632x16xf32, #tpu.memory_space<hbm>>
        %dma_start3A_22 = arith.constant 0 : i32
        %dma_start3A_23 = tpu.memref_slice %arg10[%mul3A_0, %dma_start3A_22] : memref<10112x16xf32, #tpu.memory_space<vmem_shared>> -> memref<632x16xf32, #tpu.memory_space<vmem_shared>>
        tpu.enqueue_dma source(%dma_start3A_23 : memref<632x16xf32, #tpu.memory_space<vmem_shared>>) target(%dma_start3A_21 : memref<632x16xf32, #tpu.memory_space<hbm>>) target_semaphore(%run_scoped3A : memref<!tpu.dma_semaphore, #tpu.memory_space<semaphore_mem>>)
        %dma_wait3A = arith.constant 0 : i32
        %dma_wait3A_24 = tpu.memref_slice %arg7[%mul3A_0, %dma_wait3A] : memref<10112x16xf32, #tpu.memory_space<hbm>> -> memref<632x16xf32, #tpu.memory_space<hbm>>
        %dma_wait3A_25 = arith.constant 0 : i32
        %dma_wait3A_26 = tpu.memref_slice %arg10[%mul3A_0, %dma_wait3A_25] : memref<10112x16xf32, #tpu.memory_space<vmem_shared>> -> memref<632x16xf32, #tpu.memory_space<vmem_shared>>
        tpu.wait_dma2 semaphore(%run_scoped3A : memref<!tpu.dma_semaphore, #tpu.memory_space<semaphore_mem>>) src(%dma_wait3A_26 : memref<632x16xf32, #tpu.memory_space<vmem_shared>>) dst(%dma_wait3A_24 : memref<632x16xf32, #tpu.memory_space<hbm>>)
        tpu.yield
      }) : () -> ()
    } else {
    }
    return
  }
}

#map = affine_map<(d0, d1) -> (0, 0)>
#map1 = affine_map<(d0, d1) -> (0, 0, 0)>
module attributes {stable_mosaic.version = 14 : i64} {
  func.func @phase2(%arg0: i32, %arg1: i32, %arg2: memref<10000x32xf32, #tpu.memory_space<hbm>>, %arg3: memref<128x19x128xi32, #tpu.memory_space<hbm>>, %arg4: memref<128x19x128xi32, #tpu.memory_space<hbm>>, %arg5: memref<10112x32xf32, #tpu.memory_space<hbm>>, %arg6: memref<10112x32xf32, #tpu.memory_space<hbm>>, %arg7: memref<10112x32xf32, #tpu.memory_space<hbm>>, %arg8: memref<19x128xi32, #tpu.memory_space<vmem>>, %arg9: memref<19x128xi32, #tpu.memory_space<vmem>>, %arg10: memref<128x32xf32, #tpu.memory_space<vmem>>, %arg11: memref<128x32xf32, #tpu.memory_space<vmem>>, %arg12: memref<10112x32xf32, #tpu.memory_space<vmem_shared>>, %arg13: memref<!tpu.dma_semaphore, #tpu.memory_space<semaphore_mem>>, %arg14: memref<!tpu.dma_semaphore, #tpu.memory_space<semaphore_mem>>, %arg15: memref<!tpu.dma_semaphore, #tpu.memory_space<semaphore_mem>>, %arg16: memref<!tpu.dma_semaphore, #tpu.memory_space<semaphore_mem>>) attributes {dimension_semantics = [#tpu.dimension_semantics<core_parallel>, #tpu.dimension_semantics<subcore_parallel>], iteration_bounds = array<i64: 2, 16>, scalar_prefetch = 0 : i64, scratch_operands = 9 : i64, tpu.core_type = #tpu.core_type<sc_vector_subcore>, window_params = [{transform_indices = #map}, {transform_indices = #map1}, {transform_indices = #map1}, {transform_indices = #map}, {transform_indices = #map}, {transform_indices = #map}]} {
    %mul3A = arith.constant 632 : i32
    %mul3A_0 = arith.muli %arg1, %mul3A : i32
    %mul3A_1 = arith.constant 16 : i32
    %mul3A_2 = arith.muli %arg0, %mul3A_1 : i32
    %add3A = arith.addi %mul3A_2, %arg1 : i32
    %mul3A_3 = arith.constant 4 : i32
    %mul3A_4 = arith.muli %add3A, %mul3A_3 : i32
    "tpu.region"() ({
      %run_scoped3A = tpu.sem_alloc : memref<!tpu.dma_semaphore, #tpu.memory_space<semaphore_mem>>
      %dma_start3A_24 = arith.constant 0 : i32
      %dma_start3A_25 = tpu.memref_slice %arg12[%mul3A_0, %dma_start3A_24] : memref<10112x32xf32, #tpu.memory_space<vmem_shared>> -> memref<632x32xf32, #tpu.memory_space<vmem_shared>>
      %dma_start3A_26 = arith.constant 0 : i32
      %dma_start3A_27 = tpu.memref_slice %arg5[%mul3A_0, %dma_start3A_26] : memref<10112x32xf32, #tpu.memory_space<hbm>> -> memref<632x32xf32, #tpu.memory_space<hbm>>
      tpu.enqueue_dma source(%dma_start3A_27 : memref<632x32xf32, #tpu.memory_space<hbm>>) target(%dma_start3A_25 : memref<632x32xf32, #tpu.memory_space<vmem_shared>>) target_semaphore(%run_scoped3A : memref<!tpu.dma_semaphore, #tpu.memory_space<semaphore_mem>>)
      %dma_wait3A = arith.constant 0 : i32
      %dma_wait3A_28 = tpu.memref_slice %arg12[%mul3A_0, %dma_wait3A] : memref<10112x32xf32, #tpu.memory_space<vmem_shared>> -> memref<632x32xf32, #tpu.memory_space<vmem_shared>>
      %dma_wait3A_29 = arith.constant 0 : i32
      %dma_wait3A_30 = tpu.memref_slice %arg5[%mul3A_0, %dma_wait3A_29] : memref<10112x32xf32, #tpu.memory_space<hbm>> -> memref<632x32xf32, #tpu.memory_space<hbm>>
      tpu.wait_dma2 semaphore(%run_scoped3A : memref<!tpu.dma_semaphore, #tpu.memory_space<semaphore_mem>>) src(%dma_wait3A_30 : memref<632x32xf32, #tpu.memory_space<hbm>>) dst(%dma_wait3A_28 : memref<632x32xf32, #tpu.memory_space<vmem_shared>>)
      tpu.yield
    }) : () -> ()
    %barrier3A = arith.constant 0 : index
    tpu.barrier barrier_id(%barrier3A)
    "tpu.region"() ({
      %run_scoped3A = tpu.sem_alloc : memref<!tpu.dma_semaphore, #tpu.memory_space<semaphore_mem>>
      %dma_start3A_24 = arith.constant 0 : i32
      %dma_start3A_25 = arith.constant 0 : i32
      %dma_start3A_26 = tpu.memref_slice %arg3[%mul3A_4, %dma_start3A_24, %dma_start3A_25] : memref<128x19x128xi32, #tpu.memory_space<hbm>> -> memref<1x19x128xi32, #tpu.memory_space<hbm>>
      %dma_start3A_27 = tpu.memref_squeeze %dma_start3A_26 : memref<1x19x128xi32, #tpu.memory_space<hbm>> -> memref<19x128xi32, #tpu.memory_space<hbm>>
      %dma_start3A_28 = arith.constant 0 : i32
      %dma_start3A_29 = arith.constant 0 : i32
      %dma_start3A_30 = tpu.memref_slice %arg3[%mul3A_4, %dma_start3A_28, %dma_start3A_29] : memref<128x19x128xi32, #tpu.memory_space<hbm>> -> memref<1x19x128xi32, #tpu.memory_space<hbm>>
      %dma_start3A_31 = tpu.memref_squeeze %dma_start3A_30 : memref<1x19x128xi32, #tpu.memory_space<hbm>> -> memref<19x128xi32, #tpu.memory_space<hbm>>
      tpu.enqueue_dma source(%dma_start3A_31 : memref<19x128xi32, #tpu.memory_space<hbm>>) target(%arg8 : memref<19x128xi32, #tpu.memory_space<vmem>>) target_semaphore(%run_scoped3A : memref<!tpu.dma_semaphore, #tpu.memory_space<semaphore_mem>>)
      %dma_wait3A = arith.constant 0 : i32
      %dma_wait3A_32 = arith.constant 0 : i32
      %dma_wait3A_33 = tpu.memref_slice %arg3[%mul3A_4, %dma_wait3A, %dma_wait3A_32] : memref<128x19x128xi32, #tpu.memory_space<hbm>> -> memref<1x19x128xi32, #tpu.memory_space<hbm>>
      %dma_wait3A_34 = tpu.memref_squeeze %dma_wait3A_33 : memref<1x19x128xi32, #tpu.memory_space<hbm>> -> memref<19x128xi32, #tpu.memory_space<hbm>>
      %dma_wait3A_35 = arith.constant 0 : i32
      %dma_wait3A_36 = arith.constant 0 : i32
      %dma_wait3A_37 = tpu.memref_slice %arg3[%mul3A_4, %dma_wait3A_35, %dma_wait3A_36] : memref<128x19x128xi32, #tpu.memory_space<hbm>> -> memref<1x19x128xi32, #tpu.memory_space<hbm>>
      %dma_wait3A_38 = tpu.memref_squeeze %dma_wait3A_37 : memref<1x19x128xi32, #tpu.memory_space<hbm>> -> memref<19x128xi32, #tpu.memory_space<hbm>>
      tpu.wait_dma2 semaphore(%run_scoped3A : memref<!tpu.dma_semaphore, #tpu.memory_space<semaphore_mem>>) src(%dma_wait3A_38 : memref<19x128xi32, #tpu.memory_space<hbm>>) dst(%arg8 : memref<19x128xi32, #tpu.memory_space<vmem>>)
      tpu.yield
    }) : () -> ()
    "tpu.region"() ({
      %run_scoped3A = tpu.sem_alloc : memref<!tpu.dma_semaphore, #tpu.memory_space<semaphore_mem>>
      %dma_start3A_24 = arith.constant 0 : i32
      %dma_start3A_25 = arith.constant 0 : i32
      %dma_start3A_26 = tpu.memref_slice %arg4[%mul3A_4, %dma_start3A_24, %dma_start3A_25] : memref<128x19x128xi32, #tpu.memory_space<hbm>> -> memref<1x19x128xi32, #tpu.memory_space<hbm>>
      %dma_start3A_27 = tpu.memref_squeeze %dma_start3A_26 : memref<1x19x128xi32, #tpu.memory_space<hbm>> -> memref<19x128xi32, #tpu.memory_space<hbm>>
      %dma_start3A_28 = arith.constant 0 : i32
      %dma_start3A_29 = arith.constant 0 : i32
      %dma_start3A_30 = tpu.memref_slice %arg4[%mul3A_4, %dma_start3A_28, %dma_start3A_29] : memref<128x19x128xi32, #tpu.memory_space<hbm>> -> memref<1x19x128xi32, #tpu.memory_space<hbm>>
      %dma_start3A_31 = tpu.memref_squeeze %dma_start3A_30 : memref<1x19x128xi32, #tpu.memory_space<hbm>> -> memref<19x128xi32, #tpu.memory_space<hbm>>
      tpu.enqueue_dma source(%dma_start3A_31 : memref<19x128xi32, #tpu.memory_space<hbm>>) target(%arg9 : memref<19x128xi32, #tpu.memory_space<vmem>>) target_semaphore(%run_scoped3A : memref<!tpu.dma_semaphore, #tpu.memory_space<semaphore_mem>>)
      %dma_wait3A = arith.constant 0 : i32
      %dma_wait3A_32 = arith.constant 0 : i32
      %dma_wait3A_33 = tpu.memref_slice %arg4[%mul3A_4, %dma_wait3A, %dma_wait3A_32] : memref<128x19x128xi32, #tpu.memory_space<hbm>> -> memref<1x19x128xi32, #tpu.memory_space<hbm>>
      %dma_wait3A_34 = tpu.memref_squeeze %dma_wait3A_33 : memref<1x19x128xi32, #tpu.memory_space<hbm>> -> memref<19x128xi32, #tpu.memory_space<hbm>>
      %dma_wait3A_35 = arith.constant 0 : i32
      %dma_wait3A_36 = arith.constant 0 : i32
      %dma_wait3A_37 = tpu.memref_slice %arg4[%mul3A_4, %dma_wait3A_35, %dma_wait3A_36] : memref<128x19x128xi32, #tpu.memory_space<hbm>> -> memref<1x19x128xi32, #tpu.memory_space<hbm>>
      %dma_wait3A_38 = tpu.memref_squeeze %dma_wait3A_37 : memref<1x19x128xi32, #tpu.memory_space<hbm>> -> memref<19x128xi32, #tpu.memory_space<hbm>>
      tpu.wait_dma2 semaphore(%run_scoped3A : memref<!tpu.dma_semaphore, #tpu.memory_space<semaphore_mem>>) src(%dma_wait3A_38 : memref<19x128xi32, #tpu.memory_space<hbm>>) dst(%arg9 : memref<19x128xi32, #tpu.memory_space<vmem>>)
      tpu.yield
    }) : () -> ()
    %dma_start3A = arith.constant 0 : i32
    %dma_start3A_5 = arith.constant 0 : i32
    %dma_start3A_6 = tpu.memref_slice %arg8[%dma_start3A, %dma_start3A_5] : memref<19x128xi32, #tpu.memory_space<vmem>> -> memref<1x128xi32, #tpu.memory_space<vmem>>
    %dma_start3A_7 = tpu.memref_squeeze %dma_start3A_6 : memref<1x128xi32, #tpu.memory_space<vmem>> -> memref<128xi32, #tpu.memory_space<vmem>>
    %dma_start3A_8 = arith.constant 0 : i32
    %dma_start3A_9 = arith.constant 0 : i32
    %dma_start3A_10 = tpu.memref_slice %arg2[%dma_start3A_8, %dma_start3A_9] : memref<10000x32xf32, #tpu.memory_space<hbm>> -> memref<10000x32xf32, #tpu.memory_space<hbm>>
    tpu.enqueue_indirect_dma source(%dma_start3A_10 : memref<10000x32xf32, #tpu.memory_space<hbm>>) target(%arg10 : memref<128x32xf32, #tpu.memory_space<vmem>>) offsets(%dma_start3A_7 : memref<128xi32, #tpu.memory_space<vmem>>) semaphore(%arg13 : memref<!tpu.dma_semaphore, #tpu.memory_space<semaphore_mem>>)
    %scan3A = arith.constant 0 : i32
    %scan3A_11 = arith.constant 0 : i32
    %scan3A_12 = arith.constant 4 : i32
    %scan3A_13 = arith.addi %scan3A_11, %scan3A_12 : i32
    %scan3A_14 = arith.constant 1 : i32
    scf.for %scan3A_24 = %scan3A_11 to %scan3A_13 step %scan3A_14  : i32 {
      %dma_wait3A = arith.constant 0 : i32
      %dma_wait3A_25 = arith.constant 0 : i32
      %dma_wait3A_26 = tpu.memref_slice %arg8[%dma_wait3A, %dma_wait3A_25] : memref<19x128xi32, #tpu.memory_space<vmem>> -> memref<1x128xi32, #tpu.memory_space<vmem>>
      %dma_wait3A_27 = tpu.memref_squeeze %dma_wait3A_26 : memref<1x128xi32, #tpu.memory_space<vmem>> -> memref<128xi32, #tpu.memory_space<vmem>>
      %dma_wait3A_28 = arith.constant 0 : i32
      %dma_wait3A_29 = arith.constant 0 : i32
      %dma_wait3A_30 = tpu.memref_slice %arg2[%dma_wait3A_28, %dma_wait3A_29] : memref<10000x32xf32, #tpu.memory_space<hbm>> -> memref<10000x32xf32, #tpu.memory_space<hbm>>
      tpu.wait_indirect_dma semaphore(%arg13 : memref<!tpu.dma_semaphore, #tpu.memory_space<semaphore_mem>>) src(%dma_wait3A_30 : memref<10000x32xf32, #tpu.memory_space<hbm>>) dst(%arg10 : memref<128x32xf32, #tpu.memory_space<vmem>>)
      %dma_start3A_31 = arith.constant 1 : i32
      %dma_start3A_32 = arith.constant 0 : i32
      %dma_start3A_33 = tpu.memref_slice %arg8[%dma_start3A_31, %dma_start3A_32] : memref<19x128xi32, #tpu.memory_space<vmem>> -> memref<1x128xi32, #tpu.memory_space<vmem>>
      %dma_start3A_34 = tpu.memref_squeeze %dma_start3A_33 : memref<1x128xi32, #tpu.memory_space<vmem>> -> memref<128xi32, #tpu.memory_space<vmem>>
      %dma_start3A_35 = arith.constant 0 : i32
      %dma_start3A_36 = arith.constant 0 : i32
      %dma_start3A_37 = tpu.memref_slice %arg2[%dma_start3A_35, %dma_start3A_36] : memref<10000x32xf32, #tpu.memory_space<hbm>> -> memref<10000x32xf32, #tpu.memory_space<hbm>>
      tpu.enqueue_indirect_dma source(%dma_start3A_37 : memref<10000x32xf32, #tpu.memory_space<hbm>>) target(%arg11 : memref<128x32xf32, #tpu.memory_space<vmem>>) offsets(%dma_start3A_34 : memref<128xi32, #tpu.memory_space<vmem>>) semaphore(%arg14 : memref<!tpu.dma_semaphore, #tpu.memory_space<semaphore_mem>>)
      %dma_start3A_38 = arith.constant 0 : i32
      %dma_start3A_39 = arith.constant 0 : i32
      %dma_start3A_40 = tpu.memref_slice %arg9[%dma_start3A_38, %dma_start3A_39] : memref<19x128xi32, #tpu.memory_space<vmem>> -> memref<1x128xi32, #tpu.memory_space<vmem>>
      %dma_start3A_41 = tpu.memref_squeeze %dma_start3A_40 : memref<1x128xi32, #tpu.memory_space<vmem>> -> memref<128xi32, #tpu.memory_space<vmem>>
      %dma_start3A_42 = arith.constant 0 : i32
      %dma_start3A_43 = arith.constant 0 : i32
      %dma_start3A_44 = tpu.memref_slice %arg12[%dma_start3A_42, %dma_start3A_43] : memref<10112x32xf32, #tpu.memory_space<vmem_shared>> -> memref<10112x32xf32, #tpu.memory_space<vmem_shared>>
      tpu.enqueue_indirect_dma source(%arg10 : memref<128x32xf32, #tpu.memory_space<vmem>>) target(%dma_start3A_44 : memref<10112x32xf32, #tpu.memory_space<vmem_shared>>) offsets(%dma_start3A_41 : memref<128xi32, #tpu.memory_space<vmem>>) semaphore(%arg15 : memref<!tpu.dma_semaphore, #tpu.memory_space<semaphore_mem>>) {add = true}
      %dma_wait3A_45 = arith.constant 1 : i32
      %dma_wait3A_46 = arith.constant 0 : i32
      %dma_wait3A_47 = tpu.memref_slice %arg8[%dma_wait3A_45, %dma_wait3A_46] : memref<19x128xi32, #tpu.memory_space<vmem>> -> memref<1x128xi32, #tpu.memory_space<vmem>>
      %dma_wait3A_48 = tpu.memref_squeeze %dma_wait3A_47 : memref<1x128xi32, #tpu.memory_space<vmem>> -> memref<128xi32, #tpu.memory_space<vmem>>
      %dma_wait3A_49 = arith.constant 0 : i32
      %dma_wait3A_50 = arith.constant 0 : i32
      %dma_wait3A_51 = tpu.memref_slice %arg2[%dma_wait3A_49, %dma_wait3A_50] : memref<10000x32xf32, #tpu.memory_space<hbm>> -> memref<10000x32xf32, #tpu.memory_space<hbm>>
      tpu.wait_indirect_dma semaphore(%arg14 : memref<!tpu.dma_semaphore, #tpu.memory_space<semaphore_mem>>) src(%dma_wait3A_51 : memref<10000x32xf32, #tpu.memory_space<hbm>>) dst(%arg11 : memref<128x32xf32, #tpu.memory_space<vmem>>)
      %dma_wait3A_52 = arith.constant 0 : i32
      %dma_wait3A_53 = arith.constant 0 : i32
      %dma_wait3A_54 = tpu.memref_slice %arg9[%dma_wait3A_52, %dma_wait3A_53] : memref<19x128xi32, #tpu.memory_space<vmem>> -> memref<1x128xi32, #tpu.memory_space<vmem>>
      %dma_wait3A_55 = tpu.memref_squeeze %dma_wait3A_54 : memref<1x128xi32, #tpu.memory_space<vmem>> -> memref<128xi32, #tpu.memory_space<vmem>>
      %dma_wait3A_56 = arith.constant 0 : i32
      %dma_wait3A_57 = arith.constant 0 : i32
      %dma_wait3A_58 = tpu.memref_slice %arg12[%dma_wait3A_56, %dma_wait3A_57] : memref<10112x32xf32, #tpu.memory_space<vmem_shared>> -> memref<10112x32xf32, #tpu.memory_space<vmem_shared>>
      tpu.wait_indirect_dma semaphore(%arg15 : memref<!tpu.dma_semaphore, #tpu.memory_space<semaphore_mem>>) src(%arg10 : memref<128x32xf32, #tpu.memory_space<vmem>>) dst(%dma_wait3A_58 : memref<10112x32xf32, #tpu.memory_space<vmem_shared>>)
      %dma_start3A_59 = arith.constant 2 : i32
      %dma_start3A_60 = arith.constant 0 : i32
      %dma_start3A_61 = tpu.memref_slice %arg8[%dma_start3A_59, %dma_start3A_60] : memref<19x128xi32, #tpu.memory_space<vmem>> -> memref<1x128xi32, #tpu.memory_space<vmem>>
      %dma_start3A_62 = tpu.memref_squeeze %dma_start3A_61 : memref<1x128xi32, #tpu.memory_space<vmem>> -> memref<128xi32, #tpu.memory_space<vmem>>
      %dma_start3A_63 = arith.constant 0 : i32
      %dma_start3A_64 = arith.constant 0 : i32
      %dma_start3A_65 = tpu.memref_slice %arg2[%dma_start3A_63, %dma_start3A_64] : memref<10000x32xf32, #tpu.memory_space<hbm>> -> memref<10000x32xf32, #tpu.memory_space<hbm>>
      tpu.enqueue_indirect_dma source(%dma_start3A_65 : memref<10000x32xf32, #tpu.memory_space<hbm>>) target(%arg10 : memref<128x32xf32, #tpu.memory_space<vmem>>) offsets(%dma_start3A_62 : memref<128xi32, #tpu.memory_space<vmem>>) semaphore(%arg13 : memref<!tpu.dma_semaphore, #tpu.memory_space<semaphore_mem>>)
      %dma_start3A_66 = arith.constant 1 : i32
      %dma_start3A_67 = arith.constant 0 : i32
      %dma_start3A_68 = tpu.memref_slice %arg9[%dma_start3A_66, %dma_start3A_67] : memref<19x128xi32, #tpu.memory_space<vmem>> -> memref<1x128xi32, #tpu.memory_space<vmem>>
      %dma_start3A_69 = tpu.memref_squeeze %dma_start3A_68 : memref<1x128xi32, #tpu.memory_space<vmem>> -> memref<128xi32, #tpu.memory_space<vmem>>
      %dma_start3A_70 = arith.constant 0 : i32
      %dma_start3A_71 = arith.constant 0 : i32
      %dma_start3A_72 = tpu.memref_slice %arg12[%dma_start3A_70, %dma_start3A_71] : memref<10112x32xf32, #tpu.memory_space<vmem_shared>> -> memref<10112x32xf32, #tpu.memory_space<vmem_shared>>
      tpu.enqueue_indirect_dma source(%arg11 : memref<128x32xf32, #tpu.memory_space<vmem>>) target(%dma_start3A_72 : memref<10112x32xf32, #tpu.memory_space<vmem_shared>>) offsets(%dma_start3A_69 : memref<128xi32, #tpu.memory_space<vmem>>) semaphore(%arg16 : memref<!tpu.dma_semaphore, #tpu.memory_space<semaphore_mem>>) {add = true}
      %dma_wait3A_73 = arith.constant 2 : i32
      %dma_wait3A_74 = arith.constant 0 : i32
      %dma_wait3A_75 = tpu.memref_slice %arg8[%dma_wait3A_73, %dma_wait3A_74] : memref<19x128xi32, #tpu.memory_space<vmem>> -> memref<1x128xi32, #tpu.memory_space<vmem>>
      %dma_wait3A_76 = tpu.memref_squeeze %dma_wait3A_75 : memref<1x128xi32, #tpu.memory_space<vmem>> -> memref<128xi32, #tpu.memory_space<vmem>>
      %dma_wait3A_77 = arith.constant 0 : i32
      %dma_wait3A_78 = arith.constant 0 : i32
      %dma_wait3A_79 = tpu.memref_slice %arg2[%dma_wait3A_77, %dma_wait3A_78] : memref<10000x32xf32, #tpu.memory_space<hbm>> -> memref<10000x32xf32, #tpu.memory_space<hbm>>
      tpu.wait_indirect_dma semaphore(%arg13 : memref<!tpu.dma_semaphore, #tpu.memory_space<semaphore_mem>>) src(%dma_wait3A_79 : memref<10000x32xf32, #tpu.memory_space<hbm>>) dst(%arg10 : memref<128x32xf32, #tpu.memory_space<vmem>>)
      %dma_wait3A_80 = arith.constant 1 : i32
      %dma_wait3A_81 = arith.constant 0 : i32
      %dma_wait3A_82 = tpu.memref_slice %arg9[%dma_wait3A_80, %dma_wait3A_81] : memref<19x128xi32, #tpu.memory_space<vmem>> -> memref<1x128xi32, #tpu.memory_space<vmem>>
      %dma_wait3A_83 = tpu.memref_squeeze %dma_wait3A_82 : memref<1x128xi32, #tpu.memory_space<vmem>> -> memref<128xi32, #tpu.memory_space<vmem>>
      %dma_wait3A_84 = arith.constant 0 : i32
      %dma_wait3A_85 = arith.constant 0 : i32
      %dma_wait3A_86 = tpu.memref_slice %arg12[%dma_wait3A_84, %dma_wait3A_85] : memref<10112x32xf32, #tpu.memory_space<vmem_shared>> -> memref<10112x32xf32, #tpu.memory_space<vmem_shared>>
      tpu.wait_indirect_dma semaphore(%arg16 : memref<!tpu.dma_semaphore, #tpu.memory_space<semaphore_mem>>) src(%arg11 : memref<128x32xf32, #tpu.memory_space<vmem>>) dst(%dma_wait3A_86 : memref<10112x32xf32, #tpu.memory_space<vmem_shared>>)
      %dma_start3A_87 = arith.constant 3 : i32
      %dma_start3A_88 = arith.constant 0 : i32
      %dma_start3A_89 = tpu.memref_slice %arg8[%dma_start3A_87, %dma_start3A_88] : memref<19x128xi32, #tpu.memory_space<vmem>> -> memref<1x128xi32, #tpu.memory_space<vmem>>
      %dma_start3A_90 = tpu.memref_squeeze %dma_start3A_89 : memref<1x128xi32, #tpu.memory_space<vmem>> -> memref<128xi32, #tpu.memory_space<vmem>>
      %dma_start3A_91 = arith.constant 0 : i32
      %dma_start3A_92 = arith.constant 0 : i32
      %dma_start3A_93 = tpu.memref_slice %arg2[%dma_start3A_91, %dma_start3A_92] : memref<10000x32xf32, #tpu.memory_space<hbm>> -> memref<10000x32xf32, #tpu.memory_space<hbm>>
      tpu.enqueue_indirect_dma source(%dma_start3A_93 : memref<10000x32xf32, #tpu.memory_space<hbm>>) target(%arg11 : memref<128x32xf32, #tpu.memory_space<vmem>>) offsets(%dma_start3A_90 : memref<128xi32, #tpu.memory_space<vmem>>) semaphore(%arg14 : memref<!tpu.dma_semaphore, #tpu.memory_space<semaphore_mem>>)
      %dma_start3A_94 = arith.constant 2 : i32
      %dma_start3A_95 = arith.constant 0 : i32
      %dma_start3A_96 = tpu.memref_slice %arg9[%dma_start3A_94, %dma_start3A_95] : memref<19x128xi32, #tpu.memory_space<vmem>> -> memref<1x128xi32, #tpu.memory_space<vmem>>
      %dma_start3A_97 = tpu.memref_squeeze %dma_start3A_96 : memref<1x128xi32, #tpu.memory_space<vmem>> -> memref<128xi32, #tpu.memory_space<vmem>>
      %dma_start3A_98 = arith.constant 0 : i32
      %dma_start3A_99 = arith.constant 0 : i32
      %dma_start3A_100 = tpu.memref_slice %arg12[%dma_start3A_98, %dma_start3A_99] : memref<10112x32xf32, #tpu.memory_space<vmem_shared>> -> memref<10112x32xf32, #tpu.memory_space<vmem_shared>>
      tpu.enqueue_indirect_dma source(%arg10 : memref<128x32xf32, #tpu.memory_space<vmem>>) target(%dma_start3A_100 : memref<10112x32xf32, #tpu.memory_space<vmem_shared>>) offsets(%dma_start3A_97 : memref<128xi32, #tpu.memory_space<vmem>>) semaphore(%arg15 : memref<!tpu.dma_semaphore, #tpu.memory_space<semaphore_mem>>) {add = true}
      %dma_wait3A_101 = arith.constant 3 : i32
      %dma_wait3A_102 = arith.constant 0 : i32
      %dma_wait3A_103 = tpu.memref_slice %arg8[%dma_wait3A_101, %dma_wait3A_102] : memref<19x128xi32, #tpu.memory_space<vmem>> -> memref<1x128xi32, #tpu.memory_space<vmem>>
      %dma_wait3A_104 = tpu.memref_squeeze %dma_wait3A_103 : memref<1x128xi32, #tpu.memory_space<vmem>> -> memref<128xi32, #tpu.memory_space<vmem>>
      %dma_wait3A_105 = arith.constant 0 : i32
      %dma_wait3A_106 = arith.constant 0 : i32
      %dma_wait3A_107 = tpu.memref_slice %arg2[%dma_wait3A_105, %dma_wait3A_106] : memref<10000x32xf32, #tpu.memory_space<hbm>> -> memref<10000x32xf32, #tpu.memory_space<hbm>>
      tpu.wait_indirect_dma semaphore(%arg14 : memref<!tpu.dma_semaphore, #tpu.memory_space<semaphore_mem>>) src(%dma_wait3A_107 : memref<10000x32xf32, #tpu.memory_space<hbm>>) dst(%arg11 : memref<128x32xf32, #tpu.memory_space<vmem>>)
      %dma_wait3A_108 = arith.constant 2 : i32
      %dma_wait3A_109 = arith.constant 0 : i32
      %dma_wait3A_110 = tpu.memref_slice %arg9[%dma_wait3A_108, %dma_wait3A_109] : memref<19x128xi32, #tpu.memory_space<vmem>> -> memref<1x128xi32, #tpu.memory_space<vmem>>
      %dma_wait3A_111 = tpu.memref_squeeze %dma_wait3A_110 : memref<1x128xi32, #tpu.memory_space<vmem>> -> memref<128xi32, #tpu.memory_space<vmem>>
      %dma_wait3A_112 = arith.constant 0 : i32
      %dma_wait3A_113 = arith.constant 0 : i32
      %dma_wait3A_114 = tpu.memref_slice %arg12[%dma_wait3A_112, %dma_wait3A_113] : memref<10112x32xf32, #tpu.memory_space<vmem_shared>> -> memref<10112x32xf32, #tpu.memory_space<vmem_shared>>
      tpu.wait_indirect_dma semaphore(%arg15 : memref<!tpu.dma_semaphore, #tpu.memory_space<semaphore_mem>>) src(%arg10 : memref<128x32xf32, #tpu.memory_space<vmem>>) dst(%dma_wait3A_114 : memref<10112x32xf32, #tpu.memory_space<vmem_shared>>)
      %dma_start3A_115 = arith.constant 4 : i32
      %dma_start3A_116 = arith.constant 0 : i32
      %dma_start3A_117 = tpu.memref_slice %arg8[%dma_start3A_115, %dma_start3A_116] : memref<19x128xi32, #tpu.memory_space<vmem>> -> memref<1x128xi32, #tpu.memory_space<vmem>>
      %dma_start3A_118 = tpu.memref_squeeze %dma_start3A_117 : memref<1x128xi32, #tpu.memory_space<vmem>> -> memref<128xi32, #tpu.memory_space<vmem>>
      %dma_start3A_119 = arith.constant 0 : i32
      %dma_start3A_120 = arith.constant 0 : i32
      %dma_start3A_121 = tpu.memref_slice %arg2[%dma_start3A_119, %dma_start3A_120] : memref<10000x32xf32, #tpu.memory_space<hbm>> -> memref<10000x32xf32, #tpu.memory_space<hbm>>
      tpu.enqueue_indirect_dma source(%dma_start3A_121 : memref<10000x32xf32, #tpu.memory_space<hbm>>) target(%arg10 : memref<128x32xf32, #tpu.memory_space<vmem>>) offsets(%dma_start3A_118 : memref<128xi32, #tpu.memory_space<vmem>>) semaphore(%arg13 : memref<!tpu.dma_semaphore, #tpu.memory_space<semaphore_mem>>)
      %dma_start3A_122 = arith.constant 3 : i32
      %dma_start3A_123 = arith.constant 0 : i32
      %dma_start3A_124 = tpu.memref_slice %arg9[%dma_start3A_122, %dma_start3A_123] : memref<19x128xi32, #tpu.memory_space<vmem>> -> memref<1x128xi32, #tpu.memory_space<vmem>>
      %dma_start3A_125 = tpu.memref_squeeze %dma_start3A_124 : memref<1x128xi32, #tpu.memory_space<vmem>> -> memref<128xi32, #tpu.memory_space<vmem>>
      %dma_start3A_126 = arith.constant 0 : i32
      %dma_start3A_127 = arith.constant 0 : i32
      %dma_start3A_128 = tpu.memref_slice %arg12[%dma_start3A_126, %dma_start3A_127] : memref<10112x32xf32, #tpu.memory_space<vmem_shared>> -> memref<10112x32xf32, #tpu.memory_space<vmem_shared>>
      tpu.enqueue_indirect_dma source(%arg11 : memref<128x32xf32, #tpu.memory_space<vmem>>) target(%dma_start3A_128 : memref<10112x32xf32, #tpu.memory_space<vmem_shared>>) offsets(%dma_start3A_125 : memref<128xi32, #tpu.memory_space<vmem>>) semaphore(%arg16 : memref<!tpu.dma_semaphore, #tpu.memory_space<semaphore_mem>>) {add = true}
      %dma_wait3A_129 = arith.constant 4 : i32
      %dma_wait3A_130 = arith.constant 0 : i32
      %dma_wait3A_131 = tpu.memref_slice %arg8[%dma_wait3A_129, %dma_wait3A_130] : memref<19x128xi32, #tpu.memory_space<vmem>> -> memref<1x128xi32, #tpu.memory_space<vmem>>
      %dma_wait3A_132 = tpu.memref_squeeze %dma_wait3A_131 : memref<1x128xi32, #tpu.memory_space<vmem>> -> memref<128xi32, #tpu.memory_space<vmem>>
      %dma_wait3A_133 = arith.constant 0 : i32
      %dma_wait3A_134 = arith.constant 0 : i32
      %dma_wait3A_135 = tpu.memref_slice %arg2[%dma_wait3A_133, %dma_wait3A_134] : memref<10000x32xf32, #tpu.memory_space<hbm>> -> memref<10000x32xf32, #tpu.memory_space<hbm>>
      tpu.wait_indirect_dma semaphore(%arg13 : memref<!tpu.dma_semaphore, #tpu.memory_space<semaphore_mem>>) src(%dma_wait3A_135 : memref<10000x32xf32, #tpu.memory_space<hbm>>) dst(%arg10 : memref<128x32xf32, #tpu.memory_space<vmem>>)
      %dma_wait3A_136 = arith.constant 3 : i32
      %dma_wait3A_137 = arith.constant 0 : i32
      %dma_wait3A_138 = tpu.memref_slice %arg9[%dma_wait3A_136, %dma_wait3A_137] : memref<19x128xi32, #tpu.memory_space<vmem>> -> memref<1x128xi32, #tpu.memory_space<vmem>>
      %dma_wait3A_139 = tpu.memref_squeeze %dma_wait3A_138 : memref<1x128xi32, #tpu.memory_space<vmem>> -> memref<128xi32, #tpu.memory_space<vmem>>
      %dma_wait3A_140 = arith.constant 0 : i32
      %dma_wait3A_141 = arith.constant 0 : i32
      %dma_wait3A_142 = tpu.memref_slice %arg12[%dma_wait3A_140, %dma_wait3A_141] : memref<10112x32xf32, #tpu.memory_space<vmem_shared>> -> memref<10112x32xf32, #tpu.memory_space<vmem_shared>>
      tpu.wait_indirect_dma semaphore(%arg16 : memref<!tpu.dma_semaphore, #tpu.memory_space<semaphore_mem>>) src(%arg11 : memref<128x32xf32, #tpu.memory_space<vmem>>) dst(%dma_wait3A_142 : memref<10112x32xf32, #tpu.memory_space<vmem_shared>>)
      %dma_start3A_143 = arith.constant 5 : i32
      %dma_start3A_144 = arith.constant 0 : i32
      %dma_start3A_145 = tpu.memref_slice %arg8[%dma_start3A_143, %dma_start3A_144] : memref<19x128xi32, #tpu.memory_space<vmem>> -> memref<1x128xi32, #tpu.memory_space<vmem>>
      %dma_start3A_146 = tpu.memref_squeeze %dma_start3A_145 : memref<1x128xi32, #tpu.memory_space<vmem>> -> memref<128xi32, #tpu.memory_space<vmem>>
      %dma_start3A_147 = arith.constant 0 : i32
      %dma_start3A_148 = arith.constant 0 : i32
      %dma_start3A_149 = tpu.memref_slice %arg2[%dma_start3A_147, %dma_start3A_148] : memref<10000x32xf32, #tpu.memory_space<hbm>> -> memref<10000x32xf32, #tpu.memory_space<hbm>>
      tpu.enqueue_indirect_dma source(%dma_start3A_149 : memref<10000x32xf32, #tpu.memory_space<hbm>>) target(%arg11 : memref<128x32xf32, #tpu.memory_space<vmem>>) offsets(%dma_start3A_146 : memref<128xi32, #tpu.memory_space<vmem>>) semaphore(%arg14 : memref<!tpu.dma_semaphore, #tpu.memory_space<semaphore_mem>>)
      %dma_start3A_150 = arith.constant 4 : i32
      %dma_start3A_151 = arith.constant 0 : i32
      %dma_start3A_152 = tpu.memref_slice %arg9[%dma_start3A_150, %dma_start3A_151] : memref<19x128xi32, #tpu.memory_space<vmem>> -> memref<1x128xi32, #tpu.memory_space<vmem>>
      %dma_start3A_153 = tpu.memref_squeeze %dma_start3A_152 : memref<1x128xi32, #tpu.memory_space<vmem>> -> memref<128xi32, #tpu.memory_space<vmem>>
      %dma_start3A_154 = arith.constant 0 : i32
      %dma_start3A_155 = arith.constant 0 : i32
      %dma_start3A_156 = tpu.memref_slice %arg12[%dma_start3A_154, %dma_start3A_155] : memref<10112x32xf32, #tpu.memory_space<vmem_shared>> -> memref<10112x32xf32, #tpu.memory_space<vmem_shared>>
      tpu.enqueue_indirect_dma source(%arg10 : memref<128x32xf32, #tpu.memory_space<vmem>>) target(%dma_start3A_156 : memref<10112x32xf32, #tpu.memory_space<vmem_shared>>) offsets(%dma_start3A_153 : memref<128xi32, #tpu.memory_space<vmem>>) semaphore(%arg15 : memref<!tpu.dma_semaphore, #tpu.memory_space<semaphore_mem>>) {add = true}
      %dma_wait3A_157 = arith.constant 5 : i32
      %dma_wait3A_158 = arith.constant 0 : i32
      %dma_wait3A_159 = tpu.memref_slice %arg8[%dma_wait3A_157, %dma_wait3A_158] : memref<19x128xi32, #tpu.memory_space<vmem>> -> memref<1x128xi32, #tpu.memory_space<vmem>>
      %dma_wait3A_160 = tpu.memref_squeeze %dma_wait3A_159 : memref<1x128xi32, #tpu.memory_space<vmem>> -> memref<128xi32, #tpu.memory_space<vmem>>
      %dma_wait3A_161 = arith.constant 0 : i32
      %dma_wait3A_162 = arith.constant 0 : i32
      %dma_wait3A_163 = tpu.memref_slice %arg2[%dma_wait3A_161, %dma_wait3A_162] : memref<10000x32xf32, #tpu.memory_space<hbm>> -> memref<10000x32xf32, #tpu.memory_space<hbm>>
      tpu.wait_indirect_dma semaphore(%arg14 : memref<!tpu.dma_semaphore, #tpu.memory_space<semaphore_mem>>) src(%dma_wait3A_163 : memref<10000x32xf32, #tpu.memory_space<hbm>>) dst(%arg11 : memref<128x32xf32, #tpu.memory_space<vmem>>)
      %dma_wait3A_164 = arith.constant 4 : i32
      %dma_wait3A_165 = arith.constant 0 : i32
      %dma_wait3A_166 = tpu.memref_slice %arg9[%dma_wait3A_164, %dma_wait3A_165] : memref<19x128xi32, #tpu.memory_space<vmem>> -> memref<1x128xi32, #tpu.memory_space<vmem>>
      %dma_wait3A_167 = tpu.memref_squeeze %dma_wait3A_166 : memref<1x128xi32, #tpu.memory_space<vmem>> -> memref<128xi32, #tpu.memory_space<vmem>>
      %dma_wait3A_168 = arith.constant 0 : i32
      %dma_wait3A_169 = arith.constant 0 : i32
      %dma_wait3A_170 = tpu.memref_slice %arg12[%dma_wait3A_168, %dma_wait3A_169] : memref<10112x32xf32, #tpu.memory_space<vmem_shared>> -> memref<10112x32xf32, #tpu.memory_space<vmem_shared>>
      tpu.wait_indirect_dma semaphore(%arg15 : memref<!tpu.dma_semaphore, #tpu.memory_space<semaphore_mem>>) src(%arg10 : memref<128x32xf32, #tpu.memory_space<vmem>>) dst(%dma_wait3A_170 : memref<10112x32xf32, #tpu.memory_space<vmem_shared>>)
      %dma_start3A_171 = arith.constant 6 : i32
      %dma_start3A_172 = arith.constant 0 : i32
      %dma_start3A_173 = tpu.memref_slice %arg8[%dma_start3A_171, %dma_start3A_172] : memref<19x128xi32, #tpu.memory_space<vmem>> -> memref<1x128xi32, #tpu.memory_space<vmem>>
      %dma_start3A_174 = tpu.memref_squeeze %dma_start3A_173 : memref<1x128xi32, #tpu.memory_space<vmem>> -> memref<128xi32, #tpu.memory_space<vmem>>
      %dma_start3A_175 = arith.constant 0 : i32
      %dma_start3A_176 = arith.constant 0 : i32
      %dma_start3A_177 = tpu.memref_slice %arg2[%dma_start3A_175, %dma_start3A_176] : memref<10000x32xf32, #tpu.memory_space<hbm>> -> memref<10000x32xf32, #tpu.memory_space<hbm>>
      tpu.enqueue_indirect_dma source(%dma_start3A_177 : memref<10000x32xf32, #tpu.memory_space<hbm>>) target(%arg10 : memref<128x32xf32, #tpu.memory_space<vmem>>) offsets(%dma_start3A_174 : memref<128xi32, #tpu.memory_space<vmem>>) semaphore(%arg13 : memref<!tpu.dma_semaphore, #tpu.memory_space<semaphore_mem>>)
      %dma_start3A_178 = arith.constant 5 : i32
      %dma_start3A_179 = arith.constant 0 : i32
      %dma_start3A_180 = tpu.memref_slice %arg9[%dma_start3A_178, %dma_start3A_179] : memref<19x128xi32, #tpu.memory_space<vmem>> -> memref<1x128xi32, #tpu.memory_space<vmem>>
      %dma_start3A_181 = tpu.memref_squeeze %dma_start3A_180 : memref<1x128xi32, #tpu.memory_space<vmem>> -> memref<128xi32, #tpu.memory_space<vmem>>
      %dma_start3A_182 = arith.constant 0 : i32
      %dma_start3A_183 = arith.constant 0 : i32
      %dma_start3A_184 = tpu.memref_slice %arg12[%dma_start3A_182, %dma_start3A_183] : memref<10112x32xf32, #tpu.memory_space<vmem_shared>> -> memref<10112x32xf32, #tpu.memory_space<vmem_shared>>
      tpu.enqueue_indirect_dma source(%arg11 : memref<128x32xf32, #tpu.memory_space<vmem>>) target(%dma_start3A_184 : memref<10112x32xf32, #tpu.memory_space<vmem_shared>>) offsets(%dma_start3A_181 : memref<128xi32, #tpu.memory_space<vmem>>) semaphore(%arg16 : memref<!tpu.dma_semaphore, #tpu.memory_space<semaphore_mem>>) {add = true}
      %dma_wait3A_185 = arith.constant 6 : i32
      %dma_wait3A_186 = arith.constant 0 : i32
      %dma_wait3A_187 = tpu.memref_slice %arg8[%dma_wait3A_185, %dma_wait3A_186] : memref<19x128xi32, #tpu.memory_space<vmem>> -> memref<1x128xi32, #tpu.memory_space<vmem>>
      %dma_wait3A_188 = tpu.memref_squeeze %dma_wait3A_187 : memref<1x128xi32, #tpu.memory_space<vmem>> -> memref<128xi32, #tpu.memory_space<vmem>>
      %dma_wait3A_189 = arith.constant 0 : i32
      %dma_wait3A_190 = arith.constant 0 : i32
      %dma_wait3A_191 = tpu.memref_slice %arg2[%dma_wait3A_189, %dma_wait3A_190] : memref<10000x32xf32, #tpu.memory_space<hbm>> -> memref<10000x32xf32, #tpu.memory_space<hbm>>
      tpu.wait_indirect_dma semaphore(%arg13 : memref<!tpu.dma_semaphore, #tpu.memory_space<semaphore_mem>>) src(%dma_wait3A_191 : memref<10000x32xf32, #tpu.memory_space<hbm>>) dst(%arg10 : memref<128x32xf32, #tpu.memory_space<vmem>>)
      %dma_wait3A_192 = arith.constant 5 : i32
      %dma_wait3A_193 = arith.constant 0 : i32
      %dma_wait3A_194 = tpu.memref_slice %arg9[%dma_wait3A_192, %dma_wait3A_193] : memref<19x128xi32, #tpu.memory_space<vmem>> -> memref<1x128xi32, #tpu.memory_space<vmem>>
      %dma_wait3A_195 = tpu.memref_squeeze %dma_wait3A_194 : memref<1x128xi32, #tpu.memory_space<vmem>> -> memref<128xi32, #tpu.memory_space<vmem>>
      %dma_wait3A_196 = arith.constant 0 : i32
      %dma_wait3A_197 = arith.constant 0 : i32
      %dma_wait3A_198 = tpu.memref_slice %arg12[%dma_wait3A_196, %dma_wait3A_197] : memref<10112x32xf32, #tpu.memory_space<vmem_shared>> -> memref<10112x32xf32, #tpu.memory_space<vmem_shared>>
      tpu.wait_indirect_dma semaphore(%arg16 : memref<!tpu.dma_semaphore, #tpu.memory_space<semaphore_mem>>) src(%arg11 : memref<128x32xf32, #tpu.memory_space<vmem>>) dst(%dma_wait3A_198 : memref<10112x32xf32, #tpu.memory_space<vmem_shared>>)
      %dma_start3A_199 = arith.constant 7 : i32
      %dma_start3A_200 = arith.constant 0 : i32
      %dma_start3A_201 = tpu.memref_slice %arg8[%dma_start3A_199, %dma_start3A_200] : memref<19x128xi32, #tpu.memory_space<vmem>> -> memref<1x128xi32, #tpu.memory_space<vmem>>
      %dma_start3A_202 = tpu.memref_squeeze %dma_start3A_201 : memref<1x128xi32, #tpu.memory_space<vmem>> -> memref<128xi32, #tpu.memory_space<vmem>>
      %dma_start3A_203 = arith.constant 0 : i32
      %dma_start3A_204 = arith.constant 0 : i32
      %dma_start3A_205 = tpu.memref_slice %arg2[%dma_start3A_203, %dma_start3A_204] : memref<10000x32xf32, #tpu.memory_space<hbm>> -> memref<10000x32xf32, #tpu.memory_space<hbm>>
      tpu.enqueue_indirect_dma source(%dma_start3A_205 : memref<10000x32xf32, #tpu.memory_space<hbm>>) target(%arg11 : memref<128x32xf32, #tpu.memory_space<vmem>>) offsets(%dma_start3A_202 : memref<128xi32, #tpu.memory_space<vmem>>) semaphore(%arg14 : memref<!tpu.dma_semaphore, #tpu.memory_space<semaphore_mem>>)
      %dma_start3A_206 = arith.constant 6 : i32
      %dma_start3A_207 = arith.constant 0 : i32
      %dma_start3A_208 = tpu.memref_slice %arg9[%dma_start3A_206, %dma_start3A_207] : memref<19x128xi32, #tpu.memory_space<vmem>> -> memref<1x128xi32, #tpu.memory_space<vmem>>
      %dma_start3A_209 = tpu.memref_squeeze %dma_start3A_208 : memref<1x128xi32, #tpu.memory_space<vmem>> -> memref<128xi32, #tpu.memory_space<vmem>>
      %dma_start3A_210 = arith.constant 0 : i32
      %dma_start3A_211 = arith.constant 0 : i32
      %dma_start3A_212 = tpu.memref_slice %arg12[%dma_start3A_210, %dma_start3A_211] : memref<10112x32xf32, #tpu.memory_space<vmem_shared>> -> memref<10112x32xf32, #tpu.memory_space<vmem_shared>>
      tpu.enqueue_indirect_dma source(%arg10 : memref<128x32xf32, #tpu.memory_space<vmem>>) target(%dma_start3A_212 : memref<10112x32xf32, #tpu.memory_space<vmem_shared>>) offsets(%dma_start3A_209 : memref<128xi32, #tpu.memory_space<vmem>>) semaphore(%arg15 : memref<!tpu.dma_semaphore, #tpu.memory_space<semaphore_mem>>) {add = true}
      %dma_wait3A_213 = arith.constant 7 : i32
      %dma_wait3A_214 = arith.constant 0 : i32
      %dma_wait3A_215 = tpu.memref_slice %arg8[%dma_wait3A_213, %dma_wait3A_214] : memref<19x128xi32, #tpu.memory_space<vmem>> -> memref<1x128xi32, #tpu.memory_space<vmem>>
      %dma_wait3A_216 = tpu.memref_squeeze %dma_wait3A_215 : memref<1x128xi32, #tpu.memory_space<vmem>> -> memref<128xi32, #tpu.memory_space<vmem>>
      %dma_wait3A_217 = arith.constant 0 : i32
      %dma_wait3A_218 = arith.constant 0 : i32
      %dma_wait3A_219 = tpu.memref_slice %arg2[%dma_wait3A_217, %dma_wait3A_218] : memref<10000x32xf32, #tpu.memory_space<hbm>> -> memref<10000x32xf32, #tpu.memory_space<hbm>>
      tpu.wait_indirect_dma semaphore(%arg14 : memref<!tpu.dma_semaphore, #tpu.memory_space<semaphore_mem>>) src(%dma_wait3A_219 : memref<10000x32xf32, #tpu.memory_space<hbm>>) dst(%arg11 : memref<128x32xf32, #tpu.memory_space<vmem>>)
      %dma_wait3A_220 = arith.constant 6 : i32
      %dma_wait3A_221 = arith.constant 0 : i32
      %dma_wait3A_222 = tpu.memref_slice %arg9[%dma_wait3A_220, %dma_wait3A_221] : memref<19x128xi32, #tpu.memory_space<vmem>> -> memref<1x128xi32, #tpu.memory_space<vmem>>
      %dma_wait3A_223 = tpu.memref_squeeze %dma_wait3A_222 : memref<1x128xi32, #tpu.memory_space<vmem>> -> memref<128xi32, #tpu.memory_space<vmem>>
      %dma_wait3A_224 = arith.constant 0 : i32
      %dma_wait3A_225 = arith.constant 0 : i32
      %dma_wait3A_226 = tpu.memref_slice %arg12[%dma_wait3A_224, %dma_wait3A_225] : memref<10112x32xf32, #tpu.memory_space<vmem_shared>> -> memref<10112x32xf32, #tpu.memory_space<vmem_shared>>
      tpu.wait_indirect_dma semaphore(%arg15 : memref<!tpu.dma_semaphore, #tpu.memory_space<semaphore_mem>>) src(%arg10 : memref<128x32xf32, #tpu.memory_space<vmem>>) dst(%dma_wait3A_226 : memref<10112x32xf32, #tpu.memory_space<vmem_shared>>)
      %dma_start3A_227 = arith.constant 8 : i32
      %dma_start3A_228 = arith.constant 0 : i32
      %dma_start3A_229 = tpu.memref_slice %arg8[%dma_start3A_227, %dma_start3A_228] : memref<19x128xi32, #tpu.memory_space<vmem>> -> memref<1x128xi32, #tpu.memory_space<vmem>>
      %dma_start3A_230 = tpu.memref_squeeze %dma_start3A_229 : memref<1x128xi32, #tpu.memory_space<vmem>> -> memref<128xi32, #tpu.memory_space<vmem>>
      %dma_start3A_231 = arith.constant 0 : i32
      %dma_start3A_232 = arith.constant 0 : i32
      %dma_start3A_233 = tpu.memref_slice %arg2[%dma_start3A_231, %dma_start3A_232] : memref<10000x32xf32, #tpu.memory_space<hbm>> -> memref<10000x32xf32, #tpu.memory_space<hbm>>
      tpu.enqueue_indirect_dma source(%dma_start3A_233 : memref<10000x32xf32, #tpu.memory_space<hbm>>) target(%arg10 : memref<128x32xf32, #tpu.memory_space<vmem>>) offsets(%dma_start3A_230 : memref<128xi32, #tpu.memory_space<vmem>>) semaphore(%arg13 : memref<!tpu.dma_semaphore, #tpu.memory_space<semaphore_mem>>)
      %dma_start3A_234 = arith.constant 7 : i32
      %dma_start3A_235 = arith.constant 0 : i32
      %dma_start3A_236 = tpu.memref_slice %arg9[%dma_start3A_234, %dma_start3A_235] : memref<19x128xi32, #tpu.memory_space<vmem>> -> memref<1x128xi32, #tpu.memory_space<vmem>>
      %dma_start3A_237 = tpu.memref_squeeze %dma_start3A_236 : memref<1x128xi32, #tpu.memory_space<vmem>> -> memref<128xi32, #tpu.memory_space<vmem>>
      %dma_start3A_238 = arith.constant 0 : i32
      %dma_start3A_239 = arith.constant 0 : i32
      %dma_start3A_240 = tpu.memref_slice %arg12[%dma_start3A_238, %dma_start3A_239] : memref<10112x32xf32, #tpu.memory_space<vmem_shared>> -> memref<10112x32xf32, #tpu.memory_space<vmem_shared>>
      tpu.enqueue_indirect_dma source(%arg11 : memref<128x32xf32, #tpu.memory_space<vmem>>) target(%dma_start3A_240 : memref<10112x32xf32, #tpu.memory_space<vmem_shared>>) offsets(%dma_start3A_237 : memref<128xi32, #tpu.memory_space<vmem>>) semaphore(%arg16 : memref<!tpu.dma_semaphore, #tpu.memory_space<semaphore_mem>>) {add = true}
      %dma_wait3A_241 = arith.constant 8 : i32
      %dma_wait3A_242 = arith.constant 0 : i32
      %dma_wait3A_243 = tpu.memref_slice %arg8[%dma_wait3A_241, %dma_wait3A_242] : memref<19x128xi32, #tpu.memory_space<vmem>> -> memref<1x128xi32, #tpu.memory_space<vmem>>
      %dma_wait3A_244 = tpu.memref_squeeze %dma_wait3A_243 : memref<1x128xi32, #tpu.memory_space<vmem>> -> memref<128xi32, #tpu.memory_space<vmem>>
      %dma_wait3A_245 = arith.constant 0 : i32
      %dma_wait3A_246 = arith.constant 0 : i32
      %dma_wait3A_247 = tpu.memref_slice %arg2[%dma_wait3A_245, %dma_wait3A_246] : memref<10000x32xf32, #tpu.memory_space<hbm>> -> memref<10000x32xf32, #tpu.memory_space<hbm>>
      tpu.wait_indirect_dma semaphore(%arg13 : memref<!tpu.dma_semaphore, #tpu.memory_space<semaphore_mem>>) src(%dma_wait3A_247 : memref<10000x32xf32, #tpu.memory_space<hbm>>) dst(%arg10 : memref<128x32xf32, #tpu.memory_space<vmem>>)
      %dma_wait3A_248 = arith.constant 7 : i32
      %dma_wait3A_249 = arith.constant 0 : i32
      %dma_wait3A_250 = tpu.memref_slice %arg9[%dma_wait3A_248, %dma_wait3A_249] : memref<19x128xi32, #tpu.memory_space<vmem>> -> memref<1x128xi32, #tpu.memory_space<vmem>>
      %dma_wait3A_251 = tpu.memref_squeeze %dma_wait3A_250 : memref<1x128xi32, #tpu.memory_space<vmem>> -> memref<128xi32, #tpu.memory_space<vmem>>
      %dma_wait3A_252 = arith.constant 0 : i32
      %dma_wait3A_253 = arith.constant 0 : i32
      %dma_wait3A_254 = tpu.memref_slice %arg12[%dma_wait3A_252, %dma_wait3A_253] : memref<10112x32xf32, #tpu.memory_space<vmem_shared>> -> memref<10112x32xf32, #tpu.memory_space<vmem_shared>>
      tpu.wait_indirect_dma semaphore(%arg16 : memref<!tpu.dma_semaphore, #tpu.memory_space<semaphore_mem>>) src(%arg11 : memref<128x32xf32, #tpu.memory_space<vmem>>) dst(%dma_wait3A_254 : memref<10112x32xf32, #tpu.memory_space<vmem_shared>>)
      %dma_start3A_255 = arith.constant 9 : i32
      %dma_start3A_256 = arith.constant 0 : i32
      %dma_start3A_257 = tpu.memref_slice %arg8[%dma_start3A_255, %dma_start3A_256] : memref<19x128xi32, #tpu.memory_space<vmem>> -> memref<1x128xi32, #tpu.memory_space<vmem>>
      %dma_start3A_258 = tpu.memref_squeeze %dma_start3A_257 : memref<1x128xi32, #tpu.memory_space<vmem>> -> memref<128xi32, #tpu.memory_space<vmem>>
      %dma_start3A_259 = arith.constant 0 : i32
      %dma_start3A_260 = arith.constant 0 : i32
      %dma_start3A_261 = tpu.memref_slice %arg2[%dma_start3A_259, %dma_start3A_260] : memref<10000x32xf32, #tpu.memory_space<hbm>> -> memref<10000x32xf32, #tpu.memory_space<hbm>>
      tpu.enqueue_indirect_dma source(%dma_start3A_261 : memref<10000x32xf32, #tpu.memory_space<hbm>>) target(%arg11 : memref<128x32xf32, #tpu.memory_space<vmem>>) offsets(%dma_start3A_258 : memref<128xi32, #tpu.memory_space<vmem>>) semaphore(%arg14 : memref<!tpu.dma_semaphore, #tpu.memory_space<semaphore_mem>>)
      %dma_start3A_262 = arith.constant 8 : i32
      %dma_start3A_263 = arith.constant 0 : i32
      %dma_start3A_264 = tpu.memref_slice %arg9[%dma_start3A_262, %dma_start3A_263] : memref<19x128xi32, #tpu.memory_space<vmem>> -> memref<1x128xi32, #tpu.memory_space<vmem>>
      %dma_start3A_265 = tpu.memref_squeeze %dma_start3A_264 : memref<1x128xi32, #tpu.memory_space<vmem>> -> memref<128xi32, #tpu.memory_space<vmem>>
      %dma_start3A_266 = arith.constant 0 : i32
      %dma_start3A_267 = arith.constant 0 : i32
      %dma_start3A_268 = tpu.memref_slice %arg12[%dma_start3A_266, %dma_start3A_267] : memref<10112x32xf32, #tpu.memory_space<vmem_shared>> -> memref<10112x32xf32, #tpu.memory_space<vmem_shared>>
      tpu.enqueue_indirect_dma source(%arg10 : memref<128x32xf32, #tpu.memory_space<vmem>>) target(%dma_start3A_268 : memref<10112x32xf32, #tpu.memory_space<vmem_shared>>) offsets(%dma_start3A_265 : memref<128xi32, #tpu.memory_space<vmem>>) semaphore(%arg15 : memref<!tpu.dma_semaphore, #tpu.memory_space<semaphore_mem>>) {add = true}
      %dma_wait3A_269 = arith.constant 9 : i32
      %dma_wait3A_270 = arith.constant 0 : i32
      %dma_wait3A_271 = tpu.memref_slice %arg8[%dma_wait3A_269, %dma_wait3A_270] : memref<19x128xi32, #tpu.memory_space<vmem>> -> memref<1x128xi32, #tpu.memory_space<vmem>>
      %dma_wait3A_272 = tpu.memref_squeeze %dma_wait3A_271 : memref<1x128xi32, #tpu.memory_space<vmem>> -> memref<128xi32, #tpu.memory_space<vmem>>
      %dma_wait3A_273 = arith.constant 0 : i32
      %dma_wait3A_274 = arith.constant 0 : i32
      %dma_wait3A_275 = tpu.memref_slice %arg2[%dma_wait3A_273, %dma_wait3A_274] : memref<10000x32xf32, #tpu.memory_space<hbm>> -> memref<10000x32xf32, #tpu.memory_space<hbm>>
      tpu.wait_indirect_dma semaphore(%arg14 : memref<!tpu.dma_semaphore, #tpu.memory_space<semaphore_mem>>) src(%dma_wait3A_275 : memref<10000x32xf32, #tpu.memory_space<hbm>>) dst(%arg11 : memref<128x32xf32, #tpu.memory_space<vmem>>)
      %dma_wait3A_276 = arith.constant 8 : i32
      %dma_wait3A_277 = arith.constant 0 : i32
      %dma_wait3A_278 = tpu.memref_slice %arg9[%dma_wait3A_276, %dma_wait3A_277] : memref<19x128xi32, #tpu.memory_space<vmem>> -> memref<1x128xi32, #tpu.memory_space<vmem>>
      %dma_wait3A_279 = tpu.memref_squeeze %dma_wait3A_278 : memref<1x128xi32, #tpu.memory_space<vmem>> -> memref<128xi32, #tpu.memory_space<vmem>>
      %dma_wait3A_280 = arith.constant 0 : i32
      %dma_wait3A_281 = arith.constant 0 : i32
      %dma_wait3A_282 = tpu.memref_slice %arg12[%dma_wait3A_280, %dma_wait3A_281] : memref<10112x32xf32, #tpu.memory_space<vmem_shared>> -> memref<10112x32xf32, #tpu.memory_space<vmem_shared>>
      tpu.wait_indirect_dma semaphore(%arg15 : memref<!tpu.dma_semaphore, #tpu.memory_space<semaphore_mem>>) src(%arg10 : memref<128x32xf32, #tpu.memory_space<vmem>>) dst(%dma_wait3A_282 : memref<10112x32xf32, #tpu.memory_space<vmem_shared>>)
      %dma_start3A_283 = arith.constant 10 : i32
      %dma_start3A_284 = arith.constant 0 : i32
      %dma_start3A_285 = tpu.memref_slice %arg8[%dma_start3A_283, %dma_start3A_284] : memref<19x128xi32, #tpu.memory_space<vmem>> -> memref<1x128xi32, #tpu.memory_space<vmem>>
      %dma_start3A_286 = tpu.memref_squeeze %dma_start3A_285 : memref<1x128xi32, #tpu.memory_space<vmem>> -> memref<128xi32, #tpu.memory_space<vmem>>
      %dma_start3A_287 = arith.constant 0 : i32
      %dma_start3A_288 = arith.constant 0 : i32
      %dma_start3A_289 = tpu.memref_slice %arg2[%dma_start3A_287, %dma_start3A_288] : memref<10000x32xf32, #tpu.memory_space<hbm>> -> memref<10000x32xf32, #tpu.memory_space<hbm>>
      tpu.enqueue_indirect_dma source(%dma_start3A_289 : memref<10000x32xf32, #tpu.memory_space<hbm>>) target(%arg10 : memref<128x32xf32, #tpu.memory_space<vmem>>) offsets(%dma_start3A_286 : memref<128xi32, #tpu.memory_space<vmem>>) semaphore(%arg13 : memref<!tpu.dma_semaphore, #tpu.memory_space<semaphore_mem>>)
      %dma_start3A_290 = arith.constant 9 : i32
      %dma_start3A_291 = arith.constant 0 : i32
      %dma_start3A_292 = tpu.memref_slice %arg9[%dma_start3A_290, %dma_start3A_291] : memref<19x128xi32, #tpu.memory_space<vmem>> -> memref<1x128xi32, #tpu.memory_space<vmem>>
      %dma_start3A_293 = tpu.memref_squeeze %dma_start3A_292 : memref<1x128xi32, #tpu.memory_space<vmem>> -> memref<128xi32, #tpu.memory_space<vmem>>
      %dma_start3A_294 = arith.constant 0 : i32
      %dma_start3A_295 = arith.constant 0 : i32
      %dma_start3A_296 = tpu.memref_slice %arg12[%dma_start3A_294, %dma_start3A_295] : memref<10112x32xf32, #tpu.memory_space<vmem_shared>> -> memref<10112x32xf32, #tpu.memory_space<vmem_shared>>
      tpu.enqueue_indirect_dma source(%arg11 : memref<128x32xf32, #tpu.memory_space<vmem>>) target(%dma_start3A_296 : memref<10112x32xf32, #tpu.memory_space<vmem_shared>>) offsets(%dma_start3A_293 : memref<128xi32, #tpu.memory_space<vmem>>) semaphore(%arg16 : memref<!tpu.dma_semaphore, #tpu.memory_space<semaphore_mem>>) {add = true}
      %dma_wait3A_297 = arith.constant 10 : i32
      %dma_wait3A_298 = arith.constant 0 : i32
      %dma_wait3A_299 = tpu.memref_slice %arg8[%dma_wait3A_297, %dma_wait3A_298] : memref<19x128xi32, #tpu.memory_space<vmem>> -> memref<1x128xi32, #tpu.memory_space<vmem>>
      %dma_wait3A_300 = tpu.memref_squeeze %dma_wait3A_299 : memref<1x128xi32, #tpu.memory_space<vmem>> -> memref<128xi32, #tpu.memory_space<vmem>>
      %dma_wait3A_301 = arith.constant 0 : i32
      %dma_wait3A_302 = arith.constant 0 : i32
      %dma_wait3A_303 = tpu.memref_slice %arg2[%dma_wait3A_301, %dma_wait3A_302] : memref<10000x32xf32, #tpu.memory_space<hbm>> -> memref<10000x32xf32, #tpu.memory_space<hbm>>
      tpu.wait_indirect_dma semaphore(%arg13 : memref<!tpu.dma_semaphore, #tpu.memory_space<semaphore_mem>>) src(%dma_wait3A_303 : memref<10000x32xf32, #tpu.memory_space<hbm>>) dst(%arg10 : memref<128x32xf32, #tpu.memory_space<vmem>>)
      %dma_wait3A_304 = arith.constant 9 : i32
      %dma_wait3A_305 = arith.constant 0 : i32
      %dma_wait3A_306 = tpu.memref_slice %arg9[%dma_wait3A_304, %dma_wait3A_305] : memref<19x128xi32, #tpu.memory_space<vmem>> -> memref<1x128xi32, #tpu.memory_space<vmem>>
      %dma_wait3A_307 = tpu.memref_squeeze %dma_wait3A_306 : memref<1x128xi32, #tpu.memory_space<vmem>> -> memref<128xi32, #tpu.memory_space<vmem>>
      %dma_wait3A_308 = arith.constant 0 : i32
      %dma_wait3A_309 = arith.constant 0 : i32
      %dma_wait3A_310 = tpu.memref_slice %arg12[%dma_wait3A_308, %dma_wait3A_309] : memref<10112x32xf32, #tpu.memory_space<vmem_shared>> -> memref<10112x32xf32, #tpu.memory_space<vmem_shared>>
      tpu.wait_indirect_dma semaphore(%arg16 : memref<!tpu.dma_semaphore, #tpu.memory_space<semaphore_mem>>) src(%arg11 : memref<128x32xf32, #tpu.memory_space<vmem>>) dst(%dma_wait3A_310 : memref<10112x32xf32, #tpu.memory_space<vmem_shared>>)
      %dma_start3A_311 = arith.constant 11 : i32
      %dma_start3A_312 = arith.constant 0 : i32
      %dma_start3A_313 = tpu.memref_slice %arg8[%dma_start3A_311, %dma_start3A_312] : memref<19x128xi32, #tpu.memory_space<vmem>> -> memref<1x128xi32, #tpu.memory_space<vmem>>
      %dma_start3A_314 = tpu.memref_squeeze %dma_start3A_313 : memref<1x128xi32, #tpu.memory_space<vmem>> -> memref<128xi32, #tpu.memory_space<vmem>>
      %dma_start3A_315 = arith.constant 0 : i32
      %dma_start3A_316 = arith.constant 0 : i32
      %dma_start3A_317 = tpu.memref_slice %arg2[%dma_start3A_315, %dma_start3A_316] : memref<10000x32xf32, #tpu.memory_space<hbm>> -> memref<10000x32xf32, #tpu.memory_space<hbm>>
      tpu.enqueue_indirect_dma source(%dma_start3A_317 : memref<10000x32xf32, #tpu.memory_space<hbm>>) target(%arg11 : memref<128x32xf32, #tpu.memory_space<vmem>>) offsets(%dma_start3A_314 : memref<128xi32, #tpu.memory_space<vmem>>) semaphore(%arg14 : memref<!tpu.dma_semaphore, #tpu.memory_space<semaphore_mem>>)
      %dma_start3A_318 = arith.constant 10 : i32
      %dma_start3A_319 = arith.constant 0 : i32
      %dma_start3A_320 = tpu.memref_slice %arg9[%dma_start3A_318, %dma_start3A_319] : memref<19x128xi32, #tpu.memory_space<vmem>> -> memref<1x128xi32, #tpu.memory_space<vmem>>
      %dma_start3A_321 = tpu.memref_squeeze %dma_start3A_320 : memref<1x128xi32, #tpu.memory_space<vmem>> -> memref<128xi32, #tpu.memory_space<vmem>>
      %dma_start3A_322 = arith.constant 0 : i32
      %dma_start3A_323 = arith.constant 0 : i32
      %dma_start3A_324 = tpu.memref_slice %arg12[%dma_start3A_322, %dma_start3A_323] : memref<10112x32xf32, #tpu.memory_space<vmem_shared>> -> memref<10112x32xf32, #tpu.memory_space<vmem_shared>>
      tpu.enqueue_indirect_dma source(%arg10 : memref<128x32xf32, #tpu.memory_space<vmem>>) target(%dma_start3A_324 : memref<10112x32xf32, #tpu.memory_space<vmem_shared>>) offsets(%dma_start3A_321 : memref<128xi32, #tpu.memory_space<vmem>>) semaphore(%arg15 : memref<!tpu.dma_semaphore, #tpu.memory_space<semaphore_mem>>) {add = true}
      %dma_wait3A_325 = arith.constant 11 : i32
      %dma_wait3A_326 = arith.constant 0 : i32
      %dma_wait3A_327 = tpu.memref_slice %arg8[%dma_wait3A_325, %dma_wait3A_326] : memref<19x128xi32, #tpu.memory_space<vmem>> -> memref<1x128xi32, #tpu.memory_space<vmem>>
      %dma_wait3A_328 = tpu.memref_squeeze %dma_wait3A_327 : memref<1x128xi32, #tpu.memory_space<vmem>> -> memref<128xi32, #tpu.memory_space<vmem>>
      %dma_wait3A_329 = arith.constant 0 : i32
      %dma_wait3A_330 = arith.constant 0 : i32
      %dma_wait3A_331 = tpu.memref_slice %arg2[%dma_wait3A_329, %dma_wait3A_330] : memref<10000x32xf32, #tpu.memory_space<hbm>> -> memref<10000x32xf32, #tpu.memory_space<hbm>>
      tpu.wait_indirect_dma semaphore(%arg14 : memref<!tpu.dma_semaphore, #tpu.memory_space<semaphore_mem>>) src(%dma_wait3A_331 : memref<10000x32xf32, #tpu.memory_space<hbm>>) dst(%arg11 : memref<128x32xf32, #tpu.memory_space<vmem>>)
      %dma_wait3A_332 = arith.constant 10 : i32
      %dma_wait3A_333 = arith.constant 0 : i32
      %dma_wait3A_334 = tpu.memref_slice %arg9[%dma_wait3A_332, %dma_wait3A_333] : memref<19x128xi32, #tpu.memory_space<vmem>> -> memref<1x128xi32, #tpu.memory_space<vmem>>
      %dma_wait3A_335 = tpu.memref_squeeze %dma_wait3A_334 : memref<1x128xi32, #tpu.memory_space<vmem>> -> memref<128xi32, #tpu.memory_space<vmem>>
      %dma_wait3A_336 = arith.constant 0 : i32
      %dma_wait3A_337 = arith.constant 0 : i32
      %dma_wait3A_338 = tpu.memref_slice %arg12[%dma_wait3A_336, %dma_wait3A_337] : memref<10112x32xf32, #tpu.memory_space<vmem_shared>> -> memref<10112x32xf32, #tpu.memory_space<vmem_shared>>
      tpu.wait_indirect_dma semaphore(%arg15 : memref<!tpu.dma_semaphore, #tpu.memory_space<semaphore_mem>>) src(%arg10 : memref<128x32xf32, #tpu.memory_space<vmem>>) dst(%dma_wait3A_338 : memref<10112x32xf32, #tpu.memory_space<vmem_shared>>)
      %dma_start3A_339 = arith.constant 12 : i32
      %dma_start3A_340 = arith.constant 0 : i32
      %dma_start3A_341 = tpu.memref_slice %arg8[%dma_start3A_339, %dma_start3A_340] : memref<19x128xi32, #tpu.memory_space<vmem>> -> memref<1x128xi32, #tpu.memory_space<vmem>>
      %dma_start3A_342 = tpu.memref_squeeze %dma_start3A_341 : memref<1x128xi32, #tpu.memory_space<vmem>> -> memref<128xi32, #tpu.memory_space<vmem>>
      %dma_start3A_343 = arith.constant 0 : i32
      %dma_start3A_344 = arith.constant 0 : i32
      %dma_start3A_345 = tpu.memref_slice %arg2[%dma_start3A_343, %dma_start3A_344] : memref<10000x32xf32, #tpu.memory_space<hbm>> -> memref<10000x32xf32, #tpu.memory_space<hbm>>
      tpu.enqueue_indirect_dma source(%dma_start3A_345 : memref<10000x32xf32, #tpu.memory_space<hbm>>) target(%arg10 : memref<128x32xf32, #tpu.memory_space<vmem>>) offsets(%dma_start3A_342 : memref<128xi32, #tpu.memory_space<vmem>>) semaphore(%arg13 : memref<!tpu.dma_semaphore, #tpu.memory_space<semaphore_mem>>)
      %dma_start3A_346 = arith.constant 11 : i32
      %dma_start3A_347 = arith.constant 0 : i32
      %dma_start3A_348 = tpu.memref_slice %arg9[%dma_start3A_346, %dma_start3A_347] : memref<19x128xi32, #tpu.memory_space<vmem>> -> memref<1x128xi32, #tpu.memory_space<vmem>>
      %dma_start3A_349 = tpu.memref_squeeze %dma_start3A_348 : memref<1x128xi32, #tpu.memory_space<vmem>> -> memref<128xi32, #tpu.memory_space<vmem>>
      %dma_start3A_350 = arith.constant 0 : i32
      %dma_start3A_351 = arith.constant 0 : i32
      %dma_start3A_352 = tpu.memref_slice %arg12[%dma_start3A_350, %dma_start3A_351] : memref<10112x32xf32, #tpu.memory_space<vmem_shared>> -> memref<10112x32xf32, #tpu.memory_space<vmem_shared>>
      tpu.enqueue_indirect_dma source(%arg11 : memref<128x32xf32, #tpu.memory_space<vmem>>) target(%dma_start3A_352 : memref<10112x32xf32, #tpu.memory_space<vmem_shared>>) offsets(%dma_start3A_349 : memref<128xi32, #tpu.memory_space<vmem>>) semaphore(%arg16 : memref<!tpu.dma_semaphore, #tpu.memory_space<semaphore_mem>>) {add = true}
      %dma_wait3A_353 = arith.constant 12 : i32
      %dma_wait3A_354 = arith.constant 0 : i32
      %dma_wait3A_355 = tpu.memref_slice %arg8[%dma_wait3A_353, %dma_wait3A_354] : memref<19x128xi32, #tpu.memory_space<vmem>> -> memref<1x128xi32, #tpu.memory_space<vmem>>
      %dma_wait3A_356 = tpu.memref_squeeze %dma_wait3A_355 : memref<1x128xi32, #tpu.memory_space<vmem>> -> memref<128xi32, #tpu.memory_space<vmem>>
      %dma_wait3A_357 = arith.constant 0 : i32
      %dma_wait3A_358 = arith.constant 0 : i32
      %dma_wait3A_359 = tpu.memref_slice %arg2[%dma_wait3A_357, %dma_wait3A_358] : memref<10000x32xf32, #tpu.memory_space<hbm>> -> memref<10000x32xf32, #tpu.memory_space<hbm>>
      tpu.wait_indirect_dma semaphore(%arg13 : memref<!tpu.dma_semaphore, #tpu.memory_space<semaphore_mem>>) src(%dma_wait3A_359 : memref<10000x32xf32, #tpu.memory_space<hbm>>) dst(%arg10 : memref<128x32xf32, #tpu.memory_space<vmem>>)
      %dma_wait3A_360 = arith.constant 11 : i32
      %dma_wait3A_361 = arith.constant 0 : i32
      %dma_wait3A_362 = tpu.memref_slice %arg9[%dma_wait3A_360, %dma_wait3A_361] : memref<19x128xi32, #tpu.memory_space<vmem>> -> memref<1x128xi32, #tpu.memory_space<vmem>>
      %dma_wait3A_363 = tpu.memref_squeeze %dma_wait3A_362 : memref<1x128xi32, #tpu.memory_space<vmem>> -> memref<128xi32, #tpu.memory_space<vmem>>
      %dma_wait3A_364 = arith.constant 0 : i32
      %dma_wait3A_365 = arith.constant 0 : i32
      %dma_wait3A_366 = tpu.memref_slice %arg12[%dma_wait3A_364, %dma_wait3A_365] : memref<10112x32xf32, #tpu.memory_space<vmem_shared>> -> memref<10112x32xf32, #tpu.memory_space<vmem_shared>>
      tpu.wait_indirect_dma semaphore(%arg16 : memref<!tpu.dma_semaphore, #tpu.memory_space<semaphore_mem>>) src(%arg11 : memref<128x32xf32, #tpu.memory_space<vmem>>) dst(%dma_wait3A_366 : memref<10112x32xf32, #tpu.memory_space<vmem_shared>>)
      %dma_start3A_367 = arith.constant 13 : i32
      %dma_start3A_368 = arith.constant 0 : i32
      %dma_start3A_369 = tpu.memref_slice %arg8[%dma_start3A_367, %dma_start3A_368] : memref<19x128xi32, #tpu.memory_space<vmem>> -> memref<1x128xi32, #tpu.memory_space<vmem>>
      %dma_start3A_370 = tpu.memref_squeeze %dma_start3A_369 : memref<1x128xi32, #tpu.memory_space<vmem>> -> memref<128xi32, #tpu.memory_space<vmem>>
      %dma_start3A_371 = arith.constant 0 : i32
      %dma_start3A_372 = arith.constant 0 : i32
      %dma_start3A_373 = tpu.memref_slice %arg2[%dma_start3A_371, %dma_start3A_372] : memref<10000x32xf32, #tpu.memory_space<hbm>> -> memref<10000x32xf32, #tpu.memory_space<hbm>>
      tpu.enqueue_indirect_dma source(%dma_start3A_373 : memref<10000x32xf32, #tpu.memory_space<hbm>>) target(%arg11 : memref<128x32xf32, #tpu.memory_space<vmem>>) offsets(%dma_start3A_370 : memref<128xi32, #tpu.memory_space<vmem>>) semaphore(%arg14 : memref<!tpu.dma_semaphore, #tpu.memory_space<semaphore_mem>>)
      %dma_start3A_374 = arith.constant 12 : i32
      %dma_start3A_375 = arith.constant 0 : i32
      %dma_start3A_376 = tpu.memref_slice %arg9[%dma_start3A_374, %dma_start3A_375] : memref<19x128xi32, #tpu.memory_space<vmem>> -> memref<1x128xi32, #tpu.memory_space<vmem>>
      %dma_start3A_377 = tpu.memref_squeeze %dma_start3A_376 : memref<1x128xi32, #tpu.memory_space<vmem>> -> memref<128xi32, #tpu.memory_space<vmem>>
      %dma_start3A_378 = arith.constant 0 : i32
      %dma_start3A_379 = arith.constant 0 : i32
      %dma_start3A_380 = tpu.memref_slice %arg12[%dma_start3A_378, %dma_start3A_379] : memref<10112x32xf32, #tpu.memory_space<vmem_shared>> -> memref<10112x32xf32, #tpu.memory_space<vmem_shared>>
      tpu.enqueue_indirect_dma source(%arg10 : memref<128x32xf32, #tpu.memory_space<vmem>>) target(%dma_start3A_380 : memref<10112x32xf32, #tpu.memory_space<vmem_shared>>) offsets(%dma_start3A_377 : memref<128xi32, #tpu.memory_space<vmem>>) semaphore(%arg15 : memref<!tpu.dma_semaphore, #tpu.memory_space<semaphore_mem>>) {add = true}
      %dma_wait3A_381 = arith.constant 13 : i32
      %dma_wait3A_382 = arith.constant 0 : i32
      %dma_wait3A_383 = tpu.memref_slice %arg8[%dma_wait3A_381, %dma_wait3A_382] : memref<19x128xi32, #tpu.memory_space<vmem>> -> memref<1x128xi32, #tpu.memory_space<vmem>>
      %dma_wait3A_384 = tpu.memref_squeeze %dma_wait3A_383 : memref<1x128xi32, #tpu.memory_space<vmem>> -> memref<128xi32, #tpu.memory_space<vmem>>
      %dma_wait3A_385 = arith.constant 0 : i32
      %dma_wait3A_386 = arith.constant 0 : i32
      %dma_wait3A_387 = tpu.memref_slice %arg2[%dma_wait3A_385, %dma_wait3A_386] : memref<10000x32xf32, #tpu.memory_space<hbm>> -> memref<10000x32xf32, #tpu.memory_space<hbm>>
      tpu.wait_indirect_dma semaphore(%arg14 : memref<!tpu.dma_semaphore, #tpu.memory_space<semaphore_mem>>) src(%dma_wait3A_387 : memref<10000x32xf32, #tpu.memory_space<hbm>>) dst(%arg11 : memref<128x32xf32, #tpu.memory_space<vmem>>)
      %dma_wait3A_388 = arith.constant 12 : i32
      %dma_wait3A_389 = arith.constant 0 : i32
      %dma_wait3A_390 = tpu.memref_slice %arg9[%dma_wait3A_388, %dma_wait3A_389] : memref<19x128xi32, #tpu.memory_space<vmem>> -> memref<1x128xi32, #tpu.memory_space<vmem>>
      %dma_wait3A_391 = tpu.memref_squeeze %dma_wait3A_390 : memref<1x128xi32, #tpu.memory_space<vmem>> -> memref<128xi32, #tpu.memory_space<vmem>>
      %dma_wait3A_392 = arith.constant 0 : i32
      %dma_wait3A_393 = arith.constant 0 : i32
      %dma_wait3A_394 = tpu.memref_slice %arg12[%dma_wait3A_392, %dma_wait3A_393] : memref<10112x32xf32, #tpu.memory_space<vmem_shared>> -> memref<10112x32xf32, #tpu.memory_space<vmem_shared>>
      tpu.wait_indirect_dma semaphore(%arg15 : memref<!tpu.dma_semaphore, #tpu.memory_space<semaphore_mem>>) src(%arg10 : memref<128x32xf32, #tpu.memory_space<vmem>>) dst(%dma_wait3A_394 : memref<10112x32xf32, #tpu.memory_space<vmem_shared>>)
      %dma_start3A_395 = arith.constant 14 : i32
      %dma_start3A_396 = arith.constant 0 : i32
      %dma_start3A_397 = tpu.memref_slice %arg8[%dma_start3A_395, %dma_start3A_396] : memref<19x128xi32, #tpu.memory_space<vmem>> -> memref<1x128xi32, #tpu.memory_space<vmem>>
      %dma_start3A_398 = tpu.memref_squeeze %dma_start3A_397 : memref<1x128xi32, #tpu.memory_space<vmem>> -> memref<128xi32, #tpu.memory_space<vmem>>
      %dma_start3A_399 = arith.constant 0 : i32
      %dma_start3A_400 = arith.constant 0 : i32
      %dma_start3A_401 = tpu.memref_slice %arg2[%dma_start3A_399, %dma_start3A_400] : memref<10000x32xf32, #tpu.memory_space<hbm>> -> memref<10000x32xf32, #tpu.memory_space<hbm>>
      tpu.enqueue_indirect_dma source(%dma_start3A_401 : memref<10000x32xf32, #tpu.memory_space<hbm>>) target(%arg10 : memref<128x32xf32, #tpu.memory_space<vmem>>) offsets(%dma_start3A_398 : memref<128xi32, #tpu.memory_space<vmem>>) semaphore(%arg13 : memref<!tpu.dma_semaphore, #tpu.memory_space<semaphore_mem>>)
      %dma_start3A_402 = arith.constant 13 : i32
      %dma_start3A_403 = arith.constant 0 : i32
      %dma_start3A_404 = tpu.memref_slice %arg9[%dma_start3A_402, %dma_start3A_403] : memref<19x128xi32, #tpu.memory_space<vmem>> -> memref<1x128xi32, #tpu.memory_space<vmem>>
      %dma_start3A_405 = tpu.memref_squeeze %dma_start3A_404 : memref<1x128xi32, #tpu.memory_space<vmem>> -> memref<128xi32, #tpu.memory_space<vmem>>
      %dma_start3A_406 = arith.constant 0 : i32
      %dma_start3A_407 = arith.constant 0 : i32
      %dma_start3A_408 = tpu.memref_slice %arg12[%dma_start3A_406, %dma_start3A_407] : memref<10112x32xf32, #tpu.memory_space<vmem_shared>> -> memref<10112x32xf32, #tpu.memory_space<vmem_shared>>
      tpu.enqueue_indirect_dma source(%arg11 : memref<128x32xf32, #tpu.memory_space<vmem>>) target(%dma_start3A_408 : memref<10112x32xf32, #tpu.memory_space<vmem_shared>>) offsets(%dma_start3A_405 : memref<128xi32, #tpu.memory_space<vmem>>) semaphore(%arg16 : memref<!tpu.dma_semaphore, #tpu.memory_space<semaphore_mem>>) {add = true}
      %dma_wait3A_409 = arith.constant 14 : i32
      %dma_wait3A_410 = arith.constant 0 : i32
      %dma_wait3A_411 = tpu.memref_slice %arg8[%dma_wait3A_409, %dma_wait3A_410] : memref<19x128xi32, #tpu.memory_space<vmem>> -> memref<1x128xi32, #tpu.memory_space<vmem>>
      %dma_wait3A_412 = tpu.memref_squeeze %dma_wait3A_411 : memref<1x128xi32, #tpu.memory_space<vmem>> -> memref<128xi32, #tpu.memory_space<vmem>>
      %dma_wait3A_413 = arith.constant 0 : i32
      %dma_wait3A_414 = arith.constant 0 : i32
      %dma_wait3A_415 = tpu.memref_slice %arg2[%dma_wait3A_413, %dma_wait3A_414] : memref<10000x32xf32, #tpu.memory_space<hbm>> -> memref<10000x32xf32, #tpu.memory_space<hbm>>
      tpu.wait_indirect_dma semaphore(%arg13 : memref<!tpu.dma_semaphore, #tpu.memory_space<semaphore_mem>>) src(%dma_wait3A_415 : memref<10000x32xf32, #tpu.memory_space<hbm>>) dst(%arg10 : memref<128x32xf32, #tpu.memory_space<vmem>>)
      %dma_wait3A_416 = arith.constant 13 : i32
      %dma_wait3A_417 = arith.constant 0 : i32
      %dma_wait3A_418 = tpu.memref_slice %arg9[%dma_wait3A_416, %dma_wait3A_417] : memref<19x128xi32, #tpu.memory_space<vmem>> -> memref<1x128xi32, #tpu.memory_space<vmem>>
      %dma_wait3A_419 = tpu.memref_squeeze %dma_wait3A_418 : memref<1x128xi32, #tpu.memory_space<vmem>> -> memref<128xi32, #tpu.memory_space<vmem>>
      %dma_wait3A_420 = arith.constant 0 : i32
      %dma_wait3A_421 = arith.constant 0 : i32
      %dma_wait3A_422 = tpu.memref_slice %arg12[%dma_wait3A_420, %dma_wait3A_421] : memref<10112x32xf32, #tpu.memory_space<vmem_shared>> -> memref<10112x32xf32, #tpu.memory_space<vmem_shared>>
      tpu.wait_indirect_dma semaphore(%arg16 : memref<!tpu.dma_semaphore, #tpu.memory_space<semaphore_mem>>) src(%arg11 : memref<128x32xf32, #tpu.memory_space<vmem>>) dst(%dma_wait3A_422 : memref<10112x32xf32, #tpu.memory_space<vmem_shared>>)
      %dma_start3A_423 = arith.constant 15 : i32
      %dma_start3A_424 = arith.constant 0 : i32
      %dma_start3A_425 = tpu.memref_slice %arg8[%dma_start3A_423, %dma_start3A_424] : memref<19x128xi32, #tpu.memory_space<vmem>> -> memref<1x128xi32, #tpu.memory_space<vmem>>
      %dma_start3A_426 = tpu.memref_squeeze %dma_start3A_425 : memref<1x128xi32, #tpu.memory_space<vmem>> -> memref<128xi32, #tpu.memory_space<vmem>>
      %dma_start3A_427 = arith.constant 0 : i32
      %dma_start3A_428 = arith.constant 0 : i32
      %dma_start3A_429 = tpu.memref_slice %arg2[%dma_start3A_427, %dma_start3A_428] : memref<10000x32xf32, #tpu.memory_space<hbm>> -> memref<10000x32xf32, #tpu.memory_space<hbm>>
      tpu.enqueue_indirect_dma source(%dma_start3A_429 : memref<10000x32xf32, #tpu.memory_space<hbm>>) target(%arg11 : memref<128x32xf32, #tpu.memory_space<vmem>>) offsets(%dma_start3A_426 : memref<128xi32, #tpu.memory_space<vmem>>) semaphore(%arg14 : memref<!tpu.dma_semaphore, #tpu.memory_space<semaphore_mem>>)
      %dma_start3A_430 = arith.constant 14 : i32
      %dma_start3A_431 = arith.constant 0 : i32
      %dma_start3A_432 = tpu.memref_slice %arg9[%dma_start3A_430, %dma_start3A_431] : memref<19x128xi32, #tpu.memory_space<vmem>> -> memref<1x128xi32, #tpu.memory_space<vmem>>
      %dma_start3A_433 = tpu.memref_squeeze %dma_start3A_432 : memref<1x128xi32, #tpu.memory_space<vmem>> -> memref<128xi32, #tpu.memory_space<vmem>>
      %dma_start3A_434 = arith.constant 0 : i32
      %dma_start3A_435 = arith.constant 0 : i32
      %dma_start3A_436 = tpu.memref_slice %arg12[%dma_start3A_434, %dma_start3A_435] : memref<10112x32xf32, #tpu.memory_space<vmem_shared>> -> memref<10112x32xf32, #tpu.memory_space<vmem_shared>>
      tpu.enqueue_indirect_dma source(%arg10 : memref<128x32xf32, #tpu.memory_space<vmem>>) target(%dma_start3A_436 : memref<10112x32xf32, #tpu.memory_space<vmem_shared>>) offsets(%dma_start3A_433 : memref<128xi32, #tpu.memory_space<vmem>>) semaphore(%arg15 : memref<!tpu.dma_semaphore, #tpu.memory_space<semaphore_mem>>) {add = true}
      %dma_wait3A_437 = arith.constant 15 : i32
      %dma_wait3A_438 = arith.constant 0 : i32
      %dma_wait3A_439 = tpu.memref_slice %arg8[%dma_wait3A_437, %dma_wait3A_438] : memref<19x128xi32, #tpu.memory_space<vmem>> -> memref<1x128xi32, #tpu.memory_space<vmem>>
      %dma_wait3A_440 = tpu.memref_squeeze %dma_wait3A_439 : memref<1x128xi32, #tpu.memory_space<vmem>> -> memref<128xi32, #tpu.memory_space<vmem>>
      %dma_wait3A_441 = arith.constant 0 : i32
      %dma_wait3A_442 = arith.constant 0 : i32
      %dma_wait3A_443 = tpu.memref_slice %arg2[%dma_wait3A_441, %dma_wait3A_442] : memref<10000x32xf32, #tpu.memory_space<hbm>> -> memref<10000x32xf32, #tpu.memory_space<hbm>>
      tpu.wait_indirect_dma semaphore(%arg14 : memref<!tpu.dma_semaphore, #tpu.memory_space<semaphore_mem>>) src(%dma_wait3A_443 : memref<10000x32xf32, #tpu.memory_space<hbm>>) dst(%arg11 : memref<128x32xf32, #tpu.memory_space<vmem>>)
      %dma_wait3A_444 = arith.constant 14 : i32
      %dma_wait3A_445 = arith.constant 0 : i32
      %dma_wait3A_446 = tpu.memref_slice %arg9[%dma_wait3A_444, %dma_wait3A_445] : memref<19x128xi32, #tpu.memory_space<vmem>> -> memref<1x128xi32, #tpu.memory_space<vmem>>
      %dma_wait3A_447 = tpu.memref_squeeze %dma_wait3A_446 : memref<1x128xi32, #tpu.memory_space<vmem>> -> memref<128xi32, #tpu.memory_space<vmem>>
      %dma_wait3A_448 = arith.constant 0 : i32
      %dma_wait3A_449 = arith.constant 0 : i32
      %dma_wait3A_450 = tpu.memref_slice %arg12[%dma_wait3A_448, %dma_wait3A_449] : memref<10112x32xf32, #tpu.memory_space<vmem_shared>> -> memref<10112x32xf32, #tpu.memory_space<vmem_shared>>
      tpu.wait_indirect_dma semaphore(%arg15 : memref<!tpu.dma_semaphore, #tpu.memory_space<semaphore_mem>>) src(%arg10 : memref<128x32xf32, #tpu.memory_space<vmem>>) dst(%dma_wait3A_450 : memref<10112x32xf32, #tpu.memory_space<vmem_shared>>)
      %dma_start3A_451 = arith.constant 16 : i32
      %dma_start3A_452 = arith.constant 0 : i32
      %dma_start3A_453 = tpu.memref_slice %arg8[%dma_start3A_451, %dma_start3A_452] : memref<19x128xi32, #tpu.memory_space<vmem>> -> memref<1x128xi32, #tpu.memory_space<vmem>>
      %dma_start3A_454 = tpu.memref_squeeze %dma_start3A_453 : memref<1x128xi32, #tpu.memory_space<vmem>> -> memref<128xi32, #tpu.memory_space<vmem>>
      %dma_start3A_455 = arith.constant 0 : i32
      %dma_start3A_456 = arith.constant 0 : i32
      %dma_start3A_457 = tpu.memref_slice %arg2[%dma_start3A_455, %dma_start3A_456] : memref<10000x32xf32, #tpu.memory_space<hbm>> -> memref<10000x32xf32, #tpu.memory_space<hbm>>
      tpu.enqueue_indirect_dma source(%dma_start3A_457 : memref<10000x32xf32, #tpu.memory_space<hbm>>) target(%arg10 : memref<128x32xf32, #tpu.memory_space<vmem>>) offsets(%dma_start3A_454 : memref<128xi32, #tpu.memory_space<vmem>>) semaphore(%arg13 : memref<!tpu.dma_semaphore, #tpu.memory_space<semaphore_mem>>)
      %dma_start3A_458 = arith.constant 15 : i32
      %dma_start3A_459 = arith.constant 0 : i32
      %dma_start3A_460 = tpu.memref_slice %arg9[%dma_start3A_458, %dma_start3A_459] : memref<19x128xi32, #tpu.memory_space<vmem>> -> memref<1x128xi32, #tpu.memory_space<vmem>>
      %dma_start3A_461 = tpu.memref_squeeze %dma_start3A_460 : memref<1x128xi32, #tpu.memory_space<vmem>> -> memref<128xi32, #tpu.memory_space<vmem>>
      %dma_start3A_462 = arith.constant 0 : i32
      %dma_start3A_463 = arith.constant 0 : i32
      %dma_start3A_464 = tpu.memref_slice %arg12[%dma_start3A_462, %dma_start3A_463] : memref<10112x32xf32, #tpu.memory_space<vmem_shared>> -> memref<10112x32xf32, #tpu.memory_space<vmem_shared>>
      tpu.enqueue_indirect_dma source(%arg11 : memref<128x32xf32, #tpu.memory_space<vmem>>) target(%dma_start3A_464 : memref<10112x32xf32, #tpu.memory_space<vmem_shared>>) offsets(%dma_start3A_461 : memref<128xi32, #tpu.memory_space<vmem>>) semaphore(%arg16 : memref<!tpu.dma_semaphore, #tpu.memory_space<semaphore_mem>>) {add = true}
      %dma_wait3A_465 = arith.constant 16 : i32
      %dma_wait3A_466 = arith.constant 0 : i32
      %dma_wait3A_467 = tpu.memref_slice %arg8[%dma_wait3A_465, %dma_wait3A_466] : memref<19x128xi32, #tpu.memory_space<vmem>> -> memref<1x128xi32, #tpu.memory_space<vmem>>
      %dma_wait3A_468 = tpu.memref_squeeze %dma_wait3A_467 : memref<1x128xi32, #tpu.memory_space<vmem>> -> memref<128xi32, #tpu.memory_space<vmem>>
      %dma_wait3A_469 = arith.constant 0 : i32
      %dma_wait3A_470 = arith.constant 0 : i32
      %dma_wait3A_471 = tpu.memref_slice %arg2[%dma_wait3A_469, %dma_wait3A_470] : memref<10000x32xf32, #tpu.memory_space<hbm>> -> memref<10000x32xf32, #tpu.memory_space<hbm>>
      tpu.wait_indirect_dma semaphore(%arg13 : memref<!tpu.dma_semaphore, #tpu.memory_space<semaphore_mem>>) src(%dma_wait3A_471 : memref<10000x32xf32, #tpu.memory_space<hbm>>) dst(%arg10 : memref<128x32xf32, #tpu.memory_space<vmem>>)
      %dma_wait3A_472 = arith.constant 15 : i32
      %dma_wait3A_473 = arith.constant 0 : i32
      %dma_wait3A_474 = tpu.memref_slice %arg9[%dma_wait3A_472, %dma_wait3A_473] : memref<19x128xi32, #tpu.memory_space<vmem>> -> memref<1x128xi32, #tpu.memory_space<vmem>>
      %dma_wait3A_475 = tpu.memref_squeeze %dma_wait3A_474 : memref<1x128xi32, #tpu.memory_space<vmem>> -> memref<128xi32, #tpu.memory_space<vmem>>
      %dma_wait3A_476 = arith.constant 0 : i32
      %dma_wait3A_477 = arith.constant 0 : i32
      %dma_wait3A_478 = tpu.memref_slice %arg12[%dma_wait3A_476, %dma_wait3A_477] : memref<10112x32xf32, #tpu.memory_space<vmem_shared>> -> memref<10112x32xf32, #tpu.memory_space<vmem_shared>>
      tpu.wait_indirect_dma semaphore(%arg16 : memref<!tpu.dma_semaphore, #tpu.memory_space<semaphore_mem>>) src(%arg11 : memref<128x32xf32, #tpu.memory_space<vmem>>) dst(%dma_wait3A_478 : memref<10112x32xf32, #tpu.memory_space<vmem_shared>>)
      %dma_start3A_479 = arith.constant 17 : i32
      %dma_start3A_480 = arith.constant 0 : i32
      %dma_start3A_481 = tpu.memref_slice %arg8[%dma_start3A_479, %dma_start3A_480] : memref<19x128xi32, #tpu.memory_space<vmem>> -> memref<1x128xi32, #tpu.memory_space<vmem>>
      %dma_start3A_482 = tpu.memref_squeeze %dma_start3A_481 : memref<1x128xi32, #tpu.memory_space<vmem>> -> memref<128xi32, #tpu.memory_space<vmem>>
      %dma_start3A_483 = arith.constant 0 : i32
      %dma_start3A_484 = arith.constant 0 : i32
      %dma_start3A_485 = tpu.memref_slice %arg2[%dma_start3A_483, %dma_start3A_484] : memref<10000x32xf32, #tpu.memory_space<hbm>> -> memref<10000x32xf32, #tpu.memory_space<hbm>>
      tpu.enqueue_indirect_dma source(%dma_start3A_485 : memref<10000x32xf32, #tpu.memory_space<hbm>>) target(%arg11 : memref<128x32xf32, #tpu.memory_space<vmem>>) offsets(%dma_start3A_482 : memref<128xi32, #tpu.memory_space<vmem>>) semaphore(%arg14 : memref<!tpu.dma_semaphore, #tpu.memory_space<semaphore_mem>>)
      %dma_start3A_486 = arith.constant 16 : i32
      %dma_start3A_487 = arith.constant 0 : i32
      %dma_start3A_488 = tpu.memref_slice %arg9[%dma_start3A_486, %dma_start3A_487] : memref<19x128xi32, #tpu.memory_space<vmem>> -> memref<1x128xi32, #tpu.memory_space<vmem>>
      %dma_start3A_489 = tpu.memref_squeeze %dma_start3A_488 : memref<1x128xi32, #tpu.memory_space<vmem>> -> memref<128xi32, #tpu.memory_space<vmem>>
      %dma_start3A_490 = arith.constant 0 : i32
      %dma_start3A_491 = arith.constant 0 : i32
      %dma_start3A_492 = tpu.memref_slice %arg12[%dma_start3A_490, %dma_start3A_491] : memref<10112x32xf32, #tpu.memory_space<vmem_shared>> -> memref<10112x32xf32, #tpu.memory_space<vmem_shared>>
      tpu.enqueue_indirect_dma source(%arg10 : memref<128x32xf32, #tpu.memory_space<vmem>>) target(%dma_start3A_492 : memref<10112x32xf32, #tpu.memory_space<vmem_shared>>) offsets(%dma_start3A_489 : memref<128xi32, #tpu.memory_space<vmem>>) semaphore(%arg15 : memref<!tpu.dma_semaphore, #tpu.memory_space<semaphore_mem>>) {add = true}
      %dma_wait3A_493 = arith.constant 17 : i32
      %dma_wait3A_494 = arith.constant 0 : i32
      %dma_wait3A_495 = tpu.memref_slice %arg8[%dma_wait3A_493, %dma_wait3A_494] : memref<19x128xi32, #tpu.memory_space<vmem>> -> memref<1x128xi32, #tpu.memory_space<vmem>>
      %dma_wait3A_496 = tpu.memref_squeeze %dma_wait3A_495 : memref<1x128xi32, #tpu.memory_space<vmem>> -> memref<128xi32, #tpu.memory_space<vmem>>
      %dma_wait3A_497 = arith.constant 0 : i32
      %dma_wait3A_498 = arith.constant 0 : i32
      %dma_wait3A_499 = tpu.memref_slice %arg2[%dma_wait3A_497, %dma_wait3A_498] : memref<10000x32xf32, #tpu.memory_space<hbm>> -> memref<10000x32xf32, #tpu.memory_space<hbm>>
      tpu.wait_indirect_dma semaphore(%arg14 : memref<!tpu.dma_semaphore, #tpu.memory_space<semaphore_mem>>) src(%dma_wait3A_499 : memref<10000x32xf32, #tpu.memory_space<hbm>>) dst(%arg11 : memref<128x32xf32, #tpu.memory_space<vmem>>)
      %dma_wait3A_500 = arith.constant 16 : i32
      %dma_wait3A_501 = arith.constant 0 : i32
      %dma_wait3A_502 = tpu.memref_slice %arg9[%dma_wait3A_500, %dma_wait3A_501] : memref<19x128xi32, #tpu.memory_space<vmem>> -> memref<1x128xi32, #tpu.memory_space<vmem>>
      %dma_wait3A_503 = tpu.memref_squeeze %dma_wait3A_502 : memref<1x128xi32, #tpu.memory_space<vmem>> -> memref<128xi32, #tpu.memory_space<vmem>>
      %dma_wait3A_504 = arith.constant 0 : i32
      %dma_wait3A_505 = arith.constant 0 : i32
      %dma_wait3A_506 = tpu.memref_slice %arg12[%dma_wait3A_504, %dma_wait3A_505] : memref<10112x32xf32, #tpu.memory_space<vmem_shared>> -> memref<10112x32xf32, #tpu.memory_space<vmem_shared>>
      tpu.wait_indirect_dma semaphore(%arg15 : memref<!tpu.dma_semaphore, #tpu.memory_space<semaphore_mem>>) src(%arg10 : memref<128x32xf32, #tpu.memory_space<vmem>>) dst(%dma_wait3A_506 : memref<10112x32xf32, #tpu.memory_space<vmem_shared>>)
      %dma_start3A_507 = arith.constant 18 : i32
      %dma_start3A_508 = arith.constant 0 : i32
      %dma_start3A_509 = tpu.memref_slice %arg8[%dma_start3A_507, %dma_start3A_508] : memref<19x128xi32, #tpu.memory_space<vmem>> -> memref<1x128xi32, #tpu.memory_space<vmem>>
      %dma_start3A_510 = tpu.memref_squeeze %dma_start3A_509 : memref<1x128xi32, #tpu.memory_space<vmem>> -> memref<128xi32, #tpu.memory_space<vmem>>
      %dma_start3A_511 = arith.constant 0 : i32
      %dma_start3A_512 = arith.constant 0 : i32
      %dma_start3A_513 = tpu.memref_slice %arg2[%dma_start3A_511, %dma_start3A_512] : memref<10000x32xf32, #tpu.memory_space<hbm>> -> memref<10000x32xf32, #tpu.memory_space<hbm>>
      tpu.enqueue_indirect_dma source(%dma_start3A_513 : memref<10000x32xf32, #tpu.memory_space<hbm>>) target(%arg10 : memref<128x32xf32, #tpu.memory_space<vmem>>) offsets(%dma_start3A_510 : memref<128xi32, #tpu.memory_space<vmem>>) semaphore(%arg13 : memref<!tpu.dma_semaphore, #tpu.memory_space<semaphore_mem>>)
      %dma_start3A_514 = arith.constant 17 : i32
      %dma_start3A_515 = arith.constant 0 : i32
      %dma_start3A_516 = tpu.memref_slice %arg9[%dma_start3A_514, %dma_start3A_515] : memref<19x128xi32, #tpu.memory_space<vmem>> -> memref<1x128xi32, #tpu.memory_space<vmem>>
      %dma_start3A_517 = tpu.memref_squeeze %dma_start3A_516 : memref<1x128xi32, #tpu.memory_space<vmem>> -> memref<128xi32, #tpu.memory_space<vmem>>
      %dma_start3A_518 = arith.constant 0 : i32
      %dma_start3A_519 = arith.constant 0 : i32
      %dma_start3A_520 = tpu.memref_slice %arg12[%dma_start3A_518, %dma_start3A_519] : memref<10112x32xf32, #tpu.memory_space<vmem_shared>> -> memref<10112x32xf32, #tpu.memory_space<vmem_shared>>
      tpu.enqueue_indirect_dma source(%arg11 : memref<128x32xf32, #tpu.memory_space<vmem>>) target(%dma_start3A_520 : memref<10112x32xf32, #tpu.memory_space<vmem_shared>>) offsets(%dma_start3A_517 : memref<128xi32, #tpu.memory_space<vmem>>) semaphore(%arg16 : memref<!tpu.dma_semaphore, #tpu.memory_space<semaphore_mem>>) {add = true}
      %dma_wait3A_521 = arith.constant 18 : i32
      %dma_wait3A_522 = arith.constant 0 : i32
      %dma_wait3A_523 = tpu.memref_slice %arg8[%dma_wait3A_521, %dma_wait3A_522] : memref<19x128xi32, #tpu.memory_space<vmem>> -> memref<1x128xi32, #tpu.memory_space<vmem>>
      %dma_wait3A_524 = tpu.memref_squeeze %dma_wait3A_523 : memref<1x128xi32, #tpu.memory_space<vmem>> -> memref<128xi32, #tpu.memory_space<vmem>>
      %dma_wait3A_525 = arith.constant 0 : i32
      %dma_wait3A_526 = arith.constant 0 : i32
      %dma_wait3A_527 = tpu.memref_slice %arg2[%dma_wait3A_525, %dma_wait3A_526] : memref<10000x32xf32, #tpu.memory_space<hbm>> -> memref<10000x32xf32, #tpu.memory_space<hbm>>
      tpu.wait_indirect_dma semaphore(%arg13 : memref<!tpu.dma_semaphore, #tpu.memory_space<semaphore_mem>>) src(%dma_wait3A_527 : memref<10000x32xf32, #tpu.memory_space<hbm>>) dst(%arg10 : memref<128x32xf32, #tpu.memory_space<vmem>>)
      %dma_start3A_528 = arith.constant 18 : i32
      %dma_start3A_529 = arith.constant 0 : i32
      %dma_start3A_530 = tpu.memref_slice %arg9[%dma_start3A_528, %dma_start3A_529] : memref<19x128xi32, #tpu.memory_space<vmem>> -> memref<1x128xi32, #tpu.memory_space<vmem>>
      %dma_start3A_531 = tpu.memref_squeeze %dma_start3A_530 : memref<1x128xi32, #tpu.memory_space<vmem>> -> memref<128xi32, #tpu.memory_space<vmem>>
      %dma_start3A_532 = arith.constant 0 : i32
      %dma_start3A_533 = arith.constant 0 : i32
      %dma_start3A_534 = tpu.memref_slice %arg12[%dma_start3A_532, %dma_start3A_533] : memref<10112x32xf32, #tpu.memory_space<vmem_shared>> -> memref<10112x32xf32, #tpu.memory_space<vmem_shared>>
      tpu.enqueue_indirect_dma source(%arg10 : memref<128x32xf32, #tpu.memory_space<vmem>>) target(%dma_start3A_534 : memref<10112x32xf32, #tpu.memory_space<vmem_shared>>) offsets(%dma_start3A_531 : memref<128xi32, #tpu.memory_space<vmem>>) semaphore(%arg15 : memref<!tpu.dma_semaphore, #tpu.memory_space<semaphore_mem>>) {add = true}
      %dma_wait3A_535 = arith.constant 18 : i32
      %dma_wait3A_536 = arith.constant 0 : i32
      %dma_wait3A_537 = tpu.memref_slice %arg9[%dma_wait3A_535, %dma_wait3A_536] : memref<19x128xi32, #tpu.memory_space<vmem>> -> memref<1x128xi32, #tpu.memory_space<vmem>>
      %dma_wait3A_538 = tpu.memref_squeeze %dma_wait3A_537 : memref<1x128xi32, #tpu.memory_space<vmem>> -> memref<128xi32, #tpu.memory_space<vmem>>
      %dma_wait3A_539 = arith.constant 0 : i32
      %dma_wait3A_540 = arith.constant 0 : i32
      %dma_wait3A_541 = tpu.memref_slice %arg12[%dma_wait3A_539, %dma_wait3A_540] : memref<10112x32xf32, #tpu.memory_space<vmem_shared>> -> memref<10112x32xf32, #tpu.memory_space<vmem_shared>>
      tpu.wait_indirect_dma semaphore(%arg15 : memref<!tpu.dma_semaphore, #tpu.memory_space<semaphore_mem>>) src(%arg10 : memref<128x32xf32, #tpu.memory_space<vmem>>) dst(%dma_wait3A_541 : memref<10112x32xf32, #tpu.memory_space<vmem_shared>>)
      %dma_wait3A_542 = arith.constant 17 : i32
      %dma_wait3A_543 = arith.constant 0 : i32
      %dma_wait3A_544 = tpu.memref_slice %arg9[%dma_wait3A_542, %dma_wait3A_543] : memref<19x128xi32, #tpu.memory_space<vmem>> -> memref<1x128xi32, #tpu.memory_space<vmem>>
      %dma_wait3A_545 = tpu.memref_squeeze %dma_wait3A_544 : memref<1x128xi32, #tpu.memory_space<vmem>> -> memref<128xi32, #tpu.memory_space<vmem>>
      %dma_wait3A_546 = arith.constant 0 : i32
      %dma_wait3A_547 = arith.constant 0 : i32
      %dma_wait3A_548 = tpu.memref_slice %arg12[%dma_wait3A_546, %dma_wait3A_547] : memref<10112x32xf32, #tpu.memory_space<vmem_shared>> -> memref<10112x32xf32, #tpu.memory_space<vmem_shared>>
      tpu.wait_indirect_dma semaphore(%arg16 : memref<!tpu.dma_semaphore, #tpu.memory_space<semaphore_mem>>) src(%arg11 : memref<128x32xf32, #tpu.memory_space<vmem>>) dst(%dma_wait3A_548 : memref<10112x32xf32, #tpu.memory_space<vmem_shared>>)
      %add3A_549 = arith.constant 1 : i32
      %add3A_550 = arith.addi %scan3A_24, %add3A_549 : i32
      %lt3A = arith.constant 4 : i32
      %lt3A_551 = arith.cmpi slt, %add3A_550, %lt3A : i32
      %convert_element_type3A_552 = arith.extui %lt3A_551 : i1 to i32
      %cond3A_553 = arith.constant 0 : i32
      %cond3A_554 = arith.cmpi ne, %convert_element_type3A_552, %cond3A_553 : i32
      scf.if %cond3A_554 {
        %add3A_555 = arith.addi %mul3A_4, %scan3A_24 : i32
        %add3A_556 = arith.constant 1 : i32
        %add3A_557 = arith.addi %add3A_555, %add3A_556 : i32
        "tpu.region"() ({
          %run_scoped3A = tpu.sem_alloc : memref<!tpu.dma_semaphore, #tpu.memory_space<semaphore_mem>>
          %dma_start3A_568 = arith.constant 0 : i32
          %dma_start3A_569 = arith.constant 0 : i32
          %dma_start3A_570 = tpu.memref_slice %arg3[%add3A_557, %dma_start3A_568, %dma_start3A_569] : memref<128x19x128xi32, #tpu.memory_space<hbm>> -> memref<1x19x128xi32, #tpu.memory_space<hbm>>
          %dma_start3A_571 = tpu.memref_squeeze %dma_start3A_570 : memref<1x19x128xi32, #tpu.memory_space<hbm>> -> memref<19x128xi32, #tpu.memory_space<hbm>>
          %dma_start3A_572 = arith.constant 0 : i32
          %dma_start3A_573 = arith.constant 0 : i32
          %dma_start3A_574 = tpu.memref_slice %arg3[%add3A_557, %dma_start3A_572, %dma_start3A_573] : memref<128x19x128xi32, #tpu.memory_space<hbm>> -> memref<1x19x128xi32, #tpu.memory_space<hbm>>
          %dma_start3A_575 = tpu.memref_squeeze %dma_start3A_574 : memref<1x19x128xi32, #tpu.memory_space<hbm>> -> memref<19x128xi32, #tpu.memory_space<hbm>>
          tpu.enqueue_dma source(%dma_start3A_575 : memref<19x128xi32, #tpu.memory_space<hbm>>) target(%arg8 : memref<19x128xi32, #tpu.memory_space<vmem>>) target_semaphore(%run_scoped3A : memref<!tpu.dma_semaphore, #tpu.memory_space<semaphore_mem>>)
          %dma_wait3A_576 = arith.constant 0 : i32
          %dma_wait3A_577 = arith.constant 0 : i32
          %dma_wait3A_578 = tpu.memref_slice %arg3[%add3A_557, %dma_wait3A_576, %dma_wait3A_577] : memref<128x19x128xi32, #tpu.memory_space<hbm>> -> memref<1x19x128xi32, #tpu.memory_space<hbm>>
          %dma_wait3A_579 = tpu.memref_squeeze %dma_wait3A_578 : memref<1x19x128xi32, #tpu.memory_space<hbm>> -> memref<19x128xi32, #tpu.memory_space<hbm>>
          %dma_wait3A_580 = arith.constant 0 : i32
          %dma_wait3A_581 = arith.constant 0 : i32
          %dma_wait3A_582 = tpu.memref_slice %arg3[%add3A_557, %dma_wait3A_580, %dma_wait3A_581] : memref<128x19x128xi32, #tpu.memory_space<hbm>> -> memref<1x19x128xi32, #tpu.memory_space<hbm>>
          %dma_wait3A_583 = tpu.memref_squeeze %dma_wait3A_582 : memref<1x19x128xi32, #tpu.memory_space<hbm>> -> memref<19x128xi32, #tpu.memory_space<hbm>>
          tpu.wait_dma2 semaphore(%run_scoped3A : memref<!tpu.dma_semaphore, #tpu.memory_space<semaphore_mem>>) src(%dma_wait3A_583 : memref<19x128xi32, #tpu.memory_space<hbm>>) dst(%arg8 : memref<19x128xi32, #tpu.memory_space<vmem>>)
          tpu.yield
        }) : () -> ()
        %add3A_558 = arith.addi %mul3A_4, %scan3A_24 : i32
        %add3A_559 = arith.constant 1 : i32
        %add3A_560 = arith.addi %add3A_558, %add3A_559 : i32
        "tpu.region"() ({
          %run_scoped3A = tpu.sem_alloc : memref<!tpu.dma_semaphore, #tpu.memory_space<semaphore_mem>>
          %dma_start3A_568 = arith.constant 0 : i32
          %dma_start3A_569 = arith.constant 0 : i32
          %dma_start3A_570 = tpu.memref_slice %arg4[%add3A_560, %dma_start3A_568, %dma_start3A_569] : memref<128x19x128xi32, #tpu.memory_space<hbm>> -> memref<1x19x128xi32, #tpu.memory_space<hbm>>
          %dma_start3A_571 = tpu.memref_squeeze %dma_start3A_570 : memref<1x19x128xi32, #tpu.memory_space<hbm>> -> memref<19x128xi32, #tpu.memory_space<hbm>>
          %dma_start3A_572 = arith.constant 0 : i32
          %dma_start3A_573 = arith.constant 0 : i32
          %dma_start3A_574 = tpu.memref_slice %arg4[%add3A_560, %dma_start3A_572, %dma_start3A_573] : memref<128x19x128xi32, #tpu.memory_space<hbm>> -> memref<1x19x128xi32, #tpu.memory_space<hbm>>
          %dma_start3A_575 = tpu.memref_squeeze %dma_start3A_574 : memref<1x19x128xi32, #tpu.memory_space<hbm>> -> memref<19x128xi32, #tpu.memory_space<hbm>>
          tpu.enqueue_dma source(%dma_start3A_575 : memref<19x128xi32, #tpu.memory_space<hbm>>) target(%arg9 : memref<19x128xi32, #tpu.memory_space<vmem>>) target_semaphore(%run_scoped3A : memref<!tpu.dma_semaphore, #tpu.memory_space<semaphore_mem>>)
          %dma_wait3A_576 = arith.constant 0 : i32
          %dma_wait3A_577 = arith.constant 0 : i32
          %dma_wait3A_578 = tpu.memref_slice %arg4[%add3A_560, %dma_wait3A_576, %dma_wait3A_577] : memref<128x19x128xi32, #tpu.memory_space<hbm>> -> memref<1x19x128xi32, #tpu.memory_space<hbm>>
          %dma_wait3A_579 = tpu.memref_squeeze %dma_wait3A_578 : memref<1x19x128xi32, #tpu.memory_space<hbm>> -> memref<19x128xi32, #tpu.memory_space<hbm>>
          %dma_wait3A_580 = arith.constant 0 : i32
          %dma_wait3A_581 = arith.constant 0 : i32
          %dma_wait3A_582 = tpu.memref_slice %arg4[%add3A_560, %dma_wait3A_580, %dma_wait3A_581] : memref<128x19x128xi32, #tpu.memory_space<hbm>> -> memref<1x19x128xi32, #tpu.memory_space<hbm>>
          %dma_wait3A_583 = tpu.memref_squeeze %dma_wait3A_582 : memref<1x19x128xi32, #tpu.memory_space<hbm>> -> memref<19x128xi32, #tpu.memory_space<hbm>>
          tpu.wait_dma2 semaphore(%run_scoped3A : memref<!tpu.dma_semaphore, #tpu.memory_space<semaphore_mem>>) src(%dma_wait3A_583 : memref<19x128xi32, #tpu.memory_space<hbm>>) dst(%arg9 : memref<19x128xi32, #tpu.memory_space<vmem>>)
          tpu.yield
        }) : () -> ()
        %dma_start3A_561 = arith.constant 0 : i32
        %dma_start3A_562 = arith.constant 0 : i32
        %dma_start3A_563 = tpu.memref_slice %arg8[%dma_start3A_561, %dma_start3A_562] : memref<19x128xi32, #tpu.memory_space<vmem>> -> memref<1x128xi32, #tpu.memory_space<vmem>>
        %dma_start3A_564 = tpu.memref_squeeze %dma_start3A_563 : memref<1x128xi32, #tpu.memory_space<vmem>> -> memref<128xi32, #tpu.memory_space<vmem>>
        %dma_start3A_565 = arith.constant 0 : i32
        %dma_start3A_566 = arith.constant 0 : i32
        %dma_start3A_567 = tpu.memref_slice %arg2[%dma_start3A_565, %dma_start3A_566] : memref<10000x32xf32, #tpu.memory_space<hbm>> -> memref<10000x32xf32, #tpu.memory_space<hbm>>
        tpu.enqueue_indirect_dma source(%dma_start3A_567 : memref<10000x32xf32, #tpu.memory_space<hbm>>) target(%arg10 : memref<128x32xf32, #tpu.memory_space<vmem>>) offsets(%dma_start3A_564 : memref<128xi32, #tpu.memory_space<vmem>>) semaphore(%arg13 : memref<!tpu.dma_semaphore, #tpu.memory_space<semaphore_mem>>)
      } else {
      }
    }
    %scan3A_15 = arith.constant 4 : i32
    %barrier3A_16 = arith.constant 0 : index
    tpu.barrier barrier_id(%barrier3A_16)
    %eq3A = arith.constant 0 : i32
    %eq3A_17 = arith.cmpi eq, %arg0, %eq3A : i32
    %convert_element_type3A = arith.extui %eq3A_17 : i1 to i32
    %cond3A = arith.constant 0 : i32
    %cond3A_18 = arith.cmpi ne, %convert_element_type3A, %cond3A : i32
    scf.if %cond3A_18 {
      "tpu.region"() ({
        %run_scoped3A = tpu.sem_alloc : memref<!tpu.dma_semaphore, #tpu.memory_space<semaphore_mem>>
        %dma_start3A_24 = arith.constant 0 : i32
        %dma_start3A_25 = tpu.memref_slice %arg6[%mul3A_0, %dma_start3A_24] : memref<10112x32xf32, #tpu.memory_space<hbm>> -> memref<632x32xf32, #tpu.memory_space<hbm>>
        %dma_start3A_26 = arith.constant 0 : i32
        %dma_start3A_27 = tpu.memref_slice %arg12[%mul3A_0, %dma_start3A_26] : memref<10112x32xf32, #tpu.memory_space<vmem_shared>> -> memref<632x32xf32, #tpu.memory_space<vmem_shared>>
        tpu.enqueue_dma source(%dma_start3A_27 : memref<632x32xf32, #tpu.memory_space<vmem_shared>>) target(%dma_start3A_25 : memref<632x32xf32, #tpu.memory_space<hbm>>) target_semaphore(%run_scoped3A : memref<!tpu.dma_semaphore, #tpu.memory_space<semaphore_mem>>)
        %dma_wait3A = arith.constant 0 : i32
        %dma_wait3A_28 = tpu.memref_slice %arg6[%mul3A_0, %dma_wait3A] : memref<10112x32xf32, #tpu.memory_space<hbm>> -> memref<632x32xf32, #tpu.memory_space<hbm>>
        %dma_wait3A_29 = arith.constant 0 : i32
        %dma_wait3A_30 = tpu.memref_slice %arg12[%mul3A_0, %dma_wait3A_29] : memref<10112x32xf32, #tpu.memory_space<vmem_shared>> -> memref<632x32xf32, #tpu.memory_space<vmem_shared>>
        tpu.wait_dma2 semaphore(%run_scoped3A : memref<!tpu.dma_semaphore, #tpu.memory_space<semaphore_mem>>) src(%dma_wait3A_30 : memref<632x32xf32, #tpu.memory_space<vmem_shared>>) dst(%dma_wait3A_28 : memref<632x32xf32, #tpu.memory_space<hbm>>)
        tpu.yield
      }) : () -> ()
    } else {
    }
    %eq3A_19 = arith.constant 1 : i32
    %eq3A_20 = arith.cmpi eq, %arg0, %eq3A_19 : i32
    %convert_element_type3A_21 = arith.extui %eq3A_20 : i1 to i32
    %cond3A_22 = arith.constant 0 : i32
    %cond3A_23 = arith.cmpi ne, %convert_element_type3A_21, %cond3A_22 : i32
    scf.if %cond3A_23 {
      "tpu.region"() ({
        %run_scoped3A = tpu.sem_alloc : memref<!tpu.dma_semaphore, #tpu.memory_space<semaphore_mem>>
        %dma_start3A_24 = arith.constant 0 : i32
        %dma_start3A_25 = tpu.memref_slice %arg7[%mul3A_0, %dma_start3A_24] : memref<10112x32xf32, #tpu.memory_space<hbm>> -> memref<632x32xf32, #tpu.memory_space<hbm>>
        %dma_start3A_26 = arith.constant 0 : i32
        %dma_start3A_27 = tpu.memref_slice %arg12[%mul3A_0, %dma_start3A_26] : memref<10112x32xf32, #tpu.memory_space<vmem_shared>> -> memref<632x32xf32, #tpu.memory_space<vmem_shared>>
        tpu.enqueue_dma source(%dma_start3A_27 : memref<632x32xf32, #tpu.memory_space<vmem_shared>>) target(%dma_start3A_25 : memref<632x32xf32, #tpu.memory_space<hbm>>) target_semaphore(%run_scoped3A : memref<!tpu.dma_semaphore, #tpu.memory_space<semaphore_mem>>)
        %dma_wait3A = arith.constant 0 : i32
        %dma_wait3A_28 = tpu.memref_slice %arg7[%mul3A_0, %dma_wait3A] : memref<10112x32xf32, #tpu.memory_space<hbm>> -> memref<632x32xf32, #tpu.memory_space<hbm>>
        %dma_wait3A_29 = arith.constant 0 : i32
        %dma_wait3A_30 = tpu.memref_slice %arg12[%mul3A_0, %dma_wait3A_29] : memref<10112x32xf32, #tpu.memory_space<vmem_shared>> -> memref<632x32xf32, #tpu.memory_space<vmem_shared>>
        tpu.wait_dma2 semaphore(%run_scoped3A : memref<!tpu.dma_semaphore, #tpu.memory_space<semaphore_mem>>) src(%dma_wait3A_30 : memref<632x32xf32, #tpu.memory_space<vmem_shared>>) dst(%dma_wait3A_28 : memref<632x32xf32, #tpu.memory_space<hbm>>)
        tpu.yield
      }) : () -> ()
    } else {
    }
    return
  }
}

#map = affine_map<(d0, d1) -> (0, 0)>
#map1 = affine_map<(d0, d1) -> (0, 0, 0)>
module attributes {stable_mosaic.version = 14 : i64} {
  func.func @phase1(%arg0: i32, %arg1: i32, %arg2: memref<40000x128xf32, #tpu.memory_space<hbm>>, %arg3: memref<10000x128xf32, #tpu.memory_space<hbm>>, %arg4: memref<128x19x128xi32, #tpu.memory_space<hbm>>, %arg5: memref<128x19x128xi32, #tpu.memory_space<hbm>>, %arg6: memref<128x19x128xi32, #tpu.memory_space<hbm>>, %arg7: memref<128x19x128xi32, #tpu.memory_space<hbm>>, %arg8: memref<10112x128xf32, #tpu.memory_space<hbm>>, %arg9: memref<10112x128xf32, #tpu.memory_space<hbm>>, %arg10: memref<10112x128xf32, #tpu.memory_space<hbm>>, %arg11: memref<19x128xi32, #tpu.memory_space<vmem>>, %arg12: memref<19x128xi32, #tpu.memory_space<vmem>>, %arg13: memref<128x128xf32, #tpu.memory_space<vmem>>, %arg14: memref<128x128xf32, #tpu.memory_space<vmem>>, %arg15: memref<10112x128xf32, #tpu.memory_space<vmem_shared>>, %arg16: memref<!tpu.dma_semaphore, #tpu.memory_space<semaphore_mem>>, %arg17: memref<!tpu.dma_semaphore, #tpu.memory_space<semaphore_mem>>, %arg18: memref<!tpu.dma_semaphore, #tpu.memory_space<semaphore_mem>>, %arg19: memref<!tpu.dma_semaphore, #tpu.memory_space<semaphore_mem>>) attributes {dimension_semantics = [#tpu.dimension_semantics<core_parallel>, #tpu.dimension_semantics<subcore_parallel>], iteration_bounds = array<i64: 2, 16>, scalar_prefetch = 0 : i64, scratch_operands = 9 : i64, tpu.core_type = #tpu.core_type<sc_vector_subcore>, window_params = [{transform_indices = #map}, {transform_indices = #map}, {transform_indices = #map1}, {transform_indices = #map1}, {transform_indices = #map1}, {transform_indices = #map1}, {transform_indices = #map}, {transform_indices = #map}, {transform_indices = #map}]} {
    %mul3A = arith.constant 632 : i32
    %mul3A_0 = arith.muli %arg1, %mul3A : i32
    %mul3A_1 = arith.constant 8 : i32
    %mul3A_2 = arith.muli %arg1, %mul3A_1 : i32
    "tpu.region"() ({
      %run_scoped3A = tpu.sem_alloc : memref<!tpu.dma_semaphore, #tpu.memory_space<semaphore_mem>>
      %dma_start3A = arith.constant 0 : i32
      %dma_start3A_21 = tpu.memref_slice %arg15[%mul3A_0, %dma_start3A] : memref<10112x128xf32, #tpu.memory_space<vmem_shared>> -> memref<632x128xf32, #tpu.memory_space<vmem_shared>>
      %dma_start3A_22 = arith.constant 0 : i32
      %dma_start3A_23 = tpu.memref_slice %arg8[%mul3A_0, %dma_start3A_22] : memref<10112x128xf32, #tpu.memory_space<hbm>> -> memref<632x128xf32, #tpu.memory_space<hbm>>
      tpu.enqueue_dma source(%dma_start3A_23 : memref<632x128xf32, #tpu.memory_space<hbm>>) target(%dma_start3A_21 : memref<632x128xf32, #tpu.memory_space<vmem_shared>>) target_semaphore(%run_scoped3A : memref<!tpu.dma_semaphore, #tpu.memory_space<semaphore_mem>>)
      %dma_wait3A = arith.constant 0 : i32
      %dma_wait3A_24 = tpu.memref_slice %arg15[%mul3A_0, %dma_wait3A] : memref<10112x128xf32, #tpu.memory_space<vmem_shared>> -> memref<632x128xf32, #tpu.memory_space<vmem_shared>>
      %dma_wait3A_25 = arith.constant 0 : i32
      %dma_wait3A_26 = tpu.memref_slice %arg8[%mul3A_0, %dma_wait3A_25] : memref<10112x128xf32, #tpu.memory_space<hbm>> -> memref<632x128xf32, #tpu.memory_space<hbm>>
      tpu.wait_dma2 semaphore(%run_scoped3A : memref<!tpu.dma_semaphore, #tpu.memory_space<semaphore_mem>>) src(%dma_wait3A_26 : memref<632x128xf32, #tpu.memory_space<hbm>>) dst(%dma_wait3A_24 : memref<632x128xf32, #tpu.memory_space<vmem_shared>>)
      tpu.yield
    }) : () -> ()
    %barrier3A = arith.constant 0 : index
    tpu.barrier barrier_id(%barrier3A)
    %eq3A = arith.constant 0 : i32
    %eq3A_3 = arith.cmpi eq, %arg0, %eq3A : i32
    %convert_element_type3A = arith.extui %eq3A_3 : i1 to i32
    %cond3A = arith.constant 0 : i32
    %cond3A_4 = arith.cmpi ne, %convert_element_type3A, %cond3A : i32
    scf.if %cond3A_4 {
      "tpu.region"() ({
        %run_scoped3A = tpu.sem_alloc : memref<!tpu.dma_semaphore, #tpu.memory_space<semaphore_mem>>
        %dma_start3A_32 = arith.constant 0 : i32
        %dma_start3A_33 = arith.constant 0 : i32
        %dma_start3A_34 = tpu.memref_slice %arg4[%mul3A_2, %dma_start3A_32, %dma_start3A_33] : memref<128x19x128xi32, #tpu.memory_space<hbm>> -> memref<1x19x128xi32, #tpu.memory_space<hbm>>
        %dma_start3A_35 = tpu.memref_squeeze %dma_start3A_34 : memref<1x19x128xi32, #tpu.memory_space<hbm>> -> memref<19x128xi32, #tpu.memory_space<hbm>>
        %dma_start3A_36 = arith.constant 0 : i32
        %dma_start3A_37 = arith.constant 0 : i32
        %dma_start3A_38 = tpu.memref_slice %arg4[%mul3A_2, %dma_start3A_36, %dma_start3A_37] : memref<128x19x128xi32, #tpu.memory_space<hbm>> -> memref<1x19x128xi32, #tpu.memory_space<hbm>>
        %dma_start3A_39 = tpu.memref_squeeze %dma_start3A_38 : memref<1x19x128xi32, #tpu.memory_space<hbm>> -> memref<19x128xi32, #tpu.memory_space<hbm>>
        tpu.enqueue_dma source(%dma_start3A_39 : memref<19x128xi32, #tpu.memory_space<hbm>>) target(%arg11 : memref<19x128xi32, #tpu.memory_space<vmem>>) target_semaphore(%run_scoped3A : memref<!tpu.dma_semaphore, #tpu.memory_space<semaphore_mem>>)
        %dma_wait3A = arith.constant 0 : i32
        %dma_wait3A_40 = arith.constant 0 : i32
        %dma_wait3A_41 = tpu.memref_slice %arg4[%mul3A_2, %dma_wait3A, %dma_wait3A_40] : memref<128x19x128xi32, #tpu.memory_space<hbm>> -> memref<1x19x128xi32, #tpu.memory_space<hbm>>
        %dma_wait3A_42 = tpu.memref_squeeze %dma_wait3A_41 : memref<1x19x128xi32, #tpu.memory_space<hbm>> -> memref<19x128xi32, #tpu.memory_space<hbm>>
        %dma_wait3A_43 = arith.constant 0 : i32
        %dma_wait3A_44 = arith.constant 0 : i32
        %dma_wait3A_45 = tpu.memref_slice %arg4[%mul3A_2, %dma_wait3A_43, %dma_wait3A_44] : memref<128x19x128xi32, #tpu.memory_space<hbm>> -> memref<1x19x128xi32, #tpu.memory_space<hbm>>
        %dma_wait3A_46 = tpu.memref_squeeze %dma_wait3A_45 : memref<1x19x128xi32, #tpu.memory_space<hbm>> -> memref<19x128xi32, #tpu.memory_space<hbm>>
        tpu.wait_dma2 semaphore(%run_scoped3A : memref<!tpu.dma_semaphore, #tpu.memory_space<semaphore_mem>>) src(%dma_wait3A_46 : memref<19x128xi32, #tpu.memory_space<hbm>>) dst(%arg11 : memref<19x128xi32, #tpu.memory_space<vmem>>)
        tpu.yield
      }) : () -> ()
      "tpu.region"() ({
        %run_scoped3A = tpu.sem_alloc : memref<!tpu.dma_semaphore, #tpu.memory_space<semaphore_mem>>
        %dma_start3A_32 = arith.constant 0 : i32
        %dma_start3A_33 = arith.constant 0 : i32
        %dma_start3A_34 = tpu.memref_slice %arg5[%mul3A_2, %dma_start3A_32, %dma_start3A_33] : memref<128x19x128xi32, #tpu.memory_space<hbm>> -> memref<1x19x128xi32, #tpu.memory_space<hbm>>
        %dma_start3A_35 = tpu.memref_squeeze %dma_start3A_34 : memref<1x19x128xi32, #tpu.memory_space<hbm>> -> memref<19x128xi32, #tpu.memory_space<hbm>>
        %dma_start3A_36 = arith.constant 0 : i32
        %dma_start3A_37 = arith.constant 0 : i32
        %dma_start3A_38 = tpu.memref_slice %arg5[%mul3A_2, %dma_start3A_36, %dma_start3A_37] : memref<128x19x128xi32, #tpu.memory_space<hbm>> -> memref<1x19x128xi32, #tpu.memory_space<hbm>>
        %dma_start3A_39 = tpu.memref_squeeze %dma_start3A_38 : memref<1x19x128xi32, #tpu.memory_space<hbm>> -> memref<19x128xi32, #tpu.memory_space<hbm>>
        tpu.enqueue_dma source(%dma_start3A_39 : memref<19x128xi32, #tpu.memory_space<hbm>>) target(%arg12 : memref<19x128xi32, #tpu.memory_space<vmem>>) target_semaphore(%run_scoped3A : memref<!tpu.dma_semaphore, #tpu.memory_space<semaphore_mem>>)
        %dma_wait3A = arith.constant 0 : i32
        %dma_wait3A_40 = arith.constant 0 : i32
        %dma_wait3A_41 = tpu.memref_slice %arg5[%mul3A_2, %dma_wait3A, %dma_wait3A_40] : memref<128x19x128xi32, #tpu.memory_space<hbm>> -> memref<1x19x128xi32, #tpu.memory_space<hbm>>
        %dma_wait3A_42 = tpu.memref_squeeze %dma_wait3A_41 : memref<1x19x128xi32, #tpu.memory_space<hbm>> -> memref<19x128xi32, #tpu.memory_space<hbm>>
        %dma_wait3A_43 = arith.constant 0 : i32
        %dma_wait3A_44 = arith.constant 0 : i32
        %dma_wait3A_45 = tpu.memref_slice %arg5[%mul3A_2, %dma_wait3A_43, %dma_wait3A_44] : memref<128x19x128xi32, #tpu.memory_space<hbm>> -> memref<1x19x128xi32, #tpu.memory_space<hbm>>
        %dma_wait3A_46 = tpu.memref_squeeze %dma_wait3A_45 : memref<1x19x128xi32, #tpu.memory_space<hbm>> -> memref<19x128xi32, #tpu.memory_space<hbm>>
        tpu.wait_dma2 semaphore(%run_scoped3A : memref<!tpu.dma_semaphore, #tpu.memory_space<semaphore_mem>>) src(%dma_wait3A_46 : memref<19x128xi32, #tpu.memory_space<hbm>>) dst(%arg12 : memref<19x128xi32, #tpu.memory_space<vmem>>)
        tpu.yield
      }) : () -> ()
      %dma_start3A = arith.constant 0 : i32
      %dma_start3A_21 = arith.constant 0 : i32
      %dma_start3A_22 = tpu.memref_slice %arg11[%dma_start3A, %dma_start3A_21] : memref<19x128xi32, #tpu.memory_space<vmem>> -> memref<1x128xi32, #tpu.memory_space<vmem>>
      %dma_start3A_23 = tpu.memref_squeeze %dma_start3A_22 : memref<1x128xi32, #tpu.memory_space<vmem>> -> memref<128xi32, #tpu.memory_space<vmem>>
      %dma_start3A_24 = arith.constant 0 : i32
      %dma_start3A_25 = arith.constant 0 : i32
      %dma_start3A_26 = tpu.memref_slice %arg2[%dma_start3A_24, %dma_start3A_25] : memref<40000x128xf32, #tpu.memory_space<hbm>> -> memref<40000x128xf32, #tpu.memory_space<hbm>>
      tpu.enqueue_indirect_dma source(%dma_start3A_26 : memref<40000x128xf32, #tpu.memory_space<hbm>>) target(%arg13 : memref<128x128xf32, #tpu.memory_space<vmem>>) offsets(%dma_start3A_23 : memref<128xi32, #tpu.memory_space<vmem>>) semaphore(%arg16 : memref<!tpu.dma_semaphore, #tpu.memory_space<semaphore_mem>>)
      %scan3A = arith.constant 0 : i32
      %scan3A_27 = arith.constant 0 : i32
      %scan3A_28 = arith.constant 8 : i32
      %scan3A_29 = arith.addi %scan3A_27, %scan3A_28 : i32
      %scan3A_30 = arith.constant 1 : i32
      scf.for %scan3A_32 = %scan3A_27 to %scan3A_29 step %scan3A_30  : i32 {
        %dma_wait3A = arith.constant 0 : i32
        %dma_wait3A_33 = arith.constant 0 : i32
        %dma_wait3A_34 = tpu.memref_slice %arg11[%dma_wait3A, %dma_wait3A_33] : memref<19x128xi32, #tpu.memory_space<vmem>> -> memref<1x128xi32, #tpu.memory_space<vmem>>
        %dma_wait3A_35 = tpu.memref_squeeze %dma_wait3A_34 : memref<1x128xi32, #tpu.memory_space<vmem>> -> memref<128xi32, #tpu.memory_space<vmem>>
        %dma_wait3A_36 = arith.constant 0 : i32
        %dma_wait3A_37 = arith.constant 0 : i32
        %dma_wait3A_38 = tpu.memref_slice %arg2[%dma_wait3A_36, %dma_wait3A_37] : memref<40000x128xf32, #tpu.memory_space<hbm>> -> memref<40000x128xf32, #tpu.memory_space<hbm>>
        tpu.wait_indirect_dma semaphore(%arg16 : memref<!tpu.dma_semaphore, #tpu.memory_space<semaphore_mem>>) src(%dma_wait3A_38 : memref<40000x128xf32, #tpu.memory_space<hbm>>) dst(%arg13 : memref<128x128xf32, #tpu.memory_space<vmem>>)
        %dma_start3A_39 = arith.constant 1 : i32
        %dma_start3A_40 = arith.constant 0 : i32
        %dma_start3A_41 = tpu.memref_slice %arg11[%dma_start3A_39, %dma_start3A_40] : memref<19x128xi32, #tpu.memory_space<vmem>> -> memref<1x128xi32, #tpu.memory_space<vmem>>
        %dma_start3A_42 = tpu.memref_squeeze %dma_start3A_41 : memref<1x128xi32, #tpu.memory_space<vmem>> -> memref<128xi32, #tpu.memory_space<vmem>>
        %dma_start3A_43 = arith.constant 0 : i32
        %dma_start3A_44 = arith.constant 0 : i32
        %dma_start3A_45 = tpu.memref_slice %arg2[%dma_start3A_43, %dma_start3A_44] : memref<40000x128xf32, #tpu.memory_space<hbm>> -> memref<40000x128xf32, #tpu.memory_space<hbm>>
        tpu.enqueue_indirect_dma source(%dma_start3A_45 : memref<40000x128xf32, #tpu.memory_space<hbm>>) target(%arg14 : memref<128x128xf32, #tpu.memory_space<vmem>>) offsets(%dma_start3A_42 : memref<128xi32, #tpu.memory_space<vmem>>) semaphore(%arg17 : memref<!tpu.dma_semaphore, #tpu.memory_space<semaphore_mem>>)
        %dma_start3A_46 = arith.constant 0 : i32
        %dma_start3A_47 = arith.constant 0 : i32
        %dma_start3A_48 = tpu.memref_slice %arg12[%dma_start3A_46, %dma_start3A_47] : memref<19x128xi32, #tpu.memory_space<vmem>> -> memref<1x128xi32, #tpu.memory_space<vmem>>
        %dma_start3A_49 = tpu.memref_squeeze %dma_start3A_48 : memref<1x128xi32, #tpu.memory_space<vmem>> -> memref<128xi32, #tpu.memory_space<vmem>>
        %dma_start3A_50 = arith.constant 0 : i32
        %dma_start3A_51 = arith.constant 0 : i32
        %dma_start3A_52 = tpu.memref_slice %arg15[%dma_start3A_50, %dma_start3A_51] : memref<10112x128xf32, #tpu.memory_space<vmem_shared>> -> memref<10112x128xf32, #tpu.memory_space<vmem_shared>>
        tpu.enqueue_indirect_dma source(%arg13 : memref<128x128xf32, #tpu.memory_space<vmem>>) target(%dma_start3A_52 : memref<10112x128xf32, #tpu.memory_space<vmem_shared>>) offsets(%dma_start3A_49 : memref<128xi32, #tpu.memory_space<vmem>>) semaphore(%arg18 : memref<!tpu.dma_semaphore, #tpu.memory_space<semaphore_mem>>) {add = true}
        %dma_wait3A_53 = arith.constant 1 : i32
        %dma_wait3A_54 = arith.constant 0 : i32
        %dma_wait3A_55 = tpu.memref_slice %arg11[%dma_wait3A_53, %dma_wait3A_54] : memref<19x128xi32, #tpu.memory_space<vmem>> -> memref<1x128xi32, #tpu.memory_space<vmem>>
        %dma_wait3A_56 = tpu.memref_squeeze %dma_wait3A_55 : memref<1x128xi32, #tpu.memory_space<vmem>> -> memref<128xi32, #tpu.memory_space<vmem>>
        %dma_wait3A_57 = arith.constant 0 : i32
        %dma_wait3A_58 = arith.constant 0 : i32
        %dma_wait3A_59 = tpu.memref_slice %arg2[%dma_wait3A_57, %dma_wait3A_58] : memref<40000x128xf32, #tpu.memory_space<hbm>> -> memref<40000x128xf32, #tpu.memory_space<hbm>>
        tpu.wait_indirect_dma semaphore(%arg17 : memref<!tpu.dma_semaphore, #tpu.memory_space<semaphore_mem>>) src(%dma_wait3A_59 : memref<40000x128xf32, #tpu.memory_space<hbm>>) dst(%arg14 : memref<128x128xf32, #tpu.memory_space<vmem>>)
        %dma_wait3A_60 = arith.constant 0 : i32
        %dma_wait3A_61 = arith.constant 0 : i32
        %dma_wait3A_62 = tpu.memref_slice %arg12[%dma_wait3A_60, %dma_wait3A_61] : memref<19x128xi32, #tpu.memory_space<vmem>> -> memref<1x128xi32, #tpu.memory_space<vmem>>
        %dma_wait3A_63 = tpu.memref_squeeze %dma_wait3A_62 : memref<1x128xi32, #tpu.memory_space<vmem>> -> memref<128xi32, #tpu.memory_space<vmem>>
        %dma_wait3A_64 = arith.constant 0 : i32
        %dma_wait3A_65 = arith.constant 0 : i32
        %dma_wait3A_66 = tpu.memref_slice %arg15[%dma_wait3A_64, %dma_wait3A_65] : memref<10112x128xf32, #tpu.memory_space<vmem_shared>> -> memref<10112x128xf32, #tpu.memory_space<vmem_shared>>
        tpu.wait_indirect_dma semaphore(%arg18 : memref<!tpu.dma_semaphore, #tpu.memory_space<semaphore_mem>>) src(%arg13 : memref<128x128xf32, #tpu.memory_space<vmem>>) dst(%dma_wait3A_66 : memref<10112x128xf32, #tpu.memory_space<vmem_shared>>)
        %dma_start3A_67 = arith.constant 2 : i32
        %dma_start3A_68 = arith.constant 0 : i32
        %dma_start3A_69 = tpu.memref_slice %arg11[%dma_start3A_67, %dma_start3A_68] : memref<19x128xi32, #tpu.memory_space<vmem>> -> memref<1x128xi32, #tpu.memory_space<vmem>>
        %dma_start3A_70 = tpu.memref_squeeze %dma_start3A_69 : memref<1x128xi32, #tpu.memory_space<vmem>> -> memref<128xi32, #tpu.memory_space<vmem>>
        %dma_start3A_71 = arith.constant 0 : i32
        %dma_start3A_72 = arith.constant 0 : i32
        %dma_start3A_73 = tpu.memref_slice %arg2[%dma_start3A_71, %dma_start3A_72] : memref<40000x128xf32, #tpu.memory_space<hbm>> -> memref<40000x128xf32, #tpu.memory_space<hbm>>
        tpu.enqueue_indirect_dma source(%dma_start3A_73 : memref<40000x128xf32, #tpu.memory_space<hbm>>) target(%arg13 : memref<128x128xf32, #tpu.memory_space<vmem>>) offsets(%dma_start3A_70 : memref<128xi32, #tpu.memory_space<vmem>>) semaphore(%arg16 : memref<!tpu.dma_semaphore, #tpu.memory_space<semaphore_mem>>)
        %dma_start3A_74 = arith.constant 1 : i32
        %dma_start3A_75 = arith.constant 0 : i32
        %dma_start3A_76 = tpu.memref_slice %arg12[%dma_start3A_74, %dma_start3A_75] : memref<19x128xi32, #tpu.memory_space<vmem>> -> memref<1x128xi32, #tpu.memory_space<vmem>>
        %dma_start3A_77 = tpu.memref_squeeze %dma_start3A_76 : memref<1x128xi32, #tpu.memory_space<vmem>> -> memref<128xi32, #tpu.memory_space<vmem>>
        %dma_start3A_78 = arith.constant 0 : i32
        %dma_start3A_79 = arith.constant 0 : i32
        %dma_start3A_80 = tpu.memref_slice %arg15[%dma_start3A_78, %dma_start3A_79] : memref<10112x128xf32, #tpu.memory_space<vmem_shared>> -> memref<10112x128xf32, #tpu.memory_space<vmem_shared>>
        tpu.enqueue_indirect_dma source(%arg14 : memref<128x128xf32, #tpu.memory_space<vmem>>) target(%dma_start3A_80 : memref<10112x128xf32, #tpu.memory_space<vmem_shared>>) offsets(%dma_start3A_77 : memref<128xi32, #tpu.memory_space<vmem>>) semaphore(%arg19 : memref<!tpu.dma_semaphore, #tpu.memory_space<semaphore_mem>>) {add = true}
        %dma_wait3A_81 = arith.constant 2 : i32
        %dma_wait3A_82 = arith.constant 0 : i32
        %dma_wait3A_83 = tpu.memref_slice %arg11[%dma_wait3A_81, %dma_wait3A_82] : memref<19x128xi32, #tpu.memory_space<vmem>> -> memref<1x128xi32, #tpu.memory_space<vmem>>
        %dma_wait3A_84 = tpu.memref_squeeze %dma_wait3A_83 : memref<1x128xi32, #tpu.memory_space<vmem>> -> memref<128xi32, #tpu.memory_space<vmem>>
        %dma_wait3A_85 = arith.constant 0 : i32
        %dma_wait3A_86 = arith.constant 0 : i32
        %dma_wait3A_87 = tpu.memref_slice %arg2[%dma_wait3A_85, %dma_wait3A_86] : memref<40000x128xf32, #tpu.memory_space<hbm>> -> memref<40000x128xf32, #tpu.memory_space<hbm>>
        tpu.wait_indirect_dma semaphore(%arg16 : memref<!tpu.dma_semaphore, #tpu.memory_space<semaphore_mem>>) src(%dma_wait3A_87 : memref<40000x128xf32, #tpu.memory_space<hbm>>) dst(%arg13 : memref<128x128xf32, #tpu.memory_space<vmem>>)
        %dma_wait3A_88 = arith.constant 1 : i32
        %dma_wait3A_89 = arith.constant 0 : i32
        %dma_wait3A_90 = tpu.memref_slice %arg12[%dma_wait3A_88, %dma_wait3A_89] : memref<19x128xi32, #tpu.memory_space<vmem>> -> memref<1x128xi32, #tpu.memory_space<vmem>>
        %dma_wait3A_91 = tpu.memref_squeeze %dma_wait3A_90 : memref<1x128xi32, #tpu.memory_space<vmem>> -> memref<128xi32, #tpu.memory_space<vmem>>
        %dma_wait3A_92 = arith.constant 0 : i32
        %dma_wait3A_93 = arith.constant 0 : i32
        %dma_wait3A_94 = tpu.memref_slice %arg15[%dma_wait3A_92, %dma_wait3A_93] : memref<10112x128xf32, #tpu.memory_space<vmem_shared>> -> memref<10112x128xf32, #tpu.memory_space<vmem_shared>>
        tpu.wait_indirect_dma semaphore(%arg19 : memref<!tpu.dma_semaphore, #tpu.memory_space<semaphore_mem>>) src(%arg14 : memref<128x128xf32, #tpu.memory_space<vmem>>) dst(%dma_wait3A_94 : memref<10112x128xf32, #tpu.memory_space<vmem_shared>>)
        %dma_start3A_95 = arith.constant 3 : i32
        %dma_start3A_96 = arith.constant 0 : i32
        %dma_start3A_97 = tpu.memref_slice %arg11[%dma_start3A_95, %dma_start3A_96] : memref<19x128xi32, #tpu.memory_space<vmem>> -> memref<1x128xi32, #tpu.memory_space<vmem>>
        %dma_start3A_98 = tpu.memref_squeeze %dma_start3A_97 : memref<1x128xi32, #tpu.memory_space<vmem>> -> memref<128xi32, #tpu.memory_space<vmem>>
        %dma_start3A_99 = arith.constant 0 : i32
        %dma_start3A_100 = arith.constant 0 : i32
        %dma_start3A_101 = tpu.memref_slice %arg2[%dma_start3A_99, %dma_start3A_100] : memref<40000x128xf32, #tpu.memory_space<hbm>> -> memref<40000x128xf32, #tpu.memory_space<hbm>>
        tpu.enqueue_indirect_dma source(%dma_start3A_101 : memref<40000x128xf32, #tpu.memory_space<hbm>>) target(%arg14 : memref<128x128xf32, #tpu.memory_space<vmem>>) offsets(%dma_start3A_98 : memref<128xi32, #tpu.memory_space<vmem>>) semaphore(%arg17 : memref<!tpu.dma_semaphore, #tpu.memory_space<semaphore_mem>>)
        %dma_start3A_102 = arith.constant 2 : i32
        %dma_start3A_103 = arith.constant 0 : i32
        %dma_start3A_104 = tpu.memref_slice %arg12[%dma_start3A_102, %dma_start3A_103] : memref<19x128xi32, #tpu.memory_space<vmem>> -> memref<1x128xi32, #tpu.memory_space<vmem>>
        %dma_start3A_105 = tpu.memref_squeeze %dma_start3A_104 : memref<1x128xi32, #tpu.memory_space<vmem>> -> memref<128xi32, #tpu.memory_space<vmem>>
        %dma_start3A_106 = arith.constant 0 : i32
        %dma_start3A_107 = arith.constant 0 : i32
        %dma_start3A_108 = tpu.memref_slice %arg15[%dma_start3A_106, %dma_start3A_107] : memref<10112x128xf32, #tpu.memory_space<vmem_shared>> -> memref<10112x128xf32, #tpu.memory_space<vmem_shared>>
        tpu.enqueue_indirect_dma source(%arg13 : memref<128x128xf32, #tpu.memory_space<vmem>>) target(%dma_start3A_108 : memref<10112x128xf32, #tpu.memory_space<vmem_shared>>) offsets(%dma_start3A_105 : memref<128xi32, #tpu.memory_space<vmem>>) semaphore(%arg18 : memref<!tpu.dma_semaphore, #tpu.memory_space<semaphore_mem>>) {add = true}
        %dma_wait3A_109 = arith.constant 3 : i32
        %dma_wait3A_110 = arith.constant 0 : i32
        %dma_wait3A_111 = tpu.memref_slice %arg11[%dma_wait3A_109, %dma_wait3A_110] : memref<19x128xi32, #tpu.memory_space<vmem>> -> memref<1x128xi32, #tpu.memory_space<vmem>>
        %dma_wait3A_112 = tpu.memref_squeeze %dma_wait3A_111 : memref<1x128xi32, #tpu.memory_space<vmem>> -> memref<128xi32, #tpu.memory_space<vmem>>
        %dma_wait3A_113 = arith.constant 0 : i32
        %dma_wait3A_114 = arith.constant 0 : i32
        %dma_wait3A_115 = tpu.memref_slice %arg2[%dma_wait3A_113, %dma_wait3A_114] : memref<40000x128xf32, #tpu.memory_space<hbm>> -> memref<40000x128xf32, #tpu.memory_space<hbm>>
        tpu.wait_indirect_dma semaphore(%arg17 : memref<!tpu.dma_semaphore, #tpu.memory_space<semaphore_mem>>) src(%dma_wait3A_115 : memref<40000x128xf32, #tpu.memory_space<hbm>>) dst(%arg14 : memref<128x128xf32, #tpu.memory_space<vmem>>)
        %dma_wait3A_116 = arith.constant 2 : i32
        %dma_wait3A_117 = arith.constant 0 : i32
        %dma_wait3A_118 = tpu.memref_slice %arg12[%dma_wait3A_116, %dma_wait3A_117] : memref<19x128xi32, #tpu.memory_space<vmem>> -> memref<1x128xi32, #tpu.memory_space<vmem>>
        %dma_wait3A_119 = tpu.memref_squeeze %dma_wait3A_118 : memref<1x128xi32, #tpu.memory_space<vmem>> -> memref<128xi32, #tpu.memory_space<vmem>>
        %dma_wait3A_120 = arith.constant 0 : i32
        %dma_wait3A_121 = arith.constant 0 : i32
        %dma_wait3A_122 = tpu.memref_slice %arg15[%dma_wait3A_120, %dma_wait3A_121] : memref<10112x128xf32, #tpu.memory_space<vmem_shared>> -> memref<10112x128xf32, #tpu.memory_space<vmem_shared>>
        tpu.wait_indirect_dma semaphore(%arg18 : memref<!tpu.dma_semaphore, #tpu.memory_space<semaphore_mem>>) src(%arg13 : memref<128x128xf32, #tpu.memory_space<vmem>>) dst(%dma_wait3A_122 : memref<10112x128xf32, #tpu.memory_space<vmem_shared>>)
        %dma_start3A_123 = arith.constant 4 : i32
        %dma_start3A_124 = arith.constant 0 : i32
        %dma_start3A_125 = tpu.memref_slice %arg11[%dma_start3A_123, %dma_start3A_124] : memref<19x128xi32, #tpu.memory_space<vmem>> -> memref<1x128xi32, #tpu.memory_space<vmem>>
        %dma_start3A_126 = tpu.memref_squeeze %dma_start3A_125 : memref<1x128xi32, #tpu.memory_space<vmem>> -> memref<128xi32, #tpu.memory_space<vmem>>
        %dma_start3A_127 = arith.constant 0 : i32
        %dma_start3A_128 = arith.constant 0 : i32
        %dma_start3A_129 = tpu.memref_slice %arg2[%dma_start3A_127, %dma_start3A_128] : memref<40000x128xf32, #tpu.memory_space<hbm>> -> memref<40000x128xf32, #tpu.memory_space<hbm>>
        tpu.enqueue_indirect_dma source(%dma_start3A_129 : memref<40000x128xf32, #tpu.memory_space<hbm>>) target(%arg13 : memref<128x128xf32, #tpu.memory_space<vmem>>) offsets(%dma_start3A_126 : memref<128xi32, #tpu.memory_space<vmem>>) semaphore(%arg16 : memref<!tpu.dma_semaphore, #tpu.memory_space<semaphore_mem>>)
        %dma_start3A_130 = arith.constant 3 : i32
        %dma_start3A_131 = arith.constant 0 : i32
        %dma_start3A_132 = tpu.memref_slice %arg12[%dma_start3A_130, %dma_start3A_131] : memref<19x128xi32, #tpu.memory_space<vmem>> -> memref<1x128xi32, #tpu.memory_space<vmem>>
        %dma_start3A_133 = tpu.memref_squeeze %dma_start3A_132 : memref<1x128xi32, #tpu.memory_space<vmem>> -> memref<128xi32, #tpu.memory_space<vmem>>
        %dma_start3A_134 = arith.constant 0 : i32
        %dma_start3A_135 = arith.constant 0 : i32
        %dma_start3A_136 = tpu.memref_slice %arg15[%dma_start3A_134, %dma_start3A_135] : memref<10112x128xf32, #tpu.memory_space<vmem_shared>> -> memref<10112x128xf32, #tpu.memory_space<vmem_shared>>
        tpu.enqueue_indirect_dma source(%arg14 : memref<128x128xf32, #tpu.memory_space<vmem>>) target(%dma_start3A_136 : memref<10112x128xf32, #tpu.memory_space<vmem_shared>>) offsets(%dma_start3A_133 : memref<128xi32, #tpu.memory_space<vmem>>) semaphore(%arg19 : memref<!tpu.dma_semaphore, #tpu.memory_space<semaphore_mem>>) {add = true}
        %dma_wait3A_137 = arith.constant 4 : i32
        %dma_wait3A_138 = arith.constant 0 : i32
        %dma_wait3A_139 = tpu.memref_slice %arg11[%dma_wait3A_137, %dma_wait3A_138] : memref<19x128xi32, #tpu.memory_space<vmem>> -> memref<1x128xi32, #tpu.memory_space<vmem>>
        %dma_wait3A_140 = tpu.memref_squeeze %dma_wait3A_139 : memref<1x128xi32, #tpu.memory_space<vmem>> -> memref<128xi32, #tpu.memory_space<vmem>>
        %dma_wait3A_141 = arith.constant 0 : i32
        %dma_wait3A_142 = arith.constant 0 : i32
        %dma_wait3A_143 = tpu.memref_slice %arg2[%dma_wait3A_141, %dma_wait3A_142] : memref<40000x128xf32, #tpu.memory_space<hbm>> -> memref<40000x128xf32, #tpu.memory_space<hbm>>
        tpu.wait_indirect_dma semaphore(%arg16 : memref<!tpu.dma_semaphore, #tpu.memory_space<semaphore_mem>>) src(%dma_wait3A_143 : memref<40000x128xf32, #tpu.memory_space<hbm>>) dst(%arg13 : memref<128x128xf32, #tpu.memory_space<vmem>>)
        %dma_wait3A_144 = arith.constant 3 : i32
        %dma_wait3A_145 = arith.constant 0 : i32
        %dma_wait3A_146 = tpu.memref_slice %arg12[%dma_wait3A_144, %dma_wait3A_145] : memref<19x128xi32, #tpu.memory_space<vmem>> -> memref<1x128xi32, #tpu.memory_space<vmem>>
        %dma_wait3A_147 = tpu.memref_squeeze %dma_wait3A_146 : memref<1x128xi32, #tpu.memory_space<vmem>> -> memref<128xi32, #tpu.memory_space<vmem>>
        %dma_wait3A_148 = arith.constant 0 : i32
        %dma_wait3A_149 = arith.constant 0 : i32
        %dma_wait3A_150 = tpu.memref_slice %arg15[%dma_wait3A_148, %dma_wait3A_149] : memref<10112x128xf32, #tpu.memory_space<vmem_shared>> -> memref<10112x128xf32, #tpu.memory_space<vmem_shared>>
        tpu.wait_indirect_dma semaphore(%arg19 : memref<!tpu.dma_semaphore, #tpu.memory_space<semaphore_mem>>) src(%arg14 : memref<128x128xf32, #tpu.memory_space<vmem>>) dst(%dma_wait3A_150 : memref<10112x128xf32, #tpu.memory_space<vmem_shared>>)
        %dma_start3A_151 = arith.constant 5 : i32
        %dma_start3A_152 = arith.constant 0 : i32
        %dma_start3A_153 = tpu.memref_slice %arg11[%dma_start3A_151, %dma_start3A_152] : memref<19x128xi32, #tpu.memory_space<vmem>> -> memref<1x128xi32, #tpu.memory_space<vmem>>
        %dma_start3A_154 = tpu.memref_squeeze %dma_start3A_153 : memref<1x128xi32, #tpu.memory_space<vmem>> -> memref<128xi32, #tpu.memory_space<vmem>>
        %dma_start3A_155 = arith.constant 0 : i32
        %dma_start3A_156 = arith.constant 0 : i32
        %dma_start3A_157 = tpu.memref_slice %arg2[%dma_start3A_155, %dma_start3A_156] : memref<40000x128xf32, #tpu.memory_space<hbm>> -> memref<40000x128xf32, #tpu.memory_space<hbm>>
        tpu.enqueue_indirect_dma source(%dma_start3A_157 : memref<40000x128xf32, #tpu.memory_space<hbm>>) target(%arg14 : memref<128x128xf32, #tpu.memory_space<vmem>>) offsets(%dma_start3A_154 : memref<128xi32, #tpu.memory_space<vmem>>) semaphore(%arg17 : memref<!tpu.dma_semaphore, #tpu.memory_space<semaphore_mem>>)
        %dma_start3A_158 = arith.constant 4 : i32
        %dma_start3A_159 = arith.constant 0 : i32
        %dma_start3A_160 = tpu.memref_slice %arg12[%dma_start3A_158, %dma_start3A_159] : memref<19x128xi32, #tpu.memory_space<vmem>> -> memref<1x128xi32, #tpu.memory_space<vmem>>
        %dma_start3A_161 = tpu.memref_squeeze %dma_start3A_160 : memref<1x128xi32, #tpu.memory_space<vmem>> -> memref<128xi32, #tpu.memory_space<vmem>>
        %dma_start3A_162 = arith.constant 0 : i32
        %dma_start3A_163 = arith.constant 0 : i32
        %dma_start3A_164 = tpu.memref_slice %arg15[%dma_start3A_162, %dma_start3A_163] : memref<10112x128xf32, #tpu.memory_space<vmem_shared>> -> memref<10112x128xf32, #tpu.memory_space<vmem_shared>>
        tpu.enqueue_indirect_dma source(%arg13 : memref<128x128xf32, #tpu.memory_space<vmem>>) target(%dma_start3A_164 : memref<10112x128xf32, #tpu.memory_space<vmem_shared>>) offsets(%dma_start3A_161 : memref<128xi32, #tpu.memory_space<vmem>>) semaphore(%arg18 : memref<!tpu.dma_semaphore, #tpu.memory_space<semaphore_mem>>) {add = true}
        %dma_wait3A_165 = arith.constant 5 : i32
        %dma_wait3A_166 = arith.constant 0 : i32
        %dma_wait3A_167 = tpu.memref_slice %arg11[%dma_wait3A_165, %dma_wait3A_166] : memref<19x128xi32, #tpu.memory_space<vmem>> -> memref<1x128xi32, #tpu.memory_space<vmem>>
        %dma_wait3A_168 = tpu.memref_squeeze %dma_wait3A_167 : memref<1x128xi32, #tpu.memory_space<vmem>> -> memref<128xi32, #tpu.memory_space<vmem>>
        %dma_wait3A_169 = arith.constant 0 : i32
        %dma_wait3A_170 = arith.constant 0 : i32
        %dma_wait3A_171 = tpu.memref_slice %arg2[%dma_wait3A_169, %dma_wait3A_170] : memref<40000x128xf32, #tpu.memory_space<hbm>> -> memref<40000x128xf32, #tpu.memory_space<hbm>>
        tpu.wait_indirect_dma semaphore(%arg17 : memref<!tpu.dma_semaphore, #tpu.memory_space<semaphore_mem>>) src(%dma_wait3A_171 : memref<40000x128xf32, #tpu.memory_space<hbm>>) dst(%arg14 : memref<128x128xf32, #tpu.memory_space<vmem>>)
        %dma_wait3A_172 = arith.constant 4 : i32
        %dma_wait3A_173 = arith.constant 0 : i32
        %dma_wait3A_174 = tpu.memref_slice %arg12[%dma_wait3A_172, %dma_wait3A_173] : memref<19x128xi32, #tpu.memory_space<vmem>> -> memref<1x128xi32, #tpu.memory_space<vmem>>
        %dma_wait3A_175 = tpu.memref_squeeze %dma_wait3A_174 : memref<1x128xi32, #tpu.memory_space<vmem>> -> memref<128xi32, #tpu.memory_space<vmem>>
        %dma_wait3A_176 = arith.constant 0 : i32
        %dma_wait3A_177 = arith.constant 0 : i32
        %dma_wait3A_178 = tpu.memref_slice %arg15[%dma_wait3A_176, %dma_wait3A_177] : memref<10112x128xf32, #tpu.memory_space<vmem_shared>> -> memref<10112x128xf32, #tpu.memory_space<vmem_shared>>
        tpu.wait_indirect_dma semaphore(%arg18 : memref<!tpu.dma_semaphore, #tpu.memory_space<semaphore_mem>>) src(%arg13 : memref<128x128xf32, #tpu.memory_space<vmem>>) dst(%dma_wait3A_178 : memref<10112x128xf32, #tpu.memory_space<vmem_shared>>)
        %dma_start3A_179 = arith.constant 6 : i32
        %dma_start3A_180 = arith.constant 0 : i32
        %dma_start3A_181 = tpu.memref_slice %arg11[%dma_start3A_179, %dma_start3A_180] : memref<19x128xi32, #tpu.memory_space<vmem>> -> memref<1x128xi32, #tpu.memory_space<vmem>>
        %dma_start3A_182 = tpu.memref_squeeze %dma_start3A_181 : memref<1x128xi32, #tpu.memory_space<vmem>> -> memref<128xi32, #tpu.memory_space<vmem>>
        %dma_start3A_183 = arith.constant 0 : i32
        %dma_start3A_184 = arith.constant 0 : i32
        %dma_start3A_185 = tpu.memref_slice %arg2[%dma_start3A_183, %dma_start3A_184] : memref<40000x128xf32, #tpu.memory_space<hbm>> -> memref<40000x128xf32, #tpu.memory_space<hbm>>
        tpu.enqueue_indirect_dma source(%dma_start3A_185 : memref<40000x128xf32, #tpu.memory_space<hbm>>) target(%arg13 : memref<128x128xf32, #tpu.memory_space<vmem>>) offsets(%dma_start3A_182 : memref<128xi32, #tpu.memory_space<vmem>>) semaphore(%arg16 : memref<!tpu.dma_semaphore, #tpu.memory_space<semaphore_mem>>)
        %dma_start3A_186 = arith.constant 5 : i32
        %dma_start3A_187 = arith.constant 0 : i32
        %dma_start3A_188 = tpu.memref_slice %arg12[%dma_start3A_186, %dma_start3A_187] : memref<19x128xi32, #tpu.memory_space<vmem>> -> memref<1x128xi32, #tpu.memory_space<vmem>>
        %dma_start3A_189 = tpu.memref_squeeze %dma_start3A_188 : memref<1x128xi32, #tpu.memory_space<vmem>> -> memref<128xi32, #tpu.memory_space<vmem>>
        %dma_start3A_190 = arith.constant 0 : i32
        %dma_start3A_191 = arith.constant 0 : i32
        %dma_start3A_192 = tpu.memref_slice %arg15[%dma_start3A_190, %dma_start3A_191] : memref<10112x128xf32, #tpu.memory_space<vmem_shared>> -> memref<10112x128xf32, #tpu.memory_space<vmem_shared>>
        tpu.enqueue_indirect_dma source(%arg14 : memref<128x128xf32, #tpu.memory_space<vmem>>) target(%dma_start3A_192 : memref<10112x128xf32, #tpu.memory_space<vmem_shared>>) offsets(%dma_start3A_189 : memref<128xi32, #tpu.memory_space<vmem>>) semaphore(%arg19 : memref<!tpu.dma_semaphore, #tpu.memory_space<semaphore_mem>>) {add = true}
        %dma_wait3A_193 = arith.constant 6 : i32
        %dma_wait3A_194 = arith.constant 0 : i32
        %dma_wait3A_195 = tpu.memref_slice %arg11[%dma_wait3A_193, %dma_wait3A_194] : memref<19x128xi32, #tpu.memory_space<vmem>> -> memref<1x128xi32, #tpu.memory_space<vmem>>
        %dma_wait3A_196 = tpu.memref_squeeze %dma_wait3A_195 : memref<1x128xi32, #tpu.memory_space<vmem>> -> memref<128xi32, #tpu.memory_space<vmem>>
        %dma_wait3A_197 = arith.constant 0 : i32
        %dma_wait3A_198 = arith.constant 0 : i32
        %dma_wait3A_199 = tpu.memref_slice %arg2[%dma_wait3A_197, %dma_wait3A_198] : memref<40000x128xf32, #tpu.memory_space<hbm>> -> memref<40000x128xf32, #tpu.memory_space<hbm>>
        tpu.wait_indirect_dma semaphore(%arg16 : memref<!tpu.dma_semaphore, #tpu.memory_space<semaphore_mem>>) src(%dma_wait3A_199 : memref<40000x128xf32, #tpu.memory_space<hbm>>) dst(%arg13 : memref<128x128xf32, #tpu.memory_space<vmem>>)
        %dma_wait3A_200 = arith.constant 5 : i32
        %dma_wait3A_201 = arith.constant 0 : i32
        %dma_wait3A_202 = tpu.memref_slice %arg12[%dma_wait3A_200, %dma_wait3A_201] : memref<19x128xi32, #tpu.memory_space<vmem>> -> memref<1x128xi32, #tpu.memory_space<vmem>>
        %dma_wait3A_203 = tpu.memref_squeeze %dma_wait3A_202 : memref<1x128xi32, #tpu.memory_space<vmem>> -> memref<128xi32, #tpu.memory_space<vmem>>
        %dma_wait3A_204 = arith.constant 0 : i32
        %dma_wait3A_205 = arith.constant 0 : i32
        %dma_wait3A_206 = tpu.memref_slice %arg15[%dma_wait3A_204, %dma_wait3A_205] : memref<10112x128xf32, #tpu.memory_space<vmem_shared>> -> memref<10112x128xf32, #tpu.memory_space<vmem_shared>>
        tpu.wait_indirect_dma semaphore(%arg19 : memref<!tpu.dma_semaphore, #tpu.memory_space<semaphore_mem>>) src(%arg14 : memref<128x128xf32, #tpu.memory_space<vmem>>) dst(%dma_wait3A_206 : memref<10112x128xf32, #tpu.memory_space<vmem_shared>>)
        %dma_start3A_207 = arith.constant 7 : i32
        %dma_start3A_208 = arith.constant 0 : i32
        %dma_start3A_209 = tpu.memref_slice %arg11[%dma_start3A_207, %dma_start3A_208] : memref<19x128xi32, #tpu.memory_space<vmem>> -> memref<1x128xi32, #tpu.memory_space<vmem>>
        %dma_start3A_210 = tpu.memref_squeeze %dma_start3A_209 : memref<1x128xi32, #tpu.memory_space<vmem>> -> memref<128xi32, #tpu.memory_space<vmem>>
        %dma_start3A_211 = arith.constant 0 : i32
        %dma_start3A_212 = arith.constant 0 : i32
        %dma_start3A_213 = tpu.memref_slice %arg2[%dma_start3A_211, %dma_start3A_212] : memref<40000x128xf32, #tpu.memory_space<hbm>> -> memref<40000x128xf32, #tpu.memory_space<hbm>>
        tpu.enqueue_indirect_dma source(%dma_start3A_213 : memref<40000x128xf32, #tpu.memory_space<hbm>>) target(%arg14 : memref<128x128xf32, #tpu.memory_space<vmem>>) offsets(%dma_start3A_210 : memref<128xi32, #tpu.memory_space<vmem>>) semaphore(%arg17 : memref<!tpu.dma_semaphore, #tpu.memory_space<semaphore_mem>>)
        %dma_start3A_214 = arith.constant 6 : i32
        %dma_start3A_215 = arith.constant 0 : i32
        %dma_start3A_216 = tpu.memref_slice %arg12[%dma_start3A_214, %dma_start3A_215] : memref<19x128xi32, #tpu.memory_space<vmem>> -> memref<1x128xi32, #tpu.memory_space<vmem>>
        %dma_start3A_217 = tpu.memref_squeeze %dma_start3A_216 : memref<1x128xi32, #tpu.memory_space<vmem>> -> memref<128xi32, #tpu.memory_space<vmem>>
        %dma_start3A_218 = arith.constant 0 : i32
        %dma_start3A_219 = arith.constant 0 : i32
        %dma_start3A_220 = tpu.memref_slice %arg15[%dma_start3A_218, %dma_start3A_219] : memref<10112x128xf32, #tpu.memory_space<vmem_shared>> -> memref<10112x128xf32, #tpu.memory_space<vmem_shared>>
        tpu.enqueue_indirect_dma source(%arg13 : memref<128x128xf32, #tpu.memory_space<vmem>>) target(%dma_start3A_220 : memref<10112x128xf32, #tpu.memory_space<vmem_shared>>) offsets(%dma_start3A_217 : memref<128xi32, #tpu.memory_space<vmem>>) semaphore(%arg18 : memref<!tpu.dma_semaphore, #tpu.memory_space<semaphore_mem>>) {add = true}
        %dma_wait3A_221 = arith.constant 7 : i32
        %dma_wait3A_222 = arith.constant 0 : i32
        %dma_wait3A_223 = tpu.memref_slice %arg11[%dma_wait3A_221, %dma_wait3A_222] : memref<19x128xi32, #tpu.memory_space<vmem>> -> memref<1x128xi32, #tpu.memory_space<vmem>>
        %dma_wait3A_224 = tpu.memref_squeeze %dma_wait3A_223 : memref<1x128xi32, #tpu.memory_space<vmem>> -> memref<128xi32, #tpu.memory_space<vmem>>
        %dma_wait3A_225 = arith.constant 0 : i32
        %dma_wait3A_226 = arith.constant 0 : i32
        %dma_wait3A_227 = tpu.memref_slice %arg2[%dma_wait3A_225, %dma_wait3A_226] : memref<40000x128xf32, #tpu.memory_space<hbm>> -> memref<40000x128xf32, #tpu.memory_space<hbm>>
        tpu.wait_indirect_dma semaphore(%arg17 : memref<!tpu.dma_semaphore, #tpu.memory_space<semaphore_mem>>) src(%dma_wait3A_227 : memref<40000x128xf32, #tpu.memory_space<hbm>>) dst(%arg14 : memref<128x128xf32, #tpu.memory_space<vmem>>)
        %dma_wait3A_228 = arith.constant 6 : i32
        %dma_wait3A_229 = arith.constant 0 : i32
        %dma_wait3A_230 = tpu.memref_slice %arg12[%dma_wait3A_228, %dma_wait3A_229] : memref<19x128xi32, #tpu.memory_space<vmem>> -> memref<1x128xi32, #tpu.memory_space<vmem>>
        %dma_wait3A_231 = tpu.memref_squeeze %dma_wait3A_230 : memref<1x128xi32, #tpu.memory_space<vmem>> -> memref<128xi32, #tpu.memory_space<vmem>>
        %dma_wait3A_232 = arith.constant 0 : i32
        %dma_wait3A_233 = arith.constant 0 : i32
        %dma_wait3A_234 = tpu.memref_slice %arg15[%dma_wait3A_232, %dma_wait3A_233] : memref<10112x128xf32, #tpu.memory_space<vmem_shared>> -> memref<10112x128xf32, #tpu.memory_space<vmem_shared>>
        tpu.wait_indirect_dma semaphore(%arg18 : memref<!tpu.dma_semaphore, #tpu.memory_space<semaphore_mem>>) src(%arg13 : memref<128x128xf32, #tpu.memory_space<vmem>>) dst(%dma_wait3A_234 : memref<10112x128xf32, #tpu.memory_space<vmem_shared>>)
        %dma_start3A_235 = arith.constant 8 : i32
        %dma_start3A_236 = arith.constant 0 : i32
        %dma_start3A_237 = tpu.memref_slice %arg11[%dma_start3A_235, %dma_start3A_236] : memref<19x128xi32, #tpu.memory_space<vmem>> -> memref<1x128xi32, #tpu.memory_space<vmem>>
        %dma_start3A_238 = tpu.memref_squeeze %dma_start3A_237 : memref<1x128xi32, #tpu.memory_space<vmem>> -> memref<128xi32, #tpu.memory_space<vmem>>
        %dma_start3A_239 = arith.constant 0 : i32
        %dma_start3A_240 = arith.constant 0 : i32
        %dma_start3A_241 = tpu.memref_slice %arg2[%dma_start3A_239, %dma_start3A_240] : memref<40000x128xf32, #tpu.memory_space<hbm>> -> memref<40000x128xf32, #tpu.memory_space<hbm>>
        tpu.enqueue_indirect_dma source(%dma_start3A_241 : memref<40000x128xf32, #tpu.memory_space<hbm>>) target(%arg13 : memref<128x128xf32, #tpu.memory_space<vmem>>) offsets(%dma_start3A_238 : memref<128xi32, #tpu.memory_space<vmem>>) semaphore(%arg16 : memref<!tpu.dma_semaphore, #tpu.memory_space<semaphore_mem>>)
        %dma_start3A_242 = arith.constant 7 : i32
        %dma_start3A_243 = arith.constant 0 : i32
        %dma_start3A_244 = tpu.memref_slice %arg12[%dma_start3A_242, %dma_start3A_243] : memref<19x128xi32, #tpu.memory_space<vmem>> -> memref<1x128xi32, #tpu.memory_space<vmem>>
        %dma_start3A_245 = tpu.memref_squeeze %dma_start3A_244 : memref<1x128xi32, #tpu.memory_space<vmem>> -> memref<128xi32, #tpu.memory_space<vmem>>
        %dma_start3A_246 = arith.constant 0 : i32
        %dma_start3A_247 = arith.constant 0 : i32
        %dma_start3A_248 = tpu.memref_slice %arg15[%dma_start3A_246, %dma_start3A_247] : memref<10112x128xf32, #tpu.memory_space<vmem_shared>> -> memref<10112x128xf32, #tpu.memory_space<vmem_shared>>
        tpu.enqueue_indirect_dma source(%arg14 : memref<128x128xf32, #tpu.memory_space<vmem>>) target(%dma_start3A_248 : memref<10112x128xf32, #tpu.memory_space<vmem_shared>>) offsets(%dma_start3A_245 : memref<128xi32, #tpu.memory_space<vmem>>) semaphore(%arg19 : memref<!tpu.dma_semaphore, #tpu.memory_space<semaphore_mem>>) {add = true}
        %dma_wait3A_249 = arith.constant 8 : i32
        %dma_wait3A_250 = arith.constant 0 : i32
        %dma_wait3A_251 = tpu.memref_slice %arg11[%dma_wait3A_249, %dma_wait3A_250] : memref<19x128xi32, #tpu.memory_space<vmem>> -> memref<1x128xi32, #tpu.memory_space<vmem>>
        %dma_wait3A_252 = tpu.memref_squeeze %dma_wait3A_251 : memref<1x128xi32, #tpu.memory_space<vmem>> -> memref<128xi32, #tpu.memory_space<vmem>>
        %dma_wait3A_253 = arith.constant 0 : i32
        %dma_wait3A_254 = arith.constant 0 : i32
        %dma_wait3A_255 = tpu.memref_slice %arg2[%dma_wait3A_253, %dma_wait3A_254] : memref<40000x128xf32, #tpu.memory_space<hbm>> -> memref<40000x128xf32, #tpu.memory_space<hbm>>
        tpu.wait_indirect_dma semaphore(%arg16 : memref<!tpu.dma_semaphore, #tpu.memory_space<semaphore_mem>>) src(%dma_wait3A_255 : memref<40000x128xf32, #tpu.memory_space<hbm>>) dst(%arg13 : memref<128x128xf32, #tpu.memory_space<vmem>>)
        %dma_wait3A_256 = arith.constant 7 : i32
        %dma_wait3A_257 = arith.constant 0 : i32
        %dma_wait3A_258 = tpu.memref_slice %arg12[%dma_wait3A_256, %dma_wait3A_257] : memref<19x128xi32, #tpu.memory_space<vmem>> -> memref<1x128xi32, #tpu.memory_space<vmem>>
        %dma_wait3A_259 = tpu.memref_squeeze %dma_wait3A_258 : memref<1x128xi32, #tpu.memory_space<vmem>> -> memref<128xi32, #tpu.memory_space<vmem>>
        %dma_wait3A_260 = arith.constant 0 : i32
        %dma_wait3A_261 = arith.constant 0 : i32
        %dma_wait3A_262 = tpu.memref_slice %arg15[%dma_wait3A_260, %dma_wait3A_261] : memref<10112x128xf32, #tpu.memory_space<vmem_shared>> -> memref<10112x128xf32, #tpu.memory_space<vmem_shared>>
        tpu.wait_indirect_dma semaphore(%arg19 : memref<!tpu.dma_semaphore, #tpu.memory_space<semaphore_mem>>) src(%arg14 : memref<128x128xf32, #tpu.memory_space<vmem>>) dst(%dma_wait3A_262 : memref<10112x128xf32, #tpu.memory_space<vmem_shared>>)
        %dma_start3A_263 = arith.constant 9 : i32
        %dma_start3A_264 = arith.constant 0 : i32
        %dma_start3A_265 = tpu.memref_slice %arg11[%dma_start3A_263, %dma_start3A_264] : memref<19x128xi32, #tpu.memory_space<vmem>> -> memref<1x128xi32, #tpu.memory_space<vmem>>
        %dma_start3A_266 = tpu.memref_squeeze %dma_start3A_265 : memref<1x128xi32, #tpu.memory_space<vmem>> -> memref<128xi32, #tpu.memory_space<vmem>>
        %dma_start3A_267 = arith.constant 0 : i32
        %dma_start3A_268 = arith.constant 0 : i32
        %dma_start3A_269 = tpu.memref_slice %arg2[%dma_start3A_267, %dma_start3A_268] : memref<40000x128xf32, #tpu.memory_space<hbm>> -> memref<40000x128xf32, #tpu.memory_space<hbm>>
        tpu.enqueue_indirect_dma source(%dma_start3A_269 : memref<40000x128xf32, #tpu.memory_space<hbm>>) target(%arg14 : memref<128x128xf32, #tpu.memory_space<vmem>>) offsets(%dma_start3A_266 : memref<128xi32, #tpu.memory_space<vmem>>) semaphore(%arg17 : memref<!tpu.dma_semaphore, #tpu.memory_space<semaphore_mem>>)
        %dma_start3A_270 = arith.constant 8 : i32
        %dma_start3A_271 = arith.constant 0 : i32
        %dma_start3A_272 = tpu.memref_slice %arg12[%dma_start3A_270, %dma_start3A_271] : memref<19x128xi32, #tpu.memory_space<vmem>> -> memref<1x128xi32, #tpu.memory_space<vmem>>
        %dma_start3A_273 = tpu.memref_squeeze %dma_start3A_272 : memref<1x128xi32, #tpu.memory_space<vmem>> -> memref<128xi32, #tpu.memory_space<vmem>>
        %dma_start3A_274 = arith.constant 0 : i32
        %dma_start3A_275 = arith.constant 0 : i32
        %dma_start3A_276 = tpu.memref_slice %arg15[%dma_start3A_274, %dma_start3A_275] : memref<10112x128xf32, #tpu.memory_space<vmem_shared>> -> memref<10112x128xf32, #tpu.memory_space<vmem_shared>>
        tpu.enqueue_indirect_dma source(%arg13 : memref<128x128xf32, #tpu.memory_space<vmem>>) target(%dma_start3A_276 : memref<10112x128xf32, #tpu.memory_space<vmem_shared>>) offsets(%dma_start3A_273 : memref<128xi32, #tpu.memory_space<vmem>>) semaphore(%arg18 : memref<!tpu.dma_semaphore, #tpu.memory_space<semaphore_mem>>) {add = true}
        %dma_wait3A_277 = arith.constant 9 : i32
        %dma_wait3A_278 = arith.constant 0 : i32
        %dma_wait3A_279 = tpu.memref_slice %arg11[%dma_wait3A_277, %dma_wait3A_278] : memref<19x128xi32, #tpu.memory_space<vmem>> -> memref<1x128xi32, #tpu.memory_space<vmem>>
        %dma_wait3A_280 = tpu.memref_squeeze %dma_wait3A_279 : memref<1x128xi32, #tpu.memory_space<vmem>> -> memref<128xi32, #tpu.memory_space<vmem>>
        %dma_wait3A_281 = arith.constant 0 : i32
        %dma_wait3A_282 = arith.constant 0 : i32
        %dma_wait3A_283 = tpu.memref_slice %arg2[%dma_wait3A_281, %dma_wait3A_282] : memref<40000x128xf32, #tpu.memory_space<hbm>> -> memref<40000x128xf32, #tpu.memory_space<hbm>>
        tpu.wait_indirect_dma semaphore(%arg17 : memref<!tpu.dma_semaphore, #tpu.memory_space<semaphore_mem>>) src(%dma_wait3A_283 : memref<40000x128xf32, #tpu.memory_space<hbm>>) dst(%arg14 : memref<128x128xf32, #tpu.memory_space<vmem>>)
        %dma_wait3A_284 = arith.constant 8 : i32
        %dma_wait3A_285 = arith.constant 0 : i32
        %dma_wait3A_286 = tpu.memref_slice %arg12[%dma_wait3A_284, %dma_wait3A_285] : memref<19x128xi32, #tpu.memory_space<vmem>> -> memref<1x128xi32, #tpu.memory_space<vmem>>
        %dma_wait3A_287 = tpu.memref_squeeze %dma_wait3A_286 : memref<1x128xi32, #tpu.memory_space<vmem>> -> memref<128xi32, #tpu.memory_space<vmem>>
        %dma_wait3A_288 = arith.constant 0 : i32
        %dma_wait3A_289 = arith.constant 0 : i32
        %dma_wait3A_290 = tpu.memref_slice %arg15[%dma_wait3A_288, %dma_wait3A_289] : memref<10112x128xf32, #tpu.memory_space<vmem_shared>> -> memref<10112x128xf32, #tpu.memory_space<vmem_shared>>
        tpu.wait_indirect_dma semaphore(%arg18 : memref<!tpu.dma_semaphore, #tpu.memory_space<semaphore_mem>>) src(%arg13 : memref<128x128xf32, #tpu.memory_space<vmem>>) dst(%dma_wait3A_290 : memref<10112x128xf32, #tpu.memory_space<vmem_shared>>)
        %dma_start3A_291 = arith.constant 10 : i32
        %dma_start3A_292 = arith.constant 0 : i32
        %dma_start3A_293 = tpu.memref_slice %arg11[%dma_start3A_291, %dma_start3A_292] : memref<19x128xi32, #tpu.memory_space<vmem>> -> memref<1x128xi32, #tpu.memory_space<vmem>>
        %dma_start3A_294 = tpu.memref_squeeze %dma_start3A_293 : memref<1x128xi32, #tpu.memory_space<vmem>> -> memref<128xi32, #tpu.memory_space<vmem>>
        %dma_start3A_295 = arith.constant 0 : i32
        %dma_start3A_296 = arith.constant 0 : i32
        %dma_start3A_297 = tpu.memref_slice %arg2[%dma_start3A_295, %dma_start3A_296] : memref<40000x128xf32, #tpu.memory_space<hbm>> -> memref<40000x128xf32, #tpu.memory_space<hbm>>
        tpu.enqueue_indirect_dma source(%dma_start3A_297 : memref<40000x128xf32, #tpu.memory_space<hbm>>) target(%arg13 : memref<128x128xf32, #tpu.memory_space<vmem>>) offsets(%dma_start3A_294 : memref<128xi32, #tpu.memory_space<vmem>>) semaphore(%arg16 : memref<!tpu.dma_semaphore, #tpu.memory_space<semaphore_mem>>)
        %dma_start3A_298 = arith.constant 9 : i32
        %dma_start3A_299 = arith.constant 0 : i32
        %dma_start3A_300 = tpu.memref_slice %arg12[%dma_start3A_298, %dma_start3A_299] : memref<19x128xi32, #tpu.memory_space<vmem>> -> memref<1x128xi32, #tpu.memory_space<vmem>>
        %dma_start3A_301 = tpu.memref_squeeze %dma_start3A_300 : memref<1x128xi32, #tpu.memory_space<vmem>> -> memref<128xi32, #tpu.memory_space<vmem>>
        %dma_start3A_302 = arith.constant 0 : i32
        %dma_start3A_303 = arith.constant 0 : i32
        %dma_start3A_304 = tpu.memref_slice %arg15[%dma_start3A_302, %dma_start3A_303] : memref<10112x128xf32, #tpu.memory_space<vmem_shared>> -> memref<10112x128xf32, #tpu.memory_space<vmem_shared>>
        tpu.enqueue_indirect_dma source(%arg14 : memref<128x128xf32, #tpu.memory_space<vmem>>) target(%dma_start3A_304 : memref<10112x128xf32, #tpu.memory_space<vmem_shared>>) offsets(%dma_start3A_301 : memref<128xi32, #tpu.memory_space<vmem>>) semaphore(%arg19 : memref<!tpu.dma_semaphore, #tpu.memory_space<semaphore_mem>>) {add = true}
        %dma_wait3A_305 = arith.constant 10 : i32
        %dma_wait3A_306 = arith.constant 0 : i32
        %dma_wait3A_307 = tpu.memref_slice %arg11[%dma_wait3A_305, %dma_wait3A_306] : memref<19x128xi32, #tpu.memory_space<vmem>> -> memref<1x128xi32, #tpu.memory_space<vmem>>
        %dma_wait3A_308 = tpu.memref_squeeze %dma_wait3A_307 : memref<1x128xi32, #tpu.memory_space<vmem>> -> memref<128xi32, #tpu.memory_space<vmem>>
        %dma_wait3A_309 = arith.constant 0 : i32
        %dma_wait3A_310 = arith.constant 0 : i32
        %dma_wait3A_311 = tpu.memref_slice %arg2[%dma_wait3A_309, %dma_wait3A_310] : memref<40000x128xf32, #tpu.memory_space<hbm>> -> memref<40000x128xf32, #tpu.memory_space<hbm>>
        tpu.wait_indirect_dma semaphore(%arg16 : memref<!tpu.dma_semaphore, #tpu.memory_space<semaphore_mem>>) src(%dma_wait3A_311 : memref<40000x128xf32, #tpu.memory_space<hbm>>) dst(%arg13 : memref<128x128xf32, #tpu.memory_space<vmem>>)
        %dma_wait3A_312 = arith.constant 9 : i32
        %dma_wait3A_313 = arith.constant 0 : i32
        %dma_wait3A_314 = tpu.memref_slice %arg12[%dma_wait3A_312, %dma_wait3A_313] : memref<19x128xi32, #tpu.memory_space<vmem>> -> memref<1x128xi32, #tpu.memory_space<vmem>>
        %dma_wait3A_315 = tpu.memref_squeeze %dma_wait3A_314 : memref<1x128xi32, #tpu.memory_space<vmem>> -> memref<128xi32, #tpu.memory_space<vmem>>
        %dma_wait3A_316 = arith.constant 0 : i32
        %dma_wait3A_317 = arith.constant 0 : i32
        %dma_wait3A_318 = tpu.memref_slice %arg15[%dma_wait3A_316, %dma_wait3A_317] : memref<10112x128xf32, #tpu.memory_space<vmem_shared>> -> memref<10112x128xf32, #tpu.memory_space<vmem_shared>>
        tpu.wait_indirect_dma semaphore(%arg19 : memref<!tpu.dma_semaphore, #tpu.memory_space<semaphore_mem>>) src(%arg14 : memref<128x128xf32, #tpu.memory_space<vmem>>) dst(%dma_wait3A_318 : memref<10112x128xf32, #tpu.memory_space<vmem_shared>>)
        %dma_start3A_319 = arith.constant 11 : i32
        %dma_start3A_320 = arith.constant 0 : i32
        %dma_start3A_321 = tpu.memref_slice %arg11[%dma_start3A_319, %dma_start3A_320] : memref<19x128xi32, #tpu.memory_space<vmem>> -> memref<1x128xi32, #tpu.memory_space<vmem>>
        %dma_start3A_322 = tpu.memref_squeeze %dma_start3A_321 : memref<1x128xi32, #tpu.memory_space<vmem>> -> memref<128xi32, #tpu.memory_space<vmem>>
        %dma_start3A_323 = arith.constant 0 : i32
        %dma_start3A_324 = arith.constant 0 : i32
        %dma_start3A_325 = tpu.memref_slice %arg2[%dma_start3A_323, %dma_start3A_324] : memref<40000x128xf32, #tpu.memory_space<hbm>> -> memref<40000x128xf32, #tpu.memory_space<hbm>>
        tpu.enqueue_indirect_dma source(%dma_start3A_325 : memref<40000x128xf32, #tpu.memory_space<hbm>>) target(%arg14 : memref<128x128xf32, #tpu.memory_space<vmem>>) offsets(%dma_start3A_322 : memref<128xi32, #tpu.memory_space<vmem>>) semaphore(%arg17 : memref<!tpu.dma_semaphore, #tpu.memory_space<semaphore_mem>>)
        %dma_start3A_326 = arith.constant 10 : i32
        %dma_start3A_327 = arith.constant 0 : i32
        %dma_start3A_328 = tpu.memref_slice %arg12[%dma_start3A_326, %dma_start3A_327] : memref<19x128xi32, #tpu.memory_space<vmem>> -> memref<1x128xi32, #tpu.memory_space<vmem>>
        %dma_start3A_329 = tpu.memref_squeeze %dma_start3A_328 : memref<1x128xi32, #tpu.memory_space<vmem>> -> memref<128xi32, #tpu.memory_space<vmem>>
        %dma_start3A_330 = arith.constant 0 : i32
        %dma_start3A_331 = arith.constant 0 : i32
        %dma_start3A_332 = tpu.memref_slice %arg15[%dma_start3A_330, %dma_start3A_331] : memref<10112x128xf32, #tpu.memory_space<vmem_shared>> -> memref<10112x128xf32, #tpu.memory_space<vmem_shared>>
        tpu.enqueue_indirect_dma source(%arg13 : memref<128x128xf32, #tpu.memory_space<vmem>>) target(%dma_start3A_332 : memref<10112x128xf32, #tpu.memory_space<vmem_shared>>) offsets(%dma_start3A_329 : memref<128xi32, #tpu.memory_space<vmem>>) semaphore(%arg18 : memref<!tpu.dma_semaphore, #tpu.memory_space<semaphore_mem>>) {add = true}
        %dma_wait3A_333 = arith.constant 11 : i32
        %dma_wait3A_334 = arith.constant 0 : i32
        %dma_wait3A_335 = tpu.memref_slice %arg11[%dma_wait3A_333, %dma_wait3A_334] : memref<19x128xi32, #tpu.memory_space<vmem>> -> memref<1x128xi32, #tpu.memory_space<vmem>>
        %dma_wait3A_336 = tpu.memref_squeeze %dma_wait3A_335 : memref<1x128xi32, #tpu.memory_space<vmem>> -> memref<128xi32, #tpu.memory_space<vmem>>
        %dma_wait3A_337 = arith.constant 0 : i32
        %dma_wait3A_338 = arith.constant 0 : i32
        %dma_wait3A_339 = tpu.memref_slice %arg2[%dma_wait3A_337, %dma_wait3A_338] : memref<40000x128xf32, #tpu.memory_space<hbm>> -> memref<40000x128xf32, #tpu.memory_space<hbm>>
        tpu.wait_indirect_dma semaphore(%arg17 : memref<!tpu.dma_semaphore, #tpu.memory_space<semaphore_mem>>) src(%dma_wait3A_339 : memref<40000x128xf32, #tpu.memory_space<hbm>>) dst(%arg14 : memref<128x128xf32, #tpu.memory_space<vmem>>)
        %dma_wait3A_340 = arith.constant 10 : i32
        %dma_wait3A_341 = arith.constant 0 : i32
        %dma_wait3A_342 = tpu.memref_slice %arg12[%dma_wait3A_340, %dma_wait3A_341] : memref<19x128xi32, #tpu.memory_space<vmem>> -> memref<1x128xi32, #tpu.memory_space<vmem>>
        %dma_wait3A_343 = tpu.memref_squeeze %dma_wait3A_342 : memref<1x128xi32, #tpu.memory_space<vmem>> -> memref<128xi32, #tpu.memory_space<vmem>>
        %dma_wait3A_344 = arith.constant 0 : i32
        %dma_wait3A_345 = arith.constant 0 : i32
        %dma_wait3A_346 = tpu.memref_slice %arg15[%dma_wait3A_344, %dma_wait3A_345] : memref<10112x128xf32, #tpu.memory_space<vmem_shared>> -> memref<10112x128xf32, #tpu.memory_space<vmem_shared>>
        tpu.wait_indirect_dma semaphore(%arg18 : memref<!tpu.dma_semaphore, #tpu.memory_space<semaphore_mem>>) src(%arg13 : memref<128x128xf32, #tpu.memory_space<vmem>>) dst(%dma_wait3A_346 : memref<10112x128xf32, #tpu.memory_space<vmem_shared>>)
        %dma_start3A_347 = arith.constant 12 : i32
        %dma_start3A_348 = arith.constant 0 : i32
        %dma_start3A_349 = tpu.memref_slice %arg11[%dma_start3A_347, %dma_start3A_348] : memref<19x128xi32, #tpu.memory_space<vmem>> -> memref<1x128xi32, #tpu.memory_space<vmem>>
        %dma_start3A_350 = tpu.memref_squeeze %dma_start3A_349 : memref<1x128xi32, #tpu.memory_space<vmem>> -> memref<128xi32, #tpu.memory_space<vmem>>
        %dma_start3A_351 = arith.constant 0 : i32
        %dma_start3A_352 = arith.constant 0 : i32
        %dma_start3A_353 = tpu.memref_slice %arg2[%dma_start3A_351, %dma_start3A_352] : memref<40000x128xf32, #tpu.memory_space<hbm>> -> memref<40000x128xf32, #tpu.memory_space<hbm>>
        tpu.enqueue_indirect_dma source(%dma_start3A_353 : memref<40000x128xf32, #tpu.memory_space<hbm>>) target(%arg13 : memref<128x128xf32, #tpu.memory_space<vmem>>) offsets(%dma_start3A_350 : memref<128xi32, #tpu.memory_space<vmem>>) semaphore(%arg16 : memref<!tpu.dma_semaphore, #tpu.memory_space<semaphore_mem>>)
        %dma_start3A_354 = arith.constant 11 : i32
        %dma_start3A_355 = arith.constant 0 : i32
        %dma_start3A_356 = tpu.memref_slice %arg12[%dma_start3A_354, %dma_start3A_355] : memref<19x128xi32, #tpu.memory_space<vmem>> -> memref<1x128xi32, #tpu.memory_space<vmem>>
        %dma_start3A_357 = tpu.memref_squeeze %dma_start3A_356 : memref<1x128xi32, #tpu.memory_space<vmem>> -> memref<128xi32, #tpu.memory_space<vmem>>
        %dma_start3A_358 = arith.constant 0 : i32
        %dma_start3A_359 = arith.constant 0 : i32
        %dma_start3A_360 = tpu.memref_slice %arg15[%dma_start3A_358, %dma_start3A_359] : memref<10112x128xf32, #tpu.memory_space<vmem_shared>> -> memref<10112x128xf32, #tpu.memory_space<vmem_shared>>
        tpu.enqueue_indirect_dma source(%arg14 : memref<128x128xf32, #tpu.memory_space<vmem>>) target(%dma_start3A_360 : memref<10112x128xf32, #tpu.memory_space<vmem_shared>>) offsets(%dma_start3A_357 : memref<128xi32, #tpu.memory_space<vmem>>) semaphore(%arg19 : memref<!tpu.dma_semaphore, #tpu.memory_space<semaphore_mem>>) {add = true}
        %dma_wait3A_361 = arith.constant 12 : i32
        %dma_wait3A_362 = arith.constant 0 : i32
        %dma_wait3A_363 = tpu.memref_slice %arg11[%dma_wait3A_361, %dma_wait3A_362] : memref<19x128xi32, #tpu.memory_space<vmem>> -> memref<1x128xi32, #tpu.memory_space<vmem>>
        %dma_wait3A_364 = tpu.memref_squeeze %dma_wait3A_363 : memref<1x128xi32, #tpu.memory_space<vmem>> -> memref<128xi32, #tpu.memory_space<vmem>>
        %dma_wait3A_365 = arith.constant 0 : i32
        %dma_wait3A_366 = arith.constant 0 : i32
        %dma_wait3A_367 = tpu.memref_slice %arg2[%dma_wait3A_365, %dma_wait3A_366] : memref<40000x128xf32, #tpu.memory_space<hbm>> -> memref<40000x128xf32, #tpu.memory_space<hbm>>
        tpu.wait_indirect_dma semaphore(%arg16 : memref<!tpu.dma_semaphore, #tpu.memory_space<semaphore_mem>>) src(%dma_wait3A_367 : memref<40000x128xf32, #tpu.memory_space<hbm>>) dst(%arg13 : memref<128x128xf32, #tpu.memory_space<vmem>>)
        %dma_wait3A_368 = arith.constant 11 : i32
        %dma_wait3A_369 = arith.constant 0 : i32
        %dma_wait3A_370 = tpu.memref_slice %arg12[%dma_wait3A_368, %dma_wait3A_369] : memref<19x128xi32, #tpu.memory_space<vmem>> -> memref<1x128xi32, #tpu.memory_space<vmem>>
        %dma_wait3A_371 = tpu.memref_squeeze %dma_wait3A_370 : memref<1x128xi32, #tpu.memory_space<vmem>> -> memref<128xi32, #tpu.memory_space<vmem>>
        %dma_wait3A_372 = arith.constant 0 : i32
        %dma_wait3A_373 = arith.constant 0 : i32
        %dma_wait3A_374 = tpu.memref_slice %arg15[%dma_wait3A_372, %dma_wait3A_373] : memref<10112x128xf32, #tpu.memory_space<vmem_shared>> -> memref<10112x128xf32, #tpu.memory_space<vmem_shared>>
        tpu.wait_indirect_dma semaphore(%arg19 : memref<!tpu.dma_semaphore, #tpu.memory_space<semaphore_mem>>) src(%arg14 : memref<128x128xf32, #tpu.memory_space<vmem>>) dst(%dma_wait3A_374 : memref<10112x128xf32, #tpu.memory_space<vmem_shared>>)
        %dma_start3A_375 = arith.constant 13 : i32
        %dma_start3A_376 = arith.constant 0 : i32
        %dma_start3A_377 = tpu.memref_slice %arg11[%dma_start3A_375, %dma_start3A_376] : memref<19x128xi32, #tpu.memory_space<vmem>> -> memref<1x128xi32, #tpu.memory_space<vmem>>
        %dma_start3A_378 = tpu.memref_squeeze %dma_start3A_377 : memref<1x128xi32, #tpu.memory_space<vmem>> -> memref<128xi32, #tpu.memory_space<vmem>>
        %dma_start3A_379 = arith.constant 0 : i32
        %dma_start3A_380 = arith.constant 0 : i32
        %dma_start3A_381 = tpu.memref_slice %arg2[%dma_start3A_379, %dma_start3A_380] : memref<40000x128xf32, #tpu.memory_space<hbm>> -> memref<40000x128xf32, #tpu.memory_space<hbm>>
        tpu.enqueue_indirect_dma source(%dma_start3A_381 : memref<40000x128xf32, #tpu.memory_space<hbm>>) target(%arg14 : memref<128x128xf32, #tpu.memory_space<vmem>>) offsets(%dma_start3A_378 : memref<128xi32, #tpu.memory_space<vmem>>) semaphore(%arg17 : memref<!tpu.dma_semaphore, #tpu.memory_space<semaphore_mem>>)
        %dma_start3A_382 = arith.constant 12 : i32
        %dma_start3A_383 = arith.constant 0 : i32
        %dma_start3A_384 = tpu.memref_slice %arg12[%dma_start3A_382, %dma_start3A_383] : memref<19x128xi32, #tpu.memory_space<vmem>> -> memref<1x128xi32, #tpu.memory_space<vmem>>
        %dma_start3A_385 = tpu.memref_squeeze %dma_start3A_384 : memref<1x128xi32, #tpu.memory_space<vmem>> -> memref<128xi32, #tpu.memory_space<vmem>>
        %dma_start3A_386 = arith.constant 0 : i32
        %dma_start3A_387 = arith.constant 0 : i32
        %dma_start3A_388 = tpu.memref_slice %arg15[%dma_start3A_386, %dma_start3A_387] : memref<10112x128xf32, #tpu.memory_space<vmem_shared>> -> memref<10112x128xf32, #tpu.memory_space<vmem_shared>>
        tpu.enqueue_indirect_dma source(%arg13 : memref<128x128xf32, #tpu.memory_space<vmem>>) target(%dma_start3A_388 : memref<10112x128xf32, #tpu.memory_space<vmem_shared>>) offsets(%dma_start3A_385 : memref<128xi32, #tpu.memory_space<vmem>>) semaphore(%arg18 : memref<!tpu.dma_semaphore, #tpu.memory_space<semaphore_mem>>) {add = true}
        %dma_wait3A_389 = arith.constant 13 : i32
        %dma_wait3A_390 = arith.constant 0 : i32
        %dma_wait3A_391 = tpu.memref_slice %arg11[%dma_wait3A_389, %dma_wait3A_390] : memref<19x128xi32, #tpu.memory_space<vmem>> -> memref<1x128xi32, #tpu.memory_space<vmem>>
        %dma_wait3A_392 = tpu.memref_squeeze %dma_wait3A_391 : memref<1x128xi32, #tpu.memory_space<vmem>> -> memref<128xi32, #tpu.memory_space<vmem>>
        %dma_wait3A_393 = arith.constant 0 : i32
        %dma_wait3A_394 = arith.constant 0 : i32
        %dma_wait3A_395 = tpu.memref_slice %arg2[%dma_wait3A_393, %dma_wait3A_394] : memref<40000x128xf32, #tpu.memory_space<hbm>> -> memref<40000x128xf32, #tpu.memory_space<hbm>>
        tpu.wait_indirect_dma semaphore(%arg17 : memref<!tpu.dma_semaphore, #tpu.memory_space<semaphore_mem>>) src(%dma_wait3A_395 : memref<40000x128xf32, #tpu.memory_space<hbm>>) dst(%arg14 : memref<128x128xf32, #tpu.memory_space<vmem>>)
        %dma_wait3A_396 = arith.constant 12 : i32
        %dma_wait3A_397 = arith.constant 0 : i32
        %dma_wait3A_398 = tpu.memref_slice %arg12[%dma_wait3A_396, %dma_wait3A_397] : memref<19x128xi32, #tpu.memory_space<vmem>> -> memref<1x128xi32, #tpu.memory_space<vmem>>
        %dma_wait3A_399 = tpu.memref_squeeze %dma_wait3A_398 : memref<1x128xi32, #tpu.memory_space<vmem>> -> memref<128xi32, #tpu.memory_space<vmem>>
        %dma_wait3A_400 = arith.constant 0 : i32
        %dma_wait3A_401 = arith.constant 0 : i32
        %dma_wait3A_402 = tpu.memref_slice %arg15[%dma_wait3A_400, %dma_wait3A_401] : memref<10112x128xf32, #tpu.memory_space<vmem_shared>> -> memref<10112x128xf32, #tpu.memory_space<vmem_shared>>
        tpu.wait_indirect_dma semaphore(%arg18 : memref<!tpu.dma_semaphore, #tpu.memory_space<semaphore_mem>>) src(%arg13 : memref<128x128xf32, #tpu.memory_space<vmem>>) dst(%dma_wait3A_402 : memref<10112x128xf32, #tpu.memory_space<vmem_shared>>)
        %dma_start3A_403 = arith.constant 14 : i32
        %dma_start3A_404 = arith.constant 0 : i32
        %dma_start3A_405 = tpu.memref_slice %arg11[%dma_start3A_403, %dma_start3A_404] : memref<19x128xi32, #tpu.memory_space<vmem>> -> memref<1x128xi32, #tpu.memory_space<vmem>>
        %dma_start3A_406 = tpu.memref_squeeze %dma_start3A_405 : memref<1x128xi32, #tpu.memory_space<vmem>> -> memref<128xi32, #tpu.memory_space<vmem>>
        %dma_start3A_407 = arith.constant 0 : i32
        %dma_start3A_408 = arith.constant 0 : i32
        %dma_start3A_409 = tpu.memref_slice %arg2[%dma_start3A_407, %dma_start3A_408] : memref<40000x128xf32, #tpu.memory_space<hbm>> -> memref<40000x128xf32, #tpu.memory_space<hbm>>
        tpu.enqueue_indirect_dma source(%dma_start3A_409 : memref<40000x128xf32, #tpu.memory_space<hbm>>) target(%arg13 : memref<128x128xf32, #tpu.memory_space<vmem>>) offsets(%dma_start3A_406 : memref<128xi32, #tpu.memory_space<vmem>>) semaphore(%arg16 : memref<!tpu.dma_semaphore, #tpu.memory_space<semaphore_mem>>)
        %dma_start3A_410 = arith.constant 13 : i32
        %dma_start3A_411 = arith.constant 0 : i32
        %dma_start3A_412 = tpu.memref_slice %arg12[%dma_start3A_410, %dma_start3A_411] : memref<19x128xi32, #tpu.memory_space<vmem>> -> memref<1x128xi32, #tpu.memory_space<vmem>>
        %dma_start3A_413 = tpu.memref_squeeze %dma_start3A_412 : memref<1x128xi32, #tpu.memory_space<vmem>> -> memref<128xi32, #tpu.memory_space<vmem>>
        %dma_start3A_414 = arith.constant 0 : i32
        %dma_start3A_415 = arith.constant 0 : i32
        %dma_start3A_416 = tpu.memref_slice %arg15[%dma_start3A_414, %dma_start3A_415] : memref<10112x128xf32, #tpu.memory_space<vmem_shared>> -> memref<10112x128xf32, #tpu.memory_space<vmem_shared>>
        tpu.enqueue_indirect_dma source(%arg14 : memref<128x128xf32, #tpu.memory_space<vmem>>) target(%dma_start3A_416 : memref<10112x128xf32, #tpu.memory_space<vmem_shared>>) offsets(%dma_start3A_413 : memref<128xi32, #tpu.memory_space<vmem>>) semaphore(%arg19 : memref<!tpu.dma_semaphore, #tpu.memory_space<semaphore_mem>>) {add = true}
        %dma_wait3A_417 = arith.constant 14 : i32
        %dma_wait3A_418 = arith.constant 0 : i32
        %dma_wait3A_419 = tpu.memref_slice %arg11[%dma_wait3A_417, %dma_wait3A_418] : memref<19x128xi32, #tpu.memory_space<vmem>> -> memref<1x128xi32, #tpu.memory_space<vmem>>
        %dma_wait3A_420 = tpu.memref_squeeze %dma_wait3A_419 : memref<1x128xi32, #tpu.memory_space<vmem>> -> memref<128xi32, #tpu.memory_space<vmem>>
        %dma_wait3A_421 = arith.constant 0 : i32
        %dma_wait3A_422 = arith.constant 0 : i32
        %dma_wait3A_423 = tpu.memref_slice %arg2[%dma_wait3A_421, %dma_wait3A_422] : memref<40000x128xf32, #tpu.memory_space<hbm>> -> memref<40000x128xf32, #tpu.memory_space<hbm>>
        tpu.wait_indirect_dma semaphore(%arg16 : memref<!tpu.dma_semaphore, #tpu.memory_space<semaphore_mem>>) src(%dma_wait3A_423 : memref<40000x128xf32, #tpu.memory_space<hbm>>) dst(%arg13 : memref<128x128xf32, #tpu.memory_space<vmem>>)
        %dma_wait3A_424 = arith.constant 13 : i32
        %dma_wait3A_425 = arith.constant 0 : i32
        %dma_wait3A_426 = tpu.memref_slice %arg12[%dma_wait3A_424, %dma_wait3A_425] : memref<19x128xi32, #tpu.memory_space<vmem>> -> memref<1x128xi32, #tpu.memory_space<vmem>>
        %dma_wait3A_427 = tpu.memref_squeeze %dma_wait3A_426 : memref<1x128xi32, #tpu.memory_space<vmem>> -> memref<128xi32, #tpu.memory_space<vmem>>
        %dma_wait3A_428 = arith.constant 0 : i32
        %dma_wait3A_429 = arith.constant 0 : i32
        %dma_wait3A_430 = tpu.memref_slice %arg15[%dma_wait3A_428, %dma_wait3A_429] : memref<10112x128xf32, #tpu.memory_space<vmem_shared>> -> memref<10112x128xf32, #tpu.memory_space<vmem_shared>>
        tpu.wait_indirect_dma semaphore(%arg19 : memref<!tpu.dma_semaphore, #tpu.memory_space<semaphore_mem>>) src(%arg14 : memref<128x128xf32, #tpu.memory_space<vmem>>) dst(%dma_wait3A_430 : memref<10112x128xf32, #tpu.memory_space<vmem_shared>>)
        %dma_start3A_431 = arith.constant 15 : i32
        %dma_start3A_432 = arith.constant 0 : i32
        %dma_start3A_433 = tpu.memref_slice %arg11[%dma_start3A_431, %dma_start3A_432] : memref<19x128xi32, #tpu.memory_space<vmem>> -> memref<1x128xi32, #tpu.memory_space<vmem>>
        %dma_start3A_434 = tpu.memref_squeeze %dma_start3A_433 : memref<1x128xi32, #tpu.memory_space<vmem>> -> memref<128xi32, #tpu.memory_space<vmem>>
        %dma_start3A_435 = arith.constant 0 : i32
        %dma_start3A_436 = arith.constant 0 : i32
        %dma_start3A_437 = tpu.memref_slice %arg2[%dma_start3A_435, %dma_start3A_436] : memref<40000x128xf32, #tpu.memory_space<hbm>> -> memref<40000x128xf32, #tpu.memory_space<hbm>>
        tpu.enqueue_indirect_dma source(%dma_start3A_437 : memref<40000x128xf32, #tpu.memory_space<hbm>>) target(%arg14 : memref<128x128xf32, #tpu.memory_space<vmem>>) offsets(%dma_start3A_434 : memref<128xi32, #tpu.memory_space<vmem>>) semaphore(%arg17 : memref<!tpu.dma_semaphore, #tpu.memory_space<semaphore_mem>>)
        %dma_start3A_438 = arith.constant 14 : i32
        %dma_start3A_439 = arith.constant 0 : i32
        %dma_start3A_440 = tpu.memref_slice %arg12[%dma_start3A_438, %dma_start3A_439] : memref<19x128xi32, #tpu.memory_space<vmem>> -> memref<1x128xi32, #tpu.memory_space<vmem>>
        %dma_start3A_441 = tpu.memref_squeeze %dma_start3A_440 : memref<1x128xi32, #tpu.memory_space<vmem>> -> memref<128xi32, #tpu.memory_space<vmem>>
        %dma_start3A_442 = arith.constant 0 : i32
        %dma_start3A_443 = arith.constant 0 : i32
        %dma_start3A_444 = tpu.memref_slice %arg15[%dma_start3A_442, %dma_start3A_443] : memref<10112x128xf32, #tpu.memory_space<vmem_shared>> -> memref<10112x128xf32, #tpu.memory_space<vmem_shared>>
        tpu.enqueue_indirect_dma source(%arg13 : memref<128x128xf32, #tpu.memory_space<vmem>>) target(%dma_start3A_444 : memref<10112x128xf32, #tpu.memory_space<vmem_shared>>) offsets(%dma_start3A_441 : memref<128xi32, #tpu.memory_space<vmem>>) semaphore(%arg18 : memref<!tpu.dma_semaphore, #tpu.memory_space<semaphore_mem>>) {add = true}
        %dma_wait3A_445 = arith.constant 15 : i32
        %dma_wait3A_446 = arith.constant 0 : i32
        %dma_wait3A_447 = tpu.memref_slice %arg11[%dma_wait3A_445, %dma_wait3A_446] : memref<19x128xi32, #tpu.memory_space<vmem>> -> memref<1x128xi32, #tpu.memory_space<vmem>>
        %dma_wait3A_448 = tpu.memref_squeeze %dma_wait3A_447 : memref<1x128xi32, #tpu.memory_space<vmem>> -> memref<128xi32, #tpu.memory_space<vmem>>
        %dma_wait3A_449 = arith.constant 0 : i32
        %dma_wait3A_450 = arith.constant 0 : i32
        %dma_wait3A_451 = tpu.memref_slice %arg2[%dma_wait3A_449, %dma_wait3A_450] : memref<40000x128xf32, #tpu.memory_space<hbm>> -> memref<40000x128xf32, #tpu.memory_space<hbm>>
        tpu.wait_indirect_dma semaphore(%arg17 : memref<!tpu.dma_semaphore, #tpu.memory_space<semaphore_mem>>) src(%dma_wait3A_451 : memref<40000x128xf32, #tpu.memory_space<hbm>>) dst(%arg14 : memref<128x128xf32, #tpu.memory_space<vmem>>)
        %dma_wait3A_452 = arith.constant 14 : i32
        %dma_wait3A_453 = arith.constant 0 : i32
        %dma_wait3A_454 = tpu.memref_slice %arg12[%dma_wait3A_452, %dma_wait3A_453] : memref<19x128xi32, #tpu.memory_space<vmem>> -> memref<1x128xi32, #tpu.memory_space<vmem>>
        %dma_wait3A_455 = tpu.memref_squeeze %dma_wait3A_454 : memref<1x128xi32, #tpu.memory_space<vmem>> -> memref<128xi32, #tpu.memory_space<vmem>>
        %dma_wait3A_456 = arith.constant 0 : i32
        %dma_wait3A_457 = arith.constant 0 : i32
        %dma_wait3A_458 = tpu.memref_slice %arg15[%dma_wait3A_456, %dma_wait3A_457] : memref<10112x128xf32, #tpu.memory_space<vmem_shared>> -> memref<10112x128xf32, #tpu.memory_space<vmem_shared>>
        tpu.wait_indirect_dma semaphore(%arg18 : memref<!tpu.dma_semaphore, #tpu.memory_space<semaphore_mem>>) src(%arg13 : memref<128x128xf32, #tpu.memory_space<vmem>>) dst(%dma_wait3A_458 : memref<10112x128xf32, #tpu.memory_space<vmem_shared>>)
        %dma_start3A_459 = arith.constant 16 : i32
        %dma_start3A_460 = arith.constant 0 : i32
        %dma_start3A_461 = tpu.memref_slice %arg11[%dma_start3A_459, %dma_start3A_460] : memref<19x128xi32, #tpu.memory_space<vmem>> -> memref<1x128xi32, #tpu.memory_space<vmem>>
        %dma_start3A_462 = tpu.memref_squeeze %dma_start3A_461 : memref<1x128xi32, #tpu.memory_space<vmem>> -> memref<128xi32, #tpu.memory_space<vmem>>
        %dma_start3A_463 = arith.constant 0 : i32
        %dma_start3A_464 = arith.constant 0 : i32
        %dma_start3A_465 = tpu.memref_slice %arg2[%dma_start3A_463, %dma_start3A_464] : memref<40000x128xf32, #tpu.memory_space<hbm>> -> memref<40000x128xf32, #tpu.memory_space<hbm>>
        tpu.enqueue_indirect_dma source(%dma_start3A_465 : memref<40000x128xf32, #tpu.memory_space<hbm>>) target(%arg13 : memref<128x128xf32, #tpu.memory_space<vmem>>) offsets(%dma_start3A_462 : memref<128xi32, #tpu.memory_space<vmem>>) semaphore(%arg16 : memref<!tpu.dma_semaphore, #tpu.memory_space<semaphore_mem>>)
        %dma_start3A_466 = arith.constant 15 : i32
        %dma_start3A_467 = arith.constant 0 : i32
        %dma_start3A_468 = tpu.memref_slice %arg12[%dma_start3A_466, %dma_start3A_467] : memref<19x128xi32, #tpu.memory_space<vmem>> -> memref<1x128xi32, #tpu.memory_space<vmem>>
        %dma_start3A_469 = tpu.memref_squeeze %dma_start3A_468 : memref<1x128xi32, #tpu.memory_space<vmem>> -> memref<128xi32, #tpu.memory_space<vmem>>
        %dma_start3A_470 = arith.constant 0 : i32
        %dma_start3A_471 = arith.constant 0 : i32
        %dma_start3A_472 = tpu.memref_slice %arg15[%dma_start3A_470, %dma_start3A_471] : memref<10112x128xf32, #tpu.memory_space<vmem_shared>> -> memref<10112x128xf32, #tpu.memory_space<vmem_shared>>
        tpu.enqueue_indirect_dma source(%arg14 : memref<128x128xf32, #tpu.memory_space<vmem>>) target(%dma_start3A_472 : memref<10112x128xf32, #tpu.memory_space<vmem_shared>>) offsets(%dma_start3A_469 : memref<128xi32, #tpu.memory_space<vmem>>) semaphore(%arg19 : memref<!tpu.dma_semaphore, #tpu.memory_space<semaphore_mem>>) {add = true}
        %dma_wait3A_473 = arith.constant 16 : i32
        %dma_wait3A_474 = arith.constant 0 : i32
        %dma_wait3A_475 = tpu.memref_slice %arg11[%dma_wait3A_473, %dma_wait3A_474] : memref<19x128xi32, #tpu.memory_space<vmem>> -> memref<1x128xi32, #tpu.memory_space<vmem>>
        %dma_wait3A_476 = tpu.memref_squeeze %dma_wait3A_475 : memref<1x128xi32, #tpu.memory_space<vmem>> -> memref<128xi32, #tpu.memory_space<vmem>>
        %dma_wait3A_477 = arith.constant 0 : i32
        %dma_wait3A_478 = arith.constant 0 : i32
        %dma_wait3A_479 = tpu.memref_slice %arg2[%dma_wait3A_477, %dma_wait3A_478] : memref<40000x128xf32, #tpu.memory_space<hbm>> -> memref<40000x128xf32, #tpu.memory_space<hbm>>
        tpu.wait_indirect_dma semaphore(%arg16 : memref<!tpu.dma_semaphore, #tpu.memory_space<semaphore_mem>>) src(%dma_wait3A_479 : memref<40000x128xf32, #tpu.memory_space<hbm>>) dst(%arg13 : memref<128x128xf32, #tpu.memory_space<vmem>>)
        %dma_wait3A_480 = arith.constant 15 : i32
        %dma_wait3A_481 = arith.constant 0 : i32
        %dma_wait3A_482 = tpu.memref_slice %arg12[%dma_wait3A_480, %dma_wait3A_481] : memref<19x128xi32, #tpu.memory_space<vmem>> -> memref<1x128xi32, #tpu.memory_space<vmem>>
        %dma_wait3A_483 = tpu.memref_squeeze %dma_wait3A_482 : memref<1x128xi32, #tpu.memory_space<vmem>> -> memref<128xi32, #tpu.memory_space<vmem>>
        %dma_wait3A_484 = arith.constant 0 : i32
        %dma_wait3A_485 = arith.constant 0 : i32
        %dma_wait3A_486 = tpu.memref_slice %arg15[%dma_wait3A_484, %dma_wait3A_485] : memref<10112x128xf32, #tpu.memory_space<vmem_shared>> -> memref<10112x128xf32, #tpu.memory_space<vmem_shared>>
        tpu.wait_indirect_dma semaphore(%arg19 : memref<!tpu.dma_semaphore, #tpu.memory_space<semaphore_mem>>) src(%arg14 : memref<128x128xf32, #tpu.memory_space<vmem>>) dst(%dma_wait3A_486 : memref<10112x128xf32, #tpu.memory_space<vmem_shared>>)
        %dma_start3A_487 = arith.constant 17 : i32
        %dma_start3A_488 = arith.constant 0 : i32
        %dma_start3A_489 = tpu.memref_slice %arg11[%dma_start3A_487, %dma_start3A_488] : memref<19x128xi32, #tpu.memory_space<vmem>> -> memref<1x128xi32, #tpu.memory_space<vmem>>
        %dma_start3A_490 = tpu.memref_squeeze %dma_start3A_489 : memref<1x128xi32, #tpu.memory_space<vmem>> -> memref<128xi32, #tpu.memory_space<vmem>>
        %dma_start3A_491 = arith.constant 0 : i32
        %dma_start3A_492 = arith.constant 0 : i32
        %dma_start3A_493 = tpu.memref_slice %arg2[%dma_start3A_491, %dma_start3A_492] : memref<40000x128xf32, #tpu.memory_space<hbm>> -> memref<40000x128xf32, #tpu.memory_space<hbm>>
        tpu.enqueue_indirect_dma source(%dma_start3A_493 : memref<40000x128xf32, #tpu.memory_space<hbm>>) target(%arg14 : memref<128x128xf32, #tpu.memory_space<vmem>>) offsets(%dma_start3A_490 : memref<128xi32, #tpu.memory_space<vmem>>) semaphore(%arg17 : memref<!tpu.dma_semaphore, #tpu.memory_space<semaphore_mem>>)
        %dma_start3A_494 = arith.constant 16 : i32
        %dma_start3A_495 = arith.constant 0 : i32
        %dma_start3A_496 = tpu.memref_slice %arg12[%dma_start3A_494, %dma_start3A_495] : memref<19x128xi32, #tpu.memory_space<vmem>> -> memref<1x128xi32, #tpu.memory_space<vmem>>
        %dma_start3A_497 = tpu.memref_squeeze %dma_start3A_496 : memref<1x128xi32, #tpu.memory_space<vmem>> -> memref<128xi32, #tpu.memory_space<vmem>>
        %dma_start3A_498 = arith.constant 0 : i32
        %dma_start3A_499 = arith.constant 0 : i32
        %dma_start3A_500 = tpu.memref_slice %arg15[%dma_start3A_498, %dma_start3A_499] : memref<10112x128xf32, #tpu.memory_space<vmem_shared>> -> memref<10112x128xf32, #tpu.memory_space<vmem_shared>>
        tpu.enqueue_indirect_dma source(%arg13 : memref<128x128xf32, #tpu.memory_space<vmem>>) target(%dma_start3A_500 : memref<10112x128xf32, #tpu.memory_space<vmem_shared>>) offsets(%dma_start3A_497 : memref<128xi32, #tpu.memory_space<vmem>>) semaphore(%arg18 : memref<!tpu.dma_semaphore, #tpu.memory_space<semaphore_mem>>) {add = true}
        %dma_wait3A_501 = arith.constant 17 : i32
        %dma_wait3A_502 = arith.constant 0 : i32
        %dma_wait3A_503 = tpu.memref_slice %arg11[%dma_wait3A_501, %dma_wait3A_502] : memref<19x128xi32, #tpu.memory_space<vmem>> -> memref<1x128xi32, #tpu.memory_space<vmem>>
        %dma_wait3A_504 = tpu.memref_squeeze %dma_wait3A_503 : memref<1x128xi32, #tpu.memory_space<vmem>> -> memref<128xi32, #tpu.memory_space<vmem>>
        %dma_wait3A_505 = arith.constant 0 : i32
        %dma_wait3A_506 = arith.constant 0 : i32
        %dma_wait3A_507 = tpu.memref_slice %arg2[%dma_wait3A_505, %dma_wait3A_506] : memref<40000x128xf32, #tpu.memory_space<hbm>> -> memref<40000x128xf32, #tpu.memory_space<hbm>>
        tpu.wait_indirect_dma semaphore(%arg17 : memref<!tpu.dma_semaphore, #tpu.memory_space<semaphore_mem>>) src(%dma_wait3A_507 : memref<40000x128xf32, #tpu.memory_space<hbm>>) dst(%arg14 : memref<128x128xf32, #tpu.memory_space<vmem>>)
        %dma_wait3A_508 = arith.constant 16 : i32
        %dma_wait3A_509 = arith.constant 0 : i32
        %dma_wait3A_510 = tpu.memref_slice %arg12[%dma_wait3A_508, %dma_wait3A_509] : memref<19x128xi32, #tpu.memory_space<vmem>> -> memref<1x128xi32, #tpu.memory_space<vmem>>
        %dma_wait3A_511 = tpu.memref_squeeze %dma_wait3A_510 : memref<1x128xi32, #tpu.memory_space<vmem>> -> memref<128xi32, #tpu.memory_space<vmem>>
        %dma_wait3A_512 = arith.constant 0 : i32
        %dma_wait3A_513 = arith.constant 0 : i32
        %dma_wait3A_514 = tpu.memref_slice %arg15[%dma_wait3A_512, %dma_wait3A_513] : memref<10112x128xf32, #tpu.memory_space<vmem_shared>> -> memref<10112x128xf32, #tpu.memory_space<vmem_shared>>
        tpu.wait_indirect_dma semaphore(%arg18 : memref<!tpu.dma_semaphore, #tpu.memory_space<semaphore_mem>>) src(%arg13 : memref<128x128xf32, #tpu.memory_space<vmem>>) dst(%dma_wait3A_514 : memref<10112x128xf32, #tpu.memory_space<vmem_shared>>)
        %dma_start3A_515 = arith.constant 18 : i32
        %dma_start3A_516 = arith.constant 0 : i32
        %dma_start3A_517 = tpu.memref_slice %arg11[%dma_start3A_515, %dma_start3A_516] : memref<19x128xi32, #tpu.memory_space<vmem>> -> memref<1x128xi32, #tpu.memory_space<vmem>>
        %dma_start3A_518 = tpu.memref_squeeze %dma_start3A_517 : memref<1x128xi32, #tpu.memory_space<vmem>> -> memref<128xi32, #tpu.memory_space<vmem>>
        %dma_start3A_519 = arith.constant 0 : i32
        %dma_start3A_520 = arith.constant 0 : i32
        %dma_start3A_521 = tpu.memref_slice %arg2[%dma_start3A_519, %dma_start3A_520] : memref<40000x128xf32, #tpu.memory_space<hbm>> -> memref<40000x128xf32, #tpu.memory_space<hbm>>
        tpu.enqueue_indirect_dma source(%dma_start3A_521 : memref<40000x128xf32, #tpu.memory_space<hbm>>) target(%arg13 : memref<128x128xf32, #tpu.memory_space<vmem>>) offsets(%dma_start3A_518 : memref<128xi32, #tpu.memory_space<vmem>>) semaphore(%arg16 : memref<!tpu.dma_semaphore, #tpu.memory_space<semaphore_mem>>)
        %dma_start3A_522 = arith.constant 17 : i32
        %dma_start3A_523 = arith.constant 0 : i32
        %dma_start3A_524 = tpu.memref_slice %arg12[%dma_start3A_522, %dma_start3A_523] : memref<19x128xi32, #tpu.memory_space<vmem>> -> memref<1x128xi32, #tpu.memory_space<vmem>>
        %dma_start3A_525 = tpu.memref_squeeze %dma_start3A_524 : memref<1x128xi32, #tpu.memory_space<vmem>> -> memref<128xi32, #tpu.memory_space<vmem>>
        %dma_start3A_526 = arith.constant 0 : i32
        %dma_start3A_527 = arith.constant 0 : i32
        %dma_start3A_528 = tpu.memref_slice %arg15[%dma_start3A_526, %dma_start3A_527] : memref<10112x128xf32, #tpu.memory_space<vmem_shared>> -> memref<10112x128xf32, #tpu.memory_space<vmem_shared>>
        tpu.enqueue_indirect_dma source(%arg14 : memref<128x128xf32, #tpu.memory_space<vmem>>) target(%dma_start3A_528 : memref<10112x128xf32, #tpu.memory_space<vmem_shared>>) offsets(%dma_start3A_525 : memref<128xi32, #tpu.memory_space<vmem>>) semaphore(%arg19 : memref<!tpu.dma_semaphore, #tpu.memory_space<semaphore_mem>>) {add = true}
        %dma_wait3A_529 = arith.constant 18 : i32
        %dma_wait3A_530 = arith.constant 0 : i32
        %dma_wait3A_531 = tpu.memref_slice %arg11[%dma_wait3A_529, %dma_wait3A_530] : memref<19x128xi32, #tpu.memory_space<vmem>> -> memref<1x128xi32, #tpu.memory_space<vmem>>
        %dma_wait3A_532 = tpu.memref_squeeze %dma_wait3A_531 : memref<1x128xi32, #tpu.memory_space<vmem>> -> memref<128xi32, #tpu.memory_space<vmem>>
        %dma_wait3A_533 = arith.constant 0 : i32
        %dma_wait3A_534 = arith.constant 0 : i32
        %dma_wait3A_535 = tpu.memref_slice %arg2[%dma_wait3A_533, %dma_wait3A_534] : memref<40000x128xf32, #tpu.memory_space<hbm>> -> memref<40000x128xf32, #tpu.memory_space<hbm>>
        tpu.wait_indirect_dma semaphore(%arg16 : memref<!tpu.dma_semaphore, #tpu.memory_space<semaphore_mem>>) src(%dma_wait3A_535 : memref<40000x128xf32, #tpu.memory_space<hbm>>) dst(%arg13 : memref<128x128xf32, #tpu.memory_space<vmem>>)
        %dma_start3A_536 = arith.constant 18 : i32
        %dma_start3A_537 = arith.constant 0 : i32
        %dma_start3A_538 = tpu.memref_slice %arg12[%dma_start3A_536, %dma_start3A_537] : memref<19x128xi32, #tpu.memory_space<vmem>> -> memref<1x128xi32, #tpu.memory_space<vmem>>
        %dma_start3A_539 = tpu.memref_squeeze %dma_start3A_538 : memref<1x128xi32, #tpu.memory_space<vmem>> -> memref<128xi32, #tpu.memory_space<vmem>>
        %dma_start3A_540 = arith.constant 0 : i32
        %dma_start3A_541 = arith.constant 0 : i32
        %dma_start3A_542 = tpu.memref_slice %arg15[%dma_start3A_540, %dma_start3A_541] : memref<10112x128xf32, #tpu.memory_space<vmem_shared>> -> memref<10112x128xf32, #tpu.memory_space<vmem_shared>>
        tpu.enqueue_indirect_dma source(%arg13 : memref<128x128xf32, #tpu.memory_space<vmem>>) target(%dma_start3A_542 : memref<10112x128xf32, #tpu.memory_space<vmem_shared>>) offsets(%dma_start3A_539 : memref<128xi32, #tpu.memory_space<vmem>>) semaphore(%arg18 : memref<!tpu.dma_semaphore, #tpu.memory_space<semaphore_mem>>) {add = true}
        %dma_wait3A_543 = arith.constant 18 : i32
        %dma_wait3A_544 = arith.constant 0 : i32
        %dma_wait3A_545 = tpu.memref_slice %arg12[%dma_wait3A_543, %dma_wait3A_544] : memref<19x128xi32, #tpu.memory_space<vmem>> -> memref<1x128xi32, #tpu.memory_space<vmem>>
        %dma_wait3A_546 = tpu.memref_squeeze %dma_wait3A_545 : memref<1x128xi32, #tpu.memory_space<vmem>> -> memref<128xi32, #tpu.memory_space<vmem>>
        %dma_wait3A_547 = arith.constant 0 : i32
        %dma_wait3A_548 = arith.constant 0 : i32
        %dma_wait3A_549 = tpu.memref_slice %arg15[%dma_wait3A_547, %dma_wait3A_548] : memref<10112x128xf32, #tpu.memory_space<vmem_shared>> -> memref<10112x128xf32, #tpu.memory_space<vmem_shared>>
        tpu.wait_indirect_dma semaphore(%arg18 : memref<!tpu.dma_semaphore, #tpu.memory_space<semaphore_mem>>) src(%arg13 : memref<128x128xf32, #tpu.memory_space<vmem>>) dst(%dma_wait3A_549 : memref<10112x128xf32, #tpu.memory_space<vmem_shared>>)
        %dma_wait3A_550 = arith.constant 17 : i32
        %dma_wait3A_551 = arith.constant 0 : i32
        %dma_wait3A_552 = tpu.memref_slice %arg12[%dma_wait3A_550, %dma_wait3A_551] : memref<19x128xi32, #tpu.memory_space<vmem>> -> memref<1x128xi32, #tpu.memory_space<vmem>>
        %dma_wait3A_553 = tpu.memref_squeeze %dma_wait3A_552 : memref<1x128xi32, #tpu.memory_space<vmem>> -> memref<128xi32, #tpu.memory_space<vmem>>
        %dma_wait3A_554 = arith.constant 0 : i32
        %dma_wait3A_555 = arith.constant 0 : i32
        %dma_wait3A_556 = tpu.memref_slice %arg15[%dma_wait3A_554, %dma_wait3A_555] : memref<10112x128xf32, #tpu.memory_space<vmem_shared>> -> memref<10112x128xf32, #tpu.memory_space<vmem_shared>>
        tpu.wait_indirect_dma semaphore(%arg19 : memref<!tpu.dma_semaphore, #tpu.memory_space<semaphore_mem>>) src(%arg14 : memref<128x128xf32, #tpu.memory_space<vmem>>) dst(%dma_wait3A_556 : memref<10112x128xf32, #tpu.memory_space<vmem_shared>>)
        %add3A = arith.constant 1 : i32
        %add3A_557 = arith.addi %scan3A_32, %add3A : i32
        %lt3A = arith.constant 8 : i32
        %lt3A_558 = arith.cmpi slt, %add3A_557, %lt3A : i32
        %convert_element_type3A_559 = arith.extui %lt3A_558 : i1 to i32
        %cond3A_560 = arith.constant 0 : i32
        %cond3A_561 = arith.cmpi ne, %convert_element_type3A_559, %cond3A_560 : i32
        scf.if %cond3A_561 {
          %add3A_562 = arith.addi %mul3A_2, %scan3A_32 : i32
          %add3A_563 = arith.constant 1 : i32
          %add3A_564 = arith.addi %add3A_562, %add3A_563 : i32
          "tpu.region"() ({
            %run_scoped3A = tpu.sem_alloc : memref<!tpu.dma_semaphore, #tpu.memory_space<semaphore_mem>>
            %dma_start3A_575 = arith.constant 0 : i32
            %dma_start3A_576 = arith.constant 0 : i32
            %dma_start3A_577 = tpu.memref_slice %arg4[%add3A_564, %dma_start3A_575, %dma_start3A_576] : memref<128x19x128xi32, #tpu.memory_space<hbm>> -> memref<1x19x128xi32, #tpu.memory_space<hbm>>
            %dma_start3A_578 = tpu.memref_squeeze %dma_start3A_577 : memref<1x19x128xi32, #tpu.memory_space<hbm>> -> memref<19x128xi32, #tpu.memory_space<hbm>>
            %dma_start3A_579 = arith.constant 0 : i32
            %dma_start3A_580 = arith.constant 0 : i32
            %dma_start3A_581 = tpu.memref_slice %arg4[%add3A_564, %dma_start3A_579, %dma_start3A_580] : memref<128x19x128xi32, #tpu.memory_space<hbm>> -> memref<1x19x128xi32, #tpu.memory_space<hbm>>
            %dma_start3A_582 = tpu.memref_squeeze %dma_start3A_581 : memref<1x19x128xi32, #tpu.memory_space<hbm>> -> memref<19x128xi32, #tpu.memory_space<hbm>>
            tpu.enqueue_dma source(%dma_start3A_582 : memref<19x128xi32, #tpu.memory_space<hbm>>) target(%arg11 : memref<19x128xi32, #tpu.memory_space<vmem>>) target_semaphore(%run_scoped3A : memref<!tpu.dma_semaphore, #tpu.memory_space<semaphore_mem>>)
            %dma_wait3A_583 = arith.constant 0 : i32
            %dma_wait3A_584 = arith.constant 0 : i32
            %dma_wait3A_585 = tpu.memref_slice %arg4[%add3A_564, %dma_wait3A_583, %dma_wait3A_584] : memref<128x19x128xi32, #tpu.memory_space<hbm>> -> memref<1x19x128xi32, #tpu.memory_space<hbm>>
            %dma_wait3A_586 = tpu.memref_squeeze %dma_wait3A_585 : memref<1x19x128xi32, #tpu.memory_space<hbm>> -> memref<19x128xi32, #tpu.memory_space<hbm>>
            %dma_wait3A_587 = arith.constant 0 : i32
            %dma_wait3A_588 = arith.constant 0 : i32
            %dma_wait3A_589 = tpu.memref_slice %arg4[%add3A_564, %dma_wait3A_587, %dma_wait3A_588] : memref<128x19x128xi32, #tpu.memory_space<hbm>> -> memref<1x19x128xi32, #tpu.memory_space<hbm>>
            %dma_wait3A_590 = tpu.memref_squeeze %dma_wait3A_589 : memref<1x19x128xi32, #tpu.memory_space<hbm>> -> memref<19x128xi32, #tpu.memory_space<hbm>>
            tpu.wait_dma2 semaphore(%run_scoped3A : memref<!tpu.dma_semaphore, #tpu.memory_space<semaphore_mem>>) src(%dma_wait3A_590 : memref<19x128xi32, #tpu.memory_space<hbm>>) dst(%arg11 : memref<19x128xi32, #tpu.memory_space<vmem>>)
            tpu.yield
          }) : () -> ()
          %add3A_565 = arith.addi %mul3A_2, %scan3A_32 : i32
          %add3A_566 = arith.constant 1 : i32
          %add3A_567 = arith.addi %add3A_565, %add3A_566 : i32
          "tpu.region"() ({
            %run_scoped3A = tpu.sem_alloc : memref<!tpu.dma_semaphore, #tpu.memory_space<semaphore_mem>>
            %dma_start3A_575 = arith.constant 0 : i32
            %dma_start3A_576 = arith.constant 0 : i32
            %dma_start3A_577 = tpu.memref_slice %arg5[%add3A_567, %dma_start3A_575, %dma_start3A_576] : memref<128x19x128xi32, #tpu.memory_space<hbm>> -> memref<1x19x128xi32, #tpu.memory_space<hbm>>
            %dma_start3A_578 = tpu.memref_squeeze %dma_start3A_577 : memref<1x19x128xi32, #tpu.memory_space<hbm>> -> memref<19x128xi32, #tpu.memory_space<hbm>>
            %dma_start3A_579 = arith.constant 0 : i32
            %dma_start3A_580 = arith.constant 0 : i32
            %dma_start3A_581 = tpu.memref_slice %arg5[%add3A_567, %dma_start3A_579, %dma_start3A_580] : memref<128x19x128xi32, #tpu.memory_space<hbm>> -> memref<1x19x128xi32, #tpu.memory_space<hbm>>
            %dma_start3A_582 = tpu.memref_squeeze %dma_start3A_581 : memref<1x19x128xi32, #tpu.memory_space<hbm>> -> memref<19x128xi32, #tpu.memory_space<hbm>>
            tpu.enqueue_dma source(%dma_start3A_582 : memref<19x128xi32, #tpu.memory_space<hbm>>) target(%arg12 : memref<19x128xi32, #tpu.memory_space<vmem>>) target_semaphore(%run_scoped3A : memref<!tpu.dma_semaphore, #tpu.memory_space<semaphore_mem>>)
            %dma_wait3A_583 = arith.constant 0 : i32
            %dma_wait3A_584 = arith.constant 0 : i32
            %dma_wait3A_585 = tpu.memref_slice %arg5[%add3A_567, %dma_wait3A_583, %dma_wait3A_584] : memref<128x19x128xi32, #tpu.memory_space<hbm>> -> memref<1x19x128xi32, #tpu.memory_space<hbm>>
            %dma_wait3A_586 = tpu.memref_squeeze %dma_wait3A_585 : memref<1x19x128xi32, #tpu.memory_space<hbm>> -> memref<19x128xi32, #tpu.memory_space<hbm>>
            %dma_wait3A_587 = arith.constant 0 : i32
            %dma_wait3A_588 = arith.constant 0 : i32
            %dma_wait3A_589 = tpu.memref_slice %arg5[%add3A_567, %dma_wait3A_587, %dma_wait3A_588] : memref<128x19x128xi32, #tpu.memory_space<hbm>> -> memref<1x19x128xi32, #tpu.memory_space<hbm>>
            %dma_wait3A_590 = tpu.memref_squeeze %dma_wait3A_589 : memref<1x19x128xi32, #tpu.memory_space<hbm>> -> memref<19x128xi32, #tpu.memory_space<hbm>>
            tpu.wait_dma2 semaphore(%run_scoped3A : memref<!tpu.dma_semaphore, #tpu.memory_space<semaphore_mem>>) src(%dma_wait3A_590 : memref<19x128xi32, #tpu.memory_space<hbm>>) dst(%arg12 : memref<19x128xi32, #tpu.memory_space<vmem>>)
            tpu.yield
          }) : () -> ()
          %dma_start3A_568 = arith.constant 0 : i32
          %dma_start3A_569 = arith.constant 0 : i32
          %dma_start3A_570 = tpu.memref_slice %arg11[%dma_start3A_568, %dma_start3A_569] : memref<19x128xi32, #tpu.memory_space<vmem>> -> memref<1x128xi32, #tpu.memory_space<vmem>>
          %dma_start3A_571 = tpu.memref_squeeze %dma_start3A_570 : memref<1x128xi32, #tpu.memory_space<vmem>> -> memref<128xi32, #tpu.memory_space<vmem>>
          %dma_start3A_572 = arith.constant 0 : i32
          %dma_start3A_573 = arith.constant 0 : i32
          %dma_start3A_574 = tpu.memref_slice %arg2[%dma_start3A_572, %dma_start3A_573] : memref<40000x128xf32, #tpu.memory_space<hbm>> -> memref<40000x128xf32, #tpu.memory_space<hbm>>
          tpu.enqueue_indirect_dma source(%dma_start3A_574 : memref<40000x128xf32, #tpu.memory_space<hbm>>) target(%arg13 : memref<128x128xf32, #tpu.memory_space<vmem>>) offsets(%dma_start3A_571 : memref<128xi32, #tpu.memory_space<vmem>>) semaphore(%arg16 : memref<!tpu.dma_semaphore, #tpu.memory_space<semaphore_mem>>)
        } else {
        }
      }
      %scan3A_31 = arith.constant 8 : i32
    } else {
    }
    %eq3A_5 = arith.constant 1 : i32
    %eq3A_6 = arith.cmpi eq, %arg0, %eq3A_5 : i32
    %convert_element_type3A_7 = arith.extui %eq3A_6 : i1 to i32
    %cond3A_8 = arith.constant 0 : i32
    %cond3A_9 = arith.cmpi ne, %convert_element_type3A_7, %cond3A_8 : i32
    scf.if %cond3A_9 {
      "tpu.region"() ({
        %run_scoped3A = tpu.sem_alloc : memref<!tpu.dma_semaphore, #tpu.memory_space<semaphore_mem>>
        %dma_start3A_32 = arith.constant 0 : i32
        %dma_start3A_33 = arith.constant 0 : i32
        %dma_start3A_34 = tpu.memref_slice %arg6[%mul3A_2, %dma_start3A_32, %dma_start3A_33] : memref<128x19x128xi32, #tpu.memory_space<hbm>> -> memref<1x19x128xi32, #tpu.memory_space<hbm>>
        %dma_start3A_35 = tpu.memref_squeeze %dma_start3A_34 : memref<1x19x128xi32, #tpu.memory_space<hbm>> -> memref<19x128xi32, #tpu.memory_space<hbm>>
        %dma_start3A_36 = arith.constant 0 : i32
        %dma_start3A_37 = arith.constant 0 : i32
        %dma_start3A_38 = tpu.memref_slice %arg6[%mul3A_2, %dma_start3A_36, %dma_start3A_37] : memref<128x19x128xi32, #tpu.memory_space<hbm>> -> memref<1x19x128xi32, #tpu.memory_space<hbm>>
        %dma_start3A_39 = tpu.memref_squeeze %dma_start3A_38 : memref<1x19x128xi32, #tpu.memory_space<hbm>> -> memref<19x128xi32, #tpu.memory_space<hbm>>
        tpu.enqueue_dma source(%dma_start3A_39 : memref<19x128xi32, #tpu.memory_space<hbm>>) target(%arg11 : memref<19x128xi32, #tpu.memory_space<vmem>>) target_semaphore(%run_scoped3A : memref<!tpu.dma_semaphore, #tpu.memory_space<semaphore_mem>>)
        %dma_wait3A = arith.constant 0 : i32
        %dma_wait3A_40 = arith.constant 0 : i32
        %dma_wait3A_41 = tpu.memref_slice %arg6[%mul3A_2, %dma_wait3A, %dma_wait3A_40] : memref<128x19x128xi32, #tpu.memory_space<hbm>> -> memref<1x19x128xi32, #tpu.memory_space<hbm>>
        %dma_wait3A_42 = tpu.memref_squeeze %dma_wait3A_41 : memref<1x19x128xi32, #tpu.memory_space<hbm>> -> memref<19x128xi32, #tpu.memory_space<hbm>>
        %dma_wait3A_43 = arith.constant 0 : i32
        %dma_wait3A_44 = arith.constant 0 : i32
        %dma_wait3A_45 = tpu.memref_slice %arg6[%mul3A_2, %dma_wait3A_43, %dma_wait3A_44] : memref<128x19x128xi32, #tpu.memory_space<hbm>> -> memref<1x19x128xi32, #tpu.memory_space<hbm>>
        %dma_wait3A_46 = tpu.memref_squeeze %dma_wait3A_45 : memref<1x19x128xi32, #tpu.memory_space<hbm>> -> memref<19x128xi32, #tpu.memory_space<hbm>>
        tpu.wait_dma2 semaphore(%run_scoped3A : memref<!tpu.dma_semaphore, #tpu.memory_space<semaphore_mem>>) src(%dma_wait3A_46 : memref<19x128xi32, #tpu.memory_space<hbm>>) dst(%arg11 : memref<19x128xi32, #tpu.memory_space<vmem>>)
        tpu.yield
      }) : () -> ()
      "tpu.region"() ({
        %run_scoped3A = tpu.sem_alloc : memref<!tpu.dma_semaphore, #tpu.memory_space<semaphore_mem>>
        %dma_start3A_32 = arith.constant 0 : i32
        %dma_start3A_33 = arith.constant 0 : i32
        %dma_start3A_34 = tpu.memref_slice %arg7[%mul3A_2, %dma_start3A_32, %dma_start3A_33] : memref<128x19x128xi32, #tpu.memory_space<hbm>> -> memref<1x19x128xi32, #tpu.memory_space<hbm>>
        %dma_start3A_35 = tpu.memref_squeeze %dma_start3A_34 : memref<1x19x128xi32, #tpu.memory_space<hbm>> -> memref<19x128xi32, #tpu.memory_space<hbm>>
        %dma_start3A_36 = arith.constant 0 : i32
        %dma_start3A_37 = arith.constant 0 : i32
        %dma_start3A_38 = tpu.memref_slice %arg7[%mul3A_2, %dma_start3A_36, %dma_start3A_37] : memref<128x19x128xi32, #tpu.memory_space<hbm>> -> memref<1x19x128xi32, #tpu.memory_space<hbm>>
        %dma_start3A_39 = tpu.memref_squeeze %dma_start3A_38 : memref<1x19x128xi32, #tpu.memory_space<hbm>> -> memref<19x128xi32, #tpu.memory_space<hbm>>
        tpu.enqueue_dma source(%dma_start3A_39 : memref<19x128xi32, #tpu.memory_space<hbm>>) target(%arg12 : memref<19x128xi32, #tpu.memory_space<vmem>>) target_semaphore(%run_scoped3A : memref<!tpu.dma_semaphore, #tpu.memory_space<semaphore_mem>>)
        %dma_wait3A = arith.constant 0 : i32
        %dma_wait3A_40 = arith.constant 0 : i32
        %dma_wait3A_41 = tpu.memref_slice %arg7[%mul3A_2, %dma_wait3A, %dma_wait3A_40] : memref<128x19x128xi32, #tpu.memory_space<hbm>> -> memref<1x19x128xi32, #tpu.memory_space<hbm>>
        %dma_wait3A_42 = tpu.memref_squeeze %dma_wait3A_41 : memref<1x19x128xi32, #tpu.memory_space<hbm>> -> memref<19x128xi32, #tpu.memory_space<hbm>>
        %dma_wait3A_43 = arith.constant 0 : i32
        %dma_wait3A_44 = arith.constant 0 : i32
        %dma_wait3A_45 = tpu.memref_slice %arg7[%mul3A_2, %dma_wait3A_43, %dma_wait3A_44] : memref<128x19x128xi32, #tpu.memory_space<hbm>> -> memref<1x19x128xi32, #tpu.memory_space<hbm>>
        %dma_wait3A_46 = tpu.memref_squeeze %dma_wait3A_45 : memref<1x19x128xi32, #tpu.memory_space<hbm>> -> memref<19x128xi32, #tpu.memory_space<hbm>>
        tpu.wait_dma2 semaphore(%run_scoped3A : memref<!tpu.dma_semaphore, #tpu.memory_space<semaphore_mem>>) src(%dma_wait3A_46 : memref<19x128xi32, #tpu.memory_space<hbm>>) dst(%arg12 : memref<19x128xi32, #tpu.memory_space<vmem>>)
        tpu.yield
      }) : () -> ()
      %dma_start3A = arith.constant 0 : i32
      %dma_start3A_21 = arith.constant 0 : i32
      %dma_start3A_22 = tpu.memref_slice %arg11[%dma_start3A, %dma_start3A_21] : memref<19x128xi32, #tpu.memory_space<vmem>> -> memref<1x128xi32, #tpu.memory_space<vmem>>
      %dma_start3A_23 = tpu.memref_squeeze %dma_start3A_22 : memref<1x128xi32, #tpu.memory_space<vmem>> -> memref<128xi32, #tpu.memory_space<vmem>>
      %dma_start3A_24 = arith.constant 0 : i32
      %dma_start3A_25 = arith.constant 0 : i32
      %dma_start3A_26 = tpu.memref_slice %arg3[%dma_start3A_24, %dma_start3A_25] : memref<10000x128xf32, #tpu.memory_space<hbm>> -> memref<10000x128xf32, #tpu.memory_space<hbm>>
      tpu.enqueue_indirect_dma source(%dma_start3A_26 : memref<10000x128xf32, #tpu.memory_space<hbm>>) target(%arg13 : memref<128x128xf32, #tpu.memory_space<vmem>>) offsets(%dma_start3A_23 : memref<128xi32, #tpu.memory_space<vmem>>) semaphore(%arg16 : memref<!tpu.dma_semaphore, #tpu.memory_space<semaphore_mem>>)
      %scan3A = arith.constant 0 : i32
      %scan3A_27 = arith.constant 0 : i32
      %scan3A_28 = arith.constant 8 : i32
      %scan3A_29 = arith.addi %scan3A_27, %scan3A_28 : i32
      %scan3A_30 = arith.constant 1 : i32
      scf.for %scan3A_32 = %scan3A_27 to %scan3A_29 step %scan3A_30  : i32 {
        %dma_wait3A = arith.constant 0 : i32
        %dma_wait3A_33 = arith.constant 0 : i32
        %dma_wait3A_34 = tpu.memref_slice %arg11[%dma_wait3A, %dma_wait3A_33] : memref<19x128xi32, #tpu.memory_space<vmem>> -> memref<1x128xi32, #tpu.memory_space<vmem>>
        %dma_wait3A_35 = tpu.memref_squeeze %dma_wait3A_34 : memref<1x128xi32, #tpu.memory_space<vmem>> -> memref<128xi32, #tpu.memory_space<vmem>>
        %dma_wait3A_36 = arith.constant 0 : i32
        %dma_wait3A_37 = arith.constant 0 : i32
        %dma_wait3A_38 = tpu.memref_slice %arg3[%dma_wait3A_36, %dma_wait3A_37] : memref<10000x128xf32, #tpu.memory_space<hbm>> -> memref<10000x128xf32, #tpu.memory_space<hbm>>
        tpu.wait_indirect_dma semaphore(%arg16 : memref<!tpu.dma_semaphore, #tpu.memory_space<semaphore_mem>>) src(%dma_wait3A_38 : memref<10000x128xf32, #tpu.memory_space<hbm>>) dst(%arg13 : memref<128x128xf32, #tpu.memory_space<vmem>>)
        %dma_start3A_39 = arith.constant 1 : i32
        %dma_start3A_40 = arith.constant 0 : i32
        %dma_start3A_41 = tpu.memref_slice %arg11[%dma_start3A_39, %dma_start3A_40] : memref<19x128xi32, #tpu.memory_space<vmem>> -> memref<1x128xi32, #tpu.memory_space<vmem>>
        %dma_start3A_42 = tpu.memref_squeeze %dma_start3A_41 : memref<1x128xi32, #tpu.memory_space<vmem>> -> memref<128xi32, #tpu.memory_space<vmem>>
        %dma_start3A_43 = arith.constant 0 : i32
        %dma_start3A_44 = arith.constant 0 : i32
        %dma_start3A_45 = tpu.memref_slice %arg3[%dma_start3A_43, %dma_start3A_44] : memref<10000x128xf32, #tpu.memory_space<hbm>> -> memref<10000x128xf32, #tpu.memory_space<hbm>>
        tpu.enqueue_indirect_dma source(%dma_start3A_45 : memref<10000x128xf32, #tpu.memory_space<hbm>>) target(%arg14 : memref<128x128xf32, #tpu.memory_space<vmem>>) offsets(%dma_start3A_42 : memref<128xi32, #tpu.memory_space<vmem>>) semaphore(%arg17 : memref<!tpu.dma_semaphore, #tpu.memory_space<semaphore_mem>>)
        %dma_start3A_46 = arith.constant 0 : i32
        %dma_start3A_47 = arith.constant 0 : i32
        %dma_start3A_48 = tpu.memref_slice %arg12[%dma_start3A_46, %dma_start3A_47] : memref<19x128xi32, #tpu.memory_space<vmem>> -> memref<1x128xi32, #tpu.memory_space<vmem>>
        %dma_start3A_49 = tpu.memref_squeeze %dma_start3A_48 : memref<1x128xi32, #tpu.memory_space<vmem>> -> memref<128xi32, #tpu.memory_space<vmem>>
        %dma_start3A_50 = arith.constant 0 : i32
        %dma_start3A_51 = arith.constant 0 : i32
        %dma_start3A_52 = tpu.memref_slice %arg15[%dma_start3A_50, %dma_start3A_51] : memref<10112x128xf32, #tpu.memory_space<vmem_shared>> -> memref<10112x128xf32, #tpu.memory_space<vmem_shared>>
        tpu.enqueue_indirect_dma source(%arg13 : memref<128x128xf32, #tpu.memory_space<vmem>>) target(%dma_start3A_52 : memref<10112x128xf32, #tpu.memory_space<vmem_shared>>) offsets(%dma_start3A_49 : memref<128xi32, #tpu.memory_space<vmem>>) semaphore(%arg18 : memref<!tpu.dma_semaphore, #tpu.memory_space<semaphore_mem>>) {add = true}
        %dma_wait3A_53 = arith.constant 1 : i32
        %dma_wait3A_54 = arith.constant 0 : i32
        %dma_wait3A_55 = tpu.memref_slice %arg11[%dma_wait3A_53, %dma_wait3A_54] : memref<19x128xi32, #tpu.memory_space<vmem>> -> memref<1x128xi32, #tpu.memory_space<vmem>>
        %dma_wait3A_56 = tpu.memref_squeeze %dma_wait3A_55 : memref<1x128xi32, #tpu.memory_space<vmem>> -> memref<128xi32, #tpu.memory_space<vmem>>
        %dma_wait3A_57 = arith.constant 0 : i32
        %dma_wait3A_58 = arith.constant 0 : i32
        %dma_wait3A_59 = tpu.memref_slice %arg3[%dma_wait3A_57, %dma_wait3A_58] : memref<10000x128xf32, #tpu.memory_space<hbm>> -> memref<10000x128xf32, #tpu.memory_space<hbm>>
        tpu.wait_indirect_dma semaphore(%arg17 : memref<!tpu.dma_semaphore, #tpu.memory_space<semaphore_mem>>) src(%dma_wait3A_59 : memref<10000x128xf32, #tpu.memory_space<hbm>>) dst(%arg14 : memref<128x128xf32, #tpu.memory_space<vmem>>)
        %dma_wait3A_60 = arith.constant 0 : i32
        %dma_wait3A_61 = arith.constant 0 : i32
        %dma_wait3A_62 = tpu.memref_slice %arg12[%dma_wait3A_60, %dma_wait3A_61] : memref<19x128xi32, #tpu.memory_space<vmem>> -> memref<1x128xi32, #tpu.memory_space<vmem>>
        %dma_wait3A_63 = tpu.memref_squeeze %dma_wait3A_62 : memref<1x128xi32, #tpu.memory_space<vmem>> -> memref<128xi32, #tpu.memory_space<vmem>>
        %dma_wait3A_64 = arith.constant 0 : i32
        %dma_wait3A_65 = arith.constant 0 : i32
        %dma_wait3A_66 = tpu.memref_slice %arg15[%dma_wait3A_64, %dma_wait3A_65] : memref<10112x128xf32, #tpu.memory_space<vmem_shared>> -> memref<10112x128xf32, #tpu.memory_space<vmem_shared>>
        tpu.wait_indirect_dma semaphore(%arg18 : memref<!tpu.dma_semaphore, #tpu.memory_space<semaphore_mem>>) src(%arg13 : memref<128x128xf32, #tpu.memory_space<vmem>>) dst(%dma_wait3A_66 : memref<10112x128xf32, #tpu.memory_space<vmem_shared>>)
        %dma_start3A_67 = arith.constant 2 : i32
        %dma_start3A_68 = arith.constant 0 : i32
        %dma_start3A_69 = tpu.memref_slice %arg11[%dma_start3A_67, %dma_start3A_68] : memref<19x128xi32, #tpu.memory_space<vmem>> -> memref<1x128xi32, #tpu.memory_space<vmem>>
        %dma_start3A_70 = tpu.memref_squeeze %dma_start3A_69 : memref<1x128xi32, #tpu.memory_space<vmem>> -> memref<128xi32, #tpu.memory_space<vmem>>
        %dma_start3A_71 = arith.constant 0 : i32
        %dma_start3A_72 = arith.constant 0 : i32
        %dma_start3A_73 = tpu.memref_slice %arg3[%dma_start3A_71, %dma_start3A_72] : memref<10000x128xf32, #tpu.memory_space<hbm>> -> memref<10000x128xf32, #tpu.memory_space<hbm>>
        tpu.enqueue_indirect_dma source(%dma_start3A_73 : memref<10000x128xf32, #tpu.memory_space<hbm>>) target(%arg13 : memref<128x128xf32, #tpu.memory_space<vmem>>) offsets(%dma_start3A_70 : memref<128xi32, #tpu.memory_space<vmem>>) semaphore(%arg16 : memref<!tpu.dma_semaphore, #tpu.memory_space<semaphore_mem>>)
        %dma_start3A_74 = arith.constant 1 : i32
        %dma_start3A_75 = arith.constant 0 : i32
        %dma_start3A_76 = tpu.memref_slice %arg12[%dma_start3A_74, %dma_start3A_75] : memref<19x128xi32, #tpu.memory_space<vmem>> -> memref<1x128xi32, #tpu.memory_space<vmem>>
        %dma_start3A_77 = tpu.memref_squeeze %dma_start3A_76 : memref<1x128xi32, #tpu.memory_space<vmem>> -> memref<128xi32, #tpu.memory_space<vmem>>
        %dma_start3A_78 = arith.constant 0 : i32
        %dma_start3A_79 = arith.constant 0 : i32
        %dma_start3A_80 = tpu.memref_slice %arg15[%dma_start3A_78, %dma_start3A_79] : memref<10112x128xf32, #tpu.memory_space<vmem_shared>> -> memref<10112x128xf32, #tpu.memory_space<vmem_shared>>
        tpu.enqueue_indirect_dma source(%arg14 : memref<128x128xf32, #tpu.memory_space<vmem>>) target(%dma_start3A_80 : memref<10112x128xf32, #tpu.memory_space<vmem_shared>>) offsets(%dma_start3A_77 : memref<128xi32, #tpu.memory_space<vmem>>) semaphore(%arg19 : memref<!tpu.dma_semaphore, #tpu.memory_space<semaphore_mem>>) {add = true}
        %dma_wait3A_81 = arith.constant 2 : i32
        %dma_wait3A_82 = arith.constant 0 : i32
        %dma_wait3A_83 = tpu.memref_slice %arg11[%dma_wait3A_81, %dma_wait3A_82] : memref<19x128xi32, #tpu.memory_space<vmem>> -> memref<1x128xi32, #tpu.memory_space<vmem>>
        %dma_wait3A_84 = tpu.memref_squeeze %dma_wait3A_83 : memref<1x128xi32, #tpu.memory_space<vmem>> -> memref<128xi32, #tpu.memory_space<vmem>>
        %dma_wait3A_85 = arith.constant 0 : i32
        %dma_wait3A_86 = arith.constant 0 : i32
        %dma_wait3A_87 = tpu.memref_slice %arg3[%dma_wait3A_85, %dma_wait3A_86] : memref<10000x128xf32, #tpu.memory_space<hbm>> -> memref<10000x128xf32, #tpu.memory_space<hbm>>
        tpu.wait_indirect_dma semaphore(%arg16 : memref<!tpu.dma_semaphore, #tpu.memory_space<semaphore_mem>>) src(%dma_wait3A_87 : memref<10000x128xf32, #tpu.memory_space<hbm>>) dst(%arg13 : memref<128x128xf32, #tpu.memory_space<vmem>>)
        %dma_wait3A_88 = arith.constant 1 : i32
        %dma_wait3A_89 = arith.constant 0 : i32
        %dma_wait3A_90 = tpu.memref_slice %arg12[%dma_wait3A_88, %dma_wait3A_89] : memref<19x128xi32, #tpu.memory_space<vmem>> -> memref<1x128xi32, #tpu.memory_space<vmem>>
        %dma_wait3A_91 = tpu.memref_squeeze %dma_wait3A_90 : memref<1x128xi32, #tpu.memory_space<vmem>> -> memref<128xi32, #tpu.memory_space<vmem>>
        %dma_wait3A_92 = arith.constant 0 : i32
        %dma_wait3A_93 = arith.constant 0 : i32
        %dma_wait3A_94 = tpu.memref_slice %arg15[%dma_wait3A_92, %dma_wait3A_93] : memref<10112x128xf32, #tpu.memory_space<vmem_shared>> -> memref<10112x128xf32, #tpu.memory_space<vmem_shared>>
        tpu.wait_indirect_dma semaphore(%arg19 : memref<!tpu.dma_semaphore, #tpu.memory_space<semaphore_mem>>) src(%arg14 : memref<128x128xf32, #tpu.memory_space<vmem>>) dst(%dma_wait3A_94 : memref<10112x128xf32, #tpu.memory_space<vmem_shared>>)
        %dma_start3A_95 = arith.constant 3 : i32
        %dma_start3A_96 = arith.constant 0 : i32
        %dma_start3A_97 = tpu.memref_slice %arg11[%dma_start3A_95, %dma_start3A_96] : memref<19x128xi32, #tpu.memory_space<vmem>> -> memref<1x128xi32, #tpu.memory_space<vmem>>
        %dma_start3A_98 = tpu.memref_squeeze %dma_start3A_97 : memref<1x128xi32, #tpu.memory_space<vmem>> -> memref<128xi32, #tpu.memory_space<vmem>>
        %dma_start3A_99 = arith.constant 0 : i32
        %dma_start3A_100 = arith.constant 0 : i32
        %dma_start3A_101 = tpu.memref_slice %arg3[%dma_start3A_99, %dma_start3A_100] : memref<10000x128xf32, #tpu.memory_space<hbm>> -> memref<10000x128xf32, #tpu.memory_space<hbm>>
        tpu.enqueue_indirect_dma source(%dma_start3A_101 : memref<10000x128xf32, #tpu.memory_space<hbm>>) target(%arg14 : memref<128x128xf32, #tpu.memory_space<vmem>>) offsets(%dma_start3A_98 : memref<128xi32, #tpu.memory_space<vmem>>) semaphore(%arg17 : memref<!tpu.dma_semaphore, #tpu.memory_space<semaphore_mem>>)
        %dma_start3A_102 = arith.constant 2 : i32
        %dma_start3A_103 = arith.constant 0 : i32
        %dma_start3A_104 = tpu.memref_slice %arg12[%dma_start3A_102, %dma_start3A_103] : memref<19x128xi32, #tpu.memory_space<vmem>> -> memref<1x128xi32, #tpu.memory_space<vmem>>
        %dma_start3A_105 = tpu.memref_squeeze %dma_start3A_104 : memref<1x128xi32, #tpu.memory_space<vmem>> -> memref<128xi32, #tpu.memory_space<vmem>>
        %dma_start3A_106 = arith.constant 0 : i32
        %dma_start3A_107 = arith.constant 0 : i32
        %dma_start3A_108 = tpu.memref_slice %arg15[%dma_start3A_106, %dma_start3A_107] : memref<10112x128xf32, #tpu.memory_space<vmem_shared>> -> memref<10112x128xf32, #tpu.memory_space<vmem_shared>>
        tpu.enqueue_indirect_dma source(%arg13 : memref<128x128xf32, #tpu.memory_space<vmem>>) target(%dma_start3A_108 : memref<10112x128xf32, #tpu.memory_space<vmem_shared>>) offsets(%dma_start3A_105 : memref<128xi32, #tpu.memory_space<vmem>>) semaphore(%arg18 : memref<!tpu.dma_semaphore, #tpu.memory_space<semaphore_mem>>) {add = true}
        %dma_wait3A_109 = arith.constant 3 : i32
        %dma_wait3A_110 = arith.constant 0 : i32
        %dma_wait3A_111 = tpu.memref_slice %arg11[%dma_wait3A_109, %dma_wait3A_110] : memref<19x128xi32, #tpu.memory_space<vmem>> -> memref<1x128xi32, #tpu.memory_space<vmem>>
        %dma_wait3A_112 = tpu.memref_squeeze %dma_wait3A_111 : memref<1x128xi32, #tpu.memory_space<vmem>> -> memref<128xi32, #tpu.memory_space<vmem>>
        %dma_wait3A_113 = arith.constant 0 : i32
        %dma_wait3A_114 = arith.constant 0 : i32
        %dma_wait3A_115 = tpu.memref_slice %arg3[%dma_wait3A_113, %dma_wait3A_114] : memref<10000x128xf32, #tpu.memory_space<hbm>> -> memref<10000x128xf32, #tpu.memory_space<hbm>>
        tpu.wait_indirect_dma semaphore(%arg17 : memref<!tpu.dma_semaphore, #tpu.memory_space<semaphore_mem>>) src(%dma_wait3A_115 : memref<10000x128xf32, #tpu.memory_space<hbm>>) dst(%arg14 : memref<128x128xf32, #tpu.memory_space<vmem>>)
        %dma_wait3A_116 = arith.constant 2 : i32
        %dma_wait3A_117 = arith.constant 0 : i32
        %dma_wait3A_118 = tpu.memref_slice %arg12[%dma_wait3A_116, %dma_wait3A_117] : memref<19x128xi32, #tpu.memory_space<vmem>> -> memref<1x128xi32, #tpu.memory_space<vmem>>
        %dma_wait3A_119 = tpu.memref_squeeze %dma_wait3A_118 : memref<1x128xi32, #tpu.memory_space<vmem>> -> memref<128xi32, #tpu.memory_space<vmem>>
        %dma_wait3A_120 = arith.constant 0 : i32
        %dma_wait3A_121 = arith.constant 0 : i32
        %dma_wait3A_122 = tpu.memref_slice %arg15[%dma_wait3A_120, %dma_wait3A_121] : memref<10112x128xf32, #tpu.memory_space<vmem_shared>> -> memref<10112x128xf32, #tpu.memory_space<vmem_shared>>
        tpu.wait_indirect_dma semaphore(%arg18 : memref<!tpu.dma_semaphore, #tpu.memory_space<semaphore_mem>>) src(%arg13 : memref<128x128xf32, #tpu.memory_space<vmem>>) dst(%dma_wait3A_122 : memref<10112x128xf32, #tpu.memory_space<vmem_shared>>)
        %dma_start3A_123 = arith.constant 4 : i32
        %dma_start3A_124 = arith.constant 0 : i32
        %dma_start3A_125 = tpu.memref_slice %arg11[%dma_start3A_123, %dma_start3A_124] : memref<19x128xi32, #tpu.memory_space<vmem>> -> memref<1x128xi32, #tpu.memory_space<vmem>>
        %dma_start3A_126 = tpu.memref_squeeze %dma_start3A_125 : memref<1x128xi32, #tpu.memory_space<vmem>> -> memref<128xi32, #tpu.memory_space<vmem>>
        %dma_start3A_127 = arith.constant 0 : i32
        %dma_start3A_128 = arith.constant 0 : i32
        %dma_start3A_129 = tpu.memref_slice %arg3[%dma_start3A_127, %dma_start3A_128] : memref<10000x128xf32, #tpu.memory_space<hbm>> -> memref<10000x128xf32, #tpu.memory_space<hbm>>
        tpu.enqueue_indirect_dma source(%dma_start3A_129 : memref<10000x128xf32, #tpu.memory_space<hbm>>) target(%arg13 : memref<128x128xf32, #tpu.memory_space<vmem>>) offsets(%dma_start3A_126 : memref<128xi32, #tpu.memory_space<vmem>>) semaphore(%arg16 : memref<!tpu.dma_semaphore, #tpu.memory_space<semaphore_mem>>)
        %dma_start3A_130 = arith.constant 3 : i32
        %dma_start3A_131 = arith.constant 0 : i32
        %dma_start3A_132 = tpu.memref_slice %arg12[%dma_start3A_130, %dma_start3A_131] : memref<19x128xi32, #tpu.memory_space<vmem>> -> memref<1x128xi32, #tpu.memory_space<vmem>>
        %dma_start3A_133 = tpu.memref_squeeze %dma_start3A_132 : memref<1x128xi32, #tpu.memory_space<vmem>> -> memref<128xi32, #tpu.memory_space<vmem>>
        %dma_start3A_134 = arith.constant 0 : i32
        %dma_start3A_135 = arith.constant 0 : i32
        %dma_start3A_136 = tpu.memref_slice %arg15[%dma_start3A_134, %dma_start3A_135] : memref<10112x128xf32, #tpu.memory_space<vmem_shared>> -> memref<10112x128xf32, #tpu.memory_space<vmem_shared>>
        tpu.enqueue_indirect_dma source(%arg14 : memref<128x128xf32, #tpu.memory_space<vmem>>) target(%dma_start3A_136 : memref<10112x128xf32, #tpu.memory_space<vmem_shared>>) offsets(%dma_start3A_133 : memref<128xi32, #tpu.memory_space<vmem>>) semaphore(%arg19 : memref<!tpu.dma_semaphore, #tpu.memory_space<semaphore_mem>>) {add = true}
        %dma_wait3A_137 = arith.constant 4 : i32
        %dma_wait3A_138 = arith.constant 0 : i32
        %dma_wait3A_139 = tpu.memref_slice %arg11[%dma_wait3A_137, %dma_wait3A_138] : memref<19x128xi32, #tpu.memory_space<vmem>> -> memref<1x128xi32, #tpu.memory_space<vmem>>
        %dma_wait3A_140 = tpu.memref_squeeze %dma_wait3A_139 : memref<1x128xi32, #tpu.memory_space<vmem>> -> memref<128xi32, #tpu.memory_space<vmem>>
        %dma_wait3A_141 = arith.constant 0 : i32
        %dma_wait3A_142 = arith.constant 0 : i32
        %dma_wait3A_143 = tpu.memref_slice %arg3[%dma_wait3A_141, %dma_wait3A_142] : memref<10000x128xf32, #tpu.memory_space<hbm>> -> memref<10000x128xf32, #tpu.memory_space<hbm>>
        tpu.wait_indirect_dma semaphore(%arg16 : memref<!tpu.dma_semaphore, #tpu.memory_space<semaphore_mem>>) src(%dma_wait3A_143 : memref<10000x128xf32, #tpu.memory_space<hbm>>) dst(%arg13 : memref<128x128xf32, #tpu.memory_space<vmem>>)
        %dma_wait3A_144 = arith.constant 3 : i32
        %dma_wait3A_145 = arith.constant 0 : i32
        %dma_wait3A_146 = tpu.memref_slice %arg12[%dma_wait3A_144, %dma_wait3A_145] : memref<19x128xi32, #tpu.memory_space<vmem>> -> memref<1x128xi32, #tpu.memory_space<vmem>>
        %dma_wait3A_147 = tpu.memref_squeeze %dma_wait3A_146 : memref<1x128xi32, #tpu.memory_space<vmem>> -> memref<128xi32, #tpu.memory_space<vmem>>
        %dma_wait3A_148 = arith.constant 0 : i32
        %dma_wait3A_149 = arith.constant 0 : i32
        %dma_wait3A_150 = tpu.memref_slice %arg15[%dma_wait3A_148, %dma_wait3A_149] : memref<10112x128xf32, #tpu.memory_space<vmem_shared>> -> memref<10112x128xf32, #tpu.memory_space<vmem_shared>>
        tpu.wait_indirect_dma semaphore(%arg19 : memref<!tpu.dma_semaphore, #tpu.memory_space<semaphore_mem>>) src(%arg14 : memref<128x128xf32, #tpu.memory_space<vmem>>) dst(%dma_wait3A_150 : memref<10112x128xf32, #tpu.memory_space<vmem_shared>>)
        %dma_start3A_151 = arith.constant 5 : i32
        %dma_start3A_152 = arith.constant 0 : i32
        %dma_start3A_153 = tpu.memref_slice %arg11[%dma_start3A_151, %dma_start3A_152] : memref<19x128xi32, #tpu.memory_space<vmem>> -> memref<1x128xi32, #tpu.memory_space<vmem>>
        %dma_start3A_154 = tpu.memref_squeeze %dma_start3A_153 : memref<1x128xi32, #tpu.memory_space<vmem>> -> memref<128xi32, #tpu.memory_space<vmem>>
        %dma_start3A_155 = arith.constant 0 : i32
        %dma_start3A_156 = arith.constant 0 : i32
        %dma_start3A_157 = tpu.memref_slice %arg3[%dma_start3A_155, %dma_start3A_156] : memref<10000x128xf32, #tpu.memory_space<hbm>> -> memref<10000x128xf32, #tpu.memory_space<hbm>>
        tpu.enqueue_indirect_dma source(%dma_start3A_157 : memref<10000x128xf32, #tpu.memory_space<hbm>>) target(%arg14 : memref<128x128xf32, #tpu.memory_space<vmem>>) offsets(%dma_start3A_154 : memref<128xi32, #tpu.memory_space<vmem>>) semaphore(%arg17 : memref<!tpu.dma_semaphore, #tpu.memory_space<semaphore_mem>>)
        %dma_start3A_158 = arith.constant 4 : i32
        %dma_start3A_159 = arith.constant 0 : i32
        %dma_start3A_160 = tpu.memref_slice %arg12[%dma_start3A_158, %dma_start3A_159] : memref<19x128xi32, #tpu.memory_space<vmem>> -> memref<1x128xi32, #tpu.memory_space<vmem>>
        %dma_start3A_161 = tpu.memref_squeeze %dma_start3A_160 : memref<1x128xi32, #tpu.memory_space<vmem>> -> memref<128xi32, #tpu.memory_space<vmem>>
        %dma_start3A_162 = arith.constant 0 : i32
        %dma_start3A_163 = arith.constant 0 : i32
        %dma_start3A_164 = tpu.memref_slice %arg15[%dma_start3A_162, %dma_start3A_163] : memref<10112x128xf32, #tpu.memory_space<vmem_shared>> -> memref<10112x128xf32, #tpu.memory_space<vmem_shared>>
        tpu.enqueue_indirect_dma source(%arg13 : memref<128x128xf32, #tpu.memory_space<vmem>>) target(%dma_start3A_164 : memref<10112x128xf32, #tpu.memory_space<vmem_shared>>) offsets(%dma_start3A_161 : memref<128xi32, #tpu.memory_space<vmem>>) semaphore(%arg18 : memref<!tpu.dma_semaphore, #tpu.memory_space<semaphore_mem>>) {add = true}
        %dma_wait3A_165 = arith.constant 5 : i32
        %dma_wait3A_166 = arith.constant 0 : i32
        %dma_wait3A_167 = tpu.memref_slice %arg11[%dma_wait3A_165, %dma_wait3A_166] : memref<19x128xi32, #tpu.memory_space<vmem>> -> memref<1x128xi32, #tpu.memory_space<vmem>>
        %dma_wait3A_168 = tpu.memref_squeeze %dma_wait3A_167 : memref<1x128xi32, #tpu.memory_space<vmem>> -> memref<128xi32, #tpu.memory_space<vmem>>
        %dma_wait3A_169 = arith.constant 0 : i32
        %dma_wait3A_170 = arith.constant 0 : i32
        %dma_wait3A_171 = tpu.memref_slice %arg3[%dma_wait3A_169, %dma_wait3A_170] : memref<10000x128xf32, #tpu.memory_space<hbm>> -> memref<10000x128xf32, #tpu.memory_space<hbm>>
        tpu.wait_indirect_dma semaphore(%arg17 : memref<!tpu.dma_semaphore, #tpu.memory_space<semaphore_mem>>) src(%dma_wait3A_171 : memref<10000x128xf32, #tpu.memory_space<hbm>>) dst(%arg14 : memref<128x128xf32, #tpu.memory_space<vmem>>)
        %dma_wait3A_172 = arith.constant 4 : i32
        %dma_wait3A_173 = arith.constant 0 : i32
        %dma_wait3A_174 = tpu.memref_slice %arg12[%dma_wait3A_172, %dma_wait3A_173] : memref<19x128xi32, #tpu.memory_space<vmem>> -> memref<1x128xi32, #tpu.memory_space<vmem>>
        %dma_wait3A_175 = tpu.memref_squeeze %dma_wait3A_174 : memref<1x128xi32, #tpu.memory_space<vmem>> -> memref<128xi32, #tpu.memory_space<vmem>>
        %dma_wait3A_176 = arith.constant 0 : i32
        %dma_wait3A_177 = arith.constant 0 : i32
        %dma_wait3A_178 = tpu.memref_slice %arg15[%dma_wait3A_176, %dma_wait3A_177] : memref<10112x128xf32, #tpu.memory_space<vmem_shared>> -> memref<10112x128xf32, #tpu.memory_space<vmem_shared>>
        tpu.wait_indirect_dma semaphore(%arg18 : memref<!tpu.dma_semaphore, #tpu.memory_space<semaphore_mem>>) src(%arg13 : memref<128x128xf32, #tpu.memory_space<vmem>>) dst(%dma_wait3A_178 : memref<10112x128xf32, #tpu.memory_space<vmem_shared>>)
        %dma_start3A_179 = arith.constant 6 : i32
        %dma_start3A_180 = arith.constant 0 : i32
        %dma_start3A_181 = tpu.memref_slice %arg11[%dma_start3A_179, %dma_start3A_180] : memref<19x128xi32, #tpu.memory_space<vmem>> -> memref<1x128xi32, #tpu.memory_space<vmem>>
        %dma_start3A_182 = tpu.memref_squeeze %dma_start3A_181 : memref<1x128xi32, #tpu.memory_space<vmem>> -> memref<128xi32, #tpu.memory_space<vmem>>
        %dma_start3A_183 = arith.constant 0 : i32
        %dma_start3A_184 = arith.constant 0 : i32
        %dma_start3A_185 = tpu.memref_slice %arg3[%dma_start3A_183, %dma_start3A_184] : memref<10000x128xf32, #tpu.memory_space<hbm>> -> memref<10000x128xf32, #tpu.memory_space<hbm>>
        tpu.enqueue_indirect_dma source(%dma_start3A_185 : memref<10000x128xf32, #tpu.memory_space<hbm>>) target(%arg13 : memref<128x128xf32, #tpu.memory_space<vmem>>) offsets(%dma_start3A_182 : memref<128xi32, #tpu.memory_space<vmem>>) semaphore(%arg16 : memref<!tpu.dma_semaphore, #tpu.memory_space<semaphore_mem>>)
        %dma_start3A_186 = arith.constant 5 : i32
        %dma_start3A_187 = arith.constant 0 : i32
        %dma_start3A_188 = tpu.memref_slice %arg12[%dma_start3A_186, %dma_start3A_187] : memref<19x128xi32, #tpu.memory_space<vmem>> -> memref<1x128xi32, #tpu.memory_space<vmem>>
        %dma_start3A_189 = tpu.memref_squeeze %dma_start3A_188 : memref<1x128xi32, #tpu.memory_space<vmem>> -> memref<128xi32, #tpu.memory_space<vmem>>
        %dma_start3A_190 = arith.constant 0 : i32
        %dma_start3A_191 = arith.constant 0 : i32
        %dma_start3A_192 = tpu.memref_slice %arg15[%dma_start3A_190, %dma_start3A_191] : memref<10112x128xf32, #tpu.memory_space<vmem_shared>> -> memref<10112x128xf32, #tpu.memory_space<vmem_shared>>
        tpu.enqueue_indirect_dma source(%arg14 : memref<128x128xf32, #tpu.memory_space<vmem>>) target(%dma_start3A_192 : memref<10112x128xf32, #tpu.memory_space<vmem_shared>>) offsets(%dma_start3A_189 : memref<128xi32, #tpu.memory_space<vmem>>) semaphore(%arg19 : memref<!tpu.dma_semaphore, #tpu.memory_space<semaphore_mem>>) {add = true}
        %dma_wait3A_193 = arith.constant 6 : i32
        %dma_wait3A_194 = arith.constant 0 : i32
        %dma_wait3A_195 = tpu.memref_slice %arg11[%dma_wait3A_193, %dma_wait3A_194] : memref<19x128xi32, #tpu.memory_space<vmem>> -> memref<1x128xi32, #tpu.memory_space<vmem>>
        %dma_wait3A_196 = tpu.memref_squeeze %dma_wait3A_195 : memref<1x128xi32, #tpu.memory_space<vmem>> -> memref<128xi32, #tpu.memory_space<vmem>>
        %dma_wait3A_197 = arith.constant 0 : i32
        %dma_wait3A_198 = arith.constant 0 : i32
        %dma_wait3A_199 = tpu.memref_slice %arg3[%dma_wait3A_197, %dma_wait3A_198] : memref<10000x128xf32, #tpu.memory_space<hbm>> -> memref<10000x128xf32, #tpu.memory_space<hbm>>
        tpu.wait_indirect_dma semaphore(%arg16 : memref<!tpu.dma_semaphore, #tpu.memory_space<semaphore_mem>>) src(%dma_wait3A_199 : memref<10000x128xf32, #tpu.memory_space<hbm>>) dst(%arg13 : memref<128x128xf32, #tpu.memory_space<vmem>>)
        %dma_wait3A_200 = arith.constant 5 : i32
        %dma_wait3A_201 = arith.constant 0 : i32
        %dma_wait3A_202 = tpu.memref_slice %arg12[%dma_wait3A_200, %dma_wait3A_201] : memref<19x128xi32, #tpu.memory_space<vmem>> -> memref<1x128xi32, #tpu.memory_space<vmem>>
        %dma_wait3A_203 = tpu.memref_squeeze %dma_wait3A_202 : memref<1x128xi32, #tpu.memory_space<vmem>> -> memref<128xi32, #tpu.memory_space<vmem>>
        %dma_wait3A_204 = arith.constant 0 : i32
        %dma_wait3A_205 = arith.constant 0 : i32
        %dma_wait3A_206 = tpu.memref_slice %arg15[%dma_wait3A_204, %dma_wait3A_205] : memref<10112x128xf32, #tpu.memory_space<vmem_shared>> -> memref<10112x128xf32, #tpu.memory_space<vmem_shared>>
        tpu.wait_indirect_dma semaphore(%arg19 : memref<!tpu.dma_semaphore, #tpu.memory_space<semaphore_mem>>) src(%arg14 : memref<128x128xf32, #tpu.memory_space<vmem>>) dst(%dma_wait3A_206 : memref<10112x128xf32, #tpu.memory_space<vmem_shared>>)
        %dma_start3A_207 = arith.constant 7 : i32
        %dma_start3A_208 = arith.constant 0 : i32
        %dma_start3A_209 = tpu.memref_slice %arg11[%dma_start3A_207, %dma_start3A_208] : memref<19x128xi32, #tpu.memory_space<vmem>> -> memref<1x128xi32, #tpu.memory_space<vmem>>
        %dma_start3A_210 = tpu.memref_squeeze %dma_start3A_209 : memref<1x128xi32, #tpu.memory_space<vmem>> -> memref<128xi32, #tpu.memory_space<vmem>>
        %dma_start3A_211 = arith.constant 0 : i32
        %dma_start3A_212 = arith.constant 0 : i32
        %dma_start3A_213 = tpu.memref_slice %arg3[%dma_start3A_211, %dma_start3A_212] : memref<10000x128xf32, #tpu.memory_space<hbm>> -> memref<10000x128xf32, #tpu.memory_space<hbm>>
        tpu.enqueue_indirect_dma source(%dma_start3A_213 : memref<10000x128xf32, #tpu.memory_space<hbm>>) target(%arg14 : memref<128x128xf32, #tpu.memory_space<vmem>>) offsets(%dma_start3A_210 : memref<128xi32, #tpu.memory_space<vmem>>) semaphore(%arg17 : memref<!tpu.dma_semaphore, #tpu.memory_space<semaphore_mem>>)
        %dma_start3A_214 = arith.constant 6 : i32
        %dma_start3A_215 = arith.constant 0 : i32
        %dma_start3A_216 = tpu.memref_slice %arg12[%dma_start3A_214, %dma_start3A_215] : memref<19x128xi32, #tpu.memory_space<vmem>> -> memref<1x128xi32, #tpu.memory_space<vmem>>
        %dma_start3A_217 = tpu.memref_squeeze %dma_start3A_216 : memref<1x128xi32, #tpu.memory_space<vmem>> -> memref<128xi32, #tpu.memory_space<vmem>>
        %dma_start3A_218 = arith.constant 0 : i32
        %dma_start3A_219 = arith.constant 0 : i32
        %dma_start3A_220 = tpu.memref_slice %arg15[%dma_start3A_218, %dma_start3A_219] : memref<10112x128xf32, #tpu.memory_space<vmem_shared>> -> memref<10112x128xf32, #tpu.memory_space<vmem_shared>>
        tpu.enqueue_indirect_dma source(%arg13 : memref<128x128xf32, #tpu.memory_space<vmem>>) target(%dma_start3A_220 : memref<10112x128xf32, #tpu.memory_space<vmem_shared>>) offsets(%dma_start3A_217 : memref<128xi32, #tpu.memory_space<vmem>>) semaphore(%arg18 : memref<!tpu.dma_semaphore, #tpu.memory_space<semaphore_mem>>) {add = true}
        %dma_wait3A_221 = arith.constant 7 : i32
        %dma_wait3A_222 = arith.constant 0 : i32
        %dma_wait3A_223 = tpu.memref_slice %arg11[%dma_wait3A_221, %dma_wait3A_222] : memref<19x128xi32, #tpu.memory_space<vmem>> -> memref<1x128xi32, #tpu.memory_space<vmem>>
        %dma_wait3A_224 = tpu.memref_squeeze %dma_wait3A_223 : memref<1x128xi32, #tpu.memory_space<vmem>> -> memref<128xi32, #tpu.memory_space<vmem>>
        %dma_wait3A_225 = arith.constant 0 : i32
        %dma_wait3A_226 = arith.constant 0 : i32
        %dma_wait3A_227 = tpu.memref_slice %arg3[%dma_wait3A_225, %dma_wait3A_226] : memref<10000x128xf32, #tpu.memory_space<hbm>> -> memref<10000x128xf32, #tpu.memory_space<hbm>>
        tpu.wait_indirect_dma semaphore(%arg17 : memref<!tpu.dma_semaphore, #tpu.memory_space<semaphore_mem>>) src(%dma_wait3A_227 : memref<10000x128xf32, #tpu.memory_space<hbm>>) dst(%arg14 : memref<128x128xf32, #tpu.memory_space<vmem>>)
        %dma_wait3A_228 = arith.constant 6 : i32
        %dma_wait3A_229 = arith.constant 0 : i32
        %dma_wait3A_230 = tpu.memref_slice %arg12[%dma_wait3A_228, %dma_wait3A_229] : memref<19x128xi32, #tpu.memory_space<vmem>> -> memref<1x128xi32, #tpu.memory_space<vmem>>
        %dma_wait3A_231 = tpu.memref_squeeze %dma_wait3A_230 : memref<1x128xi32, #tpu.memory_space<vmem>> -> memref<128xi32, #tpu.memory_space<vmem>>
        %dma_wait3A_232 = arith.constant 0 : i32
        %dma_wait3A_233 = arith.constant 0 : i32
        %dma_wait3A_234 = tpu.memref_slice %arg15[%dma_wait3A_232, %dma_wait3A_233] : memref<10112x128xf32, #tpu.memory_space<vmem_shared>> -> memref<10112x128xf32, #tpu.memory_space<vmem_shared>>
        tpu.wait_indirect_dma semaphore(%arg18 : memref<!tpu.dma_semaphore, #tpu.memory_space<semaphore_mem>>) src(%arg13 : memref<128x128xf32, #tpu.memory_space<vmem>>) dst(%dma_wait3A_234 : memref<10112x128xf32, #tpu.memory_space<vmem_shared>>)
        %dma_start3A_235 = arith.constant 8 : i32
        %dma_start3A_236 = arith.constant 0 : i32
        %dma_start3A_237 = tpu.memref_slice %arg11[%dma_start3A_235, %dma_start3A_236] : memref<19x128xi32, #tpu.memory_space<vmem>> -> memref<1x128xi32, #tpu.memory_space<vmem>>
        %dma_start3A_238 = tpu.memref_squeeze %dma_start3A_237 : memref<1x128xi32, #tpu.memory_space<vmem>> -> memref<128xi32, #tpu.memory_space<vmem>>
        %dma_start3A_239 = arith.constant 0 : i32
        %dma_start3A_240 = arith.constant 0 : i32
        %dma_start3A_241 = tpu.memref_slice %arg3[%dma_start3A_239, %dma_start3A_240] : memref<10000x128xf32, #tpu.memory_space<hbm>> -> memref<10000x128xf32, #tpu.memory_space<hbm>>
        tpu.enqueue_indirect_dma source(%dma_start3A_241 : memref<10000x128xf32, #tpu.memory_space<hbm>>) target(%arg13 : memref<128x128xf32, #tpu.memory_space<vmem>>) offsets(%dma_start3A_238 : memref<128xi32, #tpu.memory_space<vmem>>) semaphore(%arg16 : memref<!tpu.dma_semaphore, #tpu.memory_space<semaphore_mem>>)
        %dma_start3A_242 = arith.constant 7 : i32
        %dma_start3A_243 = arith.constant 0 : i32
        %dma_start3A_244 = tpu.memref_slice %arg12[%dma_start3A_242, %dma_start3A_243] : memref<19x128xi32, #tpu.memory_space<vmem>> -> memref<1x128xi32, #tpu.memory_space<vmem>>
        %dma_start3A_245 = tpu.memref_squeeze %dma_start3A_244 : memref<1x128xi32, #tpu.memory_space<vmem>> -> memref<128xi32, #tpu.memory_space<vmem>>
        %dma_start3A_246 = arith.constant 0 : i32
        %dma_start3A_247 = arith.constant 0 : i32
        %dma_start3A_248 = tpu.memref_slice %arg15[%dma_start3A_246, %dma_start3A_247] : memref<10112x128xf32, #tpu.memory_space<vmem_shared>> -> memref<10112x128xf32, #tpu.memory_space<vmem_shared>>
        tpu.enqueue_indirect_dma source(%arg14 : memref<128x128xf32, #tpu.memory_space<vmem>>) target(%dma_start3A_248 : memref<10112x128xf32, #tpu.memory_space<vmem_shared>>) offsets(%dma_start3A_245 : memref<128xi32, #tpu.memory_space<vmem>>) semaphore(%arg19 : memref<!tpu.dma_semaphore, #tpu.memory_space<semaphore_mem>>) {add = true}
        %dma_wait3A_249 = arith.constant 8 : i32
        %dma_wait3A_250 = arith.constant 0 : i32
        %dma_wait3A_251 = tpu.memref_slice %arg11[%dma_wait3A_249, %dma_wait3A_250] : memref<19x128xi32, #tpu.memory_space<vmem>> -> memref<1x128xi32, #tpu.memory_space<vmem>>
        %dma_wait3A_252 = tpu.memref_squeeze %dma_wait3A_251 : memref<1x128xi32, #tpu.memory_space<vmem>> -> memref<128xi32, #tpu.memory_space<vmem>>
        %dma_wait3A_253 = arith.constant 0 : i32
        %dma_wait3A_254 = arith.constant 0 : i32
        %dma_wait3A_255 = tpu.memref_slice %arg3[%dma_wait3A_253, %dma_wait3A_254] : memref<10000x128xf32, #tpu.memory_space<hbm>> -> memref<10000x128xf32, #tpu.memory_space<hbm>>
        tpu.wait_indirect_dma semaphore(%arg16 : memref<!tpu.dma_semaphore, #tpu.memory_space<semaphore_mem>>) src(%dma_wait3A_255 : memref<10000x128xf32, #tpu.memory_space<hbm>>) dst(%arg13 : memref<128x128xf32, #tpu.memory_space<vmem>>)
        %dma_wait3A_256 = arith.constant 7 : i32
        %dma_wait3A_257 = arith.constant 0 : i32
        %dma_wait3A_258 = tpu.memref_slice %arg12[%dma_wait3A_256, %dma_wait3A_257] : memref<19x128xi32, #tpu.memory_space<vmem>> -> memref<1x128xi32, #tpu.memory_space<vmem>>
        %dma_wait3A_259 = tpu.memref_squeeze %dma_wait3A_258 : memref<1x128xi32, #tpu.memory_space<vmem>> -> memref<128xi32, #tpu.memory_space<vmem>>
        %dma_wait3A_260 = arith.constant 0 : i32
        %dma_wait3A_261 = arith.constant 0 : i32
        %dma_wait3A_262 = tpu.memref_slice %arg15[%dma_wait3A_260, %dma_wait3A_261] : memref<10112x128xf32, #tpu.memory_space<vmem_shared>> -> memref<10112x128xf32, #tpu.memory_space<vmem_shared>>
        tpu.wait_indirect_dma semaphore(%arg19 : memref<!tpu.dma_semaphore, #tpu.memory_space<semaphore_mem>>) src(%arg14 : memref<128x128xf32, #tpu.memory_space<vmem>>) dst(%dma_wait3A_262 : memref<10112x128xf32, #tpu.memory_space<vmem_shared>>)
        %dma_start3A_263 = arith.constant 9 : i32
        %dma_start3A_264 = arith.constant 0 : i32
        %dma_start3A_265 = tpu.memref_slice %arg11[%dma_start3A_263, %dma_start3A_264] : memref<19x128xi32, #tpu.memory_space<vmem>> -> memref<1x128xi32, #tpu.memory_space<vmem>>
        %dma_start3A_266 = tpu.memref_squeeze %dma_start3A_265 : memref<1x128xi32, #tpu.memory_space<vmem>> -> memref<128xi32, #tpu.memory_space<vmem>>
        %dma_start3A_267 = arith.constant 0 : i32
        %dma_start3A_268 = arith.constant 0 : i32
        %dma_start3A_269 = tpu.memref_slice %arg3[%dma_start3A_267, %dma_start3A_268] : memref<10000x128xf32, #tpu.memory_space<hbm>> -> memref<10000x128xf32, #tpu.memory_space<hbm>>
        tpu.enqueue_indirect_dma source(%dma_start3A_269 : memref<10000x128xf32, #tpu.memory_space<hbm>>) target(%arg14 : memref<128x128xf32, #tpu.memory_space<vmem>>) offsets(%dma_start3A_266 : memref<128xi32, #tpu.memory_space<vmem>>) semaphore(%arg17 : memref<!tpu.dma_semaphore, #tpu.memory_space<semaphore_mem>>)
        %dma_start3A_270 = arith.constant 8 : i32
        %dma_start3A_271 = arith.constant 0 : i32
        %dma_start3A_272 = tpu.memref_slice %arg12[%dma_start3A_270, %dma_start3A_271] : memref<19x128xi32, #tpu.memory_space<vmem>> -> memref<1x128xi32, #tpu.memory_space<vmem>>
        %dma_start3A_273 = tpu.memref_squeeze %dma_start3A_272 : memref<1x128xi32, #tpu.memory_space<vmem>> -> memref<128xi32, #tpu.memory_space<vmem>>
        %dma_start3A_274 = arith.constant 0 : i32
        %dma_start3A_275 = arith.constant 0 : i32
        %dma_start3A_276 = tpu.memref_slice %arg15[%dma_start3A_274, %dma_start3A_275] : memref<10112x128xf32, #tpu.memory_space<vmem_shared>> -> memref<10112x128xf32, #tpu.memory_space<vmem_shared>>
        tpu.enqueue_indirect_dma source(%arg13 : memref<128x128xf32, #tpu.memory_space<vmem>>) target(%dma_start3A_276 : memref<10112x128xf32, #tpu.memory_space<vmem_shared>>) offsets(%dma_start3A_273 : memref<128xi32, #tpu.memory_space<vmem>>) semaphore(%arg18 : memref<!tpu.dma_semaphore, #tpu.memory_space<semaphore_mem>>) {add = true}
        %dma_wait3A_277 = arith.constant 9 : i32
        %dma_wait3A_278 = arith.constant 0 : i32
        %dma_wait3A_279 = tpu.memref_slice %arg11[%dma_wait3A_277, %dma_wait3A_278] : memref<19x128xi32, #tpu.memory_space<vmem>> -> memref<1x128xi32, #tpu.memory_space<vmem>>
        %dma_wait3A_280 = tpu.memref_squeeze %dma_wait3A_279 : memref<1x128xi32, #tpu.memory_space<vmem>> -> memref<128xi32, #tpu.memory_space<vmem>>
        %dma_wait3A_281 = arith.constant 0 : i32
        %dma_wait3A_282 = arith.constant 0 : i32
        %dma_wait3A_283 = tpu.memref_slice %arg3[%dma_wait3A_281, %dma_wait3A_282] : memref<10000x128xf32, #tpu.memory_space<hbm>> -> memref<10000x128xf32, #tpu.memory_space<hbm>>
        tpu.wait_indirect_dma semaphore(%arg17 : memref<!tpu.dma_semaphore, #tpu.memory_space<semaphore_mem>>) src(%dma_wait3A_283 : memref<10000x128xf32, #tpu.memory_space<hbm>>) dst(%arg14 : memref<128x128xf32, #tpu.memory_space<vmem>>)
        %dma_wait3A_284 = arith.constant 8 : i32
        %dma_wait3A_285 = arith.constant 0 : i32
        %dma_wait3A_286 = tpu.memref_slice %arg12[%dma_wait3A_284, %dma_wait3A_285] : memref<19x128xi32, #tpu.memory_space<vmem>> -> memref<1x128xi32, #tpu.memory_space<vmem>>
        %dma_wait3A_287 = tpu.memref_squeeze %dma_wait3A_286 : memref<1x128xi32, #tpu.memory_space<vmem>> -> memref<128xi32, #tpu.memory_space<vmem>>
        %dma_wait3A_288 = arith.constant 0 : i32
        %dma_wait3A_289 = arith.constant 0 : i32
        %dma_wait3A_290 = tpu.memref_slice %arg15[%dma_wait3A_288, %dma_wait3A_289] : memref<10112x128xf32, #tpu.memory_space<vmem_shared>> -> memref<10112x128xf32, #tpu.memory_space<vmem_shared>>
        tpu.wait_indirect_dma semaphore(%arg18 : memref<!tpu.dma_semaphore, #tpu.memory_space<semaphore_mem>>) src(%arg13 : memref<128x128xf32, #tpu.memory_space<vmem>>) dst(%dma_wait3A_290 : memref<10112x128xf32, #tpu.memory_space<vmem_shared>>)
        %dma_start3A_291 = arith.constant 10 : i32
        %dma_start3A_292 = arith.constant 0 : i32
        %dma_start3A_293 = tpu.memref_slice %arg11[%dma_start3A_291, %dma_start3A_292] : memref<19x128xi32, #tpu.memory_space<vmem>> -> memref<1x128xi32, #tpu.memory_space<vmem>>
        %dma_start3A_294 = tpu.memref_squeeze %dma_start3A_293 : memref<1x128xi32, #tpu.memory_space<vmem>> -> memref<128xi32, #tpu.memory_space<vmem>>
        %dma_start3A_295 = arith.constant 0 : i32
        %dma_start3A_296 = arith.constant 0 : i32
        %dma_start3A_297 = tpu.memref_slice %arg3[%dma_start3A_295, %dma_start3A_296] : memref<10000x128xf32, #tpu.memory_space<hbm>> -> memref<10000x128xf32, #tpu.memory_space<hbm>>
        tpu.enqueue_indirect_dma source(%dma_start3A_297 : memref<10000x128xf32, #tpu.memory_space<hbm>>) target(%arg13 : memref<128x128xf32, #tpu.memory_space<vmem>>) offsets(%dma_start3A_294 : memref<128xi32, #tpu.memory_space<vmem>>) semaphore(%arg16 : memref<!tpu.dma_semaphore, #tpu.memory_space<semaphore_mem>>)
        %dma_start3A_298 = arith.constant 9 : i32
        %dma_start3A_299 = arith.constant 0 : i32
        %dma_start3A_300 = tpu.memref_slice %arg12[%dma_start3A_298, %dma_start3A_299] : memref<19x128xi32, #tpu.memory_space<vmem>> -> memref<1x128xi32, #tpu.memory_space<vmem>>
        %dma_start3A_301 = tpu.memref_squeeze %dma_start3A_300 : memref<1x128xi32, #tpu.memory_space<vmem>> -> memref<128xi32, #tpu.memory_space<vmem>>
        %dma_start3A_302 = arith.constant 0 : i32
        %dma_start3A_303 = arith.constant 0 : i32
        %dma_start3A_304 = tpu.memref_slice %arg15[%dma_start3A_302, %dma_start3A_303] : memref<10112x128xf32, #tpu.memory_space<vmem_shared>> -> memref<10112x128xf32, #tpu.memory_space<vmem_shared>>
        tpu.enqueue_indirect_dma source(%arg14 : memref<128x128xf32, #tpu.memory_space<vmem>>) target(%dma_start3A_304 : memref<10112x128xf32, #tpu.memory_space<vmem_shared>>) offsets(%dma_start3A_301 : memref<128xi32, #tpu.memory_space<vmem>>) semaphore(%arg19 : memref<!tpu.dma_semaphore, #tpu.memory_space<semaphore_mem>>) {add = true}
        %dma_wait3A_305 = arith.constant 10 : i32
        %dma_wait3A_306 = arith.constant 0 : i32
        %dma_wait3A_307 = tpu.memref_slice %arg11[%dma_wait3A_305, %dma_wait3A_306] : memref<19x128xi32, #tpu.memory_space<vmem>> -> memref<1x128xi32, #tpu.memory_space<vmem>>
        %dma_wait3A_308 = tpu.memref_squeeze %dma_wait3A_307 : memref<1x128xi32, #tpu.memory_space<vmem>> -> memref<128xi32, #tpu.memory_space<vmem>>
        %dma_wait3A_309 = arith.constant 0 : i32
        %dma_wait3A_310 = arith.constant 0 : i32
        %dma_wait3A_311 = tpu.memref_slice %arg3[%dma_wait3A_309, %dma_wait3A_310] : memref<10000x128xf32, #tpu.memory_space<hbm>> -> memref<10000x128xf32, #tpu.memory_space<hbm>>
        tpu.wait_indirect_dma semaphore(%arg16 : memref<!tpu.dma_semaphore, #tpu.memory_space<semaphore_mem>>) src(%dma_wait3A_311 : memref<10000x128xf32, #tpu.memory_space<hbm>>) dst(%arg13 : memref<128x128xf32, #tpu.memory_space<vmem>>)
        %dma_wait3A_312 = arith.constant 9 : i32
        %dma_wait3A_313 = arith.constant 0 : i32
        %dma_wait3A_314 = tpu.memref_slice %arg12[%dma_wait3A_312, %dma_wait3A_313] : memref<19x128xi32, #tpu.memory_space<vmem>> -> memref<1x128xi32, #tpu.memory_space<vmem>>
        %dma_wait3A_315 = tpu.memref_squeeze %dma_wait3A_314 : memref<1x128xi32, #tpu.memory_space<vmem>> -> memref<128xi32, #tpu.memory_space<vmem>>
        %dma_wait3A_316 = arith.constant 0 : i32
        %dma_wait3A_317 = arith.constant 0 : i32
        %dma_wait3A_318 = tpu.memref_slice %arg15[%dma_wait3A_316, %dma_wait3A_317] : memref<10112x128xf32, #tpu.memory_space<vmem_shared>> -> memref<10112x128xf32, #tpu.memory_space<vmem_shared>>
        tpu.wait_indirect_dma semaphore(%arg19 : memref<!tpu.dma_semaphore, #tpu.memory_space<semaphore_mem>>) src(%arg14 : memref<128x128xf32, #tpu.memory_space<vmem>>) dst(%dma_wait3A_318 : memref<10112x128xf32, #tpu.memory_space<vmem_shared>>)
        %dma_start3A_319 = arith.constant 11 : i32
        %dma_start3A_320 = arith.constant 0 : i32
        %dma_start3A_321 = tpu.memref_slice %arg11[%dma_start3A_319, %dma_start3A_320] : memref<19x128xi32, #tpu.memory_space<vmem>> -> memref<1x128xi32, #tpu.memory_space<vmem>>
        %dma_start3A_322 = tpu.memref_squeeze %dma_start3A_321 : memref<1x128xi32, #tpu.memory_space<vmem>> -> memref<128xi32, #tpu.memory_space<vmem>>
        %dma_start3A_323 = arith.constant 0 : i32
        %dma_start3A_324 = arith.constant 0 : i32
        %dma_start3A_325 = tpu.memref_slice %arg3[%dma_start3A_323, %dma_start3A_324] : memref<10000x128xf32, #tpu.memory_space<hbm>> -> memref<10000x128xf32, #tpu.memory_space<hbm>>
        tpu.enqueue_indirect_dma source(%dma_start3A_325 : memref<10000x128xf32, #tpu.memory_space<hbm>>) target(%arg14 : memref<128x128xf32, #tpu.memory_space<vmem>>) offsets(%dma_start3A_322 : memref<128xi32, #tpu.memory_space<vmem>>) semaphore(%arg17 : memref<!tpu.dma_semaphore, #tpu.memory_space<semaphore_mem>>)
        %dma_start3A_326 = arith.constant 10 : i32
        %dma_start3A_327 = arith.constant 0 : i32
        %dma_start3A_328 = tpu.memref_slice %arg12[%dma_start3A_326, %dma_start3A_327] : memref<19x128xi32, #tpu.memory_space<vmem>> -> memref<1x128xi32, #tpu.memory_space<vmem>>
        %dma_start3A_329 = tpu.memref_squeeze %dma_start3A_328 : memref<1x128xi32, #tpu.memory_space<vmem>> -> memref<128xi32, #tpu.memory_space<vmem>>
        %dma_start3A_330 = arith.constant 0 : i32
        %dma_start3A_331 = arith.constant 0 : i32
        %dma_start3A_332 = tpu.memref_slice %arg15[%dma_start3A_330, %dma_start3A_331] : memref<10112x128xf32, #tpu.memory_space<vmem_shared>> -> memref<10112x128xf32, #tpu.memory_space<vmem_shared>>
        tpu.enqueue_indirect_dma source(%arg13 : memref<128x128xf32, #tpu.memory_space<vmem>>) target(%dma_start3A_332 : memref<10112x128xf32, #tpu.memory_space<vmem_shared>>) offsets(%dma_start3A_329 : memref<128xi32, #tpu.memory_space<vmem>>) semaphore(%arg18 : memref<!tpu.dma_semaphore, #tpu.memory_space<semaphore_mem>>) {add = true}
        %dma_wait3A_333 = arith.constant 11 : i32
        %dma_wait3A_334 = arith.constant 0 : i32
        %dma_wait3A_335 = tpu.memref_slice %arg11[%dma_wait3A_333, %dma_wait3A_334] : memref<19x128xi32, #tpu.memory_space<vmem>> -> memref<1x128xi32, #tpu.memory_space<vmem>>
        %dma_wait3A_336 = tpu.memref_squeeze %dma_wait3A_335 : memref<1x128xi32, #tpu.memory_space<vmem>> -> memref<128xi32, #tpu.memory_space<vmem>>
        %dma_wait3A_337 = arith.constant 0 : i32
        %dma_wait3A_338 = arith.constant 0 : i32
        %dma_wait3A_339 = tpu.memref_slice %arg3[%dma_wait3A_337, %dma_wait3A_338] : memref<10000x128xf32, #tpu.memory_space<hbm>> -> memref<10000x128xf32, #tpu.memory_space<hbm>>
        tpu.wait_indirect_dma semaphore(%arg17 : memref<!tpu.dma_semaphore, #tpu.memory_space<semaphore_mem>>) src(%dma_wait3A_339 : memref<10000x128xf32, #tpu.memory_space<hbm>>) dst(%arg14 : memref<128x128xf32, #tpu.memory_space<vmem>>)
        %dma_wait3A_340 = arith.constant 10 : i32
        %dma_wait3A_341 = arith.constant 0 : i32
        %dma_wait3A_342 = tpu.memref_slice %arg12[%dma_wait3A_340, %dma_wait3A_341] : memref<19x128xi32, #tpu.memory_space<vmem>> -> memref<1x128xi32, #tpu.memory_space<vmem>>
        %dma_wait3A_343 = tpu.memref_squeeze %dma_wait3A_342 : memref<1x128xi32, #tpu.memory_space<vmem>> -> memref<128xi32, #tpu.memory_space<vmem>>
        %dma_wait3A_344 = arith.constant 0 : i32
        %dma_wait3A_345 = arith.constant 0 : i32
        %dma_wait3A_346 = tpu.memref_slice %arg15[%dma_wait3A_344, %dma_wait3A_345] : memref<10112x128xf32, #tpu.memory_space<vmem_shared>> -> memref<10112x128xf32, #tpu.memory_space<vmem_shared>>
        tpu.wait_indirect_dma semaphore(%arg18 : memref<!tpu.dma_semaphore, #tpu.memory_space<semaphore_mem>>) src(%arg13 : memref<128x128xf32, #tpu.memory_space<vmem>>) dst(%dma_wait3A_346 : memref<10112x128xf32, #tpu.memory_space<vmem_shared>>)
        %dma_start3A_347 = arith.constant 12 : i32
        %dma_start3A_348 = arith.constant 0 : i32
        %dma_start3A_349 = tpu.memref_slice %arg11[%dma_start3A_347, %dma_start3A_348] : memref<19x128xi32, #tpu.memory_space<vmem>> -> memref<1x128xi32, #tpu.memory_space<vmem>>
        %dma_start3A_350 = tpu.memref_squeeze %dma_start3A_349 : memref<1x128xi32, #tpu.memory_space<vmem>> -> memref<128xi32, #tpu.memory_space<vmem>>
        %dma_start3A_351 = arith.constant 0 : i32
        %dma_start3A_352 = arith.constant 0 : i32
        %dma_start3A_353 = tpu.memref_slice %arg3[%dma_start3A_351, %dma_start3A_352] : memref<10000x128xf32, #tpu.memory_space<hbm>> -> memref<10000x128xf32, #tpu.memory_space<hbm>>
        tpu.enqueue_indirect_dma source(%dma_start3A_353 : memref<10000x128xf32, #tpu.memory_space<hbm>>) target(%arg13 : memref<128x128xf32, #tpu.memory_space<vmem>>) offsets(%dma_start3A_350 : memref<128xi32, #tpu.memory_space<vmem>>) semaphore(%arg16 : memref<!tpu.dma_semaphore, #tpu.memory_space<semaphore_mem>>)
        %dma_start3A_354 = arith.constant 11 : i32
        %dma_start3A_355 = arith.constant 0 : i32
        %dma_start3A_356 = tpu.memref_slice %arg12[%dma_start3A_354, %dma_start3A_355] : memref<19x128xi32, #tpu.memory_space<vmem>> -> memref<1x128xi32, #tpu.memory_space<vmem>>
        %dma_start3A_357 = tpu.memref_squeeze %dma_start3A_356 : memref<1x128xi32, #tpu.memory_space<vmem>> -> memref<128xi32, #tpu.memory_space<vmem>>
        %dma_start3A_358 = arith.constant 0 : i32
        %dma_start3A_359 = arith.constant 0 : i32
        %dma_start3A_360 = tpu.memref_slice %arg15[%dma_start3A_358, %dma_start3A_359] : memref<10112x128xf32, #tpu.memory_space<vmem_shared>> -> memref<10112x128xf32, #tpu.memory_space<vmem_shared>>
        tpu.enqueue_indirect_dma source(%arg14 : memref<128x128xf32, #tpu.memory_space<vmem>>) target(%dma_start3A_360 : memref<10112x128xf32, #tpu.memory_space<vmem_shared>>) offsets(%dma_start3A_357 : memref<128xi32, #tpu.memory_space<vmem>>) semaphore(%arg19 : memref<!tpu.dma_semaphore, #tpu.memory_space<semaphore_mem>>) {add = true}
        %dma_wait3A_361 = arith.constant 12 : i32
        %dma_wait3A_362 = arith.constant 0 : i32
        %dma_wait3A_363 = tpu.memref_slice %arg11[%dma_wait3A_361, %dma_wait3A_362] : memref<19x128xi32, #tpu.memory_space<vmem>> -> memref<1x128xi32, #tpu.memory_space<vmem>>
        %dma_wait3A_364 = tpu.memref_squeeze %dma_wait3A_363 : memref<1x128xi32, #tpu.memory_space<vmem>> -> memref<128xi32, #tpu.memory_space<vmem>>
        %dma_wait3A_365 = arith.constant 0 : i32
        %dma_wait3A_366 = arith.constant 0 : i32
        %dma_wait3A_367 = tpu.memref_slice %arg3[%dma_wait3A_365, %dma_wait3A_366] : memref<10000x128xf32, #tpu.memory_space<hbm>> -> memref<10000x128xf32, #tpu.memory_space<hbm>>
        tpu.wait_indirect_dma semaphore(%arg16 : memref<!tpu.dma_semaphore, #tpu.memory_space<semaphore_mem>>) src(%dma_wait3A_367 : memref<10000x128xf32, #tpu.memory_space<hbm>>) dst(%arg13 : memref<128x128xf32, #tpu.memory_space<vmem>>)
        %dma_wait3A_368 = arith.constant 11 : i32
        %dma_wait3A_369 = arith.constant 0 : i32
        %dma_wait3A_370 = tpu.memref_slice %arg12[%dma_wait3A_368, %dma_wait3A_369] : memref<19x128xi32, #tpu.memory_space<vmem>> -> memref<1x128xi32, #tpu.memory_space<vmem>>
        %dma_wait3A_371 = tpu.memref_squeeze %dma_wait3A_370 : memref<1x128xi32, #tpu.memory_space<vmem>> -> memref<128xi32, #tpu.memory_space<vmem>>
        %dma_wait3A_372 = arith.constant 0 : i32
        %dma_wait3A_373 = arith.constant 0 : i32
        %dma_wait3A_374 = tpu.memref_slice %arg15[%dma_wait3A_372, %dma_wait3A_373] : memref<10112x128xf32, #tpu.memory_space<vmem_shared>> -> memref<10112x128xf32, #tpu.memory_space<vmem_shared>>
        tpu.wait_indirect_dma semaphore(%arg19 : memref<!tpu.dma_semaphore, #tpu.memory_space<semaphore_mem>>) src(%arg14 : memref<128x128xf32, #tpu.memory_space<vmem>>) dst(%dma_wait3A_374 : memref<10112x128xf32, #tpu.memory_space<vmem_shared>>)
        %dma_start3A_375 = arith.constant 13 : i32
        %dma_start3A_376 = arith.constant 0 : i32
        %dma_start3A_377 = tpu.memref_slice %arg11[%dma_start3A_375, %dma_start3A_376] : memref<19x128xi32, #tpu.memory_space<vmem>> -> memref<1x128xi32, #tpu.memory_space<vmem>>
        %dma_start3A_378 = tpu.memref_squeeze %dma_start3A_377 : memref<1x128xi32, #tpu.memory_space<vmem>> -> memref<128xi32, #tpu.memory_space<vmem>>
        %dma_start3A_379 = arith.constant 0 : i32
        %dma_start3A_380 = arith.constant 0 : i32
        %dma_start3A_381 = tpu.memref_slice %arg3[%dma_start3A_379, %dma_start3A_380] : memref<10000x128xf32, #tpu.memory_space<hbm>> -> memref<10000x128xf32, #tpu.memory_space<hbm>>
        tpu.enqueue_indirect_dma source(%dma_start3A_381 : memref<10000x128xf32, #tpu.memory_space<hbm>>) target(%arg14 : memref<128x128xf32, #tpu.memory_space<vmem>>) offsets(%dma_start3A_378 : memref<128xi32, #tpu.memory_space<vmem>>) semaphore(%arg17 : memref<!tpu.dma_semaphore, #tpu.memory_space<semaphore_mem>>)
        %dma_start3A_382 = arith.constant 12 : i32
        %dma_start3A_383 = arith.constant 0 : i32
        %dma_start3A_384 = tpu.memref_slice %arg12[%dma_start3A_382, %dma_start3A_383] : memref<19x128xi32, #tpu.memory_space<vmem>> -> memref<1x128xi32, #tpu.memory_space<vmem>>
        %dma_start3A_385 = tpu.memref_squeeze %dma_start3A_384 : memref<1x128xi32, #tpu.memory_space<vmem>> -> memref<128xi32, #tpu.memory_space<vmem>>
        %dma_start3A_386 = arith.constant 0 : i32
        %dma_start3A_387 = arith.constant 0 : i32
        %dma_start3A_388 = tpu.memref_slice %arg15[%dma_start3A_386, %dma_start3A_387] : memref<10112x128xf32, #tpu.memory_space<vmem_shared>> -> memref<10112x128xf32, #tpu.memory_space<vmem_shared>>
        tpu.enqueue_indirect_dma source(%arg13 : memref<128x128xf32, #tpu.memory_space<vmem>>) target(%dma_start3A_388 : memref<10112x128xf32, #tpu.memory_space<vmem_shared>>) offsets(%dma_start3A_385 : memref<128xi32, #tpu.memory_space<vmem>>) semaphore(%arg18 : memref<!tpu.dma_semaphore, #tpu.memory_space<semaphore_mem>>) {add = true}
        %dma_wait3A_389 = arith.constant 13 : i32
        %dma_wait3A_390 = arith.constant 0 : i32
        %dma_wait3A_391 = tpu.memref_slice %arg11[%dma_wait3A_389, %dma_wait3A_390] : memref<19x128xi32, #tpu.memory_space<vmem>> -> memref<1x128xi32, #tpu.memory_space<vmem>>
        %dma_wait3A_392 = tpu.memref_squeeze %dma_wait3A_391 : memref<1x128xi32, #tpu.memory_space<vmem>> -> memref<128xi32, #tpu.memory_space<vmem>>
        %dma_wait3A_393 = arith.constant 0 : i32
        %dma_wait3A_394 = arith.constant 0 : i32
        %dma_wait3A_395 = tpu.memref_slice %arg3[%dma_wait3A_393, %dma_wait3A_394] : memref<10000x128xf32, #tpu.memory_space<hbm>> -> memref<10000x128xf32, #tpu.memory_space<hbm>>
        tpu.wait_indirect_dma semaphore(%arg17 : memref<!tpu.dma_semaphore, #tpu.memory_space<semaphore_mem>>) src(%dma_wait3A_395 : memref<10000x128xf32, #tpu.memory_space<hbm>>) dst(%arg14 : memref<128x128xf32, #tpu.memory_space<vmem>>)
        %dma_wait3A_396 = arith.constant 12 : i32
        %dma_wait3A_397 = arith.constant 0 : i32
        %dma_wait3A_398 = tpu.memref_slice %arg12[%dma_wait3A_396, %dma_wait3A_397] : memref<19x128xi32, #tpu.memory_space<vmem>> -> memref<1x128xi32, #tpu.memory_space<vmem>>
        %dma_wait3A_399 = tpu.memref_squeeze %dma_wait3A_398 : memref<1x128xi32, #tpu.memory_space<vmem>> -> memref<128xi32, #tpu.memory_space<vmem>>
        %dma_wait3A_400 = arith.constant 0 : i32
        %dma_wait3A_401 = arith.constant 0 : i32
        %dma_wait3A_402 = tpu.memref_slice %arg15[%dma_wait3A_400, %dma_wait3A_401] : memref<10112x128xf32, #tpu.memory_space<vmem_shared>> -> memref<10112x128xf32, #tpu.memory_space<vmem_shared>>
        tpu.wait_indirect_dma semaphore(%arg18 : memref<!tpu.dma_semaphore, #tpu.memory_space<semaphore_mem>>) src(%arg13 : memref<128x128xf32, #tpu.memory_space<vmem>>) dst(%dma_wait3A_402 : memref<10112x128xf32, #tpu.memory_space<vmem_shared>>)
        %dma_start3A_403 = arith.constant 14 : i32
        %dma_start3A_404 = arith.constant 0 : i32
        %dma_start3A_405 = tpu.memref_slice %arg11[%dma_start3A_403, %dma_start3A_404] : memref<19x128xi32, #tpu.memory_space<vmem>> -> memref<1x128xi32, #tpu.memory_space<vmem>>
        %dma_start3A_406 = tpu.memref_squeeze %dma_start3A_405 : memref<1x128xi32, #tpu.memory_space<vmem>> -> memref<128xi32, #tpu.memory_space<vmem>>
        %dma_start3A_407 = arith.constant 0 : i32
        %dma_start3A_408 = arith.constant 0 : i32
        %dma_start3A_409 = tpu.memref_slice %arg3[%dma_start3A_407, %dma_start3A_408] : memref<10000x128xf32, #tpu.memory_space<hbm>> -> memref<10000x128xf32, #tpu.memory_space<hbm>>
        tpu.enqueue_indirect_dma source(%dma_start3A_409 : memref<10000x128xf32, #tpu.memory_space<hbm>>) target(%arg13 : memref<128x128xf32, #tpu.memory_space<vmem>>) offsets(%dma_start3A_406 : memref<128xi32, #tpu.memory_space<vmem>>) semaphore(%arg16 : memref<!tpu.dma_semaphore, #tpu.memory_space<semaphore_mem>>)
        %dma_start3A_410 = arith.constant 13 : i32
        %dma_start3A_411 = arith.constant 0 : i32
        %dma_start3A_412 = tpu.memref_slice %arg12[%dma_start3A_410, %dma_start3A_411] : memref<19x128xi32, #tpu.memory_space<vmem>> -> memref<1x128xi32, #tpu.memory_space<vmem>>
        %dma_start3A_413 = tpu.memref_squeeze %dma_start3A_412 : memref<1x128xi32, #tpu.memory_space<vmem>> -> memref<128xi32, #tpu.memory_space<vmem>>
        %dma_start3A_414 = arith.constant 0 : i32
        %dma_start3A_415 = arith.constant 0 : i32
        %dma_start3A_416 = tpu.memref_slice %arg15[%dma_start3A_414, %dma_start3A_415] : memref<10112x128xf32, #tpu.memory_space<vmem_shared>> -> memref<10112x128xf32, #tpu.memory_space<vmem_shared>>
        tpu.enqueue_indirect_dma source(%arg14 : memref<128x128xf32, #tpu.memory_space<vmem>>) target(%dma_start3A_416 : memref<10112x128xf32, #tpu.memory_space<vmem_shared>>) offsets(%dma_start3A_413 : memref<128xi32, #tpu.memory_space<vmem>>) semaphore(%arg19 : memref<!tpu.dma_semaphore, #tpu.memory_space<semaphore_mem>>) {add = true}
        %dma_wait3A_417 = arith.constant 14 : i32
        %dma_wait3A_418 = arith.constant 0 : i32
        %dma_wait3A_419 = tpu.memref_slice %arg11[%dma_wait3A_417, %dma_wait3A_418] : memref<19x128xi32, #tpu.memory_space<vmem>> -> memref<1x128xi32, #tpu.memory_space<vmem>>
        %dma_wait3A_420 = tpu.memref_squeeze %dma_wait3A_419 : memref<1x128xi32, #tpu.memory_space<vmem>> -> memref<128xi32, #tpu.memory_space<vmem>>
        %dma_wait3A_421 = arith.constant 0 : i32
        %dma_wait3A_422 = arith.constant 0 : i32
        %dma_wait3A_423 = tpu.memref_slice %arg3[%dma_wait3A_421, %dma_wait3A_422] : memref<10000x128xf32, #tpu.memory_space<hbm>> -> memref<10000x128xf32, #tpu.memory_space<hbm>>
        tpu.wait_indirect_dma semaphore(%arg16 : memref<!tpu.dma_semaphore, #tpu.memory_space<semaphore_mem>>) src(%dma_wait3A_423 : memref<10000x128xf32, #tpu.memory_space<hbm>>) dst(%arg13 : memref<128x128xf32, #tpu.memory_space<vmem>>)
        %dma_wait3A_424 = arith.constant 13 : i32
        %dma_wait3A_425 = arith.constant 0 : i32
        %dma_wait3A_426 = tpu.memref_slice %arg12[%dma_wait3A_424, %dma_wait3A_425] : memref<19x128xi32, #tpu.memory_space<vmem>> -> memref<1x128xi32, #tpu.memory_space<vmem>>
        %dma_wait3A_427 = tpu.memref_squeeze %dma_wait3A_426 : memref<1x128xi32, #tpu.memory_space<vmem>> -> memref<128xi32, #tpu.memory_space<vmem>>
        %dma_wait3A_428 = arith.constant 0 : i32
        %dma_wait3A_429 = arith.constant 0 : i32
        %dma_wait3A_430 = tpu.memref_slice %arg15[%dma_wait3A_428, %dma_wait3A_429] : memref<10112x128xf32, #tpu.memory_space<vmem_shared>> -> memref<10112x128xf32, #tpu.memory_space<vmem_shared>>
        tpu.wait_indirect_dma semaphore(%arg19 : memref<!tpu.dma_semaphore, #tpu.memory_space<semaphore_mem>>) src(%arg14 : memref<128x128xf32, #tpu.memory_space<vmem>>) dst(%dma_wait3A_430 : memref<10112x128xf32, #tpu.memory_space<vmem_shared>>)
        %dma_start3A_431 = arith.constant 15 : i32
        %dma_start3A_432 = arith.constant 0 : i32
        %dma_start3A_433 = tpu.memref_slice %arg11[%dma_start3A_431, %dma_start3A_432] : memref<19x128xi32, #tpu.memory_space<vmem>> -> memref<1x128xi32, #tpu.memory_space<vmem>>
        %dma_start3A_434 = tpu.memref_squeeze %dma_start3A_433 : memref<1x128xi32, #tpu.memory_space<vmem>> -> memref<128xi32, #tpu.memory_space<vmem>>
        %dma_start3A_435 = arith.constant 0 : i32
        %dma_start3A_436 = arith.constant 0 : i32
        %dma_start3A_437 = tpu.memref_slice %arg3[%dma_start3A_435, %dma_start3A_436] : memref<10000x128xf32, #tpu.memory_space<hbm>> -> memref<10000x128xf32, #tpu.memory_space<hbm>>
        tpu.enqueue_indirect_dma source(%dma_start3A_437 : memref<10000x128xf32, #tpu.memory_space<hbm>>) target(%arg14 : memref<128x128xf32, #tpu.memory_space<vmem>>) offsets(%dma_start3A_434 : memref<128xi32, #tpu.memory_space<vmem>>) semaphore(%arg17 : memref<!tpu.dma_semaphore, #tpu.memory_space<semaphore_mem>>)
        %dma_start3A_438 = arith.constant 14 : i32
        %dma_start3A_439 = arith.constant 0 : i32
        %dma_start3A_440 = tpu.memref_slice %arg12[%dma_start3A_438, %dma_start3A_439] : memref<19x128xi32, #tpu.memory_space<vmem>> -> memref<1x128xi32, #tpu.memory_space<vmem>>
        %dma_start3A_441 = tpu.memref_squeeze %dma_start3A_440 : memref<1x128xi32, #tpu.memory_space<vmem>> -> memref<128xi32, #tpu.memory_space<vmem>>
        %dma_start3A_442 = arith.constant 0 : i32
        %dma_start3A_443 = arith.constant 0 : i32
        %dma_start3A_444 = tpu.memref_slice %arg15[%dma_start3A_442, %dma_start3A_443] : memref<10112x128xf32, #tpu.memory_space<vmem_shared>> -> memref<10112x128xf32, #tpu.memory_space<vmem_shared>>
        tpu.enqueue_indirect_dma source(%arg13 : memref<128x128xf32, #tpu.memory_space<vmem>>) target(%dma_start3A_444 : memref<10112x128xf32, #tpu.memory_space<vmem_shared>>) offsets(%dma_start3A_441 : memref<128xi32, #tpu.memory_space<vmem>>) semaphore(%arg18 : memref<!tpu.dma_semaphore, #tpu.memory_space<semaphore_mem>>) {add = true}
        %dma_wait3A_445 = arith.constant 15 : i32
        %dma_wait3A_446 = arith.constant 0 : i32
        %dma_wait3A_447 = tpu.memref_slice %arg11[%dma_wait3A_445, %dma_wait3A_446] : memref<19x128xi32, #tpu.memory_space<vmem>> -> memref<1x128xi32, #tpu.memory_space<vmem>>
        %dma_wait3A_448 = tpu.memref_squeeze %dma_wait3A_447 : memref<1x128xi32, #tpu.memory_space<vmem>> -> memref<128xi32, #tpu.memory_space<vmem>>
        %dma_wait3A_449 = arith.constant 0 : i32
        %dma_wait3A_450 = arith.constant 0 : i32
        %dma_wait3A_451 = tpu.memref_slice %arg3[%dma_wait3A_449, %dma_wait3A_450] : memref<10000x128xf32, #tpu.memory_space<hbm>> -> memref<10000x128xf32, #tpu.memory_space<hbm>>
        tpu.wait_indirect_dma semaphore(%arg17 : memref<!tpu.dma_semaphore, #tpu.memory_space<semaphore_mem>>) src(%dma_wait3A_451 : memref<10000x128xf32, #tpu.memory_space<hbm>>) dst(%arg14 : memref<128x128xf32, #tpu.memory_space<vmem>>)
        %dma_wait3A_452 = arith.constant 14 : i32
        %dma_wait3A_453 = arith.constant 0 : i32
        %dma_wait3A_454 = tpu.memref_slice %arg12[%dma_wait3A_452, %dma_wait3A_453] : memref<19x128xi32, #tpu.memory_space<vmem>> -> memref<1x128xi32, #tpu.memory_space<vmem>>
        %dma_wait3A_455 = tpu.memref_squeeze %dma_wait3A_454 : memref<1x128xi32, #tpu.memory_space<vmem>> -> memref<128xi32, #tpu.memory_space<vmem>>
        %dma_wait3A_456 = arith.constant 0 : i32
        %dma_wait3A_457 = arith.constant 0 : i32
        %dma_wait3A_458 = tpu.memref_slice %arg15[%dma_wait3A_456, %dma_wait3A_457] : memref<10112x128xf32, #tpu.memory_space<vmem_shared>> -> memref<10112x128xf32, #tpu.memory_space<vmem_shared>>
        tpu.wait_indirect_dma semaphore(%arg18 : memref<!tpu.dma_semaphore, #tpu.memory_space<semaphore_mem>>) src(%arg13 : memref<128x128xf32, #tpu.memory_space<vmem>>) dst(%dma_wait3A_458 : memref<10112x128xf32, #tpu.memory_space<vmem_shared>>)
        %dma_start3A_459 = arith.constant 16 : i32
        %dma_start3A_460 = arith.constant 0 : i32
        %dma_start3A_461 = tpu.memref_slice %arg11[%dma_start3A_459, %dma_start3A_460] : memref<19x128xi32, #tpu.memory_space<vmem>> -> memref<1x128xi32, #tpu.memory_space<vmem>>
        %dma_start3A_462 = tpu.memref_squeeze %dma_start3A_461 : memref<1x128xi32, #tpu.memory_space<vmem>> -> memref<128xi32, #tpu.memory_space<vmem>>
        %dma_start3A_463 = arith.constant 0 : i32
        %dma_start3A_464 = arith.constant 0 : i32
        %dma_start3A_465 = tpu.memref_slice %arg3[%dma_start3A_463, %dma_start3A_464] : memref<10000x128xf32, #tpu.memory_space<hbm>> -> memref<10000x128xf32, #tpu.memory_space<hbm>>
        tpu.enqueue_indirect_dma source(%dma_start3A_465 : memref<10000x128xf32, #tpu.memory_space<hbm>>) target(%arg13 : memref<128x128xf32, #tpu.memory_space<vmem>>) offsets(%dma_start3A_462 : memref<128xi32, #tpu.memory_space<vmem>>) semaphore(%arg16 : memref<!tpu.dma_semaphore, #tpu.memory_space<semaphore_mem>>)
        %dma_start3A_466 = arith.constant 15 : i32
        %dma_start3A_467 = arith.constant 0 : i32
        %dma_start3A_468 = tpu.memref_slice %arg12[%dma_start3A_466, %dma_start3A_467] : memref<19x128xi32, #tpu.memory_space<vmem>> -> memref<1x128xi32, #tpu.memory_space<vmem>>
        %dma_start3A_469 = tpu.memref_squeeze %dma_start3A_468 : memref<1x128xi32, #tpu.memory_space<vmem>> -> memref<128xi32, #tpu.memory_space<vmem>>
        %dma_start3A_470 = arith.constant 0 : i32
        %dma_start3A_471 = arith.constant 0 : i32
        %dma_start3A_472 = tpu.memref_slice %arg15[%dma_start3A_470, %dma_start3A_471] : memref<10112x128xf32, #tpu.memory_space<vmem_shared>> -> memref<10112x128xf32, #tpu.memory_space<vmem_shared>>
        tpu.enqueue_indirect_dma source(%arg14 : memref<128x128xf32, #tpu.memory_space<vmem>>) target(%dma_start3A_472 : memref<10112x128xf32, #tpu.memory_space<vmem_shared>>) offsets(%dma_start3A_469 : memref<128xi32, #tpu.memory_space<vmem>>) semaphore(%arg19 : memref<!tpu.dma_semaphore, #tpu.memory_space<semaphore_mem>>) {add = true}
        %dma_wait3A_473 = arith.constant 16 : i32
        %dma_wait3A_474 = arith.constant 0 : i32
        %dma_wait3A_475 = tpu.memref_slice %arg11[%dma_wait3A_473, %dma_wait3A_474] : memref<19x128xi32, #tpu.memory_space<vmem>> -> memref<1x128xi32, #tpu.memory_space<vmem>>
        %dma_wait3A_476 = tpu.memref_squeeze %dma_wait3A_475 : memref<1x128xi32, #tpu.memory_space<vmem>> -> memref<128xi32, #tpu.memory_space<vmem>>
        %dma_wait3A_477 = arith.constant 0 : i32
        %dma_wait3A_478 = arith.constant 0 : i32
        %dma_wait3A_479 = tpu.memref_slice %arg3[%dma_wait3A_477, %dma_wait3A_478] : memref<10000x128xf32, #tpu.memory_space<hbm>> -> memref<10000x128xf32, #tpu.memory_space<hbm>>
        tpu.wait_indirect_dma semaphore(%arg16 : memref<!tpu.dma_semaphore, #tpu.memory_space<semaphore_mem>>) src(%dma_wait3A_479 : memref<10000x128xf32, #tpu.memory_space<hbm>>) dst(%arg13 : memref<128x128xf32, #tpu.memory_space<vmem>>)
        %dma_wait3A_480 = arith.constant 15 : i32
        %dma_wait3A_481 = arith.constant 0 : i32
        %dma_wait3A_482 = tpu.memref_slice %arg12[%dma_wait3A_480, %dma_wait3A_481] : memref<19x128xi32, #tpu.memory_space<vmem>> -> memref<1x128xi32, #tpu.memory_space<vmem>>
        %dma_wait3A_483 = tpu.memref_squeeze %dma_wait3A_482 : memref<1x128xi32, #tpu.memory_space<vmem>> -> memref<128xi32, #tpu.memory_space<vmem>>
        %dma_wait3A_484 = arith.constant 0 : i32
        %dma_wait3A_485 = arith.constant 0 : i32
        %dma_wait3A_486 = tpu.memref_slice %arg15[%dma_wait3A_484, %dma_wait3A_485] : memref<10112x128xf32, #tpu.memory_space<vmem_shared>> -> memref<10112x128xf32, #tpu.memory_space<vmem_shared>>
        tpu.wait_indirect_dma semaphore(%arg19 : memref<!tpu.dma_semaphore, #tpu.memory_space<semaphore_mem>>) src(%arg14 : memref<128x128xf32, #tpu.memory_space<vmem>>) dst(%dma_wait3A_486 : memref<10112x128xf32, #tpu.memory_space<vmem_shared>>)
        %dma_start3A_487 = arith.constant 17 : i32
        %dma_start3A_488 = arith.constant 0 : i32
        %dma_start3A_489 = tpu.memref_slice %arg11[%dma_start3A_487, %dma_start3A_488] : memref<19x128xi32, #tpu.memory_space<vmem>> -> memref<1x128xi32, #tpu.memory_space<vmem>>
        %dma_start3A_490 = tpu.memref_squeeze %dma_start3A_489 : memref<1x128xi32, #tpu.memory_space<vmem>> -> memref<128xi32, #tpu.memory_space<vmem>>
        %dma_start3A_491 = arith.constant 0 : i32
        %dma_start3A_492 = arith.constant 0 : i32
        %dma_start3A_493 = tpu.memref_slice %arg3[%dma_start3A_491, %dma_start3A_492] : memref<10000x128xf32, #tpu.memory_space<hbm>> -> memref<10000x128xf32, #tpu.memory_space<hbm>>
        tpu.enqueue_indirect_dma source(%dma_start3A_493 : memref<10000x128xf32, #tpu.memory_space<hbm>>) target(%arg14 : memref<128x128xf32, #tpu.memory_space<vmem>>) offsets(%dma_start3A_490 : memref<128xi32, #tpu.memory_space<vmem>>) semaphore(%arg17 : memref<!tpu.dma_semaphore, #tpu.memory_space<semaphore_mem>>)
        %dma_start3A_494 = arith.constant 16 : i32
        %dma_start3A_495 = arith.constant 0 : i32
        %dma_start3A_496 = tpu.memref_slice %arg12[%dma_start3A_494, %dma_start3A_495] : memref<19x128xi32, #tpu.memory_space<vmem>> -> memref<1x128xi32, #tpu.memory_space<vmem>>
        %dma_start3A_497 = tpu.memref_squeeze %dma_start3A_496 : memref<1x128xi32, #tpu.memory_space<vmem>> -> memref<128xi32, #tpu.memory_space<vmem>>
        %dma_start3A_498 = arith.constant 0 : i32
        %dma_start3A_499 = arith.constant 0 : i32
        %dma_start3A_500 = tpu.memref_slice %arg15[%dma_start3A_498, %dma_start3A_499] : memref<10112x128xf32, #tpu.memory_space<vmem_shared>> -> memref<10112x128xf32, #tpu.memory_space<vmem_shared>>
        tpu.enqueue_indirect_dma source(%arg13 : memref<128x128xf32, #tpu.memory_space<vmem>>) target(%dma_start3A_500 : memref<10112x128xf32, #tpu.memory_space<vmem_shared>>) offsets(%dma_start3A_497 : memref<128xi32, #tpu.memory_space<vmem>>) semaphore(%arg18 : memref<!tpu.dma_semaphore, #tpu.memory_space<semaphore_mem>>) {add = true}
        %dma_wait3A_501 = arith.constant 17 : i32
        %dma_wait3A_502 = arith.constant 0 : i32
        %dma_wait3A_503 = tpu.memref_slice %arg11[%dma_wait3A_501, %dma_wait3A_502] : memref<19x128xi32, #tpu.memory_space<vmem>> -> memref<1x128xi32, #tpu.memory_space<vmem>>
        %dma_wait3A_504 = tpu.memref_squeeze %dma_wait3A_503 : memref<1x128xi32, #tpu.memory_space<vmem>> -> memref<128xi32, #tpu.memory_space<vmem>>
        %dma_wait3A_505 = arith.constant 0 : i32
        %dma_wait3A_506 = arith.constant 0 : i32
        %dma_wait3A_507 = tpu.memref_slice %arg3[%dma_wait3A_505, %dma_wait3A_506] : memref<10000x128xf32, #tpu.memory_space<hbm>> -> memref<10000x128xf32, #tpu.memory_space<hbm>>
        tpu.wait_indirect_dma semaphore(%arg17 : memref<!tpu.dma_semaphore, #tpu.memory_space<semaphore_mem>>) src(%dma_wait3A_507 : memref<10000x128xf32, #tpu.memory_space<hbm>>) dst(%arg14 : memref<128x128xf32, #tpu.memory_space<vmem>>)
        %dma_wait3A_508 = arith.constant 16 : i32
        %dma_wait3A_509 = arith.constant 0 : i32
        %dma_wait3A_510 = tpu.memref_slice %arg12[%dma_wait3A_508, %dma_wait3A_509] : memref<19x128xi32, #tpu.memory_space<vmem>> -> memref<1x128xi32, #tpu.memory_space<vmem>>
        %dma_wait3A_511 = tpu.memref_squeeze %dma_wait3A_510 : memref<1x128xi32, #tpu.memory_space<vmem>> -> memref<128xi32, #tpu.memory_space<vmem>>
        %dma_wait3A_512 = arith.constant 0 : i32
        %dma_wait3A_513 = arith.constant 0 : i32
        %dma_wait3A_514 = tpu.memref_slice %arg15[%dma_wait3A_512, %dma_wait3A_513] : memref<10112x128xf32, #tpu.memory_space<vmem_shared>> -> memref<10112x128xf32, #tpu.memory_space<vmem_shared>>
        tpu.wait_indirect_dma semaphore(%arg18 : memref<!tpu.dma_semaphore, #tpu.memory_space<semaphore_mem>>) src(%arg13 : memref<128x128xf32, #tpu.memory_space<vmem>>) dst(%dma_wait3A_514 : memref<10112x128xf32, #tpu.memory_space<vmem_shared>>)
        %dma_start3A_515 = arith.constant 18 : i32
        %dma_start3A_516 = arith.constant 0 : i32
        %dma_start3A_517 = tpu.memref_slice %arg11[%dma_start3A_515, %dma_start3A_516] : memref<19x128xi32, #tpu.memory_space<vmem>> -> memref<1x128xi32, #tpu.memory_space<vmem>>
        %dma_start3A_518 = tpu.memref_squeeze %dma_start3A_517 : memref<1x128xi32, #tpu.memory_space<vmem>> -> memref<128xi32, #tpu.memory_space<vmem>>
        %dma_start3A_519 = arith.constant 0 : i32
        %dma_start3A_520 = arith.constant 0 : i32
        %dma_start3A_521 = tpu.memref_slice %arg3[%dma_start3A_519, %dma_start3A_520] : memref<10000x128xf32, #tpu.memory_space<hbm>> -> memref<10000x128xf32, #tpu.memory_space<hbm>>
        tpu.enqueue_indirect_dma source(%dma_start3A_521 : memref<10000x128xf32, #tpu.memory_space<hbm>>) target(%arg13 : memref<128x128xf32, #tpu.memory_space<vmem>>) offsets(%dma_start3A_518 : memref<128xi32, #tpu.memory_space<vmem>>) semaphore(%arg16 : memref<!tpu.dma_semaphore, #tpu.memory_space<semaphore_mem>>)
        %dma_start3A_522 = arith.constant 17 : i32
        %dma_start3A_523 = arith.constant 0 : i32
        %dma_start3A_524 = tpu.memref_slice %arg12[%dma_start3A_522, %dma_start3A_523] : memref<19x128xi32, #tpu.memory_space<vmem>> -> memref<1x128xi32, #tpu.memory_space<vmem>>
        %dma_start3A_525 = tpu.memref_squeeze %dma_start3A_524 : memref<1x128xi32, #tpu.memory_space<vmem>> -> memref<128xi32, #tpu.memory_space<vmem>>
        %dma_start3A_526 = arith.constant 0 : i32
        %dma_start3A_527 = arith.constant 0 : i32
        %dma_start3A_528 = tpu.memref_slice %arg15[%dma_start3A_526, %dma_start3A_527] : memref<10112x128xf32, #tpu.memory_space<vmem_shared>> -> memref<10112x128xf32, #tpu.memory_space<vmem_shared>>
        tpu.enqueue_indirect_dma source(%arg14 : memref<128x128xf32, #tpu.memory_space<vmem>>) target(%dma_start3A_528 : memref<10112x128xf32, #tpu.memory_space<vmem_shared>>) offsets(%dma_start3A_525 : memref<128xi32, #tpu.memory_space<vmem>>) semaphore(%arg19 : memref<!tpu.dma_semaphore, #tpu.memory_space<semaphore_mem>>) {add = true}
        %dma_wait3A_529 = arith.constant 18 : i32
        %dma_wait3A_530 = arith.constant 0 : i32
        %dma_wait3A_531 = tpu.memref_slice %arg11[%dma_wait3A_529, %dma_wait3A_530] : memref<19x128xi32, #tpu.memory_space<vmem>> -> memref<1x128xi32, #tpu.memory_space<vmem>>
        %dma_wait3A_532 = tpu.memref_squeeze %dma_wait3A_531 : memref<1x128xi32, #tpu.memory_space<vmem>> -> memref<128xi32, #tpu.memory_space<vmem>>
        %dma_wait3A_533 = arith.constant 0 : i32
        %dma_wait3A_534 = arith.constant 0 : i32
        %dma_wait3A_535 = tpu.memref_slice %arg3[%dma_wait3A_533, %dma_wait3A_534] : memref<10000x128xf32, #tpu.memory_space<hbm>> -> memref<10000x128xf32, #tpu.memory_space<hbm>>
        tpu.wait_indirect_dma semaphore(%arg16 : memref<!tpu.dma_semaphore, #tpu.memory_space<semaphore_mem>>) src(%dma_wait3A_535 : memref<10000x128xf32, #tpu.memory_space<hbm>>) dst(%arg13 : memref<128x128xf32, #tpu.memory_space<vmem>>)
        %dma_start3A_536 = arith.constant 18 : i32
        %dma_start3A_537 = arith.constant 0 : i32
        %dma_start3A_538 = tpu.memref_slice %arg12[%dma_start3A_536, %dma_start3A_537] : memref<19x128xi32, #tpu.memory_space<vmem>> -> memref<1x128xi32, #tpu.memory_space<vmem>>
        %dma_start3A_539 = tpu.memref_squeeze %dma_start3A_538 : memref<1x128xi32, #tpu.memory_space<vmem>> -> memref<128xi32, #tpu.memory_space<vmem>>
        %dma_start3A_540 = arith.constant 0 : i32
        %dma_start3A_541 = arith.constant 0 : i32
        %dma_start3A_542 = tpu.memref_slice %arg15[%dma_start3A_540, %dma_start3A_541] : memref<10112x128xf32, #tpu.memory_space<vmem_shared>> -> memref<10112x128xf32, #tpu.memory_space<vmem_shared>>
        tpu.enqueue_indirect_dma source(%arg13 : memref<128x128xf32, #tpu.memory_space<vmem>>) target(%dma_start3A_542 : memref<10112x128xf32, #tpu.memory_space<vmem_shared>>) offsets(%dma_start3A_539 : memref<128xi32, #tpu.memory_space<vmem>>) semaphore(%arg18 : memref<!tpu.dma_semaphore, #tpu.memory_space<semaphore_mem>>) {add = true}
        %dma_wait3A_543 = arith.constant 18 : i32
        %dma_wait3A_544 = arith.constant 0 : i32
        %dma_wait3A_545 = tpu.memref_slice %arg12[%dma_wait3A_543, %dma_wait3A_544] : memref<19x128xi32, #tpu.memory_space<vmem>> -> memref<1x128xi32, #tpu.memory_space<vmem>>
        %dma_wait3A_546 = tpu.memref_squeeze %dma_wait3A_545 : memref<1x128xi32, #tpu.memory_space<vmem>> -> memref<128xi32, #tpu.memory_space<vmem>>
        %dma_wait3A_547 = arith.constant 0 : i32
        %dma_wait3A_548 = arith.constant 0 : i32
        %dma_wait3A_549 = tpu.memref_slice %arg15[%dma_wait3A_547, %dma_wait3A_548] : memref<10112x128xf32, #tpu.memory_space<vmem_shared>> -> memref<10112x128xf32, #tpu.memory_space<vmem_shared>>
        tpu.wait_indirect_dma semaphore(%arg18 : memref<!tpu.dma_semaphore, #tpu.memory_space<semaphore_mem>>) src(%arg13 : memref<128x128xf32, #tpu.memory_space<vmem>>) dst(%dma_wait3A_549 : memref<10112x128xf32, #tpu.memory_space<vmem_shared>>)
        %dma_wait3A_550 = arith.constant 17 : i32
        %dma_wait3A_551 = arith.constant 0 : i32
        %dma_wait3A_552 = tpu.memref_slice %arg12[%dma_wait3A_550, %dma_wait3A_551] : memref<19x128xi32, #tpu.memory_space<vmem>> -> memref<1x128xi32, #tpu.memory_space<vmem>>
        %dma_wait3A_553 = tpu.memref_squeeze %dma_wait3A_552 : memref<1x128xi32, #tpu.memory_space<vmem>> -> memref<128xi32, #tpu.memory_space<vmem>>
        %dma_wait3A_554 = arith.constant 0 : i32
        %dma_wait3A_555 = arith.constant 0 : i32
        %dma_wait3A_556 = tpu.memref_slice %arg15[%dma_wait3A_554, %dma_wait3A_555] : memref<10112x128xf32, #tpu.memory_space<vmem_shared>> -> memref<10112x128xf32, #tpu.memory_space<vmem_shared>>
        tpu.wait_indirect_dma semaphore(%arg19 : memref<!tpu.dma_semaphore, #tpu.memory_space<semaphore_mem>>) src(%arg14 : memref<128x128xf32, #tpu.memory_space<vmem>>) dst(%dma_wait3A_556 : memref<10112x128xf32, #tpu.memory_space<vmem_shared>>)
        %add3A = arith.constant 1 : i32
        %add3A_557 = arith.addi %scan3A_32, %add3A : i32
        %lt3A = arith.constant 8 : i32
        %lt3A_558 = arith.cmpi slt, %add3A_557, %lt3A : i32
        %convert_element_type3A_559 = arith.extui %lt3A_558 : i1 to i32
        %cond3A_560 = arith.constant 0 : i32
        %cond3A_561 = arith.cmpi ne, %convert_element_type3A_559, %cond3A_560 : i32
        scf.if %cond3A_561 {
          %add3A_562 = arith.addi %mul3A_2, %scan3A_32 : i32
          %add3A_563 = arith.constant 1 : i32
          %add3A_564 = arith.addi %add3A_562, %add3A_563 : i32
          "tpu.region"() ({
            %run_scoped3A = tpu.sem_alloc : memref<!tpu.dma_semaphore, #tpu.memory_space<semaphore_mem>>
            %dma_start3A_575 = arith.constant 0 : i32
            %dma_start3A_576 = arith.constant 0 : i32
            %dma_start3A_577 = tpu.memref_slice %arg6[%add3A_564, %dma_start3A_575, %dma_start3A_576] : memref<128x19x128xi32, #tpu.memory_space<hbm>> -> memref<1x19x128xi32, #tpu.memory_space<hbm>>
            %dma_start3A_578 = tpu.memref_squeeze %dma_start3A_577 : memref<1x19x128xi32, #tpu.memory_space<hbm>> -> memref<19x128xi32, #tpu.memory_space<hbm>>
            %dma_start3A_579 = arith.constant 0 : i32
            %dma_start3A_580 = arith.constant 0 : i32
            %dma_start3A_581 = tpu.memref_slice %arg6[%add3A_564, %dma_start3A_579, %dma_start3A_580] : memref<128x19x128xi32, #tpu.memory_space<hbm>> -> memref<1x19x128xi32, #tpu.memory_space<hbm>>
            %dma_start3A_582 = tpu.memref_squeeze %dma_start3A_581 : memref<1x19x128xi32, #tpu.memory_space<hbm>> -> memref<19x128xi32, #tpu.memory_space<hbm>>
            tpu.enqueue_dma source(%dma_start3A_582 : memref<19x128xi32, #tpu.memory_space<hbm>>) target(%arg11 : memref<19x128xi32, #tpu.memory_space<vmem>>) target_semaphore(%run_scoped3A : memref<!tpu.dma_semaphore, #tpu.memory_space<semaphore_mem>>)
            %dma_wait3A_583 = arith.constant 0 : i32
            %dma_wait3A_584 = arith.constant 0 : i32
            %dma_wait3A_585 = tpu.memref_slice %arg6[%add3A_564, %dma_wait3A_583, %dma_wait3A_584] : memref<128x19x128xi32, #tpu.memory_space<hbm>> -> memref<1x19x128xi32, #tpu.memory_space<hbm>>
            %dma_wait3A_586 = tpu.memref_squeeze %dma_wait3A_585 : memref<1x19x128xi32, #tpu.memory_space<hbm>> -> memref<19x128xi32, #tpu.memory_space<hbm>>
            %dma_wait3A_587 = arith.constant 0 : i32
            %dma_wait3A_588 = arith.constant 0 : i32
            %dma_wait3A_589 = tpu.memref_slice %arg6[%add3A_564, %dma_wait3A_587, %dma_wait3A_588] : memref<128x19x128xi32, #tpu.memory_space<hbm>> -> memref<1x19x128xi32, #tpu.memory_space<hbm>>
            %dma_wait3A_590 = tpu.memref_squeeze %dma_wait3A_589 : memref<1x19x128xi32, #tpu.memory_space<hbm>> -> memref<19x128xi32, #tpu.memory_space<hbm>>
            tpu.wait_dma2 semaphore(%run_scoped3A : memref<!tpu.dma_semaphore, #tpu.memory_space<semaphore_mem>>) src(%dma_wait3A_590 : memref<19x128xi32, #tpu.memory_space<hbm>>) dst(%arg11 : memref<19x128xi32, #tpu.memory_space<vmem>>)
            tpu.yield
          }) : () -> ()
          %add3A_565 = arith.addi %mul3A_2, %scan3A_32 : i32
          %add3A_566 = arith.constant 1 : i32
          %add3A_567 = arith.addi %add3A_565, %add3A_566 : i32
          "tpu.region"() ({
            %run_scoped3A = tpu.sem_alloc : memref<!tpu.dma_semaphore, #tpu.memory_space<semaphore_mem>>
            %dma_start3A_575 = arith.constant 0 : i32
            %dma_start3A_576 = arith.constant 0 : i32
            %dma_start3A_577 = tpu.memref_slice %arg7[%add3A_567, %dma_start3A_575, %dma_start3A_576] : memref<128x19x128xi32, #tpu.memory_space<hbm>> -> memref<1x19x128xi32, #tpu.memory_space<hbm>>
            %dma_start3A_578 = tpu.memref_squeeze %dma_start3A_577 : memref<1x19x128xi32, #tpu.memory_space<hbm>> -> memref<19x128xi32, #tpu.memory_space<hbm>>
            %dma_start3A_579 = arith.constant 0 : i32
            %dma_start3A_580 = arith.constant 0 : i32
            %dma_start3A_581 = tpu.memref_slice %arg7[%add3A_567, %dma_start3A_579, %dma_start3A_580] : memref<128x19x128xi32, #tpu.memory_space<hbm>> -> memref<1x19x128xi32, #tpu.memory_space<hbm>>
            %dma_start3A_582 = tpu.memref_squeeze %dma_start3A_581 : memref<1x19x128xi32, #tpu.memory_space<hbm>> -> memref<19x128xi32, #tpu.memory_space<hbm>>
            tpu.enqueue_dma source(%dma_start3A_582 : memref<19x128xi32, #tpu.memory_space<hbm>>) target(%arg12 : memref<19x128xi32, #tpu.memory_space<vmem>>) target_semaphore(%run_scoped3A : memref<!tpu.dma_semaphore, #tpu.memory_space<semaphore_mem>>)
            %dma_wait3A_583 = arith.constant 0 : i32
            %dma_wait3A_584 = arith.constant 0 : i32
            %dma_wait3A_585 = tpu.memref_slice %arg7[%add3A_567, %dma_wait3A_583, %dma_wait3A_584] : memref<128x19x128xi32, #tpu.memory_space<hbm>> -> memref<1x19x128xi32, #tpu.memory_space<hbm>>
            %dma_wait3A_586 = tpu.memref_squeeze %dma_wait3A_585 : memref<1x19x128xi32, #tpu.memory_space<hbm>> -> memref<19x128xi32, #tpu.memory_space<hbm>>
            %dma_wait3A_587 = arith.constant 0 : i32
            %dma_wait3A_588 = arith.constant 0 : i32
            %dma_wait3A_589 = tpu.memref_slice %arg7[%add3A_567, %dma_wait3A_587, %dma_wait3A_588] : memref<128x19x128xi32, #tpu.memory_space<hbm>> -> memref<1x19x128xi32, #tpu.memory_space<hbm>>
            %dma_wait3A_590 = tpu.memref_squeeze %dma_wait3A_589 : memref<1x19x128xi32, #tpu.memory_space<hbm>> -> memref<19x128xi32, #tpu.memory_space<hbm>>
            tpu.wait_dma2 semaphore(%run_scoped3A : memref<!tpu.dma_semaphore, #tpu.memory_space<semaphore_mem>>) src(%dma_wait3A_590 : memref<19x128xi32, #tpu.memory_space<hbm>>) dst(%arg12 : memref<19x128xi32, #tpu.memory_space<vmem>>)
            tpu.yield
          }) : () -> ()
          %dma_start3A_568 = arith.constant 0 : i32
          %dma_start3A_569 = arith.constant 0 : i32
          %dma_start3A_570 = tpu.memref_slice %arg11[%dma_start3A_568, %dma_start3A_569] : memref<19x128xi32, #tpu.memory_space<vmem>> -> memref<1x128xi32, #tpu.memory_space<vmem>>
          %dma_start3A_571 = tpu.memref_squeeze %dma_start3A_570 : memref<1x128xi32, #tpu.memory_space<vmem>> -> memref<128xi32, #tpu.memory_space<vmem>>
          %dma_start3A_572 = arith.constant 0 : i32
          %dma_start3A_573 = arith.constant 0 : i32
          %dma_start3A_574 = tpu.memref_slice %arg3[%dma_start3A_572, %dma_start3A_573] : memref<10000x128xf32, #tpu.memory_space<hbm>> -> memref<10000x128xf32, #tpu.memory_space<hbm>>
          tpu.enqueue_indirect_dma source(%dma_start3A_574 : memref<10000x128xf32, #tpu.memory_space<hbm>>) target(%arg13 : memref<128x128xf32, #tpu.memory_space<vmem>>) offsets(%dma_start3A_571 : memref<128xi32, #tpu.memory_space<vmem>>) semaphore(%arg16 : memref<!tpu.dma_semaphore, #tpu.memory_space<semaphore_mem>>)
        } else {
        }
      }
      %scan3A_31 = arith.constant 8 : i32
    } else {
    }
    %barrier3A_10 = arith.constant 0 : index
    tpu.barrier barrier_id(%barrier3A_10)
    %eq3A_11 = arith.constant 0 : i32
    %eq3A_12 = arith.cmpi eq, %arg0, %eq3A_11 : i32
    %convert_element_type3A_13 = arith.extui %eq3A_12 : i1 to i32
    %cond3A_14 = arith.constant 0 : i32
    %cond3A_15 = arith.cmpi ne, %convert_element_type3A_13, %cond3A_14 : i32
    scf.if %cond3A_15 {
      "tpu.region"() ({
        %run_scoped3A = tpu.sem_alloc : memref<!tpu.dma_semaphore, #tpu.memory_space<semaphore_mem>>
        %dma_start3A = arith.constant 0 : i32
        %dma_start3A_21 = tpu.memref_slice %arg9[%mul3A_0, %dma_start3A] : memref<10112x128xf32, #tpu.memory_space<hbm>> -> memref<632x128xf32, #tpu.memory_space<hbm>>
        %dma_start3A_22 = arith.constant 0 : i32
        %dma_start3A_23 = tpu.memref_slice %arg15[%mul3A_0, %dma_start3A_22] : memref<10112x128xf32, #tpu.memory_space<vmem_shared>> -> memref<632x128xf32, #tpu.memory_space<vmem_shared>>
        tpu.enqueue_dma source(%dma_start3A_23 : memref<632x128xf32, #tpu.memory_space<vmem_shared>>) target(%dma_start3A_21 : memref<632x128xf32, #tpu.memory_space<hbm>>) target_semaphore(%run_scoped3A : memref<!tpu.dma_semaphore, #tpu.memory_space<semaphore_mem>>)
        %dma_wait3A = arith.constant 0 : i32
        %dma_wait3A_24 = tpu.memref_slice %arg9[%mul3A_0, %dma_wait3A] : memref<10112x128xf32, #tpu.memory_space<hbm>> -> memref<632x128xf32, #tpu.memory_space<hbm>>
        %dma_wait3A_25 = arith.constant 0 : i32
        %dma_wait3A_26 = tpu.memref_slice %arg15[%mul3A_0, %dma_wait3A_25] : memref<10112x128xf32, #tpu.memory_space<vmem_shared>> -> memref<632x128xf32, #tpu.memory_space<vmem_shared>>
        tpu.wait_dma2 semaphore(%run_scoped3A : memref<!tpu.dma_semaphore, #tpu.memory_space<semaphore_mem>>) src(%dma_wait3A_26 : memref<632x128xf32, #tpu.memory_space<vmem_shared>>) dst(%dma_wait3A_24 : memref<632x128xf32, #tpu.memory_space<hbm>>)
        tpu.yield
      }) : () -> ()
    } else {
    }
    %eq3A_16 = arith.constant 1 : i32
    %eq3A_17 = arith.cmpi eq, %arg0, %eq3A_16 : i32
    %convert_element_type3A_18 = arith.extui %eq3A_17 : i1 to i32
    %cond3A_19 = arith.constant 0 : i32
    %cond3A_20 = arith.cmpi ne, %convert_element_type3A_18, %cond3A_19 : i32
    scf.if %cond3A_20 {
      "tpu.region"() ({
        %run_scoped3A = tpu.sem_alloc : memref<!tpu.dma_semaphore, #tpu.memory_space<semaphore_mem>>
        %dma_start3A = arith.constant 0 : i32
        %dma_start3A_21 = tpu.memref_slice %arg10[%mul3A_0, %dma_start3A] : memref<10112x128xf32, #tpu.memory_space<hbm>> -> memref<632x128xf32, #tpu.memory_space<hbm>>
        %dma_start3A_22 = arith.constant 0 : i32
        %dma_start3A_23 = tpu.memref_slice %arg15[%mul3A_0, %dma_start3A_22] : memref<10112x128xf32, #tpu.memory_space<vmem_shared>> -> memref<632x128xf32, #tpu.memory_space<vmem_shared>>
        tpu.enqueue_dma source(%dma_start3A_23 : memref<632x128xf32, #tpu.memory_space<vmem_shared>>) target(%dma_start3A_21 : memref<632x128xf32, #tpu.memory_space<hbm>>) target_semaphore(%run_scoped3A : memref<!tpu.dma_semaphore, #tpu.memory_space<semaphore_mem>>)
        %dma_wait3A = arith.constant 0 : i32
        %dma_wait3A_24 = tpu.memref_slice %arg10[%mul3A_0, %dma_wait3A] : memref<10112x128xf32, #tpu.memory_space<hbm>> -> memref<632x128xf32, #tpu.memory_space<hbm>>
        %dma_wait3A_25 = arith.constant 0 : i32
        %dma_wait3A_26 = tpu.memref_slice %arg15[%mul3A_0, %dma_wait3A_25] : memref<10112x128xf32, #tpu.memory_space<vmem_shared>> -> memref<632x128xf32, #tpu.memory_space<vmem_shared>>
        tpu.wait_dma2 semaphore(%run_scoped3A : memref<!tpu.dma_semaphore, #tpu.memory_space<semaphore_mem>>) src(%dma_wait3A_26 : memref<632x128xf32, #tpu.memory_space<vmem_shared>>) dst(%dma_wait3A_24 : memref<632x128xf32, #tpu.memory_space<hbm>>)
        tpu.yield
      }) : () -> ()
    } else {
    }
    return
  }
}

module attributes {stable_mosaic.version = 14 : i64} {
  func.func @_tc1_body(%arg0: i32, %arg1: memref<1000x128xf32, #tpu.memory_space<vmem>>, %arg2: memref<1000x16xf32, #tpu.memory_space<vmem>>, %arg3: memref<1000x128xf32, #tpu.memory_space<vmem>>, %arg4: memref<1000x128xf32, #tpu.memory_space<vmem>>, %arg5: memref<1000x16xf32, #tpu.memory_space<vmem>>, %arg6: memref<1000x128xf32, #tpu.memory_space<vmem>>, %arg7: memref<128x128xf32, #tpu.memory_space<vmem>>, %arg8: memref<128x128xf32, #tpu.memory_space<vmem>>, %arg9: memref<1x128xf32, #tpu.memory_space<vmem>>, %arg10: memref<128x128xf32, #tpu.memory_space<vmem>>, %arg11: memref<128x128xf32, #tpu.memory_space<vmem>>, %arg12: memref<1x128xf32, #tpu.memory_space<vmem>>, %arg13: memref<128x32xf32, #tpu.memory_space<vmem>>, %arg14: memref<128x32xf32, #tpu.memory_space<vmem>>, %arg15: memref<1x32xf32, #tpu.memory_space<vmem>>, %arg16: memref<1000x32xf32, #tpu.memory_space<vmem>>, %arg17: memref<1000x32xf32, #tpu.memory_space<vmem>>) attributes {dimension_semantics = [#tpu.dimension_semantics<arbitrary>], iteration_bounds = array<i64: 10>, scalar_prefetch = 0 : i64, scratch_operands = 0 : i64, tpu.core_type = #tpu.core_type<tc>, window_params = [{transform_indices = @transform_0, window_bounds = array<i64: 1000, 128>}, {transform_indices = @transform_1, window_bounds = array<i64: 1000, 16>}, {transform_indices = @transform_2, window_bounds = array<i64: 1000, 128>}, {transform_indices = @transform_3, window_bounds = array<i64: 1000, 128>}, {transform_indices = @transform_4, window_bounds = array<i64: 1000, 16>}, {transform_indices = @transform_5, window_bounds = array<i64: 1000, 128>}, {pipeline_mode = #tpu.pipeline_mode<synchronous>, transform_indices = @transform_6, window_bounds = array<i64: 128, 128>}, {pipeline_mode = #tpu.pipeline_mode<synchronous>, transform_indices = @transform_7, window_bounds = array<i64: 128, 128>}, {pipeline_mode = #tpu.pipeline_mode<synchronous>, transform_indices = @transform_8, window_bounds = array<i64: 1, 128>}, {pipeline_mode = #tpu.pipeline_mode<synchronous>, transform_indices = @transform_9, window_bounds = array<i64: 128, 128>}, {pipeline_mode = #tpu.pipeline_mode<synchronous>, transform_indices = @transform_10, window_bounds = array<i64: 128, 128>}, {pipeline_mode = #tpu.pipeline_mode<synchronous>, transform_indices = @transform_11, window_bounds = array<i64: 1, 128>}, {pipeline_mode = #tpu.pipeline_mode<synchronous>, transform_indices = @transform_12, window_bounds = array<i64: 128, 32>}, {pipeline_mode = #tpu.pipeline_mode<synchronous>, transform_indices = @transform_13, window_bounds = array<i64: 128, 32>}, {pipeline_mode = #tpu.pipeline_mode<synchronous>, transform_indices = @transform_14, window_bounds = array<i64: 1, 32>}, {transform_indices = @transform_15, window_bounds = array<i64: 1000, 32>}, {transform_indices = @transform_16, window_bounds = array<i64: 1000, 32>}]} {
    %get3A = arith.constant 0 : index
    %get3A_0 = arith.constant 0 : index
    %get3A_1 = vector.load %arg2[%get3A, %get3A_0] : memref<1000x16xf32, #tpu.memory_space<vmem>>, vector<1000x1xf32>
    %max3A = arith.constant 1.000000e+00 : f32
    %max3A_2 = vector.broadcast %max3A : f32 to vector<1000x1xf32>
    %max3A_3 = arith.maximumf %get3A_1, %max3A_2 : vector<1000x1xf32>
    %div3A = arith.constant 1.000000e+00 : f32
    %div3A_4 = vector.broadcast %div3A : f32 to vector<1000x1xf32>
    %div3A_5 = arith.divf %div3A_4, %max3A_3 : vector<1000x1xf32>
    %get3A_6 = arith.constant 0 : index
    %get3A_7 = arith.constant 0 : index
    %get3A_8 = vector.load %arg1[%get3A_6, %get3A_7] : memref<1000x128xf32, #tpu.memory_space<vmem>>, vector<1000x128xf32>
    %mul3A = vector.broadcast %div3A_5 : vector<1000x1xf32> to vector<1000x128xf32>
    %mul3A_9 = arith.mulf %get3A_8, %mul3A : vector<1000x128xf32>
    %get3A_10 = arith.constant 0 : index
    %get3A_11 = arith.constant 0 : index
    %get3A_12 = vector.load %arg7[%get3A_10, %get3A_11] : memref<128x128xf32, #tpu.memory_space<vmem>>, vector<128x128xf32>
    %dot_general3A = arith.constant dense<0.000000e+00> : vector<1000x128xf32>
    %dot_general3A_13 = tpu.matmul %mul3A_9, %get3A_12, %dot_general3A {dimension_numbers = #tpu.dot_dimension_numbers<[1], [0], [0], [1], [0, 0, 1, 1], [], []>, precision = #tpu.contract_precision<fp32>, transpose_lhs_hint = false} : vector<1000x128xf32>, vector<128x128xf32>, vector<1000x128xf32> -> vector<1000x128xf32>
    %get3A_14 = arith.constant 0 : index
    %get3A_15 = arith.constant 0 : index
    %get3A_16 = vector.load %arg3[%get3A_14, %get3A_15] : memref<1000x128xf32, #tpu.memory_space<vmem>>, vector<1000x128xf32>
    %get3A_17 = arith.constant 0 : index
    %get3A_18 = arith.constant 0 : index
    %get3A_19 = vector.load %arg8[%get3A_17, %get3A_18] : memref<128x128xf32, #tpu.memory_space<vmem>>, vector<128x128xf32>
    %dot_general3A_20 = arith.constant dense<0.000000e+00> : vector<1000x128xf32>
    %dot_general3A_21 = tpu.matmul %get3A_16, %get3A_19, %dot_general3A_20 {dimension_numbers = #tpu.dot_dimension_numbers<[1], [0], [0], [1], [0, 0, 1, 1], [], []>, precision = #tpu.contract_precision<fp32>, transpose_lhs_hint = false} : vector<1000x128xf32>, vector<128x128xf32>, vector<1000x128xf32> -> vector<1000x128xf32>
    %add3A = arith.addf %dot_general3A_13, %dot_general3A_21 : vector<1000x128xf32>
    %get3A_22 = arith.constant 0 : index
    %get3A_23 = arith.constant 0 : index
    %get3A_24 = vector.load %arg9[%get3A_22, %get3A_23] : memref<1x128xf32, #tpu.memory_space<vmem>>, vector<1x128xf32>
    %add3A_25 = vector.broadcast %get3A_24 : vector<1x128xf32> to vector<1000x128xf32>
    %add3A_26 = arith.addf %add3A, %add3A_25 : vector<1000x128xf32>
    %max3A_27 = arith.constant 0.000000e+00 : f32
    %max3A_28 = vector.broadcast %max3A_27 : f32 to vector<1000x128xf32>
    %max3A_29 = arith.maximumf %add3A_26, %max3A_28 : vector<1000x128xf32>
    %get3A_30 = arith.constant 0 : index
    %get3A_31 = arith.constant 0 : index
    %get3A_32 = vector.load %arg5[%get3A_30, %get3A_31] : memref<1000x16xf32, #tpu.memory_space<vmem>>, vector<1000x1xf32>
    %max3A_33 = arith.constant 1.000000e+00 : f32
    %max3A_34 = vector.broadcast %max3A_33 : f32 to vector<1000x1xf32>
    %max3A_35 = arith.maximumf %get3A_32, %max3A_34 : vector<1000x1xf32>
    %div3A_36 = arith.constant 1.000000e+00 : f32
    %div3A_37 = vector.broadcast %div3A_36 : f32 to vector<1000x1xf32>
    %div3A_38 = arith.divf %div3A_37, %max3A_35 : vector<1000x1xf32>
    %get3A_39 = arith.constant 0 : index
    %get3A_40 = arith.constant 0 : index
    %get3A_41 = vector.load %arg4[%get3A_39, %get3A_40] : memref<1000x128xf32, #tpu.memory_space<vmem>>, vector<1000x128xf32>
    %mul3A_42 = vector.broadcast %div3A_38 : vector<1000x1xf32> to vector<1000x128xf32>
    %mul3A_43 = arith.mulf %get3A_41, %mul3A_42 : vector<1000x128xf32>
    %get3A_44 = arith.constant 0 : index
    %get3A_45 = arith.constant 0 : index
    %get3A_46 = vector.load %arg10[%get3A_44, %get3A_45] : memref<128x128xf32, #tpu.memory_space<vmem>>, vector<128x128xf32>
    %dot_general3A_47 = arith.constant dense<0.000000e+00> : vector<1000x128xf32>
    %dot_general3A_48 = tpu.matmul %mul3A_43, %get3A_46, %dot_general3A_47 {dimension_numbers = #tpu.dot_dimension_numbers<[1], [0], [0], [1], [0, 0, 1, 1], [], []>, precision = #tpu.contract_precision<fp32>, transpose_lhs_hint = false} : vector<1000x128xf32>, vector<128x128xf32>, vector<1000x128xf32> -> vector<1000x128xf32>
    %get3A_49 = arith.constant 0 : index
    %get3A_50 = arith.constant 0 : index
    %get3A_51 = vector.load %arg6[%get3A_49, %get3A_50] : memref<1000x128xf32, #tpu.memory_space<vmem>>, vector<1000x128xf32>
    %get3A_52 = arith.constant 0 : index
    %get3A_53 = arith.constant 0 : index
    %get3A_54 = vector.load %arg11[%get3A_52, %get3A_53] : memref<128x128xf32, #tpu.memory_space<vmem>>, vector<128x128xf32>
    %dot_general3A_55 = arith.constant dense<0.000000e+00> : vector<1000x128xf32>
    %dot_general3A_56 = tpu.matmul %get3A_51, %get3A_54, %dot_general3A_55 {dimension_numbers = #tpu.dot_dimension_numbers<[1], [0], [0], [1], [0, 0, 1, 1], [], []>, precision = #tpu.contract_precision<fp32>, transpose_lhs_hint = false} : vector<1000x128xf32>, vector<128x128xf32>, vector<1000x128xf32> -> vector<1000x128xf32>
    %add3A_57 = arith.addf %dot_general3A_48, %dot_general3A_56 : vector<1000x128xf32>
    %get3A_58 = arith.constant 0 : index
    %get3A_59 = arith.constant 0 : index
    %get3A_60 = vector.load %arg12[%get3A_58, %get3A_59] : memref<1x128xf32, #tpu.memory_space<vmem>>, vector<1x128xf32>
    %add3A_61 = vector.broadcast %get3A_60 : vector<1x128xf32> to vector<1000x128xf32>
    %add3A_62 = arith.addf %add3A_57, %add3A_61 : vector<1000x128xf32>
    %max3A_63 = arith.constant 0.000000e+00 : f32
    %max3A_64 = vector.broadcast %max3A_63 : f32 to vector<1000x128xf32>
    %max3A_65 = arith.maximumf %add3A_62, %max3A_64 : vector<1000x128xf32>
    %get3A_66 = arith.constant 0 : index
    %get3A_67 = arith.constant 0 : index
    %get3A_68 = vector.load %arg13[%get3A_66, %get3A_67] : memref<128x32xf32, #tpu.memory_space<vmem>>, vector<128x32xf32>
    %dot_general3A_69 = arith.constant dense<0.000000e+00> : vector<1000x32xf32>
    %dot_general3A_70 = tpu.matmul %max3A_65, %get3A_68, %dot_general3A_69 {dimension_numbers = #tpu.dot_dimension_numbers<[1], [0], [0], [1], [0, 0, 1, 1], [], []>, precision = #tpu.contract_precision<fp32>, transpose_lhs_hint = false} : vector<1000x128xf32>, vector<128x32xf32>, vector<1000x32xf32> -> vector<1000x32xf32>
    %swap3A = arith.constant 0 : index
    %swap3A_71 = arith.constant 0 : index
    %swap3A_72 = vector.load %arg16[%swap3A, %swap3A_71] : memref<1000x32xf32, #tpu.memory_space<vmem>>, vector<1000x32xf32>
    tpu.vector_store %arg16[%swap3A, %swap3A_71], %dot_general3A_70 {strides = array<i32>} : memref<1000x32xf32, #tpu.memory_space<vmem>>, vector<1000x32xf32>,
    %get3A_73 = arith.constant 0 : index
    %get3A_74 = arith.constant 0 : index
    %get3A_75 = vector.load %arg14[%get3A_73, %get3A_74] : memref<128x32xf32, #tpu.memory_space<vmem>>, vector<128x32xf32>
    %dot_general3A_76 = arith.constant dense<0.000000e+00> : vector<1000x32xf32>
    %dot_general3A_77 = tpu.matmul %max3A_29, %get3A_75, %dot_general3A_76 {dimension_numbers = #tpu.dot_dimension_numbers<[1], [0], [0], [1], [0, 0, 1, 1], [], []>, precision = #tpu.contract_precision<fp32>, transpose_lhs_hint = false} : vector<1000x128xf32>, vector<128x32xf32>, vector<1000x32xf32> -> vector<1000x32xf32>
    %get3A_78 = arith.constant 0 : index
    %get3A_79 = arith.constant 0 : index
    %get3A_80 = vector.load %arg15[%get3A_78, %get3A_79] : memref<1x32xf32, #tpu.memory_space<vmem>>, vector<1x32xf32>
    %add3A_81 = vector.broadcast %get3A_80 : vector<1x32xf32> to vector<1000x32xf32>
    %add3A_82 = arith.addf %dot_general3A_77, %add3A_81 : vector<1000x32xf32>
    %swap3A_83 = arith.constant 0 : index
    %swap3A_84 = arith.constant 0 : index
    %swap3A_85 = vector.load %arg17[%swap3A_83, %swap3A_84] : memref<1000x32xf32, #tpu.memory_space<vmem>>, vector<1000x32xf32>
    tpu.vector_store %arg17[%swap3A_83, %swap3A_84], %add3A_82 {strides = array<i32>} : memref<1000x32xf32, #tpu.memory_space<vmem>>, vector<1000x32xf32>,
    return
  }
  func.func @transform_0(%arg0: i32) -> (i32, i32) {
    %c0_i32 = arith.constant 0 : i32
    %c0_i32_0 = arith.constant 0 : i32
    return %arg0, %c0_i32 : i32, i32
  }
  func.func @transform_1(%arg0: i32) -> (i32, i32) {
    %c0_i32 = arith.constant 0 : i32
    %c0_i32_0 = arith.constant 0 : i32
    return %arg0, %c0_i32 : i32, i32
  }
  func.func @transform_2(%arg0: i32) -> (i32, i32) {
    %c0_i32 = arith.constant 0 : i32
    %c0_i32_0 = arith.constant 0 : i32
    return %arg0, %c0_i32 : i32, i32
  }
  func.func @transform_3(%arg0: i32) -> (i32, i32) {
    %c0_i32 = arith.constant 0 : i32
    %c0_i32_0 = arith.constant 0 : i32
    return %arg0, %c0_i32 : i32, i32
  }
  func.func @transform_4(%arg0: i32) -> (i32, i32) {
    %c0_i32 = arith.constant 0 : i32
    %c0_i32_0 = arith.constant 0 : i32
    return %arg0, %c0_i32 : i32, i32
  }
  func.func @transform_5(%arg0: i32) -> (i32, i32) {
    %c0_i32 = arith.constant 0 : i32
    %c0_i32_0 = arith.constant 0 : i32
    return %arg0, %c0_i32 : i32, i32
  }
  func.func @transform_6(%arg0: i32) -> (i32, i32) {
    %c0_i32 = arith.constant 0 : i32
    %c0_i32_0 = arith.constant 0 : i32
    %c0_i32_1 = arith.constant 0 : i32
    return %c0_i32, %c0_i32_0 : i32, i32
  }
  func.func @transform_7(%arg0: i32) -> (i32, i32) {
    %c0_i32 = arith.constant 0 : i32
    %c0_i32_0 = arith.constant 0 : i32
    %c0_i32_1 = arith.constant 0 : i32
    return %c0_i32, %c0_i32_0 : i32, i32
  }
  func.func @transform_8(%arg0: i32) -> (i32, i32) {
    %c0_i32 = arith.constant 0 : i32
    %c0_i32_0 = arith.constant 0 : i32
    %c0_i32_1 = arith.constant 0 : i32
    return %c0_i32, %c0_i32_0 : i32, i32
  }
  func.func @transform_9(%arg0: i32) -> (i32, i32) {
    %c0_i32 = arith.constant 0 : i32
    %c0_i32_0 = arith.constant 0 : i32
    %c0_i32_1 = arith.constant 0 : i32
    return %c0_i32, %c0_i32_0 : i32, i32
  }
  func.func @transform_10(%arg0: i32) -> (i32, i32) {
    %c0_i32 = arith.constant 0 : i32
    %c0_i32_0 = arith.constant 0 : i32
    %c0_i32_1 = arith.constant 0 : i32
    return %c0_i32, %c0_i32_0 : i32, i32
  }
  func.func @transform_11(%arg0: i32) -> (i32, i32) {
    %c0_i32 = arith.constant 0 : i32
    %c0_i32_0 = arith.constant 0 : i32
    %c0_i32_1 = arith.constant 0 : i32
    return %c0_i32, %c0_i32_0 : i32, i32
  }
  func.func @transform_12(%arg0: i32) -> (i32, i32) {
    %c0_i32 = arith.constant 0 : i32
    %c0_i32_0 = arith.constant 0 : i32
    %c0_i32_1 = arith.constant 0 : i32
    return %c0_i32, %c0_i32_0 : i32, i32
  }
  func.func @transform_13(%arg0: i32) -> (i32, i32) {
    %c0_i32 = arith.constant 0 : i32
    %c0_i32_0 = arith.constant 0 : i32
    %c0_i32_1 = arith.constant 0 : i32
    return %c0_i32, %c0_i32_0 : i32, i32
  }
  func.func @transform_14(%arg0: i32) -> (i32, i32) {
    %c0_i32 = arith.constant 0 : i32
    %c0_i32_0 = arith.constant 0 : i32
    %c0_i32_1 = arith.constant 0 : i32
    return %c0_i32, %c0_i32_0 : i32, i32
  }
  func.func @transform_15(%arg0: i32) -> (i32, i32) {
    %c0_i32 = arith.constant 0 : i32
    %c0_i32_0 = arith.constant 0 : i32
    return %arg0, %c0_i32 : i32, i32
  }
  func.func @transform_16(%arg0: i32) -> (i32, i32) {
    %c0_i32 = arith.constant 0 : i32
    %c0_i32_0 = arith.constant 0 : i32
    return %arg0, %c0_i32 : i32, i32
  }
}

module attributes {stable_mosaic.version = 14 : i64} {
  func.func @_tc2_body(%arg0: i32, %arg1: memref<1000x32xf32, #tpu.memory_space<vmem>>, %arg2: memref<1000x32xf32, #tpu.memory_space<vmem>>, %arg3: memref<1000x16xf32, #tpu.memory_space<vmem>>, %arg4: memref<1000x32xf32, #tpu.memory_space<vmem>>, %arg5: memref<1000x32xf32, #tpu.memory_space<vmem>>) attributes {dimension_semantics = [#tpu.dimension_semantics<arbitrary>], iteration_bounds = array<i64: 10>, scalar_prefetch = 0 : i64, scratch_operands = 0 : i64, tpu.core_type = #tpu.core_type<tc>, window_params = [{transform_indices = @transform_0, window_bounds = array<i64: 1000, 32>}, {transform_indices = @transform_1, window_bounds = array<i64: 1000, 32>}, {transform_indices = @transform_2, window_bounds = array<i64: 1000, 16>}, {transform_indices = @transform_3, window_bounds = array<i64: 1000, 32>}, {transform_indices = @transform_4, window_bounds = array<i64: 1000, 32>}]} {
    %get3A = arith.constant 0 : index
    %get3A_0 = arith.constant 0 : index
    %get3A_1 = vector.load %arg3[%get3A, %get3A_0] : memref<1000x16xf32, #tpu.memory_space<vmem>>, vector<1000x1xf32>
    %max3A = arith.constant 1.000000e+00 : f32
    %max3A_2 = vector.broadcast %max3A : f32 to vector<1000x1xf32>
    %max3A_3 = arith.maximumf %get3A_1, %max3A_2 : vector<1000x1xf32>
    %div3A = arith.constant 1.000000e+00 : f32
    %div3A_4 = vector.broadcast %div3A : f32 to vector<1000x1xf32>
    %div3A_5 = arith.divf %div3A_4, %max3A_3 : vector<1000x1xf32>
    %get3A_6 = arith.constant 0 : index
    %get3A_7 = arith.constant 0 : index
    %get3A_8 = vector.load %arg1[%get3A_6, %get3A_7] : memref<1000x32xf32, #tpu.memory_space<vmem>>, vector<1000x32xf32>
    %get3A_9 = arith.constant 0 : index
    %get3A_10 = arith.constant 0 : index
    %get3A_11 = vector.load %arg2[%get3A_9, %get3A_10] : memref<1000x32xf32, #tpu.memory_space<vmem>>, vector<1000x32xf32>
    %add3A = arith.addf %get3A_8, %get3A_11 : vector<1000x32xf32>
    %mul3A = vector.broadcast %div3A_5 : vector<1000x1xf32> to vector<1000x32xf32>
    %mul3A_12 = arith.mulf %add3A, %mul3A : vector<1000x32xf32>
    %get3A_13 = arith.constant 0 : index
    %get3A_14 = arith.constant 0 : index
    %get3A_15 = vector.load %arg4[%get3A_13, %get3A_14] : memref<1000x32xf32, #tpu.memory_space<vmem>>, vector<1000x32xf32>
    %add3A_16 = arith.addf %mul3A_12, %get3A_15 : vector<1000x32xf32>
    %swap3A = arith.constant 0 : index
    %swap3A_17 = arith.constant 0 : index
    %swap3A_18 = vector.load %arg5[%swap3A, %swap3A_17] : memref<1000x32xf32, #tpu.memory_space<vmem>>, vector<1000x32xf32>
    tpu.vector_store %arg5[%swap3A, %swap3A_17], %add3A_16 {strides = array<i32>} : memref<1000x32xf32, #tpu.memory_space<vmem>>, vector<1000x32xf32>,
    return
  }
  func.func @transform_0(%arg0: i32) -> (i32, i32) {
    %c0_i32 = arith.constant 0 : i32
    %c0_i32_0 = arith.constant 0 : i32
    return %arg0, %c0_i32 : i32, i32
  }
  func.func @transform_1(%arg0: i32) -> (i32, i32) {
    %c0_i32 = arith.constant 0 : i32
    %c0_i32_0 = arith.constant 0 : i32
    return %arg0, %c0_i32 : i32, i32
  }
  func.func @transform_2(%arg0: i32) -> (i32, i32) {
    %c0_i32 = arith.constant 0 : i32
    %c0_i32_0 = arith.constant 0 : i32
    return %arg0, %c0_i32 : i32, i32
  }
  func.func @transform_3(%arg0: i32) -> (i32, i32) {
    %c0_i32 = arith.constant 0 : i32
    %c0_i32_0 = arith.constant 0 : i32
    return %arg0, %c0_i32 : i32, i32
  }
  func.func @transform_4(%arg0: i32) -> (i32, i32) {
    %c0_i32 = arith.constant 0 : i32
    %c0_i32_0 = arith.constant 0 : i32
    return %arg0, %c0_i32 : i32, i32
  }
}

</mosaic_0001>

<sc_bundles>
// kernel: kernel.10.cloned.1.call-start
scs
__scs_entry_jumppad:
0x0: {  	(pc) =	sbr.rel $0x88, $3  }
0x1: {  	(tag) =	ssettag $0x0;
	lr =	simm.s32 $0x1  }
0x2: {  	[smem:$0x3F94] =	sst lr;
	_ =	strace $0xD0000000  }
0x3: {  	_ = 	snop  }
0x4: {  	_ = 	snop  }
0x5: {  	_ = 	snop  }
0x6: {  	_ = 	snop  }
0x7: {  	_ = 	snop  }
__scs_overlays_trampoline_lowered:
0x8: {  	[smem:$0x3FA3] =	sst s0  }
0x9: {  	[smem:$0x3FA4] =	sst s1  }
0xa: {  	[smem:$0x3FA5] =	sst s2  }
0xb: {  	[smem:$0x3FA6] =	sst s3  }
0xc: {  	[smem:$0x3FA7] =	sst s4  }
0xd: {  	[smem:$0x3FA8] =	sst s5  }
0xe: {  	[smem:$0x3FA9] =	sst s6  }
0xf: {  	[smem:$0x3FAA] =	sst s7  }
0x10: {  	[smem:$0x3FAB] =	sst s8  }
0x11: {  	[smem:$0x3FAC] =	sst s9;
	s0 =	simm.s32 @!p0 $0x0  }
0x12: {  	s1 =	sld [smem:$0x3F92];
	s0 =	simm.s32 @p0 $0x1  }
0x13: {  	[smem:$0x3FAD] =	sst s0;
	s0 =	simm.s32 @!p1 $0x0  }
0x14: {  	s2 =	sld [smem:$0x3F91];
	s0 =	simm.s32 @p1 $0x1  }
0x15: {  	[smem:$0x3FAE] =	sst s0;
	s0 =	simm.s32 @!p2 $0x0  }
0x16: {  	s3 =	sld [smem:$0x3FDB];
	s0 =	simm.s32 @p2 $0x1  }
0x17: {  	s4 =	simm.s32 $0x1BF5;
	[smem:$0x3FB0] =	sst s0  }
0x18: {  	s0 =	sld [smem:$0x3F93];
	_ =	swait.ge [sflag:s4], $0x0  }
0x19: {  	s7 =	sld [smem:$0x3F94]  }
0x1a: {  	s8 =	sadd.s32 $0xFFFFE003, lr  }
0x1b: {  	s9 =	sadd.s32 $0xFFFFFEF7, lr;
	s5 =	simm.s32 $0xFFFFFFFF;
	p2 =	slt.u32 s8, $0xFFFFF086  }
0x1c: {  	p1 =	slt.u32 s9, $0xF7A;
	s5 =	simm.s32 @!p2 $0x0  }
0x1d: {  	s5 =	simm.s32 @p1 $0x1;
	p0 =	seq.s32 s7, s2  }
0x1e: {  	s7 =	smul.u32 @!p0 $0xF7A, s2;
	p2 =	seq.s32 @!p0 s5, $0x0  }
0x1f: {  	s9 =	smul.u32 $0xF7A, s1;
	s8 =	simm.s32 @!p0 $0x1BF5;
	p2 =	por !p2, p0  }
0x20: {  	[sflag:s8] =	ssyncset.s32 @!p0 $0xFFFFF086;
	s6 =	sadd.s32 @!p0 s3, s7;
	s7 =	simm.s32 @!p0 $0x108  }
0x21: {  	s3 =	sadd.s32 s3, s9;
	s6 =	sadd.s32 @!p0 $0x88, s6;
	s7 =	simm.s32 @p2 $0x1082  }
0x22: {  	[simem:s7], [sflag:s8] =	dma.local @!p0 [hbm:s6], $0xF7A  }
0x23: {  	s9 =	sor.u32 $0xD0000000, s2;
	s6 =	simm.s32 $0x108;
	_ =	swait.ge @!p0 [sflag:s8], $0x0  }
0x24: {  	s3 =	sadd.s32 $0x88, s3;
	s6 =	simm.s32 @!p1 $0x1082;
	[sflag:s4] =	ssyncset.s32 $0xFFFFF086  }
0x25: {  	[simem:s6], [sflag:s4] =	dma.local [hbm:s3], $0xF7A  }
0x26: {  	[smem:$0x3F94] =	sst s1;
	(tag) =	ssettag s2;
	_ =	strace s9  }
0x27: {  	s1 =	sld [smem:$0x3FA4]  }
0x28: {  	s2 =	sld [smem:$0x3FA5]  }
0x29: {  	s4 =	sld [smem:$0x3FA7]  }
0x2a: {  	p0 =	seq.s32 s5, $0x0;
	s5 =	sld [smem:$0x3FA8]  }
0x2b: {  	s6 =	sld [smem:$0x3FA9]  }
0x2c: {  	s7 =	sld [smem:$0x3FAA]  }
0x2d: {  	s3 =	simm.s32 $0x108;
	s8 =	sld [smem:$0x3FAB]  }
0x2e: {  	s3 =	simm.s32 @!p0 $0x1082;
	s9 =	sld [smem:$0x3FAC]  }
0x2f: {  	lr =	sadd.s32 s0, s3;
	s0 =	sld [smem:$0x3FA3]  }
0x30: {  	s3 =	sld [smem:$0x3FA6]  }
0x31: {  	[smem:$0x3FAF] =	sst s10  }
0x32: {  	s10 =	sld [smem:$0x3FAD];
	_ =	sdelay $0x3  }
0x33: {  	p0 =	seq.s32 s10, $0x1;
	s10 =	sld [smem:$0x3FAF];
	_ =	sdelay $0x3  }
0x34: {  	[smem:$0x3FAF] =	sst s10  }
0x35: {  	s10 =	sld [smem:$0x3FAE];
	_ =	sdelay $0x3  }
0x36: {  	p1 =	seq.s32 s10, $0x1;
	s10 =	sld [smem:$0x3FAF];
	_ =	sdelay $0x3  }
0x37: {  	[smem:$0x3FAF] =	sst s10  }
0x38: {  	s10 =	sld [smem:$0x3FB0]  }
0x39: {  	_ = 	snop;
	(pc) =	sbr.ind lr, $3  }
0x3a: {  	_ = 	snop  }
0x3b: {  	_ = 	snop  }
0x3c: {  	p2 =	seq.s32 s10, $0x1;
	s10 =	sld [smem:$0x3FAF]  }
0x3d: {  	_ =	shalt  }
0x3e: {  	_ =	shalt  }
0x3f: {  	_ =	shalt  }
0x40: {  	_ =	shalt  }
0x41: {  	_ =	shalt  }
0x42: {  	_ =	shalt  }
0x43: {  	_ =	shalt  }
0x44: {  	_ =	shalt  }
0x45: {  	_ =	shalt  }
0x46: {  	_ =	shalt  }
0x47: {  	_ =	shalt  }
0x48: {  	_ =	shalt  }
0x49: {  	_ =	shalt  }
0x4a: {  	_ =	shalt  }
0x4b: {  	_ =	shalt  }
0x4c: {  	_ =	shalt  }
0x4d: {  	_ =	shalt  }
0x4e: {  	_ =	shalt  }
0x4f: {  	_ =	shalt  }
0x50: {  	_ =	shalt  }
0x51: {  	_ =	shalt  }
0x52: {  	_ =	shalt  }
0x53: {  	_ =	shalt  }
0x54: {  	_ =	shalt  }
0x55: {  	_ =	shalt  }
0x56: {  	_ =	shalt  }
0x57: {  	_ =	shalt  }
0x58: {  	_ =	shalt  }
0x59: {  	_ =	shalt  }
0x5a: {  	_ =	shalt  }
0x5b: {  	_ =	shalt  }
0x5c: {  	_ =	shalt  }
0x5d: {  	_ =	shalt  }
0x5e: {  	_ =	shalt  }
0x5f: {  	_ =	shalt  }
0x60: {  	_ =	shalt  }
0x61: {  	_ =	shalt  }
0x62: {  	_ =	shalt  }
0x63: {  	_ =	shalt  }
0x64: {  	_ =	shalt  }
0x65: {  	_ =	shalt  }
0x66: {  	_ =	shalt  }
0x67: {  	_ =	shalt  }
0x68: {  	_ =	shalt  }
0x69: {  	_ =	shalt  }
0x6a: {  	_ =	shalt  }
0x6b: {  	_ =	shalt  }
0x6c: {  	_ =	shalt  }
0x6d: {  	_ =	shalt  }
0x6e: {  	_ =	shalt  }
0x6f: {  	_ =	shalt  }
0x70: {  	_ =	shalt  }
0x71: {  	_ =	shalt  }
0x72: {  	_ =	shalt  }
0x73: {  	_ =	shalt  }
0x74: {  	_ =	shalt  }
0x75: {  	_ =	shalt  }
0x76: {  	_ =	shalt  }
0x77: {  	_ =	shalt  }
0x78: {  	_ =	shalt  }
0x79: {  	_ =	shalt  }
0x7a: {  	_ =	shalt  }
0x7b: {  	_ =	shalt  }
0x7c: {  	_ =	shalt  }
0x7d: {  	_ =	shalt  }
0x7e: {  	_ =	shalt  }
0x7f: {  	_ =	shalt  }
0x80: {  	_ =	shalt  }
0x81: {  	_ =	shalt  }
0x82: {  	_ =	shalt  }
0x83: {  	_ =	shalt  }
0x84: {  	_ =	shalt  }
0x85: {  	_ =	shalt  }
0x86: {  	_ =	shalt  }
0x87: {  	_ =	shalt  }
.Lfunc_end0:
.L_simem_size_0:
called_computation.1_lowered:
.L_overlay_start_0:
0x88: {  	s2 =	sld [smem:$0x3FD9]  }
0x89: {  	s3 =	sld [smem:$0x3FFE];
	_ =	sdelay $0x1  }
0x8a: {  	s1 =	srdreg.scid  }
0x8b: {  	s0 =	sand.u32 $0x1, s1  }
0x8c: {  	s17 =	sshll.u32 s0, $0xA;
	s2 =	sadd.s32 s3, s2  }
0x8d: {  	s2 =	sadd.s32 s2, s17  }
0x8e: {  	[smem:$0x3FBB] =	sst s2  }
0x8f: {  	_ = 	snop  }
0x90: {  	s2 =	sld [smem:$0x3FC9]  }
0x91: {  	s18 =	sld [smem:$0x3FC8]  }
0x92: {  	s4 =	sld [smem:$0x3FD0];
	(tm) =	ssettm $0x1  }
0x93: {  	s5 =	sld [smem:$0x3FFB];
	_ =	sdelay $0x3  }
0x94: {  	_ =	strace s5  }
0x95: {  	s5 =	sld [smem:$0x3FFC];
	_ =	sdelay $0x3  }
0x96: {  	_ =	strace s5  }
0x97: {  	s5 =	sld [smem:$0x3FFD];
	_ =	sdelay $0x3  }
0x98: {  	_ =	strace s5  }
0x99: {  	_ =	strace $0x8FFFFFFF  }
0x9a: {  	s19 =	sld [smem:$0x3FDB];
	_ =	sdelay $0x1  }
0x9b: {  	s6 =	simm.s32 $_scs_section_size  }
0x9c: {  	s7 =	simm.s32 $_size__tile_overlayer_lowered;
	s8 =	simm.s32 $_tile_overlayer_lowered  }
0x9d: {  	s22 =	simm.s32 $0x1BFF;
	s21 =	sshll.u32 s8, $0x1;
	s5 =	sadd.s32 s6, s19  }
0x9e: {  	s9 =	simm.s32 $0x0;
	s20 =	sshll.u32 s7, $0x1;
	s7 =	sadd.s32 s21, s5  }
0x9f: {  	[timem:s9], [sflag:s22] =	dma.local [hbm:s7], s20  }
0xa0: {  	_ =	swait.ge [sflag:s22], s20  }
0xa1: {  	s6 =	ssub.s32 $0x0, s20;
	[sflag:s22] =	ssyncset.done $0x0  }
0xa2: {  	[sflag:s22] =	ssyncadd.s32 s6;
	_ =	sdelay $0x1  }
0xa3: {  	s23 =	simm.s32 $0x1B8B  }
0xa4: {  	_ =	swait.ge [sflag:s23], $0x1  }
0xa5: {  	[sflag:s23] =	ssyncset.done $0x0  }
0xa6: {  	s25 =	simm.s32 $0x1B8E;
	s24 =	sld [smem:$0x3FFE];
	[sflag:s23] =	ssyncadd.s32 $0xFFFFFFFF  }
0xa7: {  	s26 =	simm.s32 $execute0_lowered;
	[smem:$0x3FD2] =	sst s25  }
0xa8: {  	s7 =	sshll.u32 s26, $0x1;
	_ =	strace $0x80000046;
	[dreg:$0x1] =	wrdreg $0xFFFFFFFF  }
0xa9: {  	s28 =	simm.s32 $_size_execute0_lowered;
	s5 =	sadd.s32 s5, s7;
	[dreg:$0x0] =	wrdreg $0x0  }
0xaa: {  	s7 =	sshll.u32 s28, $0x1;
	[dreg:$0x2] =	wrdreg s5  }
0xab: {  	[dreg:$0x3] =	wrdreg s7  }
0xac: {  	[dreg:$0x4] =	wrdreg $0xC0  }
0xad: {  	_ =	task [dreg:s9], $0x5FFFF  }
0xae: {  	[dreg:$0x1] =	wrdreg $0xFFFFFFFF  }
0xaf: {  	[dreg:$0x0] =	wrdreg $0x60  }
0xb0: {  	[dreg:$0x2] =	wrdreg s18  }
0xb1: {  	[dreg:$0x3] =	wrdreg s2  }
0xb2: {  	[dreg:$0x4] =	wrdreg s24  }
0xb3: {  	[dreg:$0x5] =	wrdreg s4  }
0xb4: {  	[dreg:$0x6] =	wrdreg $0x93000  }
0xb5: {  	[dreg:$0x7] =	wrdreg $0xA  }
0xb6: {  	_ =	task.clear_ibuf [dreg:s9], $0x8FFFF;
	_ =	strace $0x90000046  }
0xb7: {  	s29 =	simm.s32 $0xA;
	_ =	strace $0x80000048  }
0xb8: {  	_ =	swait.ge [sflag:s29], $0x1  }
0xb9: {  	[sflag:s29] =	ssyncadd.s32 $0xFFFFFFFF  }
0xba: {  	_ =	strace $0x90000048  }
0xbb: {  	_ =	sfence  }
0xbc: {  	s30 =	sld [smem:$0x0];
	_ =	sdelay $0x2  }
0xbd: {  	s31 =	sshll.u32 s1, $0xD;
	s1 =	sshrl.u32 s1, $0x2  }
0xbe: {  	s3 =	sand.u32 $0x4000, s31;
	s1 =	sadd.s32 s1, s30  }
0xbf: {  	s0 =	sor.u32 s3, s0;
	s1 =	sshll.u32 s1, $0x11  }
0xc0: {  	s0 =	sor.u32 s1, s0  }
0xc1: {  	s0 =	sadd.s32 $0x8F2B, s0  }
0xc2: {  	[sflag:s0] =	ssyncadd.remote.s32 $0x1  }
0xc3: {  	_ =	sfence.sel $0xFFFF  }
0xc4: {  	[dreg:$0x0] =	wrdreg $0xFFFFFFFF;
	(pc) =	sbr.abs _section_cstart, $3  }
0xc5: {  	[dreg:$0x1] =	wrdreg $0xFFFFFFFF  }
0xc6: {  	_ =	task.clear_ibuf [dreg:s9], $0x2FFFF;
	_ =	strace $0x9FFFFFFF  }
0xc7: {  	(tm) =	ssettm $0x7FFFFFFF  }
tec
execute0_lowered:
.L_overlay_start_1:
0x0: {  	(tag) =	ssettag $0x1  }
0x1: {  	s1 =	rddreg [dreg:$0x0]  }
0x2: {  	s2 =	rddreg [dreg:$0x1]  }
0x3: {  	s0 =	rddreg [dreg:$0x2]  }
0x4: {  	s3 =	rddreg [dreg:$0x3]  }
0x5: {  	s4 =	rddreg [dreg:$0x4];
	s16 =	simm.s32 $0x0  }
0x6: {  	s11 =	stileid.u32;
	s7 =	srdreg.scid;
	s28 =	simm.s32 $0x2  }
0x7: {  	s29 =	simm.s32 $0x3;
	[smem:$0x7FF] =	sst s16;
	s5 =	smul.u32 $0x13C00, s11  }
0x8: {  	s6 =	smul.u32 $0x980, s11;
	s12 =	sadd.s32 $0x47A00, s0;
	s22 =	sshll.u32 s11, $0x6  }
0x9: {  	_ =	strace $0x80000047;
	[dreg:$0x8] =	wrdreg s12;
	s17 =	sor.u32 $0x1C05, s22  }
0xa: {  	s7 =	sand.u32 $0x1, s7;
	s9 =	sshrl.u32 s5, $0x3;
	[dreg:$0xb] =	wrdreg s17  }
0xb: {  	s8 =	sadd.s32 s6, s0;
	s3 =	sadd.s32 s3, s6;
	[dreg:$0x7] =	wrdreg s9  }
0xc: {  	s9 =	sadd.s32 s9, s0;
	s0 =	sadd.s32 $0x6F200, s0;
	[dreg:$0xc] =	wrdreg s3  }
0xd: {  	s10 =	ssub.s32 $0x2, s7;
	s23 =	sadd.s32 $0xD200, s8;
	[dreg:$0x9] =	wrdreg s0  }
0xe: {  	p0 =	sne.s32 s7, $0x0;
	s24 =	sadd.s32 $0x16A00, s8;
	[dreg:$0xd] =	wrdreg s23  }
0xf: {  	s21 =	sshrl.u32 s10, $0x1;
	s25 =	sadd.s32 $0x3A00, s8;
	[dreg:$0xe] =	wrdreg s24  }
0x10: {  	s5 =	sadd.s32 s5, s4;
	s26 =	sadd.s32 $0x130, s3;
	[dreg:$0xf] =	wrdreg s25  }
0x11: {  	s18 =	sadd.s32 $0xD330, s8;
	s31 =	sadd.s32 $0x16B30, s8;
	[dreg:$0x11] =	wrdreg s26  }
0x12: {  	s30 =	sadd.s32 $0x3B30, s8;
	s3 =	sshrl.u32 s5, $0x3;
	[dreg:$0x13] =	wrdreg s31  }
.Ltmp0:
0x13: {  	s0 =	ssub.s32 s10, s21;
	[dreg:$0x15] =	wrdreg s18;
	(pc) =	sbr.rel .LBB2_1-.Ltmp0, $4  }
0x14: {  	s9 =	sadd.s32 $0x20200, s9;
	s21 =	simm.s32 $0x5;
	[dreg:$0x12] =	wrdreg s30  }
0x15: {  	s23 =	simm.s32 $0x80;
	s24 =	simm.s32 $0x1300;
	[dreg:$0x14] =	wrdreg s3  }
0x16: {  	s25 =	simm.s32 $0x1;
	[dreg:$0xa] =	wrdreg s9;
	s0 =	smax.u32 s0, $0x1  }
0x17: {  	s26 =	simm.s32 $0x5300;
	[dreg:$0x10] =	wrdreg s0;
	s0 =	simm.s32 $0x4  }
.LBB2_7:
0x18: {  	s21 =	rddreg [dreg:$0x9]  }
0x19: {  	s16 =	rddreg [dreg:$0x6]  }
0x1a: {  	s30 =	rddreg [dreg:$0x12]  }
0x1b: {  	s3 =	rddreg [dreg:$0x14];
	s21 =	smov.u32 @p1 s21  }
.LBB2_8:
0x1c: {  	s5 =	rddreg [dreg:$0x7];
	[bflag:$0x0] =	sbarrier.arrive $0xFFFF  }
0x1d: {  	s5 =	sadd.s32 s21, s5;
	s17 =	rddreg [dreg:$0xb];
	s21 =	simm.s32 $0x5  }
0x1e: {  	[hbm:s5], [sflag:s17] =	dma.local [spmem:s3], $0x2780  }
0x1f: {  	_ =	swait.ge [sflag:s21], $0x2780  }
0x20: {  	s16 =	sadd.s32 $0x1, s16;
	s31 =	rddreg [dreg:$0x10]  }
0x21: {  	p1 =	sne.s32 s16, s31  }
.Ltmp1:
0x22: {  	_ = 	snop;
	(pc) =	sbr.rel @!p1 .LBB2_9-.Ltmp1, $3  }
0x23: {  	_ =	sdelay $0x1  }
0x24: {  	[sflag:s21] =	ssyncset.done $0x0  }
0x25: {  	[sflag:s21] =	ssyncadd.s32 $0xFFFFD880  }
.LBB2_1:
0x26: {  	[dreg:$0x6] =	wrdreg s16  }
0x27: {  	s5 =	rddreg [dreg:$0xa]  }
0x28: {  	[spmem:s3], [sflag:s17] =	dma.local [hbm:s5], $0x2780  }
.Ltmp2:
0x29: {  	_ =	swait.ge [sflag:s21], $0x2780;
	(pc) =	sbr.rel @p0 .LBB2_5-.Ltmp2, $4  }
0x2a: {  	[sflag:s21] =	ssyncset.done $0x0  }
0x2b: {  	[sflag:s21] =	ssyncadd.s32 $0xFFFFD880  }
0x2c: {  	[bflag:$0x0] =	sbarrier.arrive $0xFFFF  }
0x2d: {  	s16 =	simm.s32 $0x5;
	s21 =	simm.s32 $0x0  }
0x2e: {  	s5 =	rddreg [dreg:$0xe]  }
0x2f: {  	s17 =	simm.s32 $0x980;
	s11 =	simm.s32 $0xF00;
	s9 =	simm.s32 $0x680  }
0x30: {  	s6 =	simm.s32 $0xF80;
	s15 =	simm.s32 $0x700;
	s10 =	simm.s32 $0x780  }
0x31: {  	[tilespmem:s21], [sflag:$0x5] =	stream.linear.gather [hbm4b:s5+s21], $0x980, $0x38;
	[tilespmem:$0x1CF00] =	vst v63  }
0x32: {  	s20 =	simm.s32 $0x800;
	s19 =	simm.s32 $0x880;
	_ =	swait.ge [sflag:s16], $0x980  }
0x33: {  	s3 =	simm.s32 $0x900;
	s7 =	simm.s32 $0x1280;
	[sflag:s16] =	ssyncset.done $0x0  }
0x34: {  	s8 =	simm.s32 $0x1000;
	s22 =	rddreg [dreg:$0xf];
	[sflag:s16] =	ssyncadd.s32 $0xFFFFF680  }
0x35: {  	[tilespmem:s17], [sflag:$0x5] =	stream.linear.gather [hbm4b:s22+s21], $0x980, $0x38;
	[tilespmem:$0x1CF00] =	vst v63  }
0x36: {  	s12 =	simm.s32 $0x1080;
	s13 =	simm.s32 $0x1180;
	_ =	swait.ge [sflag:s16], $0x980  }
0x37: {  	s14 =	simm.s32 $0x1200;
	s5 =	simm.s32 $0x980;
	[sflag:s16] =	ssyncset.done $0x0  }
0x38: {  	s22 =	simm.s32 $0x1100;
	s31 =	rddreg [dreg:$0x13];
	[sflag:s16] =	ssyncadd.s32 $0xFFFFF680  }
0x39: {  	[tilespmem:s24], [sflag:$0x1] =	stream.indirect.gather [hbm4b:s1+s23], $0x80, s21, s23, $0xb8;
	[tilespmem:$0x1CF00] =	vst v63  }
.LBB2_3:
0x3a: {  	_ =	swait.ge [sflag:s25], $0x4000  }
0x3b: {  	[sflag:s25] =	ssyncset.done $0x0  }
0x3c: {  	[sflag:s25] =	ssyncadd.s32 $0xFFFFC000  }
0x3d: {  	[tilespmem:s26], [sflag:$0x2] =	stream.indirect.gather [hbm4b:s1+s23], $0x80, s23, s23, $0xb8;
	[tilespmem:$0x1CF00] =	vst v63  }
0x3e: {  	_ = 	snop  }
0x3f: {  	[spmem:s4] =	stream.indirect.scatter.add.f32 [tilespmem:s24], [sflag:$0x3], $0x80, s5, s23, $0xb8;
	[tilespmem:$0x1CF00] =	vst v63  }
0x40: {  	_ =	swait.ge [sflag:s28], $0x4000  }
0x41: {  	[sflag:s28] =	ssyncset.done $0x0  }
0x42: {  	[sflag:s28] =	ssyncadd.s32 $0xFFFFC000  }
0x43: {  	_ =	swait.ge [sflag:s29], $0x4000  }
0x44: {  	[sflag:s29] =	ssyncset.done $0x0  }
0x45: {  	s16 =	simm.s32 $0x100;
	[sflag:s29] =	ssyncadd.s32 $0xFFFFC000  }
0x46: {  	[tilespmem:s24], [sflag:$0x1] =	stream.indirect.gather [hbm4b:s1+s23], $0x80, s16, s23, $0xb8;
	[tilespmem:$0x1CF00] =	vst v63  }
0x47: {  	s17 =	simm.s32 $0xA00  }
0x48: {  	[spmem:s4] =	stream.indirect.scatter.add.f32 [tilespmem:s26], [sflag:$0x4], $0x80, s17, s23, $0xb8;
	[tilespmem:$0x1CF00] =	vst v63  }
0x49: {  	_ =	swait.ge [sflag:s25], $0x4000  }
0x4a: {  	[sflag:s25] =	ssyncset.done $0x0  }
0x4b: {  	[sflag:s25] =	ssyncadd.s32 $0xFFFFC000  }
0x4c: {  	_ =	swait.ge [sflag:s0], $0x4000  }
0x4d: {  	[sflag:s0] =	ssyncset.done $0x0  }
0x4e: {  	s18 =	simm.s32 $0x180;
	[sflag:s0] =	ssyncadd.s32 $0xFFFFC000  }
0x4f: {  	[tilespmem:s26], [sflag:$0x2] =	stream.indirect.gather [hbm4b:s1+s23], $0x80, s18, s23, $0xb8;
	[tilespmem:$0x1CF00] =	vst v63  }
0x50: {  	s16 =	simm.s32 $0xA80  }
0x51: {  	[spmem:s4] =	stream.indirect.scatter.add.f32 [tilespmem:s24], [sflag:$0x3], $0x80, s16, s23, $0xb8;
	[tilespmem:$0x1CF00] =	vst v63  }
0x52: {  	_ =	swait.ge [sflag:s28], $0x4000  }
0x53: {  	[sflag:s28] =	ssyncset.done $0x0  }
0x54: {  	[sflag:s28] =	ssyncadd.s32 $0xFFFFC000  }
0x55: {  	_ =	swait.ge [sflag:s29], $0x4000  }
0x56: {  	[sflag:s29] =	ssyncset.done $0x0  }
0x57: {  	s17 =	simm.s32 $0x200;
	[sflag:s29] =	ssyncadd.s32 $0xFFFFC000  }
0x58: {  	[tilespmem:s24], [sflag:$0x1] =	stream.indirect.gather [hbm4b:s1+s23], $0x80, s17, s23, $0xb8;
	[tilespmem:$0x1CF00] =	vst v63  }
0x59: {  	s18 =	simm.s32 $0xB00  }
0x5a: {  	[spmem:s4] =	stream.indirect.scatter.add.f32 [tilespmem:s26], [sflag:$0x4], $0x80, s18, s23, $0xb8;
	[tilespmem:$0x1CF00] =	vst v63  }
0x5b: {  	_ =	swait.ge [sflag:s25], $0x4000  }
0x5c: {  	[sflag:s25] =	ssyncset.done $0x0  }
0x5d: {  	[sflag:s25] =	ssyncadd.s32 $0xFFFFC000  }
0x5e: {  	_ =	swait.ge [sflag:s0], $0x4000  }
0x5f: {  	[sflag:s0] =	ssyncset.done $0x0  }
0x60: {  	s16 =	simm.s32 $0x280;
	[sflag:s0] =	ssyncadd.s32 $0xFFFFC000  }
0x61: {  	[tilespmem:s26], [sflag:$0x2] =	stream.indirect.gather [hbm4b:s1+s23], $0x80, s16, s23, $0xb8;
	[tilespmem:$0x1CF00] =	vst v63  }
0x62: {  	s17 =	simm.s32 $0xB80  }
0x63: {  	[spmem:s4] =	stream.indirect.scatter.add.f32 [tilespmem:s24], [sflag:$0x3], $0x80, s17, s23, $0xb8;
	[tilespmem:$0x1CF00] =	vst v63  }
0x64: {  	_ =	swait.ge [sflag:s28], $0x4000  }
0x65: {  	[sflag:s28] =	ssyncset.done $0x0  }
0x66: {  	[sflag:s28] =	ssyncadd.s32 $0xFFFFC000  }
0x67: {  	_ =	swait.ge [sflag:s29], $0x4000  }
0x68: {  	[sflag:s29] =	ssyncset.done $0x0  }
0x69: {  	s18 =	simm.s32 $0x300;
	[sflag:s29] =	ssyncadd.s32 $0xFFFFC000  }
0x6a: {  	[tilespmem:s24], [sflag:$0x1] =	stream.indirect.gather [hbm4b:s1+s23], $0x80, s18, s23, $0xb8;
	[tilespmem:$0x1CF00] =	vst v63  }
0x6b: {  	s16 =	simm.s32 $0xC00  }
0x6c: {  	[spmem:s4] =	stream.indirect.scatter.add.f32 [tilespmem:s26], [sflag:$0x4], $0x80, s16, s23, $0xb8;
	[tilespmem:$0x1CF00] =	vst v63  }
0x6d: {  	_ =	swait.ge [sflag:s25], $0x4000  }
0x6e: {  	[sflag:s25] =	ssyncset.done $0x0  }
0x6f: {  	[sflag:s25] =	ssyncadd.s32 $0xFFFFC000  }
0x70: {  	_ =	swait.ge [sflag:s0], $0x4000  }
0x71: {  	[sflag:s0] =	ssyncset.done $0x0  }
0x72: {  	s17 =	simm.s32 $0x380;
	[sflag:s0] =	ssyncadd.s32 $0xFFFFC000  }
0x73: {  	[tilespmem:s26], [sflag:$0x2] =	stream.indirect.gather [hbm4b:s1+s23], $0x80, s17, s23, $0xb8;
	[tilespmem:$0x1CF00] =	vst v63  }
0x74: {  	s18 =	simm.s32 $0xC80  }
0x75: {  	[spmem:s4] =	stream.indirect.scatter.add.f32 [tilespmem:s24], [sflag:$0x3], $0x80, s18, s23, $0xb8;
	[tilespmem:$0x1CF00] =	vst v63  }
0x76: {  	_ =	swait.ge [sflag:s28], $0x4000  }
0x77: {  	[sflag:s28] =	ssyncset.done $0x0  }
0x78: {  	[sflag:s28] =	ssyncadd.s32 $0xFFFFC000  }
0x79: {  	_ =	swait.ge [sflag:s29], $0x4000  }
0x7a: {  	[sflag:s29] =	ssyncset.done $0x0  }
0x7b: {  	s16 =	simm.s32 $0x400;
	[sflag:s29] =	ssyncadd.s32 $0xFFFFC000  }
0x7c: {  	[tilespmem:s24], [sflag:$0x1] =	stream.indirect.gather [hbm4b:s1+s23], $0x80, s16, s23, $0xb8;
	[tilespmem:$0x1CF00] =	vst v63  }
0x7d: {  	s17 =	simm.s32 $0xD00  }
0x7e: {  	[spmem:s4] =	stream.indirect.scatter.add.f32 [tilespmem:s26], [sflag:$0x4], $0x80, s17, s23, $0xb8;
	[tilespmem:$0x1CF00] =	vst v63  }
0x7f: {  	_ =	swait.ge [sflag:s25], $0x4000  }
0x80: {  	[sflag:s25] =	ssyncset.done $0x0  }
0x81: {  	[sflag:s25] =	ssyncadd.s32 $0xFFFFC000  }
0x82: {  	_ =	swait.ge [sflag:s0], $0x4000  }
0x83: {  	[sflag:s0] =	ssyncset.done $0x0  }
0x84: {  	s18 =	simm.s32 $0x480;
	[sflag:s0] =	ssyncadd.s32 $0xFFFFC000  }
0x85: {  	[tilespmem:s26], [sflag:$0x2] =	stream.indirect.gather [hbm4b:s1+s23], $0x80, s18, s23, $0xb8;
	[tilespmem:$0x1CF00] =	vst v63  }
0x86: {  	s16 =	simm.s32 $0xD80  }
0x87: {  	[spmem:s4] =	stream.indirect.scatter.add.f32 [tilespmem:s24], [sflag:$0x3], $0x80, s16, s23, $0xb8;
	[tilespmem:$0x1CF00] =	vst v63  }
0x88: {  	_ =	swait.ge [sflag:s28], $0x4000  }
0x89: {  	[sflag:s28] =	ssyncset.done $0x0  }
0x8a: {  	[sflag:s28] =	ssyncadd.s32 $0xFFFFC000  }
0x8b: {  	_ =	swait.ge [sflag:s29], $0x4000  }
0x8c: {  	[sflag:s29] =	ssyncset.done $0x0  }
0x8d: {  	s17 =	simm.s32 $0x500;
	[sflag:s29] =	ssyncadd.s32 $0xFFFFC000  }
0x8e: {  	[tilespmem:s24], [sflag:$0x1] =	stream.indirect.gather [hbm4b:s1+s23], $0x80, s17, s23, $0xb8;
	[tilespmem:$0x1CF00] =	vst v63  }
0x8f: {  	s18 =	simm.s32 $0xE00  }
0x90: {  	[spmem:s4] =	stream.indirect.scatter.add.f32 [tilespmem:s26], [sflag:$0x4], $0x80, s18, s23, $0xb8;
	[tilespmem:$0x1CF00] =	vst v63  }
0x91: {  	_ =	swait.ge [sflag:s25], $0x4000  }
0x92: {  	[sflag:s25] =	ssyncset.done $0x0  }
0x93: {  	[sflag:s25] =	ssyncadd.s32 $0xFFFFC000  }
0x94: {  	_ =	swait.ge [sflag:s0], $0x4000  }
0x95: {  	[sflag:s0] =	ssyncset.done $0x0  }
0x96: {  	s16 =	simm.s32 $0x580;
	[sflag:s0] =	ssyncadd.s32 $0xFFFFC000  }
0x97: {  	[tilespmem:s26], [sflag:$0x2] =	stream.indirect.gather [hbm4b:s1+s23], $0x80, s16, s23, $0xb8;
	[tilespmem:$0x1CF00] =	vst v63  }
0x98: {  	s17 =	simm.s32 $0xE80  }
0x99: {  	[spmem:s4] =	stream.indirect.scatter.add.f32 [tilespmem:s24], [sflag:$0x3], $0x80, s17, s23, $0xb8;
	[tilespmem:$0x1CF00] =	vst v63  }
0x9a: {  	_ =	swait.ge [sflag:s28], $0x4000  }
0x9b: {  	[sflag:s28] =	ssyncset.done $0x0  }
0x9c: {  	[sflag:s28] =	ssyncadd.s32 $0xFFFFC000  }
0x9d: {  	_ =	swait.ge [sflag:s29], $0x4000  }
0x9e: {  	[sflag:s29] =	ssyncset.done $0x0  }
0x9f: {  	s18 =	simm.s32 $0x600;
	[sflag:s29] =	ssyncadd.s32 $0xFFFFC000  }
0xa0: {  	[tilespmem:s24], [sflag:$0x1] =	stream.indirect.gather [hbm4b:s1+s23], $0x80, s18, s23, $0xb8;
	[tilespmem:$0x1CF00] =	vst v63  }
0xa1: {  	_ = 	snop  }
0xa2: {  	[spmem:s4] =	stream.indirect.scatter.add.f32 [tilespmem:s26], [sflag:$0x4], $0x80, s11, s23, $0xb8;
	[tilespmem:$0x1CF00] =	vst v63  }
0xa3: {  	_ =	swait.ge [sflag:s25], $0x4000  }
0xa4: {  	[sflag:s25] =	ssyncset.done $0x0  }
0xa5: {  	[sflag:s25] =	ssyncadd.s32 $0xFFFFC000  }
0xa6: {  	_ =	swait.ge [sflag:s0], $0x4000  }
0xa7: {  	[sflag:s0] =	ssyncset.done $0x0  }
0xa8: {  	[sflag:s0] =	ssyncadd.s32 $0xFFFFC000  }
0xa9: {  	[tilespmem:s26], [sflag:$0x2] =	stream.indirect.gather [hbm4b:s1+s23], $0x80, s9, s23, $0xb8;
	[tilespmem:$0x1CF00] =	vst v63  }
0xaa: {  	_ = 	snop  }
0xab: {  	[spmem:s4] =	stream.indirect.scatter.add.f32 [tilespmem:s24], [sflag:$0x3], $0x80, s6, s23, $0xb8;
	[tilespmem:$0x1CF00] =	vst v63  }
0xac: {  	_ =	swait.ge [sflag:s28], $0x4000  }
0xad: {  	[sflag:s28] =	ssyncset.done $0x0  }
0xae: {  	[sflag:s28] =	ssyncadd.s32 $0xFFFFC000  }
0xaf: {  	_ =	swait.ge [sflag:s29], $0x4000  }
0xb0: {  	[sflag:s29] =	ssyncset.done $0x0  }
0xb1: {  	[sflag:s29] =	ssyncadd.s32 $0xFFFFC000  }
0xb2: {  	[tilespmem:s24], [sflag:$0x1] =	stream.indirect.gather [hbm4b:s1+s23], $0x80, s15, s23, $0xb8;
	[tilespmem:$0x1CF00] =	vst v63  }
0xb3: {  	_ = 	snop  }
0xb4: {  	[spmem:s4] =	stream.indirect.scatter.add.f32 [tilespmem:s26], [sflag:$0x4], $0x80, s8, s23, $0xb8;
	[tilespmem:$0x1CF00] =	vst v63  }
0xb5: {  	_ =	swait.ge [sflag:s25], $0x4000  }
0xb6: {  	[sflag:s25] =	ssyncset.done $0x0  }
0xb7: {  	[sflag:s25] =	ssyncadd.s32 $0xFFFFC000  }
0xb8: {  	_ =	swait.ge [sflag:s0], $0x4000  }
0xb9: {  	[sflag:s0] =	ssyncset.done $0x0  }
0xba: {  	[sflag:s0] =	ssyncadd.s32 $0xFFFFC000  }
0xbb: {  	[tilespmem:s26], [sflag:$0x2] =	stream.indirect.gather [hbm4b:s1+s23], $0x80, s10, s23, $0xb8;
	[tilespmem:$0x1CF00] =	vst v63  }
0xbc: {  	_ = 	snop  }
0xbd: {  	[spmem:s4] =	stream.indirect.scatter.add.f32 [tilespmem:s24], [sflag:$0x3], $0x80, s12, s23, $0xb8;
	[tilespmem:$0x1CF00] =	vst v63  }
0xbe: {  	_ =	swait.ge [sflag:s28], $0x4000  }
0xbf: {  	[sflag:s28] =	ssyncset.done $0x0  }
0xc0: {  	[sflag:s28] =	ssyncadd.s32 $0xFFFFC000  }
0xc1: {  	_ =	swait.ge [sflag:s29], $0x4000  }
0xc2: {  	[sflag:s29] =	ssyncset.done $0x0  }
0xc3: {  	[sflag:s29] =	ssyncadd.s32 $0xFFFFC000  }
0xc4: {  	[tilespmem:s24], [sflag:$0x1] =	stream.indirect.gather [hbm4b:s1+s23], $0x80, s20, s23, $0xb8;
	[tilespmem:$0x1CF00] =	vst v63  }
0xc5: {  	_ = 	snop  }
0xc6: {  	[spmem:s4] =	stream.indirect.scatter.add.f32 [tilespmem:s26], [sflag:$0x4], $0x80, s22, s23, $0xb8;
	[tilespmem:$0x1CF00] =	vst v63  }
0xc7: {  	_ =	swait.ge [sflag:s25], $0x4000  }
0xc8: {  	[sflag:s25] =	ssyncset.done $0x0  }
0xc9: {  	[sflag:s25] =	ssyncadd.s32 $0xFFFFC000  }
0xca: {  	_ =	swait.ge [sflag:s0], $0x4000  }
0xcb: {  	[sflag:s0] =	ssyncset.done $0x0  }
0xcc: {  	[sflag:s0] =	ssyncadd.s32 $0xFFFFC000  }
0xcd: {  	[tilespmem:s26], [sflag:$0x2] =	stream.indirect.gather [hbm4b:s1+s23], $0x80, s19, s23, $0xb8;
	[tilespmem:$0x1CF00] =	vst v63  }
0xce: {  	_ = 	snop  }
0xcf: {  	[spmem:s4] =	stream.indirect.scatter.add.f32 [tilespmem:s24], [sflag:$0x3], $0x80, s13, s23, $0xb8;
	[tilespmem:$0x1CF00] =	vst v63  }
0xd0: {  	_ =	swait.ge [sflag:s28], $0x4000  }
0xd1: {  	[sflag:s28] =	ssyncset.done $0x0  }
0xd2: {  	[sflag:s28] =	ssyncadd.s32 $0xFFFFC000  }
0xd3: {  	_ =	swait.ge [sflag:s29], $0x4000  }
0xd4: {  	[sflag:s29] =	ssyncset.done $0x0  }
0xd5: {  	[sflag:s29] =	ssyncadd.s32 $0xFFFFC000  }
0xd6: {  	[tilespmem:s24], [sflag:$0x1] =	stream.indirect.gather [hbm4b:s1+s23], $0x80, s3, s23, $0xb8;
	[tilespmem:$0x1CF00] =	vst v63  }
0xd7: {  	_ = 	snop  }
0xd8: {  	[spmem:s4] =	stream.indirect.scatter.add.f32 [tilespmem:s26], [sflag:$0x4], $0x80, s14, s23, $0xb8;
	[tilespmem:$0x1CF00] =	vst v63  }
0xd9: {  	_ =	swait.ge [sflag:s25], $0x4000  }
0xda: {  	[sflag:s25] =	ssyncset.done $0x0  }
0xdb: {  	[sflag:s25] =	ssyncadd.s32 $0xFFFFC000  }
0xdc: {  	[spmem:s4] =	stream.indirect.scatter.add.f32 [tilespmem:s24], [sflag:$0x3], $0x80, s7, s23, $0xb8;
	[tilespmem:$0x1CF00] =	vst v63  }
0xdd: {  	_ =	swait.ge [sflag:s29], $0x4000  }
0xde: {  	[sflag:s29] =	ssyncset.done $0x0  }
0xdf: {  	[sflag:s29] =	ssyncadd.s32 $0xFFFFC000  }
0xe0: {  	_ =	swait.ge [sflag:s0], $0x4000  }
0xe1: {  	p1 =	seq.s32 s21, $0x850;
	[sflag:s0] =	ssyncset.done $0x0  }
0xe2: {  	s5 =	sadd.s32 @!p1 s21, s31;
	s16 =	simm.s32 @!p1 $0x0;
	[sflag:s0] =	ssyncadd.s32 $0xFFFFC000  }
0xe3: {  	[tilespmem:s16], [sflag:$0x5] =	stream.linear.gather @!p1 [hbm4b:s5+s16], $0x980, $0x38;
	[tilespmem:$0x1CF00] =	vst v63  }
0xe4: {  	s5 =	simm.s32 @!p1 $0x5  }
0xe5: {  	s17 =	sadd.s32 @!p1 s21, s30;
	s21 =	sadd.s32 @!p1 $0x130, s21;
	_ =	swait.ge @!p1 [sflag:s5], $0x980  }
0xe6: {  	p2 =	seq.s32 @!p1 s21, $0x980;
	[sflag:s5] =	ssyncset.done @!p1 $0x0  }
0xe7: {  	p2 =	por p1, p2;
	s18 =	simm.s32 @!p1 $0x980;
	[sflag:s5] =	ssyncadd.s32 @!p1 $0xFFFFF680  }
0xe8: {  	[tilespmem:s18], [sflag:$0x5] =	stream.linear.gather @!p1 [hbm4b:s17+s16], $0x980, $0x38;
	[tilespmem:$0x1CF00] =	vst v63  }
.Ltmp3:
0xe9: {  	_ =	swait.ge @!p1 [sflag:s5], $0x980;
	(pc) =	sbr.rel @!p2 .LBB2_3-.Ltmp3, $4  }
0xea: {  	[sflag:s5] =	ssyncset.done @!p1 $0x0  }
0xeb: {  	s17 =	simm.s32 @!p1 $0x1300;
	[sflag:s5] =	ssyncadd.s32 @!p1 $0xFFFFF680;
	s5 =	simm.s32 @!p1 $0x80  }
0xec: {  	[tilespmem:s17], [sflag:$0x1] =	stream.indirect.gather @!p1 [hbm4b:s1+s5], $0x80, s16, s5, $0xb8;
	[tilespmem:$0x1CF00] =	vst v63  }
0xed: {  	s5 =	simm.s32 $0x980  }
.Ltmp4:
0xee: {  	(pc) =	sbr.rel .LBB2_8-.Ltmp4, $4  }
0xef: {  	s21 =	rddreg [dreg:$0x8]  }
0xf0: {  	s16 =	rddreg [dreg:$0x6]  }
0xf1: {  	s18 =	rddreg [dreg:$0x15]  }
0xf2: {  	s3 =	rddreg [dreg:$0x14];
	s21 =	smov.u32 @p1 s21  }
.LBB2_5:
0xf3: {  	s5 =	rddreg [dreg:$0xc];
	s17 =	simm.s32 $0x980  }
0xf4: {  	s13 =	simm.s32 $0x600;
	s14 =	simm.s32 $0xF00;
	s11 =	simm.s32 $0x680  }
0xf5: {  	s9 =	simm.s32 $0xF80;
	s6 =	simm.s32 $0x700;
	s15 =	simm.s32 $0x780  }
0xf6: {  	[tilespmem:s21], [sflag:$0x5] =	stream.linear.gather [hbm4b:s5+s21], $0x980, $0x38;
	[tilespmem:$0x1CF00] =	vst v63  }
0xf7: {  	s10 =	simm.s32 $0x800;
	s20 =	simm.s32 $0x880;
	_ =	swait.ge [sflag:s16], $0x980  }
0xf8: {  	s19 =	simm.s32 $0x900;
	s31 =	simm.s32 $0x1280;
	[sflag:s16] =	ssyncset.done $0x0  }
0xf9: {  	s3 =	simm.s32 $0x1000;
	s22 =	rddreg [dreg:$0xd];
	[sflag:s16] =	ssyncadd.s32 $0xFFFFF680  }
0xfa: {  	[tilespmem:s17], [sflag:$0x5] =	stream.linear.gather [hbm4b:s22+s21], $0x980, $0x38;
	[tilespmem:$0x1CF00] =	vst v63  }
0xfb: {  	s7 =	simm.s32 $0x1080;
	s8 =	simm.s32 $0x1100;
	_ =	swait.ge [sflag:s16], $0x980  }
0xfc: {  	s12 =	simm.s32 $0x1180;
	s5 =	simm.s32 $0x980;
	[sflag:s16] =	ssyncset.done $0x0  }
0xfd: {  	s22 =	simm.s32 $0x1200;
	s30 =	rddreg [dreg:$0x11];
	[sflag:s16] =	ssyncadd.s32 $0xFFFFF680  }
0xfe: {  	[tilespmem:s24], [sflag:$0x1] =	stream.indirect.gather [hbm4b:s2+s23], $0x80, s21, s23, $0xb8;
	[tilespmem:$0x1CF00] =	vst v63  }
.LBB2_6:
0xff: {  	_ =	swait.ge [sflag:s25], $0x4000  }
0x100: {  	[sflag:s25] =	ssyncset.done $0x0  }
0x101: {  	[sflag:s25] =	ssyncadd.s32 $0xFFFFC000  }
0x102: {  	[tilespmem:s26], [sflag:$0x2] =	stream.indirect.gather [hbm4b:s2+s23], $0x80, s23, s23, $0xb8;
	[tilespmem:$0x1CF00] =	vst v63  }
0x103: {  	_ = 	snop  }
0x104: {  	[spmem:s4] =	stream.indirect.scatter.add.f32 [tilespmem:s24], [sflag:$0x3], $0x80, s5, s23, $0xb8;
	[tilespmem:$0x1CF00] =	vst v63  }
0x105: {  	_ =	swait.ge [sflag:s28], $0x4000  }
0x106: {  	[sflag:s28] =	ssyncset.done $0x0  }
0x107: {  	[sflag:s28] =	ssyncadd.s32 $0xFFFFC000  }
0x108: {  	_ =	swait.ge [sflag:s29], $0x4000  }
0x109: {  	[sflag:s29] =	ssyncset.done $0x0  }
0x10a: {  	s16 =	simm.s32 $0x100;
	[sflag:s29] =	ssyncadd.s32 $0xFFFFC000  }
0x10b: {  	[tilespmem:s24], [sflag:$0x1] =	stream.indirect.gather [hbm4b:s2+s23], $0x80, s16, s23, $0xb8;
	[tilespmem:$0x1CF00] =	vst v63  }
0x10c: {  	s17 =	simm.s32 $0xA00  }
0x10d: {  	[spmem:s4] =	stream.indirect.scatter.add.f32 [tilespmem:s26], [sflag:$0x4], $0x80, s17, s23, $0xb8;
	[tilespmem:$0x1CF00] =	vst v63  }
0x10e: {  	_ =	swait.ge [sflag:s25], $0x4000  }
0x10f: {  	[sflag:s25] =	ssyncset.done $0x0  }
0x110: {  	[sflag:s25] =	ssyncadd.s32 $0xFFFFC000  }
0x111: {  	_ =	swait.ge [sflag:s0], $0x4000  }
0x112: {  	[sflag:s0] =	ssyncset.done $0x0  }
0x113: {  	s16 =	simm.s32 $0x180;
	[sflag:s0] =	ssyncadd.s32 $0xFFFFC000  }
0x114: {  	[tilespmem:s26], [sflag:$0x2] =	stream.indirect.gather [hbm4b:s2+s23], $0x80, s16, s23, $0xb8;
	[tilespmem:$0x1CF00] =	vst v63  }
0x115: {  	s17 =	simm.s32 $0xA80  }
0x116: {  	[spmem:s4] =	stream.indirect.scatter.add.f32 [tilespmem:s24], [sflag:$0x3], $0x80, s17, s23, $0xb8;
	[tilespmem:$0x1CF00] =	vst v63  }
0x117: {  	_ =	swait.ge [sflag:s28], $0x4000  }
0x118: {  	[sflag:s28] =	ssyncset.done $0x0  }
0x119: {  	[sflag:s28] =	ssyncadd.s32 $0xFFFFC000  }
0x11a: {  	_ =	swait.ge [sflag:s29], $0x4000  }
0x11b: {  	[sflag:s29] =	ssyncset.done $0x0  }
0x11c: {  	s16 =	simm.s32 $0x200;
	[sflag:s29] =	ssyncadd.s32 $0xFFFFC000  }
0x11d: {  	[tilespmem:s24], [sflag:$0x1] =	stream.indirect.gather [hbm4b:s2+s23], $0x80, s16, s23, $0xb8;
	[tilespmem:$0x1CF00] =	vst v63  }
0x11e: {  	s17 =	simm.s32 $0xB00  }
0x11f: {  	[spmem:s4] =	stream.indirect.scatter.add.f32 [tilespmem:s26], [sflag:$0x4], $0x80, s17, s23, $0xb8;
	[tilespmem:$0x1CF00] =	vst v63  }
0x120: {  	_ =	swait.ge [sflag:s25], $0x4000  }
0x121: {  	[sflag:s25] =	ssyncset.done $0x0  }
0x122: {  	[sflag:s25] =	ssyncadd.s32 $0xFFFFC000  }
0x123: {  	_ =	swait.ge [sflag:s0], $0x4000  }
0x124: {  	[sflag:s0] =	ssyncset.done $0x0  }
0x125: {  	s16 =	simm.s32 $0x280;
	[sflag:s0] =	ssyncadd.s32 $0xFFFFC000  }
0x126: {  	[tilespmem:s26], [sflag:$0x2] =	stream.indirect.gather [hbm4b:s2+s23], $0x80, s16, s23, $0xb8;
	[tilespmem:$0x1CF00] =	vst v63  }
0x127: {  	s17 =	simm.s32 $0xB80  }
0x128: {  	[spmem:s4] =	stream.indirect.scatter.add.f32 [tilespmem:s24], [sflag:$0x3], $0x80, s17, s23, $0xb8;
	[tilespmem:$0x1CF00] =	vst v63  }
0x129: {  	_ =	swait.ge [sflag:s28], $0x4000  }
0x12a: {  	[sflag:s28] =	ssyncset.done $0x0  }
0x12b: {  	[sflag:s28] =	ssyncadd.s32 $0xFFFFC000  }
0x12c: {  	_ =	swait.ge [sflag:s29], $0x4000  }
0x12d: {  	[sflag:s29] =	ssyncset.done $0x0  }
0x12e: {  	s16 =	simm.s32 $0x300;
	[sflag:s29] =	ssyncadd.s32 $0xFFFFC000  }
0x12f: {  	[tilespmem:s24], [sflag:$0x1] =	stream.indirect.gather [hbm4b:s2+s23], $0x80, s16, s23, $0xb8;
	[tilespmem:$0x1CF00] =	vst v63  }
0x130: {  	s17 =	simm.s32 $0xC00  }
0x131: {  	[spmem:s4] =	stream.indirect.scatter.add.f32 [tilespmem:s26], [sflag:$0x4], $0x80, s17, s23, $0xb8;
	[tilespmem:$0x1CF00] =	vst v63  }
0x132: {  	_ =	swait.ge [sflag:s25], $0x4000  }
0x133: {  	[sflag:s25] =	ssyncset.done $0x0  }
0x134: {  	[sflag:s25] =	ssyncadd.s32 $0xFFFFC000  }
0x135: {  	_ =	swait.ge [sflag:s0], $0x4000  }
0x136: {  	[sflag:s0] =	ssyncset.done $0x0  }
0x137: {  	s16 =	simm.s32 $0x380;
	[sflag:s0] =	ssyncadd.s32 $0xFFFFC000  }
0x138: {  	[tilespmem:s26], [sflag:$0x2] =	stream.indirect.gather [hbm4b:s2+s23], $0x80, s16, s23, $0xb8;
	[tilespmem:$0x1CF00] =	vst v63  }
0x139: {  	s17 =	simm.s32 $0xC80  }
0x13a: {  	[spmem:s4] =	stream.indirect.scatter.add.f32 [tilespmem:s24], [sflag:$0x3], $0x80, s17, s23, $0xb8;
	[tilespmem:$0x1CF00] =	vst v63  }
0x13b: {  	_ =	swait.ge [sflag:s28], $0x4000  }
0x13c: {  	[sflag:s28] =	ssyncset.done $0x0  }
0x13d: {  	[sflag:s28] =	ssyncadd.s32 $0xFFFFC000  }
0x13e: {  	_ =	swait.ge [sflag:s29], $0x4000  }
0x13f: {  	[sflag:s29] =	ssyncset.done $0x0  }
0x140: {  	s16 =	simm.s32 $0x400;
	[sflag:s29] =	ssyncadd.s32 $0xFFFFC000  }
0x141: {  	[tilespmem:s24], [sflag:$0x1] =	stream.indirect.gather [hbm4b:s2+s23], $0x80, s16, s23, $0xb8;
	[tilespmem:$0x1CF00] =	vst v63  }
0x142: {  	s17 =	simm.s32 $0xD00  }
0x143: {  	[spmem:s4] =	stream.indirect.scatter.add.f32 [tilespmem:s26], [sflag:$0x4], $0x80, s17, s23, $0xb8;
	[tilespmem:$0x1CF00] =	vst v63  }
0x144: {  	_ =	swait.ge [sflag:s25], $0x4000  }
0x145: {  	[sflag:s25] =	ssyncset.done $0x0  }
0x146: {  	[sflag:s25] =	ssyncadd.s32 $0xFFFFC000  }
0x147: {  	_ =	swait.ge [sflag:s0], $0x4000  }
0x148: {  	[sflag:s0] =	ssyncset.done $0x0  }
0x149: {  	s16 =	simm.s32 $0x480;
	[sflag:s0] =	ssyncadd.s32 $0xFFFFC000  }
0x14a: {  	[tilespmem:s26], [sflag:$0x2] =	stream.indirect.gather [hbm4b:s2+s23], $0x80, s16, s23, $0xb8;
	[tilespmem:$0x1CF00] =	vst v63  }
0x14b: {  	s17 =	simm.s32 $0xD80  }
0x14c: {  	[spmem:s4] =	stream.indirect.scatter.add.f32 [tilespmem:s24], [sflag:$0x3], $0x80, s17, s23, $0xb8;
	[tilespmem:$0x1CF00] =	vst v63  }
0x14d: {  	_ =	swait.ge [sflag:s28], $0x4000  }
0x14e: {  	[sflag:s28] =	ssyncset.done $0x0  }
0x14f: {  	[sflag:s28] =	ssyncadd.s32 $0xFFFFC000  }
0x150: {  	_ =	swait.ge [sflag:s29], $0x4000  }
0x151: {  	[sflag:s29] =	ssyncset.done $0x0  }
0x152: {  	s16 =	simm.s32 $0x500;
	[sflag:s29] =	ssyncadd.s32 $0xFFFFC000  }
0x153: {  	[tilespmem:s24], [sflag:$0x1] =	stream.indirect.gather [hbm4b:s2+s23], $0x80, s16, s23, $0xb8;
	[tilespmem:$0x1CF00] =	vst v63  }
0x154: {  	s17 =	simm.s32 $0xE00  }
0x155: {  	[spmem:s4] =	stream.indirect.scatter.add.f32 [tilespmem:s26], [sflag:$0x4], $0x80, s17, s23, $0xb8;
	[tilespmem:$0x1CF00] =	vst v63  }
0x156: {  	_ =	swait.ge [sflag:s25], $0x4000  }
0x157: {  	[sflag:s25] =	ssyncset.done $0x0  }
0x158: {  	[sflag:s25] =	ssyncadd.s32 $0xFFFFC000  }
0x159: {  	_ =	swait.ge [sflag:s0], $0x4000  }
0x15a: {  	[sflag:s0] =	ssyncset.done $0x0  }
0x15b: {  	s16 =	simm.s32 $0x580;
	[sflag:s0] =	ssyncadd.s32 $0xFFFFC000  }
0x15c: {  	[tilespmem:s26], [sflag:$0x2] =	stream.indirect.gather [hbm4b:s2+s23], $0x80, s16, s23, $0xb8;
	[tilespmem:$0x1CF00] =	vst v63  }
0x15d: {  	s17 =	simm.s32 $0xE80  }
0x15e: {  	[spmem:s4] =	stream.indirect.scatter.add.f32 [tilespmem:s24], [sflag:$0x3], $0x80, s17, s23, $0xb8;
	[tilespmem:$0x1CF00] =	vst v63  }
0x15f: {  	_ =	swait.ge [sflag:s28], $0x4000  }
0x160: {  	[sflag:s28] =	ssyncset.done $0x0  }
0x161: {  	[sflag:s28] =	ssyncadd.s32 $0xFFFFC000  }
0x162: {  	_ =	swait.ge [sflag:s29], $0x4000  }
0x163: {  	[sflag:s29] =	ssyncset.done $0x0  }
0x164: {  	[sflag:s29] =	ssyncadd.s32 $0xFFFFC000  }
0x165: {  	[tilespmem:s24], [sflag:$0x1] =	stream.indirect.gather [hbm4b:s2+s23], $0x80, s13, s23, $0xb8;
	[tilespmem:$0x1CF00] =	vst v63  }
0x166: {  	_ = 	snop  }
0x167: {  	[spmem:s4] =	stream.indirect.scatter.add.f32 [tilespmem:s26], [sflag:$0x4], $0x80, s14, s23, $0xb8;
	[tilespmem:$0x1CF00] =	vst v63  }
0x168: {  	_ =	swait.ge [sflag:s25], $0x4000  }
0x169: {  	[sflag:s25] =	ssyncset.done $0x0  }
0x16a: {  	[sflag:s25] =	ssyncadd.s32 $0xFFFFC000  }
0x16b: {  	_ =	swait.ge [sflag:s0], $0x4000  }
0x16c: {  	[sflag:s0] =	ssyncset.done $0x0  }
0x16d: {  	[sflag:s0] =	ssyncadd.s32 $0xFFFFC000  }
0x16e: {  	[tilespmem:s26], [sflag:$0x2] =	stream.indirect.gather [hbm4b:s2+s23], $0x80, s11, s23, $0xb8;
	[tilespmem:$0x1CF00] =	vst v63  }
0x16f: {  	_ = 	snop  }
0x170: {  	[spmem:s4] =	stream.indirect.scatter.add.f32 [tilespmem:s24], [sflag:$0x3], $0x80, s9, s23, $0xb8;
	[tilespmem:$0x1CF00] =	vst v63  }
0x171: {  	_ =	swait.ge [sflag:s28], $0x4000  }
0x172: {  	[sflag:s28] =	ssyncset.done $0x0  }
0x173: {  	[sflag:s28] =	ssyncadd.s32 $0xFFFFC000  }
0x174: {  	_ =	swait.ge [sflag:s29], $0x4000  }
0x175: {  	[sflag:s29] =	ssyncset.done $0x0  }
0x176: {  	[sflag:s29] =	ssyncadd.s32 $0xFFFFC000  }
0x177: {  	[tilespmem:s24], [sflag:$0x1] =	stream.indirect.gather [hbm4b:s2+s23], $0x80, s6, s23, $0xb8;
	[tilespmem:$0x1CF00] =	vst v63  }
0x178: {  	_ = 	snop  }
0x179: {  	[spmem:s4] =	stream.indirect.scatter.add.f32 [tilespmem:s26], [sflag:$0x4], $0x80, s3, s23, $0xb8;
	[tilespmem:$0x1CF00] =	vst v63  }
0x17a: {  	_ =	swait.ge [sflag:s25], $0x4000  }
0x17b: {  	[sflag:s25] =	ssyncset.done $0x0  }
0x17c: {  	[sflag:s25] =	ssyncadd.s32 $0xFFFFC000  }
0x17d: {  	_ =	swait.ge [sflag:s0], $0x4000  }
0x17e: {  	[sflag:s0] =	ssyncset.done $0x0  }
0x17f: {  	[sflag:s0] =	ssyncadd.s32 $0xFFFFC000  }
0x180: {  	[tilespmem:s26], [sflag:$0x2] =	stream.indirect.gather [hbm4b:s2+s23], $0x80, s15, s23, $0xb8;
	[tilespmem:$0x1CF00] =	vst v63  }
0x181: {  	_ = 	snop  }
0x182: {  	[spmem:s4] =	stream.indirect.scatter.add.f32 [tilespmem:s24], [sflag:$0x3], $0x80, s7, s23, $0xb8;
	[tilespmem:$0x1CF00] =	vst v63  }
0x183: {  	_ =	swait.ge [sflag:s28], $0x4000  }
0x184: {  	[sflag:s28] =	ssyncset.done $0x0  }
0x185: {  	[sflag:s28] =	ssyncadd.s32 $0xFFFFC000  }
0x186: {  	_ =	swait.ge [sflag:s29], $0x4000  }
0x187: {  	[sflag:s29] =	ssyncset.done $0x0  }
0x188: {  	[sflag:s29] =	ssyncadd.s32 $0xFFFFC000  }
0x189: {  	[tilespmem:s24], [sflag:$0x1] =	stream.indirect.gather [hbm4b:s2+s23], $0x80, s10, s23, $0xb8;
	[tilespmem:$0x1CF00] =	vst v63  }
0x18a: {  	_ = 	snop  }
0x18b: {  	[spmem:s4] =	stream.indirect.scatter.add.f32 [tilespmem:s26], [sflag:$0x4], $0x80, s8, s23, $0xb8;
	[tilespmem:$0x1CF00] =	vst v63  }
0x18c: {  	_ =	swait.ge [sflag:s25], $0x4000  }
0x18d: {  	[sflag:s25] =	ssyncset.done $0x0  }
0x18e: {  	[sflag:s25] =	ssyncadd.s32 $0xFFFFC000  }
0x18f: {  	_ =	swait.ge [sflag:s0], $0x4000  }
0x190: {  	[sflag:s0] =	ssyncset.done $0x0  }
0x191: {  	[sflag:s0] =	ssyncadd.s32 $0xFFFFC000  }
0x192: {  	[tilespmem:s26], [sflag:$0x2] =	stream.indirect.gather [hbm4b:s2+s23], $0x80, s20, s23, $0xb8;
	[tilespmem:$0x1CF00] =	vst v63  }
0x193: {  	_ = 	snop  }
0x194: {  	[spmem:s4] =	stream.indirect.scatter.add.f32 [tilespmem:s24], [sflag:$0x3], $0x80, s12, s23, $0xb8;
	[tilespmem:$0x1CF00] =	vst v63  }
0x195: {  	_ =	swait.ge [sflag:s28], $0x4000  }
0x196: {  	[sflag:s28] =	ssyncset.done $0x0  }
0x197: {  	[sflag:s28] =	ssyncadd.s32 $0xFFFFC000  }
0x198: {  	_ =	swait.ge [sflag:s29], $0x4000  }
0x199: {  	[sflag:s29] =	ssyncset.done $0x0  }
0x19a: {  	[sflag:s29] =	ssyncadd.s32 $0xFFFFC000  }
0x19b: {  	[tilespmem:s24], [sflag:$0x1] =	stream.indirect.gather [hbm4b:s2+s23], $0x80, s19, s23, $0xb8;
	[tilespmem:$0x1CF00] =	vst v63  }
0x19c: {  	_ = 	snop  }
0x19d: {  	[spmem:s4] =	stream.indirect.scatter.add.f32 [tilespmem:s26], [sflag:$0x4], $0x80, s22, s23, $0xb8;
	[tilespmem:$0x1CF00] =	vst v63  }
0x19e: {  	_ =	swait.ge [sflag:s25], $0x4000  }
0x19f: {  	[sflag:s25] =	ssyncset.done $0x0  }
0x1a0: {  	[sflag:s25] =	ssyncadd.s32 $0xFFFFC000  }
0x1a1: {  	[spmem:s4] =	stream.indirect.scatter.add.f32 [tilespmem:s24], [sflag:$0x3], $0x80, s31, s23, $0xb8;
	[tilespmem:$0x1CF00] =	vst v63  }
0x1a2: {  	_ =	swait.ge [sflag:s29], $0x4000  }
0x1a3: {  	[sflag:s29] =	ssyncset.done $0x0  }
0x1a4: {  	[sflag:s29] =	ssyncadd.s32 $0xFFFFC000  }
0x1a5: {  	_ =	swait.ge [sflag:s0], $0x4000  }
0x1a6: {  	p1 =	seq.s32 s21, $0x850;
	[sflag:s0] =	ssyncset.done $0x0  }
0x1a7: {  	s5 =	sadd.s32 @!p1 s21, s30;
	s16 =	simm.s32 @!p1 $0x0;
	[sflag:s0] =	ssyncadd.s32 $0xFFFFC000  }
0x1a8: {  	[tilespmem:s16], [sflag:$0x5] =	stream.linear.gather @!p1 [hbm4b:s5+s16], $0x980, $0x38;
	[tilespmem:$0x1CF00] =	vst v63  }
0x1a9: {  	s5 =	simm.s32 @!p1 $0x5  }
0x1aa: {  	s17 =	sadd.s32 @!p1 s21, s18;
	s21 =	sadd.s32 @!p1 $0x130, s21;
	_ =	swait.ge @!p1 [sflag:s5], $0x980  }
0x1ab: {  	p2 =	sne.s32 @!p1 s21, $0x980;
	[sflag:s5] =	ssyncset.done @!p1 $0x0  }
0x1ac: {  	s18 =	simm.s32 @!p1 $0x980;
	p2 =	por p1, !p2;
	[sflag:s5] =	ssyncadd.s32 @!p1 $0xFFFFF680  }
0x1ad: {  	[tilespmem:s18], [sflag:$0x5] =	stream.linear.gather @!p1 [hbm4b:s17+s16], $0x980, $0x38;
	[tilespmem:$0x1CF00] =	vst v63  }
.Ltmp5:
0x1ae: {  	s18 =	rddreg [dreg:$0x15];
	_ =	swait.ge @!p1 [sflag:s5], $0x980;
	(pc) =	sbr.rel @!p2 .LBB2_6-.Ltmp5, $4  }
0x1af: {  	[sflag:s5] =	ssyncset.done @!p1 $0x0  }
0x1b0: {  	s17 =	simm.s32 @!p1 $0x1300;
	[sflag:s5] =	ssyncadd.s32 @!p1 $0xFFFFF680;
	s5 =	simm.s32 @!p1 $0x80  }
0x1b1: {  	[tilespmem:s17], [sflag:$0x1] =	stream.indirect.gather @!p1 [hbm4b:s2+s5], $0x80, s16, s5, $0xb8;
	[tilespmem:$0x1CF00] =	vst v63  }
0x1b2: {  	s5 =	simm.s32 $0x980  }
.Ltmp6:
0x1b3: {  	_ = 	snop;
	(pc) =	sbr.rel .LBB2_7-.Ltmp6, $1  }
0x1b4: {  	_ =	sdelay $0x3  }
.LBB2_9:
0x1b5: {  	_ =	sfence.sel $0x180000  }
0x1b6: {  	[bflag:$0x0] =	sbarrier.arrive $0xFFFF  }
0x1b7: {  	_ =	strace $0x90000047  }
0x1b8: {  	s0 =	stileid.u32;
	[bflag:$0x2] =	sbarrier.arrive $0xFFFF  }
0x1b9: {  	p0 =	sne.s32 s0, $0x0;
	s0 =	rddreg [dreg:$0x5]  }
0x1ba: {  	s0 =	sadd.s32 @!p0 $0x100000, s0  }
0x1bb: {  	[sflag:s0] =	ssyncadd.tile.s32 @!p0 $0x1;
	_ =	shalt  }
.Lfunc_end2:
_tile_overlayer_lowered:
.L_overlay_start_2:
0x1bc: {  	(tag) =	ssettag $0x2  }
0x1bd: {  	s0 =	rddreg [dreg:$0x0];
	s2 =	stileid.u32  }
0x1be: {  	s1 =	rddreg [dreg:$0x1];
	p0 =	sne.s32 s2, $0x0  }
0x1bf: {  	s3 =	rddreg [dreg:$0x2];
	[bflag:$0x3] =	sbarrier.arrive $0xFFFF;
	s2 =	simm.s32 @!p0 $0x1C05  }
0x1c0: {  	[timem:s3], [sflag:s2] =	dma.local @!p0 [hbm:s0], s1  }
0x1c1: {  	s0 =	simm.s32 @!p0 $0x5  }
0x1c2: {  	_ =	swait.ge @!p0 [sflag:s0], s1  }
0x1c3: {  	s1 =	ssub.s32 @!p0 $0x0, s1;
	[sflag:s0] =	ssyncset.done @!p0 $0x0  }
0x1c4: {  	[sflag:s0] =	ssyncadd.s32 @!p0 s1  }
0x1c5: {  	[bflag:$0x3] =	sbarrier.arrive $0xFFFF  }
0x1c6: {  	_ =	shalt  }

// kernel: kernel.13.cloned.1.call-start
scs
__scs_entry_jumppad:
0x0: {  	(pc) =	sbr.rel $0x88, $3  }
0x1: {  	(tag) =	ssettag $0x0;
	lr =	simm.s32 $0x1  }
0x2: {  	[smem:$0x3F94] =	sst lr;
	_ =	strace $0xD0000000  }
0x3: {  	_ = 	snop  }
0x4: {  	_ = 	snop  }
0x5: {  	_ = 	snop  }
0x6: {  	_ = 	snop  }
0x7: {  	_ = 	snop  }
__scs_overlays_trampoline_lowered:
0x8: {  	[smem:$0x3FA3] =	sst s0  }
0x9: {  	[smem:$0x3FA4] =	sst s1  }
0xa: {  	[smem:$0x3FA5] =	sst s2  }
0xb: {  	[smem:$0x3FA6] =	sst s3  }
0xc: {  	[smem:$0x3FA7] =	sst s4  }
0xd: {  	[smem:$0x3FA8] =	sst s5  }
0xe: {  	[smem:$0x3FA9] =	sst s6  }
0xf: {  	[smem:$0x3FAA] =	sst s7  }
0x10: {  	[smem:$0x3FAB] =	sst s8  }
0x11: {  	[smem:$0x3FAC] =	sst s9;
	s0 =	simm.s32 @!p0 $0x0  }
0x12: {  	s1 =	sld [smem:$0x3F92];
	s0 =	simm.s32 @p0 $0x1  }
0x13: {  	[smem:$0x3FAD] =	sst s0;
	s0 =	simm.s32 @!p1 $0x0  }
0x14: {  	s2 =	sld [smem:$0x3F91];
	s0 =	simm.s32 @p1 $0x1  }
0x15: {  	[smem:$0x3FAE] =	sst s0;
	s0 =	simm.s32 @!p2 $0x0  }
0x16: {  	s3 =	sld [smem:$0x3FDB];
	s0 =	simm.s32 @p2 $0x1  }
0x17: {  	s4 =	simm.s32 $0x1BF5;
	[smem:$0x3FB0] =	sst s0  }
0x18: {  	s0 =	sld [smem:$0x3F93];
	_ =	swait.ge [sflag:s4], $0x0  }
0x19: {  	s7 =	sld [smem:$0x3F94]  }
0x1a: {  	s8 =	sadd.s32 $0xFFFFE003, lr  }
0x1b: {  	s9 =	sadd.s32 $0xFFFFFEF7, lr;
	s5 =	simm.s32 $0xFFFFFFFF;
	p2 =	slt.u32 s8, $0xFFFFF086  }
0x1c: {  	p1 =	slt.u32 s9, $0xF7A;
	s5 =	simm.s32 @!p2 $0x0  }
0x1d: {  	s5 =	simm.s32 @p1 $0x1;
	p0 =	seq.s32 s7, s2  }
0x1e: {  	s7 =	smul.u32 @!p0 $0xF7A, s2;
	p2 =	seq.s32 @!p0 s5, $0x0  }
0x1f: {  	s9 =	smul.u32 $0xF7A, s1;
	s8 =	simm.s32 @!p0 $0x1BF5;
	p2 =	por !p2, p0  }
0x20: {  	[sflag:s8] =	ssyncset.s32 @!p0 $0xFFFFF086;
	s6 =	sadd.s32 @!p0 s3, s7;
	s7 =	simm.s32 @!p0 $0x108  }
0x21: {  	s3 =	sadd.s32 s3, s9;
	s6 =	sadd.s32 @!p0 $0x88, s6;
	s7 =	simm.s32 @p2 $0x1082  }
0x22: {  	[simem:s7], [sflag:s8] =	dma.local @!p0 [hbm:s6], $0xF7A  }
0x23: {  	s9 =	sor.u32 $0xD0000000, s2;
	s6 =	simm.s32 $0x108;
	_ =	swait.ge @!p0 [sflag:s8], $0x0  }
0x24: {  	s3 =	sadd.s32 $0x88, s3;
	s6 =	simm.s32 @!p1 $0x1082;
	[sflag:s4] =	ssyncset.s32 $0xFFFFF086  }
0x25: {  	[simem:s6], [sflag:s4] =	dma.local [hbm:s3], $0xF7A  }
0x26: {  	[smem:$0x3F94] =	sst s1;
	(tag) =	ssettag s2;
	_ =	strace s9  }
0x27: {  	s1 =	sld [smem:$0x3FA4]  }
0x28: {  	s2 =	sld [smem:$0x3FA5]  }
0x29: {  	s4 =	sld [smem:$0x3FA7]  }
0x2a: {  	p0 =	seq.s32 s5, $0x0;
	s5 =	sld [smem:$0x3FA8]  }
0x2b: {  	s6 =	sld [smem:$0x3FA9]  }
0x2c: {  	s7 =	sld [smem:$0x3FAA]  }
0x2d: {  	s3 =	simm.s32 $0x108;
	s8 =	sld [smem:$0x3FAB]  }
0x2e: {  	s3 =	simm.s32 @!p0 $0x1082;
	s9 =	sld [smem:$0x3FAC]  }
0x2f: {  	lr =	sadd.s32 s0, s3;
	s0 =	sld [smem:$0x3FA3]  }
0x30: {  	s3 =	sld [smem:$0x3FA6]  }
0x31: {  	[smem:$0x3FAF] =	sst s10  }
0x32: {  	s10 =	sld [smem:$0x3FAD];
	_ =	sdelay $0x3  }
0x33: {  	p0 =	seq.s32 s10, $0x1;
	s10 =	sld [smem:$0x3FAF];
	_ =	sdelay $0x3  }
0x34: {  	[smem:$0x3FAF] =	sst s10  }
0x35: {  	s10 =	sld [smem:$0x3FAE];
	_ =	sdelay $0x3  }
0x36: {  	p1 =	seq.s32 s10, $0x1;
	s10 =	sld [smem:$0x3FAF];
	_ =	sdelay $0x3  }
0x37: {  	[smem:$0x3FAF] =	sst s10  }
0x38: {  	s10 =	sld [smem:$0x3FB0]  }
0x39: {  	_ = 	snop;
	(pc) =	sbr.ind lr, $3  }
0x3a: {  	_ = 	snop  }
0x3b: {  	_ = 	snop  }
0x3c: {  	p2 =	seq.s32 s10, $0x1;
	s10 =	sld [smem:$0x3FAF]  }
0x3d: {  	_ =	shalt  }
0x3e: {  	_ =	shalt  }
0x3f: {  	_ =	shalt  }
0x40: {  	_ =	shalt  }
0x41: {  	_ =	shalt  }
0x42: {  	_ =	shalt  }
0x43: {  	_ =	shalt  }
0x44: {  	_ =	shalt  }
0x45: {  	_ =	shalt  }
0x46: {  	_ =	shalt  }
0x47: {  	_ =	shalt  }
0x48: {  	_ =	shalt  }
0x49: {  	_ =	shalt  }
0x4a: {  	_ =	shalt  }
0x4b: {  	_ =	shalt  }
0x4c: {  	_ =	shalt  }
0x4d: {  	_ =	shalt  }
0x4e: {  	_ =	shalt  }
0x4f: {  	_ =	shalt  }
0x50: {  	_ =	shalt  }
0x51: {  	_ =	shalt  }
0x52: {  	_ =	shalt  }
0x53: {  	_ =	shalt  }
0x54: {  	_ =	shalt  }
0x55: {  	_ =	shalt  }
0x56: {  	_ =	shalt  }
0x57: {  	_ =	shalt  }
0x58: {  	_ =	shalt  }
0x59: {  	_ =	shalt  }
0x5a: {  	_ =	shalt  }
0x5b: {  	_ =	shalt  }
0x5c: {  	_ =	shalt  }
0x5d: {  	_ =	shalt  }
0x5e: {  	_ =	shalt  }
0x5f: {  	_ =	shalt  }
0x60: {  	_ =	shalt  }
0x61: {  	_ =	shalt  }
0x62: {  	_ =	shalt  }
0x63: {  	_ =	shalt  }
0x64: {  	_ =	shalt  }
0x65: {  	_ =	shalt  }
0x66: {  	_ =	shalt  }
0x67: {  	_ =	shalt  }
0x68: {  	_ =	shalt  }
0x69: {  	_ =	shalt  }
0x6a: {  	_ =	shalt  }
0x6b: {  	_ =	shalt  }
0x6c: {  	_ =	shalt  }
0x6d: {  	_ =	shalt  }
0x6e: {  	_ =	shalt  }
0x6f: {  	_ =	shalt  }
0x70: {  	_ =	shalt  }
0x71: {  	_ =	shalt  }
0x72: {  	_ =	shalt  }
0x73: {  	_ =	shalt  }
0x74: {  	_ =	shalt  }
0x75: {  	_ =	shalt  }
0x76: {  	_ =	shalt  }
0x77: {  	_ =	shalt  }
0x78: {  	_ =	shalt  }
0x79: {  	_ =	shalt  }
0x7a: {  	_ =	shalt  }
0x7b: {  	_ =	shalt  }
0x7c: {  	_ =	shalt  }
0x7d: {  	_ =	shalt  }
0x7e: {  	_ =	shalt  }
0x7f: {  	_ =	shalt  }
0x80: {  	_ =	shalt  }
0x81: {  	_ =	shalt  }
0x82: {  	_ =	shalt  }
0x83: {  	_ =	shalt  }
0x84: {  	_ =	shalt  }
0x85: {  	_ =	shalt  }
0x86: {  	_ =	shalt  }
0x87: {  	_ =	shalt  }
.Lfunc_end0:
.L_simem_size_0:
called_computation.2_lowered:
.L_overlay_start_0:
0x88: {  	s2 =	sld [smem:$0x3FD9]  }
0x89: {  	s3 =	sld [smem:$0x3FFE];
	_ =	sdelay $0x1  }
0x8a: {  	s1 =	srdreg.scid  }
0x8b: {  	s0 =	sand.u32 $0x1, s1  }
0x8c: {  	s17 =	sshll.u32 s0, $0xA;
	s2 =	sadd.s32 s3, s2  }
0x8d: {  	s2 =	sadd.s32 s2, s17  }
0x8e: {  	[smem:$0x3FBB] =	sst s2  }
0x8f: {  	_ = 	snop  }
0x90: {  	s2 =	sld [smem:$0x3FD0];
	(tm) =	ssettm $0x1  }
0x91: {  	s18 =	sld [smem:$0x3FFB];
	_ =	sdelay $0x3  }
0x92: {  	_ =	strace s18  }
0x93: {  	s3 =	sld [smem:$0x3FFC];
	_ =	sdelay $0x3  }
0x94: {  	_ =	strace s3  }
0x95: {  	s3 =	sld [smem:$0x3FFD];
	_ =	sdelay $0x3  }
0x96: {  	_ =	strace s3  }
0x97: {  	_ =	strace $0x8FFFFFFF  }
0x98: {  	s19 =	sld [smem:$0x3FDB];
	_ =	sdelay $0x1  }
0x99: {  	s4 =	simm.s32 $_scs_section_size  }
0x9a: {  	s5 =	simm.s32 $_size__tile_overlayer_lowered;
	s6 =	simm.s32 $_tile_overlayer_lowered  }
0x9b: {  	s22 =	simm.s32 $0x1BFF;
	s21 =	sshll.u32 s6, $0x1;
	s3 =	sadd.s32 s4, s19  }
0x9c: {  	s7 =	simm.s32 $0x0;
	s20 =	sshll.u32 s5, $0x1;
	s5 =	sadd.s32 s21, s3  }
0x9d: {  	[timem:s7], [sflag:s22] =	dma.local [hbm:s5], s20  }
0x9e: {  	_ =	swait.ge [sflag:s22], s20  }
0x9f: {  	s4 =	ssub.s32 $0x0, s20;
	[sflag:s22] =	ssyncset.done $0x0  }
0xa0: {  	[sflag:s22] =	ssyncadd.s32 s4;
	_ =	sdelay $0x1  }
0xa1: {  	s23 =	simm.s32 $0x1B8B  }
0xa2: {  	_ =	swait.ge [sflag:s23], $0x1  }
0xa3: {  	[sflag:s23] =	ssyncset.done $0x0  }
0xa4: {  	s25 =	simm.s32 $0x1B8E;
	s24 =	sld [smem:$0x3FFE];
	[sflag:s23] =	ssyncadd.s32 $0xFFFFFFFF  }
0xa5: {  	s26 =	simm.s32 $execute0_lowered;
	[smem:$0x3FD2] =	sst s25  }
0xa6: {  	s5 =	sshll.u32 s26, $0x1;
	_ =	strace $0x8000004C;
	[dreg:$0x1] =	wrdreg $0xFFFFFFFF  }
0xa7: {  	s28 =	simm.s32 $_size_execute0_lowered;
	s3 =	sadd.s32 s3, s5;
	[dreg:$0x0] =	wrdreg $0x0  }
0xa8: {  	s5 =	sshll.u32 s28, $0x1;
	[dreg:$0x2] =	wrdreg s3  }
0xa9: {  	[dreg:$0x3] =	wrdreg s5  }
0xaa: {  	[dreg:$0x4] =	wrdreg $0xC0  }
0xab: {  	_ =	task [dreg:s7], $0x5FFFF  }
0xac: {  	[dreg:$0x1] =	wrdreg $0xFFFFFFFF  }
0xad: {  	[dreg:$0x0] =	wrdreg $0x60  }
0xae: {  	[dreg:$0x2] =	wrdreg s24  }
0xaf: {  	[dreg:$0x3] =	wrdreg s2  }
0xb0: {  	[dreg:$0x4] =	wrdreg $0x33000  }
0xb1: {  	[dreg:$0x5] =	wrdreg $0x9  }
0xb2: {  	_ =	task.clear_ibuf [dreg:s7], $0x6FFFF;
	_ =	strace $0x9000004C  }
0xb3: {  	s29 =	simm.s32 $0x9;
	_ =	strace $0x8000004E  }
0xb4: {  	_ =	swait.ge [sflag:s29], $0x1  }
0xb5: {  	[sflag:s29] =	ssyncadd.s32 $0xFFFFFFFF  }
0xb6: {  	_ =	strace $0x9000004E  }
0xb7: {  	_ =	sfence  }
0xb8: {  	s30 =	sld [smem:$0x0];
	_ =	sdelay $0x2  }
0xb9: {  	s31 =	sshll.u32 s1, $0xD;
	s1 =	sshrl.u32 s1, $0x2  }
0xba: {  	s3 =	sand.u32 $0x4000, s31;
	s1 =	sadd.s32 s1, s30  }
0xbb: {  	s0 =	sor.u32 s3, s0;
	s1 =	sshll.u32 s1, $0x11  }
0xbc: {  	s0 =	sor.u32 s1, s0  }
0xbd: {  	s0 =	sadd.s32 $0x8F2B, s0  }
0xbe: {  	[sflag:s0] =	ssyncadd.remote.s32 $0x1  }
0xbf: {  	_ =	sfence.sel $0xFFFF  }
0xc0: {  	[dreg:$0x0] =	wrdreg $0xFFFFFFFF;
	(pc) =	sbr.abs _section_cstart, $3  }
0xc1: {  	[dreg:$0x1] =	wrdreg $0xFFFFFFFF  }
0xc2: {  	_ =	task.clear_ibuf [dreg:s7], $0x2FFFF;
	_ =	strace $0x9FFFFFFF  }
0xc3: {  	(tm) =	ssettm $0x7FFFFFFF  }
tec
execute0_lowered:
.L_overlay_start_1:
0x0: {  	(tag) =	ssettag $0x1  }
0x1: {  	s0 =	rddreg [dreg:$0x0]  }
0x2: {  	s2 =	rddreg [dreg:$0x1]  }
0x3: {  	s1 =	rddreg [dreg:$0x2];
	s3 =	simm.s32 $0x0;
	s20 =	srdreg.scid  }
0x4: {  	s12 =	stileid.u32;
	s17 =	simm.s32 $0x80;
	s18 =	simm.s32 $0x1300  }
0x5: {  	s19 =	simm.s32 $0x1;
	s28 =	simm.s32 $0x1100;
	s29 =	simm.s32 $0x880  }
0x6: {  	s30 =	simm.s32 $0x1180;
	s31 =	simm.s32 $0x900;
	[smem:$0x7FF] =	sst s3  }
0x7: {  	s4 =	sadd.s32 $0x47400, s0;
	s5 =	sadd.s32 $0x16A00, s0;
	s3 =	sand.u32 $0x1, s20  }
0x8: {  	s6 =	sadd.s32 $0x3A00, s0;
	s8 =	smul.u32 $0x4F00, s12;
	s11 =	sshll.u32 s12, $0x2  }
0x9: {  	s23 =	sshll.u32 s12, $0x6;
	s25 =	smul.u32 $0x2600, s12;
	s20 =	simm.s32 $0x2300  }
0xa: {  	s12 =	simm.s32 $0x1000;
	_ =	strace $0x8000004D;
	s7 =	ssub.s32 $0x2, s3  }
0xb: {  	s10 =	sshll.u32 s3, $0x6;
	s15 =	sor.u32 $0x1C05, s23;
	s24 =	smul.u32 $0x26000, s3  }
0xc: {  	p0 =	seq.s32 s3, $0x1;
	s3 =	simm.s32 $0x5B000;
	s23 =	simm.s32 $0x5  }
0xd: {  	s9 =	sshrl.u32 s7, $0x1;
	s21 =	sor.u32 s11, s10;
	s22 =	sadd.s32 s8, s1  }
0xe: {  	s8 =	sshrl.u32 s8, $0x3;
	s3 =	simm.s32 @!p0 $0x51200;
	[dreg:$0x5] =	wrdreg s15  }
0xf: {  	s10 =	simm.s32 $0xF80;
	s11 =	simm.s32 $0x700;
	s7 =	ssub.s32 s7, s9  }
0x10: {  	s9 =	smul.u32 $0x130, s21;
	s2 =	sadd.s32 s2, s8;
	s0 =	sadd.s32 s3, s0  }
0x11: {  	s16 =	sshrl.u32 s22, $0x3;
	s21 =	simm.s32 $0x2;
	s22 =	simm.s32 $0x3  }
0x12: {  	s3 =	simm.s32 $0x1280;
	[dreg:$0x4] =	wrdreg s2;
	s7 =	smax.u32 s7, $0x1  }
0x13: {  	s2 =	sadd.s32 s25, s24;
	s0 =	sadd.s32 s0, s8;
	s24 =	simm.s32 $0x980  }
0x14: {  	s25 =	simm.s32 $0x4;
	[dreg:$0xa] =	wrdreg s16;
	s8 =	simm.s32 $0x1080  }
0x15: {  	s26 =	sadd.s32 s5, s9;
	s9 =	sadd.s32 s6, s9;
	[dreg:$0x8] =	wrdreg s7  }
0x16: {  	[dreg:$0x9] =	wrdreg s0;
	s13 =	sadd.s32 $0x980, s2;
	s0 =	simm.s32 $0x0  }
0x17: {  	s7 =	simm.s32 $0xF00;
	s2 =	simm.s32 $0x780;
	[dreg:$0x6] =	wrdreg s26  }
0x18: {  	[dreg:$0x7] =	wrdreg s9;
	s9 =	simm.s32 $0x680;
	s26 =	simm.s32 $0x800  }
.LBB2_1:
0x19: {  	[dreg:$0xb] =	wrdreg s0  }
0x1a: {  	s14 =	rddreg [dreg:$0x4]  }
0x1b: {  	[spmem:s16], [sflag:s15] =	dma.local [hbm:s14], $0x9E0  }
0x1c: {  	_ =	swait.ge [sflag:s23], $0x9E0  }
0x1d: {  	[sflag:s23] =	ssyncset.done $0x0  }
0x1e: {  	[sflag:s23] =	ssyncadd.s32 $0xFFFFF620  }
0x1f: {  	[bflag:$0x0] =	sbarrier.arrive $0xFFFF  }
0x20: {  	s14 =	simm.s32 $0x0;
	s0 =	rddreg [dreg:$0x6]  }
0x21: {  	[tilespmem:s14], [sflag:$0x5] =	stream.linear.gather [hbm4b:s0+s14], $0x980, $0x38;
	[tilespmem:$0x8200] =	vst v63  }
0x22: {  	_ =	swait.ge [sflag:s23], $0x980  }
0x23: {  	[sflag:s23] =	ssyncset.done $0x0  }
0x24: {  	s16 =	rddreg [dreg:$0x7];
	[sflag:s23] =	ssyncadd.s32 $0xFFFFF680  }
0x25: {  	[tilespmem:s24], [sflag:$0x5] =	stream.linear.gather [hbm4b:s16+s14], $0x980, $0x38;
	[tilespmem:$0x8200] =	vst v63  }
0x26: {  	_ =	swait.ge [sflag:s23], $0x980  }
0x27: {  	[sflag:s23] =	ssyncset.done $0x0  }
0x28: {  	[sflag:s23] =	ssyncadd.s32 $0xFFFFF680  }
0x29: {  	[tilespmem:s18], [sflag:$0x1] =	stream.indirect.gather [hbm4b:s4+s17], $0x20, s14, s17, $0xb8;
	[tilespmem:$0x8200] =	vst v63  }
0x2a: {  	s0 =	simm.s32 $0x1200;
	s14 =	simm.s32 $0x0  }
.LBB2_2:
0x2b: {  	_ =	swait.ge [sflag:s19], $0x1000  }
0x2c: {  	[sflag:s19] =	ssyncset.done $0x0  }
0x2d: {  	[sflag:s19] =	ssyncadd.s32 $0xFFFFF000  }
0x2e: {  	[tilespmem:s20], [sflag:$0x2] =	stream.indirect.gather [hbm4b:s4+s17], $0x20, s17, s17, $0xb8;
	[tilespmem:$0x8200] =	vst v63  }
0x2f: {  	_ = 	snop  }
0x30: {  	[spmem:s1] =	stream.indirect.scatter.add.f32 [tilespmem:s18], [sflag:$0x3], $0x20, s24, s17, $0xb8;
	[tilespmem:$0x8200] =	vst v63  }
0x31: {  	_ =	swait.ge [sflag:s21], $0x1000  }
0x32: {  	[sflag:s21] =	ssyncset.done $0x0  }
0x33: {  	[sflag:s21] =	ssyncadd.s32 $0xFFFFF000  }
0x34: {  	_ =	swait.ge [sflag:s22], $0x1000  }
0x35: {  	[sflag:s22] =	ssyncset.done $0x0  }
0x36: {  	s15 =	simm.s32 $0x100;
	[sflag:s22] =	ssyncadd.s32 $0xFFFFF000  }
0x37: {  	[tilespmem:s18], [sflag:$0x1] =	stream.indirect.gather [hbm4b:s4+s17], $0x20, s15, s17, $0xb8;
	[tilespmem:$0x8200] =	vst v63  }
0x38: {  	s23 =	simm.s32 $0xA00  }
0x39: {  	[spmem:s1] =	stream.indirect.scatter.add.f32 [tilespmem:s20], [sflag:$0x4], $0x20, s23, s17, $0xb8;
	[tilespmem:$0x8200] =	vst v63  }
0x3a: {  	_ =	swait.ge [sflag:s19], $0x1000  }
0x3b: {  	[sflag:s19] =	ssyncset.done $0x0  }
0x3c: {  	[sflag:s19] =	ssyncadd.s32 $0xFFFFF000  }
0x3d: {  	_ =	swait.ge [sflag:s25], $0x1000  }
0x3e: {  	[sflag:s25] =	ssyncset.done $0x0  }
0x3f: {  	s24 =	simm.s32 $0x180;
	[sflag:s25] =	ssyncadd.s32 $0xFFFFF000  }
0x40: {  	[tilespmem:s20], [sflag:$0x2] =	stream.indirect.gather [hbm4b:s4+s17], $0x20, s24, s17, $0xb8;
	[tilespmem:$0x8200] =	vst v63  }
0x41: {  	s16 =	simm.s32 $0xA80  }
0x42: {  	[spmem:s1] =	stream.indirect.scatter.add.f32 [tilespmem:s18], [sflag:$0x3], $0x20, s16, s17, $0xb8;
	[tilespmem:$0x8200] =	vst v63  }
0x43: {  	_ =	swait.ge [sflag:s21], $0x1000  }
0x44: {  	[sflag:s21] =	ssyncset.done $0x0  }
0x45: {  	[sflag:s21] =	ssyncadd.s32 $0xFFFFF000  }
0x46: {  	_ =	swait.ge [sflag:s22], $0x1000  }
0x47: {  	[sflag:s22] =	ssyncset.done $0x0  }
0x48: {  	s23 =	simm.s32 $0x200;
	[sflag:s22] =	ssyncadd.s32 $0xFFFFF000  }
0x49: {  	[tilespmem:s18], [sflag:$0x1] =	stream.indirect.gather [hbm4b:s4+s17], $0x20, s23, s17, $0xb8;
	[tilespmem:$0x8200] =	vst v63  }
0x4a: {  	s24 =	simm.s32 $0xB00  }
0x4b: {  	[spmem:s1] =	stream.indirect.scatter.add.f32 [tilespmem:s20], [sflag:$0x4], $0x20, s24, s17, $0xb8;
	[tilespmem:$0x8200] =	vst v63  }
0x4c: {  	_ =	swait.ge [sflag:s19], $0x1000  }
0x4d: {  	[sflag:s19] =	ssyncset.done $0x0  }
0x4e: {  	[sflag:s19] =	ssyncadd.s32 $0xFFFFF000  }
0x4f: {  	_ =	swait.ge [sflag:s25], $0x1000  }
0x50: {  	[sflag:s25] =	ssyncset.done $0x0  }
0x51: {  	s16 =	simm.s32 $0x280;
	[sflag:s25] =	ssyncadd.s32 $0xFFFFF000  }
0x52: {  	[tilespmem:s20], [sflag:$0x2] =	stream.indirect.gather [hbm4b:s4+s17], $0x20, s16, s17, $0xb8;
	[tilespmem:$0x8200] =	vst v63  }
0x53: {  	s23 =	simm.s32 $0xB80  }
0x54: {  	[spmem:s1] =	stream.indirect.scatter.add.f32 [tilespmem:s18], [sflag:$0x3], $0x20, s23, s17, $0xb8;
	[tilespmem:$0x8200] =	vst v63  }
0x55: {  	_ =	swait.ge [sflag:s21], $0x1000  }
0x56: {  	[sflag:s21] =	ssyncset.done $0x0  }
0x57: {  	[sflag:s21] =	ssyncadd.s32 $0xFFFFF000  }
0x58: {  	_ =	swait.ge [sflag:s22], $0x1000  }
0x59: {  	[sflag:s22] =	ssyncset.done $0x0  }
0x5a: {  	s24 =	simm.s32 $0x300;
	[sflag:s22] =	ssyncadd.s32 $0xFFFFF000  }
0x5b: {  	[tilespmem:s18], [sflag:$0x1] =	stream.indirect.gather [hbm4b:s4+s17], $0x20, s24, s17, $0xb8;
	[tilespmem:$0x8200] =	vst v63  }
0x5c: {  	s16 =	simm.s32 $0xC00  }
0x5d: {  	[spmem:s1] =	stream.indirect.scatter.add.f32 [tilespmem:s20], [sflag:$0x4], $0x20, s16, s17, $0xb8;
	[tilespmem:$0x8200] =	vst v63  }
0x5e: {  	_ =	swait.ge [sflag:s19], $0x1000  }
0x5f: {  	[sflag:s19] =	ssyncset.done $0x0  }
0x60: {  	[sflag:s19] =	ssyncadd.s32 $0xFFFFF000  }
0x61: {  	_ =	swait.ge [sflag:s25], $0x1000  }
0x62: {  	[sflag:s25] =	ssyncset.done $0x0  }
0x63: {  	s23 =	simm.s32 $0x380;
	[sflag:s25] =	ssyncadd.s32 $0xFFFFF000  }
0x64: {  	[tilespmem:s20], [sflag:$0x2] =	stream.indirect.gather [hbm4b:s4+s17], $0x20, s23, s17, $0xb8;
	[tilespmem:$0x8200] =	vst v63  }
0x65: {  	s24 =	simm.s32 $0xC80  }
0x66: {  	[spmem:s1] =	stream.indirect.scatter.add.f32 [tilespmem:s18], [sflag:$0x3], $0x20, s24, s17, $0xb8;
	[tilespmem:$0x8200] =	vst v63  }
0x67: {  	_ =	swait.ge [sflag:s21], $0x1000  }
0x68: {  	[sflag:s21] =	ssyncset.done $0x0  }
0x69: {  	[sflag:s21] =	ssyncadd.s32 $0xFFFFF000  }
0x6a: {  	_ =	swait.ge [sflag:s22], $0x1000  }
0x6b: {  	[sflag:s22] =	ssyncset.done $0x0  }
0x6c: {  	s16 =	simm.s32 $0x400;
	[sflag:s22] =	ssyncadd.s32 $0xFFFFF000  }
0x6d: {  	[tilespmem:s18], [sflag:$0x1] =	stream.indirect.gather [hbm4b:s4+s17], $0x20, s16, s17, $0xb8;
	[tilespmem:$0x8200] =	vst v63  }
0x6e: {  	s23 =	simm.s32 $0xD00  }
0x6f: {  	[spmem:s1] =	stream.indirect.scatter.add.f32 [tilespmem:s20], [sflag:$0x4], $0x20, s23, s17, $0xb8;
	[tilespmem:$0x8200] =	vst v63  }
0x70: {  	_ =	swait.ge [sflag:s19], $0x1000  }
0x71: {  	[sflag:s19] =	ssyncset.done $0x0  }
0x72: {  	[sflag:s19] =	ssyncadd.s32 $0xFFFFF000  }
0x73: {  	_ =	swait.ge [sflag:s25], $0x1000  }
0x74: {  	[sflag:s25] =	ssyncset.done $0x0  }
0x75: {  	s24 =	simm.s32 $0x480;
	[sflag:s25] =	ssyncadd.s32 $0xFFFFF000  }
0x76: {  	[tilespmem:s20], [sflag:$0x2] =	stream.indirect.gather [hbm4b:s4+s17], $0x20, s24, s17, $0xb8;
	[tilespmem:$0x8200] =	vst v63  }
0x77: {  	s16 =	simm.s32 $0xD80  }
0x78: {  	[spmem:s1] =	stream.indirect.scatter.add.f32 [tilespmem:s18], [sflag:$0x3], $0x20, s16, s17, $0xb8;
	[tilespmem:$0x8200] =	vst v63  }
0x79: {  	_ =	swait.ge [sflag:s21], $0x1000  }
0x7a: {  	[sflag:s21] =	ssyncset.done $0x0  }
0x7b: {  	[sflag:s21] =	ssyncadd.s32 $0xFFFFF000  }
0x7c: {  	_ =	swait.ge [sflag:s22], $0x1000  }
0x7d: {  	[sflag:s22] =	ssyncset.done $0x0  }
0x7e: {  	s23 =	simm.s32 $0x500;
	[sflag:s22] =	ssyncadd.s32 $0xFFFFF000  }
0x7f: {  	[tilespmem:s18], [sflag:$0x1] =	stream.indirect.gather [hbm4b:s4+s17], $0x20, s23, s17, $0xb8;
	[tilespmem:$0x8200] =	vst v63  }
0x80: {  	s24 =	simm.s32 $0xE00  }
0x81: {  	[spmem:s1] =	stream.indirect.scatter.add.f32 [tilespmem:s20], [sflag:$0x4], $0x20, s24, s17, $0xb8;
	[tilespmem:$0x8200] =	vst v63  }
0x82: {  	_ =	swait.ge [sflag:s19], $0x1000  }
0x83: {  	[sflag:s19] =	ssyncset.done $0x0  }
0x84: {  	[sflag:s19] =	ssyncadd.s32 $0xFFFFF000  }
0x85: {  	_ =	swait.ge [sflag:s25], $0x1000  }
0x86: {  	[sflag:s25] =	ssyncset.done $0x0  }
0x87: {  	s16 =	simm.s32 $0x580;
	[sflag:s25] =	ssyncadd.s32 $0xFFFFF000  }
0x88: {  	[tilespmem:s20], [sflag:$0x2] =	stream.indirect.gather [hbm4b:s4+s17], $0x20, s16, s17, $0xb8;
	[tilespmem:$0x8200] =	vst v63  }
0x89: {  	s23 =	simm.s32 $0xE80  }
0x8a: {  	[spmem:s1] =	stream.indirect.scatter.add.f32 [tilespmem:s18], [sflag:$0x3], $0x20, s23, s17, $0xb8;
	[tilespmem:$0x8200] =	vst v63  }
0x8b: {  	_ =	swait.ge [sflag:s21], $0x1000  }
0x8c: {  	[sflag:s21] =	ssyncset.done $0x0  }
0x8d: {  	[sflag:s21] =	ssyncadd.s32 $0xFFFFF000  }
0x8e: {  	_ =	swait.ge [sflag:s22], $0x1000  }
0x8f: {  	[sflag:s22] =	ssyncset.done $0x0  }
0x90: {  	s24 =	simm.s32 $0x600;
	[sflag:s22] =	ssyncadd.s32 $0xFFFFF000  }
0x91: {  	[tilespmem:s18], [sflag:$0x1] =	stream.indirect.gather [hbm4b:s4+s17], $0x20, s24, s17, $0xb8;
	[tilespmem:$0x8200] =	vst v63  }
0x92: {  	_ = 	snop  }
0x93: {  	[spmem:s1] =	stream.indirect.scatter.add.f32 [tilespmem:s20], [sflag:$0x4], $0x20, s7, s17, $0xb8;
	[tilespmem:$0x8200] =	vst v63  }
0x94: {  	_ =	swait.ge [sflag:s19], $0x1000  }
0x95: {  	[sflag:s19] =	ssyncset.done $0x0  }
0x96: {  	[sflag:s19] =	ssyncadd.s32 $0xFFFFF000  }
0x97: {  	_ =	swait.ge [sflag:s25], $0x1000  }
0x98: {  	[sflag:s25] =	ssyncset.done $0x0  }
0x99: {  	[sflag:s25] =	ssyncadd.s32 $0xFFFFF000  }
0x9a: {  	[tilespmem:s20], [sflag:$0x2] =	stream.indirect.gather [hbm4b:s4+s17], $0x20, s9, s17, $0xb8;
	[tilespmem:$0x8200] =	vst v63  }
0x9b: {  	_ = 	snop  }
0x9c: {  	[spmem:s1] =	stream.indirect.scatter.add.f32 [tilespmem:s18], [sflag:$0x3], $0x20, s10, s17, $0xb8;
	[tilespmem:$0x8200] =	vst v63  }
0x9d: {  	_ =	swait.ge [sflag:s21], $0x1000  }
0x9e: {  	[sflag:s21] =	ssyncset.done $0x0  }
0x9f: {  	[sflag:s21] =	ssyncadd.s32 $0xFFFFF000  }
0xa0: {  	_ =	swait.ge [sflag:s22], $0x1000  }
0xa1: {  	[sflag:s22] =	ssyncset.done $0x0  }
0xa2: {  	[sflag:s22] =	ssyncadd.s32 $0xFFFFF000  }
0xa3: {  	[tilespmem:s18], [sflag:$0x1] =	stream.indirect.gather [hbm4b:s4+s17], $0x20, s11, s17, $0xb8;
	[tilespmem:$0x8200] =	vst v63  }
0xa4: {  	_ = 	snop  }
0xa5: {  	[spmem:s1] =	stream.indirect.scatter.add.f32 [tilespmem:s20], [sflag:$0x4], $0x20, s12, s17, $0xb8;
	[tilespmem:$0x8200] =	vst v63  }
0xa6: {  	_ =	swait.ge [sflag:s19], $0x1000  }
0xa7: {  	[sflag:s19] =	ssyncset.done $0x0  }
0xa8: {  	[sflag:s19] =	ssyncadd.s32 $0xFFFFF000  }
0xa9: {  	_ =	swait.ge [sflag:s25], $0x1000  }
0xaa: {  	[sflag:s25] =	ssyncset.done $0x0  }
0xab: {  	[sflag:s25] =	ssyncadd.s32 $0xFFFFF000  }
0xac: {  	[tilespmem:s20], [sflag:$0x2] =	stream.indirect.gather [hbm4b:s4+s17], $0x20, s2, s17, $0xb8;
	[tilespmem:$0x8200] =	vst v63  }
0xad: {  	_ = 	snop  }
0xae: {  	[spmem:s1] =	stream.indirect.scatter.add.f32 [tilespmem:s18], [sflag:$0x3], $0x20, s8, s17, $0xb8;
	[tilespmem:$0x8200] =	vst v63  }
0xaf: {  	_ =	swait.ge [sflag:s21], $0x1000  }
0xb0: {  	[sflag:s21] =	ssyncset.done $0x0  }
0xb1: {  	[sflag:s21] =	ssyncadd.s32 $0xFFFFF000  }
0xb2: {  	_ =	swait.ge [sflag:s22], $0x1000  }
0xb3: {  	[sflag:s22] =	ssyncset.done $0x0  }
0xb4: {  	[sflag:s22] =	ssyncadd.s32 $0xFFFFF000  }
0xb5: {  	[tilespmem:s18], [sflag:$0x1] =	stream.indirect.gather [hbm4b:s4+s17], $0x20, s26, s17, $0xb8;
	[tilespmem:$0x8200] =	vst v63  }
0xb6: {  	_ = 	snop  }
0xb7: {  	[spmem:s1] =	stream.indirect.scatter.add.f32 [tilespmem:s20], [sflag:$0x4], $0x20, s28, s17, $0xb8;
	[tilespmem:$0x8200] =	vst v63  }
0xb8: {  	_ =	swait.ge [sflag:s19], $0x1000  }
0xb9: {  	[sflag:s19] =	ssyncset.done $0x0  }
0xba: {  	[sflag:s19] =	ssyncadd.s32 $0xFFFFF000  }
0xbb: {  	_ =	swait.ge [sflag:s25], $0x1000  }
0xbc: {  	[sflag:s25] =	ssyncset.done $0x0  }
0xbd: {  	[sflag:s25] =	ssyncadd.s32 $0xFFFFF000  }
0xbe: {  	[tilespmem:s20], [sflag:$0x2] =	stream.indirect.gather [hbm4b:s4+s17], $0x20, s29, s17, $0xb8;
	[tilespmem:$0x8200] =	vst v63  }
0xbf: {  	_ = 	snop  }
0xc0: {  	[spmem:s1] =	stream.indirect.scatter.add.f32 [tilespmem:s18], [sflag:$0x3], $0x20, s30, s17, $0xb8;
	[tilespmem:$0x8200] =	vst v63  }
0xc1: {  	_ =	swait.ge [sflag:s21], $0x1000  }
0xc2: {  	[sflag:s21] =	ssyncset.done $0x0  }
0xc3: {  	[sflag:s21] =	ssyncadd.s32 $0xFFFFF000  }
0xc4: {  	_ =	swait.ge [sflag:s22], $0x1000  }
0xc5: {  	[sflag:s22] =	ssyncset.done $0x0  }
0xc6: {  	[sflag:s22] =	ssyncadd.s32 $0xFFFFF000  }
0xc7: {  	[tilespmem:s18], [sflag:$0x1] =	stream.indirect.gather [hbm4b:s4+s17], $0x20, s31, s17, $0xb8;
	[tilespmem:$0x8200] =	vst v63  }
0xc8: {  	_ = 	snop  }
0xc9: {  	[spmem:s1] =	stream.indirect.scatter.add.f32 [tilespmem:s20], [sflag:$0x4], $0x20, s0, s17, $0xb8;
	[tilespmem:$0x8200] =	vst v63  }
0xca: {  	_ =	swait.ge [sflag:s19], $0x1000  }
0xcb: {  	[sflag:s19] =	ssyncset.done $0x0  }
0xcc: {  	[sflag:s19] =	ssyncadd.s32 $0xFFFFF000  }
0xcd: {  	[spmem:s1] =	stream.indirect.scatter.add.f32 [tilespmem:s18], [sflag:$0x3], $0x20, s3, s17, $0xb8;
	[tilespmem:$0x8200] =	vst v63  }
0xce: {  	_ =	swait.ge [sflag:s22], $0x1000  }
0xcf: {  	[sflag:s22] =	ssyncset.done $0x0  }
0xd0: {  	p0 =	seq.s32 s14, $0x1C80;
	[sflag:s22] =	ssyncadd.s32 $0xFFFFF000  }
0xd1: {  	s15 =	sadd.s32 @!p0 s14, s13;
	_ =	swait.ge [sflag:s25], $0x1000  }
0xd2: {  	s15 =	sshrl.u32 @!p0 s15, $0x3;
	[sflag:s25] =	ssyncset.done $0x0  }
0xd3: {  	s23 =	sadd.s32 @!p0 s5, s15;
	s24 =	simm.s32 @!p0 $0x0;
	[sflag:s25] =	ssyncadd.s32 $0xFFFFF000  }
0xd4: {  	[tilespmem:s24], [sflag:$0x5] =	stream.linear.gather @!p0 [hbm4b:s23+s24], $0x980, $0x38;
	[tilespmem:$0x8200] =	vst v63  }
0xd5: {  	s23 =	simm.s32 @!p0 $0x5  }
0xd6: {  	_ =	swait.ge @!p0 [sflag:s23], $0x980  }
0xd7: {  	[sflag:s23] =	ssyncset.done @!p0 $0x0  }
0xd8: {  	s16 =	simm.s32 @!p0 $0x980;
	s15 =	sadd.s32 @!p0 s6, s15;
	[sflag:s23] =	ssyncadd.s32 @!p0 $0xFFFFF680  }
0xd9: {  	[tilespmem:s16], [sflag:$0x5] =	stream.linear.gather @!p0 [hbm4b:s15+s24], $0x980, $0x38;
	[tilespmem:$0x8200] =	vst v63  }
0xda: {  	s14 =	sadd.s32 @!p0 $0x980, s14;
	_ =	swait.ge @!p0 [sflag:s23], $0x980  }
0xdb: {  	p1 =	sne.s32 @!p0 s14, $0x2600;
	[sflag:s23] =	ssyncset.done @!p0 $0x0  }
0xdc: {  	s15 =	simm.s32 @!p0 $0x80;
	s16 =	simm.s32 @!p0 $0x1300;
	[sflag:s23] =	ssyncadd.s32 @!p0 $0xFFFFF680  }
0xdd: {  	[tilespmem:s16], [sflag:$0x1] =	stream.indirect.gather @!p0 [hbm4b:s4+s15], $0x20, s24, s15, $0xb8;
	[tilespmem:$0x8200] =	vst v63  }
0xde: {  	p0 =	por p0, !p1  }
.Ltmp0:
0xdf: {  	_ = 	snop;
	(pc) =	sbr.rel @!p0 .LBB2_2-.Ltmp0, $2  }
0xe0: {  	_ =	sdelay $0x2  }
0xe1: {  	s24 =	simm.s32 $0x980  }
0xe2: {  	[bflag:$0x0] =	sbarrier.arrive $0xFFFF  }
0xe3: {  	s15 =	rddreg [dreg:$0x5]  }
0xe4: {  	s14 =	rddreg [dreg:$0x9]  }
0xe5: {  	s23 =	simm.s32 $0x5;
	s16 =	rddreg [dreg:$0xa]  }
0xe6: {  	[hbm:s14], [sflag:s15] =	dma.local [spmem:s16], $0x9E0  }
0xe7: {  	_ =	swait.ge [sflag:s23], $0x9E0  }
0xe8: {  	s0 =	rddreg [dreg:$0xb]  }
0xe9: {  	s14 =	rddreg [dreg:$0x8];
	s0 =	sadd.s32 $0x1, s0  }
0xea: {  	p0 =	sne.s32 s0, s14  }
.Ltmp1:
0xeb: {  	_ = 	snop;
	(pc) =	sbr.rel @p0 .LBB2_1-.Ltmp1, $3  }
0xec: {  	_ =	sdelay $0x1  }
0xed: {  	[sflag:s23] =	ssyncset.done $0x0  }
0xee: {  	[sflag:s23] =	ssyncadd.s32 $0xFFFFF620  }
0xef: {  	_ =	sfence.sel $0x180000  }
0xf0: {  	[bflag:$0x0] =	sbarrier.arrive $0xFFFF  }
0xf1: {  	_ =	strace $0x9000004D  }
0xf2: {  	s0 =	stileid.u32;
	[bflag:$0x2] =	sbarrier.arrive $0xFFFF  }
0xf3: {  	p0 =	sne.s32 s0, $0x0;
	s0 =	rddreg [dreg:$0x3]  }
0xf4: {  	s0 =	sadd.s32 @!p0 $0x100000, s0  }
0xf5: {  	[sflag:s0] =	ssyncadd.tile.s32 @!p0 $0x1;
	_ =	shalt  }
.Lfunc_end2:
_tile_overlayer_lowered:
.L_overlay_start_2:
0xf6: {  	(tag) =	ssettag $0x2  }
0xf7: {  	s0 =	rddreg [dreg:$0x0];
	s2 =	stileid.u32  }
0xf8: {  	s1 =	rddreg [dreg:$0x1];
	p0 =	sne.s32 s2, $0x0  }
0xf9: {  	s3 =	rddreg [dreg:$0x2];
	[bflag:$0x3] =	sbarrier.arrive $0xFFFF;
	s2 =	simm.s32 @!p0 $0x1C05  }
0xfa: {  	[timem:s3], [sflag:s2] =	dma.local @!p0 [hbm:s0], s1  }
0xfb: {  	s0 =	simm.s32 @!p0 $0x5  }
0xfc: {  	_ =	swait.ge @!p0 [sflag:s0], s1  }
0xfd: {  	s1 =	ssub.s32 @!p0 $0x0, s1;
	[sflag:s0] =	ssyncset.done @!p0 $0x0  }
0xfe: {  	[sflag:s0] =	ssyncadd.s32 @!p0 s1  }
0xff: {  	[bflag:$0x3] =	sbarrier.arrive $0xFFFF  }
0x100: {  	_ =	shalt  }

// kernel: kernel.7.cloned.1.call-start
scs
__scs_entry_jumppad:
0x0: {  	(pc) =	sbr.rel $0x88, $3  }
0x1: {  	(tag) =	ssettag $0x0;
	lr =	simm.s32 $0x1  }
0x2: {  	[smem:$0x3F94] =	sst lr;
	_ =	strace $0xD0000000  }
0x3: {  	_ = 	snop  }
0x4: {  	_ = 	snop  }
0x5: {  	_ = 	snop  }
0x6: {  	_ = 	snop  }
0x7: {  	_ = 	snop  }
__scs_overlays_trampoline_lowered:
0x8: {  	[smem:$0x3FA3] =	sst s0  }
0x9: {  	[smem:$0x3FA4] =	sst s1  }
0xa: {  	[smem:$0x3FA5] =	sst s2  }
0xb: {  	[smem:$0x3FA6] =	sst s3  }
0xc: {  	[smem:$0x3FA7] =	sst s4  }
0xd: {  	[smem:$0x3FA8] =	sst s5  }
0xe: {  	[smem:$0x3FA9] =	sst s6  }
0xf: {  	[smem:$0x3FAA] =	sst s7  }
0x10: {  	[smem:$0x3FAB] =	sst s8  }
0x11: {  	[smem:$0x3FAC] =	sst s9;
	s0 =	simm.s32 @!p0 $0x0  }
0x12: {  	s1 =	sld [smem:$0x3F92];
	s0 =	simm.s32 @p0 $0x1  }
0x13: {  	[smem:$0x3FAD] =	sst s0;
	s0 =	simm.s32 @!p1 $0x0  }
0x14: {  	s2 =	sld [smem:$0x3F91];
	s0 =	simm.s32 @p1 $0x1  }
0x15: {  	[smem:$0x3FAE] =	sst s0;
	s0 =	simm.s32 @!p2 $0x0  }
0x16: {  	s3 =	sld [smem:$0x3FDB];
	s0 =	simm.s32 @p2 $0x1  }
0x17: {  	s4 =	simm.s32 $0x1BF5;
	[smem:$0x3FB0] =	sst s0  }
0x18: {  	s0 =	sld [smem:$0x3F93];
	_ =	swait.ge [sflag:s4], $0x0  }
0x19: {  	s7 =	sld [smem:$0x3F94]  }
0x1a: {  	s8 =	sadd.s32 $0xFFFFE003, lr  }
0x1b: {  	s9 =	sadd.s32 $0xFFFFFEF7, lr;
	s5 =	simm.s32 $0xFFFFFFFF;
	p2 =	slt.u32 s8, $0xFFFFF086  }
0x1c: {  	p1 =	slt.u32 s9, $0xF7A;
	s5 =	simm.s32 @!p2 $0x0  }
0x1d: {  	s5 =	simm.s32 @p1 $0x1;
	p0 =	seq.s32 s7, s2  }
0x1e: {  	s7 =	smul.u32 @!p0 $0xF7A, s2;
	p2 =	seq.s32 @!p0 s5, $0x0  }
0x1f: {  	s9 =	smul.u32 $0xF7A, s1;
	s8 =	simm.s32 @!p0 $0x1BF5;
	p2 =	por !p2, p0  }
0x20: {  	[sflag:s8] =	ssyncset.s32 @!p0 $0xFFFFF086;
	s6 =	sadd.s32 @!p0 s3, s7;
	s7 =	simm.s32 @!p0 $0x108  }
0x21: {  	s3 =	sadd.s32 s3, s9;
	s6 =	sadd.s32 @!p0 $0x88, s6;
	s7 =	simm.s32 @p2 $0x1082  }
0x22: {  	[simem:s7], [sflag:s8] =	dma.local @!p0 [hbm:s6], $0xF7A  }
0x23: {  	s9 =	sor.u32 $0xD0000000, s2;
	s6 =	simm.s32 $0x108;
	_ =	swait.ge @!p0 [sflag:s8], $0x0  }
0x24: {  	s3 =	sadd.s32 $0x88, s3;
	s6 =	simm.s32 @!p1 $0x1082;
	[sflag:s4] =	ssyncset.s32 $0xFFFFF086  }
0x25: {  	[simem:s6], [sflag:s4] =	dma.local [hbm:s3], $0xF7A  }
0x26: {  	[smem:$0x3F94] =	sst s1;
	(tag) =	ssettag s2;
	_ =	strace s9  }
0x27: {  	s1 =	sld [smem:$0x3FA4]  }
0x28: {  	s2 =	sld [smem:$0x3FA5]  }
0x29: {  	s4 =	sld [smem:$0x3FA7]  }
0x2a: {  	p0 =	seq.s32 s5, $0x0;
	s5 =	sld [smem:$0x3FA8]  }
0x2b: {  	s6 =	sld [smem:$0x3FA9]  }
0x2c: {  	s7 =	sld [smem:$0x3FAA]  }
0x2d: {  	s3 =	simm.s32 $0x108;
	s8 =	sld [smem:$0x3FAB]  }
0x2e: {  	s3 =	simm.s32 @!p0 $0x1082;
	s9 =	sld [smem:$0x3FAC]  }
0x2f: {  	lr =	sadd.s32 s0, s3;
	s0 =	sld [smem:$0x3FA3]  }
0x30: {  	s3 =	sld [smem:$0x3FA6]  }
0x31: {  	[smem:$0x3FAF] =	sst s10  }
0x32: {  	s10 =	sld [smem:$0x3FAD];
	_ =	sdelay $0x3  }
0x33: {  	p0 =	seq.s32 s10, $0x1;
	s10 =	sld [smem:$0x3FAF];
	_ =	sdelay $0x3  }
0x34: {  	[smem:$0x3FAF] =	sst s10  }
0x35: {  	s10 =	sld [smem:$0x3FAE];
	_ =	sdelay $0x3  }
0x36: {  	p1 =	seq.s32 s10, $0x1;
	s10 =	sld [smem:$0x3FAF];
	_ =	sdelay $0x3  }
0x37: {  	[smem:$0x3FAF] =	sst s10  }
0x38: {  	s10 =	sld [smem:$0x3FB0]  }
0x39: {  	_ = 	snop;
	(pc) =	sbr.ind lr, $3  }
0x3a: {  	_ = 	snop  }
0x3b: {  	_ = 	snop  }
0x3c: {  	p2 =	seq.s32 s10, $0x1;
	s10 =	sld [smem:$0x3FAF]  }
0x3d: {  	_ =	shalt  }
0x3e: {  	_ =	shalt  }
0x3f: {  	_ =	shalt  }
0x40: {  	_ =	shalt  }
0x41: {  	_ =	shalt  }
0x42: {  	_ =	shalt  }
0x43: {  	_ =	shalt  }
0x44: {  	_ =	shalt  }
0x45: {  	_ =	shalt  }
0x46: {  	_ =	shalt  }
0x47: {  	_ =	shalt  }
0x48: {  	_ =	shalt  }
0x49: {  	_ =	shalt  }
0x4a: {  	_ =	shalt  }
0x4b: {  	_ =	shalt  }
0x4c: {  	_ =	shalt  }
0x4d: {  	_ =	shalt  }
0x4e: {  	_ =	shalt  }
0x4f: {  	_ =	shalt  }
0x50: {  	_ =	shalt  }
0x51: {  	_ =	shalt  }
0x52: {  	_ =	shalt  }
0x53: {  	_ =	shalt  }
0x54: {  	_ =	shalt  }
0x55: {  	_ =	shalt  }
0x56: {  	_ =	shalt  }
0x57: {  	_ =	shalt  }
0x58: {  	_ =	shalt  }
0x59: {  	_ =	shalt  }
0x5a: {  	_ =	shalt  }
0x5b: {  	_ =	shalt  }
0x5c: {  	_ =	shalt  }
0x5d: {  	_ =	shalt  }
0x5e: {  	_ =	shalt  }
0x5f: {  	_ =	shalt  }
0x60: {  	_ =	shalt  }
0x61: {  	_ =	shalt  }
0x62: {  	_ =	shalt  }
0x63: {  	_ =	shalt  }
0x64: {  	_ =	shalt  }
0x65: {  	_ =	shalt  }
0x66: {  	_ =	shalt  }
0x67: {  	_ =	shalt  }
0x68: {  	_ =	shalt  }
0x69: {  	_ =	shalt  }
0x6a: {  	_ =	shalt  }
0x6b: {  	_ =	shalt  }
0x6c: {  	_ =	shalt  }
0x6d: {  	_ =	shalt  }
0x6e: {  	_ =	shalt  }
0x6f: {  	_ =	shalt  }
0x70: {  	_ =	shalt  }
0x71: {  	_ =	shalt  }
0x72: {  	_ =	shalt  }
0x73: {  	_ =	shalt  }
0x74: {  	_ =	shalt  }
0x75: {  	_ =	shalt  }
0x76: {  	_ =	shalt  }
0x77: {  	_ =	shalt  }
0x78: {  	_ =	shalt  }
0x79: {  	_ =	shalt  }
0x7a: {  	_ =	shalt  }
0x7b: {  	_ =	shalt  }
0x7c: {  	_ =	shalt  }
0x7d: {  	_ =	shalt  }
0x7e: {  	_ =	shalt  }
0x7f: {  	_ =	shalt  }
0x80: {  	_ =	shalt  }
0x81: {  	_ =	shalt  }
0x82: {  	_ =	shalt  }
0x83: {  	_ =	shalt  }
0x84: {  	_ =	shalt  }
0x85: {  	_ =	shalt  }
0x86: {  	_ =	shalt  }
0x87: {  	_ =	shalt  }
.Lfunc_end0:
.L_simem_size_0:
called_computation_lowered:
.L_overlay_start_0:
0x88: {  	s2 =	sld [smem:$0x3FD9]  }
0x89: {  	s3 =	sld [smem:$0x3FFE];
	_ =	sdelay $0x1  }
0x8a: {  	s1 =	srdreg.scid  }
0x8b: {  	s0 =	sand.u32 $0x1, s1  }
0x8c: {  	s17 =	sshll.u32 s0, $0xA;
	s2 =	sadd.s32 s3, s2  }
0x8d: {  	s2 =	sadd.s32 s2, s17  }
0x8e: {  	[smem:$0x3FBB] =	sst s2  }
0x8f: {  	_ = 	snop  }
0x90: {  	(tm) =	ssettm $0x1  }
0x91: {  	s18 =	sld [smem:$0x3FFB];
	_ =	sdelay $0x3  }
0x92: {  	_ =	strace s18  }
0x93: {  	s2 =	sld [smem:$0x3FFC];
	_ =	sdelay $0x3  }
0x94: {  	_ =	strace s2  }
0x95: {  	s2 =	sld [smem:$0x3FFD];
	_ =	sdelay $0x3  }
0x96: {  	_ =	strace s2  }
0x97: {  	_ =	strace $0x8FFFFFFF  }
0x98: {  	s19 =	sld [smem:$0x3FDB];
	_ =	sdelay $0x1  }
0x99: {  	s20 =	simm.s32 $_scs_section_size  }
0x9a: {  	s4 =	simm.s32 $_size__tile_overlayer_lowered;
	s5 =	simm.s32 $_tile_overlayer_lowered  }
0x9b: {  	s6 =	simm.s32 $0x1BFF;
	s21 =	sshll.u32 s5, $0x1;
	s3 =	sadd.s32 s20, s19  }
0x9c: {  	s22 =	simm.s32 $0x0;
	s4 =	sshll.u32 s4, $0x1;
	s5 =	sadd.s32 s21, s3  }
0x9d: {  	[timem:s22], [sflag:s6] =	dma.local [hbm:s5], s4  }
0x9e: {  	_ =	swait.ge [sflag:s6], s4  }
0x9f: {  	s4 =	ssub.s32 $0x0, s4;
	[sflag:s6] =	ssyncset.done $0x0  }
0xa0: {  	[sflag:s6] =	ssyncadd.s32 s4;
	_ =	sdelay $0x1  }
0xa1: {  	s23 =	simm.s32 $0x1B8B  }
0xa2: {  	_ =	swait.ge [sflag:s23], $0x1  }
0xa3: {  	[sflag:s23] =	ssyncset.done $0x0  }
0xa4: {  	[sflag:s23] =	ssyncadd.s32 $0xFFFFFFFF  }
0xa5: {  	s4 =	sld [smem:$0x0]  }
0xa6: {  	s5 =	sand.u32 $0xFFFFFFFE, s1  }
0xa7: {  	p0 =	sne.s32 s1, s5  }
0xa8: {  	s5 =	sshll.u32 @p0 s5, $0xE  }
0xa9: {  	s5 =	sadd.s32 @p0 $0x11B8D, s5;
	s6 =	sshll.u32 @p0 s4, $0x11  }
0xaa: {  	s5 =	sor.u32 @p0 s6, s5  }
0xab: {  	[sflag:s5] =	ssyncadd.remote.s32 @p0 $0x1;
	_ =	sdelay $0x1  }
0xac: {  	s5 =	simm.s32 @p0 $0x1B8D  }
0xad: {  	_ =	swait.eq @p0 [sflag:s5], $0x1  }
0xae: {  	[sflag:s5] =	ssyncadd.s32 @p0 $0xFFFFFFFF  }
0xaf: {  	s6 =	sshll.u32 @!p0 s1, $0xE  }
0xb0: {  	s6 =	sor.u32 @!p0 $0x4000, s6;
	s5 =	simm.s32 @!p0 $0x1B8D  }
0xb1: {  	s4 =	sshll.u32 @!p0 s4, $0x11;
	s6 =	sadd.s32 @!p0 $0x11B8D, s6;
	_ =	swait.eq @!p0 [sflag:s5], $0x1  }
0xb2: {  	s4 =	sor.u32 @!p0 s4, s6;
	[sflag:s5] =	ssyncadd.s32 @!p0 $0xFFFFFFFF  }
0xb3: {  	s25 =	simm.s32 $0x1B8E;
	s24 =	sld [smem:$0x3FFE];
	[sflag:s4] =	ssyncadd.remote.s32 @!p0 $0x1  }
0xb4: {  	s26 =	simm.s32 $execute0_lowered;
	[smem:$0x3FD2] =	sst s25  }
0xb5: {  	s5 =	sshll.u32 s26, $0x1;
	_ =	strace $0x80000049;
	[dreg:$0x1] =	wrdreg $0xFFFFFFFF  }
0xb6: {  	s28 =	simm.s32 $_size_execute0_lowered;
	s3 =	sadd.s32 s3, s5;
	[dreg:$0x0] =	wrdreg $0x0  }
0xb7: {  	s5 =	sshll.u32 s28, $0x1;
	[dreg:$0x2] =	wrdreg s3  }
0xb8: {  	[dreg:$0x3] =	wrdreg s5  }
0xb9: {  	[dreg:$0x4] =	wrdreg $0xC0  }
0xba: {  	_ =	task [dreg:s22], $0x5FFFF  }
0xbb: {  	[dreg:$0x1] =	wrdreg $0xFFFFFFFF  }
0xbc: {  	[dreg:$0x0] =	wrdreg $0x60  }
0xbd: {  	[dreg:$0x2] =	wrdreg s24  }
0xbe: {  	[dreg:$0x3] =	wrdreg $0x11800  }
0xbf: {  	[dreg:$0x4] =	wrdreg $0x9  }
0xc0: {  	_ =	task.clear_ibuf [dreg:s22], $0x5FFFF;
	_ =	strace $0x90000049  }
0xc1: {  	s29 =	simm.s32 $0x9;
	_ =	strace $0x8000004B  }
0xc2: {  	_ =	swait.ge [sflag:s29], $0x1  }
0xc3: {  	[sflag:s29] =	ssyncadd.s32 $0xFFFFFFFF  }
0xc4: {  	_ =	strace $0x9000004B  }
0xc5: {  	_ =	sfence  }
0xc6: {  	s30 =	sld [smem:$0x0];
	_ =	sdelay $0x2  }
0xc7: {  	s31 =	sshll.u32 s1, $0xD;
	s1 =	sshrl.u32 s1, $0x2  }
0xc8: {  	s4 =	sand.u32 $0x4000, s31;
	s1 =	sadd.s32 s1, s30  }
0xc9: {  	s0 =	sor.u32 s4, s0;
	s1 =	sshll.u32 s1, $0x11  }
0xca: {  	s0 =	sor.u32 s1, s0  }
0xcb: {  	s0 =	sadd.s32 $0x8F2B, s0  }
0xcc: {  	[sflag:s0] =	ssyncadd.remote.s32 $0x1  }
0xcd: {  	_ =	sfence.sel $0xFFFF  }
0xce: {  	[dreg:$0x0] =	wrdreg $0xFFFFFFFF;
	(pc) =	sbr.abs _section_cstart, $3  }
0xcf: {  	[dreg:$0x1] =	wrdreg $0xFFFFFFFF  }
0xd0: {  	_ =	task.clear_ibuf [dreg:s22], $0x2FFFF;
	_ =	strace $0x9FFFFFFF  }
0xd1: {  	(tm) =	ssettm $0x7FFFFFFF  }
tec
execute0_lowered:
.L_overlay_start_1:
0x0: {  	(tag) =	ssettag $0x1  }
0x1: {  	s0 =	rddreg [dreg:$0x0]  }
0x2: {  	s2 =	rddreg [dreg:$0x1];
	s3 =	simm.s32 $0x0;
	s9 =	stileid.u32  }
0x3: {  	s5 =	srdreg.scid;
	s14 =	simm.s32 $0x2;
	s15 =	simm.s32 $0x980  }
0x4: {  	s16 =	simm.s32 $0x80;
	s17 =	simm.s32 $0x100;
	s18 =	simm.s32 $0x180  }
0x5: {  	s19 =	simm.s32 $0x200;
	s20 =	simm.s32 $0x280;
	s21 =	simm.s32 $0x300  }
0x6: {  	s22 =	simm.s32 $0x380;
	s28 =	simm.s32 $0x600;
	s29 =	simm.s32 $0x680  }
0x7: {  	s30 =	simm.s32 $0x700;
	s31 =	simm.s32 $0x780;
	s1 =	smul.u32 $0x2780, s9  }
0x8: {  	[smem:$0x7FF] =	sst s3;
	s4 =	smul.u32 $0x980, s9;
	s5 =	sand.u32 $0x1, s5  }
0x9: {  	s8 =	sadd.s32 $0x9BA00, s0;
	s23 =	sadd.s32 $0x9BC00, s0;
	s26 =	sshll.u32 s9, $0x6  }
0xa: {  	_ =	strace $0x8000004A;
	s7 =	ssub.s32 $0x2, s5;
	[dreg:$0x4] =	wrdreg s8  }
0xb: {  	[dreg:$0x5] =	wrdreg s23;
	s8 =	sor.u32 $0x1C02, s26;
	p0 =	sne.s32 s5, $0x0  }
0xc: {  	s23 =	simm.s32 $0x400;
	s26 =	simm.s32 $0x580;
	s5 =	simm.s32 $0x0  }
0xd: {  	s6 =	sshrl.u32 s1, $0x3;
	s4 =	sadd.s32 s4, s0;
	[dreg:$0x9] =	wrdreg s8  }
0xe: {  	s24 =	sshrl.u32 s7, $0x1;
	s1 =	sadd.s32 s1, s2;
	[dreg:$0x3] =	wrdreg s6  }
0xf: {  	s6 =	sadd.s32 s6, s0;
	s0 =	sadd.s32 $0xA0C00, s0;
	s25 =	ssub.s32 s7, s24  }
.Ltmp0:
0x10: {  	s11 =	sadd.s32 $0xD200, s4;
	s12 =	sadd.s32 $0x3A00, s4;
	(pc) =	sbr.rel .LBB2_1-.Ltmp0, $4  }
0x11: {  	s9 =	sshrl.u32 s1, $0x3;
	s24 =	simm.s32 $0x480;
	s1 =	simm.s32 $0x880  }
0x12: {  	s7 =	simm.s32 $0x1;
	[dreg:$0x6] =	wrdreg s0;
	s6 =	sadd.s32 $0x96A00, s6  }
0x13: {  	s0 =	smax.u32 s25, $0x1;
	s25 =	simm.s32 $0x500;
	[dreg:$0x7] =	wrdreg s6  }
0x14: {  	[dreg:$0x8] =	wrdreg s0;
	s0 =	simm.s32 $0x800;
	s6 =	simm.s32 $0x900  }
.LBB2_7:
0x15: {  	s4 =	sadd.s32 s8, s11;
	[sflag:s7] =	ssyncadd.s32 $0xFFFFF800  }
0x16: {  	[tilespmem:s3], [sflag:$0x2] =	stream.linear.gather [hbm4b:s4+s3], $0x980, $0x38;
	[tilespmem:$0x3900] =	vst v63  }
0x17: {  	_ =	swait.ge [sflag:s14], $0x980  }
0x18: {  	[sflag:s14] =	ssyncset.done $0x0  }
0x19: {  	[sflag:s14] =	ssyncadd.s32 $0xFFFFF680  }
0x1a: {  	[spmem:s2] =	stream.indirect.scatter.add.f32 [tilespmem:s15], [sflag:$0x1], $0x10, s3, s16, $0xb8;
	[tilespmem:$0x3900] =	vst v63  }
0x1b: {  	_ = 	snop  }
0x1c: {  	[spmem:s2] =	stream.indirect.scatter.add.f32 [tilespmem:s15], [sflag:$0x1], $0x10, s16, s16, $0xb8;
	[tilespmem:$0x3900] =	vst v63  }
0x1d: {  	_ = 	snop  }
0x1e: {  	[spmem:s2] =	stream.indirect.scatter.add.f32 [tilespmem:s15], [sflag:$0x1], $0x10, s17, s16, $0xb8;
	[tilespmem:$0x3900] =	vst v63  }
0x1f: {  	_ = 	snop  }
0x20: {  	[spmem:s2] =	stream.indirect.scatter.add.f32 [tilespmem:s15], [sflag:$0x1], $0x10, s18, s16, $0xb8;
	[tilespmem:$0x3900] =	vst v63  }
0x21: {  	_ = 	snop  }
0x22: {  	[spmem:s2] =	stream.indirect.scatter.add.f32 [tilespmem:s15], [sflag:$0x1], $0x10, s19, s16, $0xb8;
	[tilespmem:$0x3900] =	vst v63  }
0x23: {  	_ = 	snop  }
0x24: {  	[spmem:s2] =	stream.indirect.scatter.add.f32 [tilespmem:s15], [sflag:$0x1], $0x10, s20, s16, $0xb8;
	[tilespmem:$0x3900] =	vst v63  }
0x25: {  	_ = 	snop  }
0x26: {  	[spmem:s2] =	stream.indirect.scatter.add.f32 [tilespmem:s15], [sflag:$0x1], $0x10, s21, s16, $0xb8;
	[tilespmem:$0x3900] =	vst v63  }
0x27: {  	_ = 	snop  }
0x28: {  	[spmem:s2] =	stream.indirect.scatter.add.f32 [tilespmem:s15], [sflag:$0x1], $0x10, s22, s16, $0xb8;
	[tilespmem:$0x3900] =	vst v63  }
0x29: {  	_ = 	snop  }
0x2a: {  	[spmem:s2] =	stream.indirect.scatter.add.f32 [tilespmem:s15], [sflag:$0x1], $0x10, s23, s16, $0xb8;
	[tilespmem:$0x3900] =	vst v63  }
0x2b: {  	_ = 	snop  }
0x2c: {  	[spmem:s2] =	stream.indirect.scatter.add.f32 [tilespmem:s15], [sflag:$0x1], $0x10, s24, s16, $0xb8;
	[tilespmem:$0x3900] =	vst v63  }
0x2d: {  	_ = 	snop  }
0x2e: {  	[spmem:s2] =	stream.indirect.scatter.add.f32 [tilespmem:s15], [sflag:$0x1], $0x10, s25, s16, $0xb8;
	[tilespmem:$0x3900] =	vst v63  }
0x2f: {  	_ = 	snop  }
0x30: {  	[spmem:s2] =	stream.indirect.scatter.add.f32 [tilespmem:s15], [sflag:$0x1], $0x10, s26, s16, $0xb8;
	[tilespmem:$0x3900] =	vst v63  }
0x31: {  	_ = 	snop  }
0x32: {  	[spmem:s2] =	stream.indirect.scatter.add.f32 [tilespmem:s15], [sflag:$0x1], $0x10, s28, s16, $0xb8;
	[tilespmem:$0x3900] =	vst v63  }
0x33: {  	_ = 	snop  }
0x34: {  	[spmem:s2] =	stream.indirect.scatter.add.f32 [tilespmem:s15], [sflag:$0x1], $0x10, s29, s16, $0xb8;
	[tilespmem:$0x3900] =	vst v63  }
0x35: {  	_ = 	snop  }
0x36: {  	[spmem:s2] =	stream.indirect.scatter.add.f32 [tilespmem:s15], [sflag:$0x1], $0x10, s30, s16, $0xb8;
	[tilespmem:$0x3900] =	vst v63  }
0x37: {  	_ = 	snop  }
0x38: {  	[spmem:s2] =	stream.indirect.scatter.add.f32 [tilespmem:s15], [sflag:$0x1], $0x10, s31, s16, $0xb8;
	[tilespmem:$0x3900] =	vst v63  }
0x39: {  	_ = 	snop  }
0x3a: {  	[spmem:s2] =	stream.indirect.scatter.add.f32 [tilespmem:s15], [sflag:$0x1], $0x10, s0, s16, $0xb8;
	[tilespmem:$0x3900] =	vst v63  }
0x3b: {  	_ = 	snop  }
0x3c: {  	[spmem:s2] =	stream.indirect.scatter.add.f32 [tilespmem:s15], [sflag:$0x1], $0x10, s1, s16, $0xb8;
	[tilespmem:$0x3900] =	vst v63  }
0x3d: {  	_ = 	snop  }
0x3e: {  	[spmem:s2] =	stream.indirect.scatter.add.f32 [tilespmem:s15], [sflag:$0x1], $0x10, s6, s16, $0xb8;
	[tilespmem:$0x3900] =	vst v63  }
0x3f: {  	_ =	swait.ge [sflag:s7], $0x800  }
0x40: {  	[sflag:s7] =	ssyncset.done $0x0  }
0x41: {  	[sflag:s7] =	ssyncadd.s32 $0xFFFFF800  }
0x42: {  	_ =	swait.ge [sflag:s7], $0x800  }
0x43: {  	[sflag:s7] =	ssyncset.done $0x0  }
0x44: {  	[sflag:s7] =	ssyncadd.s32 $0xFFFFF800  }
0x45: {  	_ =	swait.ge [sflag:s7], $0x800  }
0x46: {  	[sflag:s7] =	ssyncset.done $0x0  }
0x47: {  	[sflag:s7] =	ssyncadd.s32 $0xFFFFF800  }
0x48: {  	_ =	swait.ge [sflag:s7], $0x800  }
0x49: {  	[sflag:s7] =	ssyncset.done $0x0  }
0x4a: {  	[sflag:s7] =	ssyncadd.s32 $0xFFFFF800  }
0x4b: {  	_ =	swait.ge [sflag:s7], $0x800  }
0x4c: {  	[sflag:s7] =	ssyncset.done $0x0  }
0x4d: {  	[sflag:s7] =	ssyncadd.s32 $0xFFFFF800  }
0x4e: {  	_ =	swait.ge [sflag:s7], $0x800  }
0x4f: {  	[sflag:s7] =	ssyncset.done $0x0  }
0x50: {  	[sflag:s7] =	ssyncadd.s32 $0xFFFFF800  }
0x51: {  	_ =	swait.ge [sflag:s7], $0x800  }
0x52: {  	[sflag:s7] =	ssyncset.done $0x0  }
0x53: {  	[sflag:s7] =	ssyncadd.s32 $0xFFFFF800  }
0x54: {  	_ =	swait.ge [sflag:s7], $0x800  }
0x55: {  	[sflag:s7] =	ssyncset.done $0x0  }
0x56: {  	[sflag:s7] =	ssyncadd.s32 $0xFFFFF800  }
0x57: {  	_ =	swait.ge [sflag:s7], $0x800  }
0x58: {  	[sflag:s7] =	ssyncset.done $0x0  }
0x59: {  	[sflag:s7] =	ssyncadd.s32 $0xFFFFF800  }
0x5a: {  	_ =	swait.ge [sflag:s7], $0x800  }
0x5b: {  	[sflag:s7] =	ssyncset.done $0x0  }
0x5c: {  	[sflag:s7] =	ssyncadd.s32 $0xFFFFF800  }
0x5d: {  	_ =	swait.ge [sflag:s7], $0x800  }
0x5e: {  	[sflag:s7] =	ssyncset.done $0x0  }
0x5f: {  	[sflag:s7] =	ssyncadd.s32 $0xFFFFF800  }
0x60: {  	_ =	swait.ge [sflag:s7], $0x800  }
0x61: {  	[sflag:s7] =	ssyncset.done $0x0  }
0x62: {  	[sflag:s7] =	ssyncadd.s32 $0xFFFFF800  }
0x63: {  	_ =	swait.ge [sflag:s7], $0x800  }
0x64: {  	[sflag:s7] =	ssyncset.done $0x0  }
0x65: {  	[sflag:s7] =	ssyncadd.s32 $0xFFFFF800  }
0x66: {  	_ =	swait.ge [sflag:s7], $0x800  }
0x67: {  	[sflag:s7] =	ssyncset.done $0x0  }
0x68: {  	[sflag:s7] =	ssyncadd.s32 $0xFFFFF800  }
0x69: {  	_ =	swait.ge [sflag:s7], $0x800  }
0x6a: {  	[sflag:s7] =	ssyncset.done $0x0  }
0x6b: {  	[sflag:s7] =	ssyncadd.s32 $0xFFFFF800  }
0x6c: {  	_ =	swait.ge [sflag:s7], $0x800  }
0x6d: {  	[sflag:s7] =	ssyncset.done $0x0  }
0x6e: {  	[sflag:s7] =	ssyncadd.s32 $0xFFFFF800  }
0x6f: {  	_ =	swait.ge [sflag:s7], $0x800  }
0x70: {  	[sflag:s7] =	ssyncset.done $0x0  }
0x71: {  	[sflag:s7] =	ssyncadd.s32 $0xFFFFF800  }
0x72: {  	_ =	swait.ge [sflag:s7], $0x800  }
0x73: {  	[sflag:s7] =	ssyncset.done $0x0  }
0x74: {  	[sflag:s7] =	ssyncadd.s32 $0xFFFFF800  }
0x75: {  	_ =	swait.ge [sflag:s7], $0x800  }
0x76: {  	[sflag:s7] =	ssyncset.done $0x0  }
0x77: {  	s4 =	rddreg [dreg:$0x6];
	[sflag:s7] =	ssyncadd.s32 $0xFFFFF800  }
.LBB2_8:
0x78: {  	s8 =	rddreg [dreg:$0x3];
	[bflag:$0x0] =	sbarrier.arrive $0xFFFF  }
0x79: {  	s4 =	sadd.s32 s4, s8;
	s8 =	rddreg [dreg:$0x9]  }
0x7a: {  	[hbm:s4], [sflag:s8] =	dma.local [spmem:s13], $0x4F0  }
0x7b: {  	_ =	swait.ge [sflag:s14], $0x4F0  }
0x7c: {  	s9 =	smov.u32 s13;
	s5 =	sadd.s32 $0x1, s5;
	s13 =	rddreg [dreg:$0x8]  }
0x7d: {  	p1 =	sne.s32 s5, s13  }
.Ltmp1:
0x7e: {  	_ = 	snop;
	(pc) =	sbr.rel @!p1 .LBB2_9-.Ltmp1, $3  }
0x7f: {  	_ =	sdelay $0x1  }
0x80: {  	[sflag:s14] =	ssyncset.done $0x0  }
0x81: {  	[sflag:s14] =	ssyncadd.s32 $0xFFFFFB10  }
.LBB2_1:
0x82: {  	s4 =	rddreg [dreg:$0x7]  }
0x83: {  	[spmem:s9], [sflag:s8] =	dma.local [hbm:s4], $0x4F0  }
0x84: {  	_ =	swait.ge [sflag:s14], $0x4F0  }
0x85: {  	[sflag:s14] =	ssyncset.done $0x0  }
0x86: {  	s10 =	rddreg [dreg:$0x4];
	[sflag:s14] =	ssyncadd.s32 $0xFFFFFB10  }
0x87: {  	[tilespmem:s15], [sflag:$0x2] =	stream.linear.gather [hbm4b:s10+s3], $0x800, $0x38;
	[tilespmem:$0x3900] =	vst v63  }
.Ltmp2:
0x88: {  	_ =	swait.ge [sflag:s14], $0x800;
	(pc) =	sbr.rel @p0 .LBB2_5-.Ltmp2, $4  }
0x89: {  	[sflag:s14] =	ssyncset.done $0x0  }
0x8a: {  	[sflag:s14] =	ssyncadd.s32 $0xFFFFF800  }
0x8b: {  	[bflag:$0x0] =	sbarrier.arrive $0xFFFF  }
0x8c: {  	s13 =	smov.u32 s9  }
0x8d: {  	s4 =	sadd.s32 $0x0, s12  }
0x8e: {  	[tilespmem:s3], [sflag:$0x2] =	stream.linear.gather [hbm4b:s4+s3], $0x980, $0x38;
	[tilespmem:$0x3900] =	vst v63  }
0x8f: {  	_ =	swait.ge [sflag:s14], $0x980  }
0x90: {  	[sflag:s14] =	ssyncset.done $0x0  }
0x91: {  	[sflag:s14] =	ssyncadd.s32 $0xFFFFF680  }
0x92: {  	[spmem:s2] =	stream.indirect.scatter.add.f32 [tilespmem:s15], [sflag:$0x1], $0x10, s3, s16, $0xb8;
	[tilespmem:$0x3900] =	vst v63  }
0x93: {  	_ = 	snop  }
0x94: {  	[spmem:s2] =	stream.indirect.scatter.add.f32 [tilespmem:s15], [sflag:$0x1], $0x10, s16, s16, $0xb8;
	[tilespmem:$0x3900] =	vst v63  }
0x95: {  	_ = 	snop  }
0x96: {  	[spmem:s2] =	stream.indirect.scatter.add.f32 [tilespmem:s15], [sflag:$0x1], $0x10, s17, s16, $0xb8;
	[tilespmem:$0x3900] =	vst v63  }
0x97: {  	_ = 	snop  }
0x98: {  	[spmem:s2] =	stream.indirect.scatter.add.f32 [tilespmem:s15], [sflag:$0x1], $0x10, s18, s16, $0xb8;
	[tilespmem:$0x3900] =	vst v63  }
0x99: {  	_ = 	snop  }
0x9a: {  	[spmem:s2] =	stream.indirect.scatter.add.f32 [tilespmem:s15], [sflag:$0x1], $0x10, s19, s16, $0xb8;
	[tilespmem:$0x3900] =	vst v63  }
0x9b: {  	_ = 	snop  }
0x9c: {  	[spmem:s2] =	stream.indirect.scatter.add.f32 [tilespmem:s15], [sflag:$0x1], $0x10, s20, s16, $0xb8;
	[tilespmem:$0x3900] =	vst v63  }
0x9d: {  	_ = 	snop  }
0x9e: {  	[spmem:s2] =	stream.indirect.scatter.add.f32 [tilespmem:s15], [sflag:$0x1], $0x10, s21, s16, $0xb8;
	[tilespmem:$0x3900] =	vst v63  }
0x9f: {  	_ = 	snop  }
0xa0: {  	[spmem:s2] =	stream.indirect.scatter.add.f32 [tilespmem:s15], [sflag:$0x1], $0x10, s22, s16, $0xb8;
	[tilespmem:$0x3900] =	vst v63  }
0xa1: {  	_ = 	snop  }
0xa2: {  	[spmem:s2] =	stream.indirect.scatter.add.f32 [tilespmem:s15], [sflag:$0x1], $0x10, s23, s16, $0xb8;
	[tilespmem:$0x3900] =	vst v63  }
0xa3: {  	_ = 	snop  }
0xa4: {  	[spmem:s2] =	stream.indirect.scatter.add.f32 [tilespmem:s15], [sflag:$0x1], $0x10, s24, s16, $0xb8;
	[tilespmem:$0x3900] =	vst v63  }
0xa5: {  	_ = 	snop  }
0xa6: {  	[spmem:s2] =	stream.indirect.scatter.add.f32 [tilespmem:s15], [sflag:$0x1], $0x10, s25, s16, $0xb8;
	[tilespmem:$0x3900] =	vst v63  }
0xa7: {  	_ = 	snop  }
0xa8: {  	[spmem:s2] =	stream.indirect.scatter.add.f32 [tilespmem:s15], [sflag:$0x1], $0x10, s26, s16, $0xb8;
	[tilespmem:$0x3900] =	vst v63  }
0xa9: {  	_ = 	snop  }
0xaa: {  	[spmem:s2] =	stream.indirect.scatter.add.f32 [tilespmem:s15], [sflag:$0x1], $0x10, s28, s16, $0xb8;
	[tilespmem:$0x3900] =	vst v63  }
0xab: {  	_ = 	snop  }
0xac: {  	[spmem:s2] =	stream.indirect.scatter.add.f32 [tilespmem:s15], [sflag:$0x1], $0x10, s29, s16, $0xb8;
	[tilespmem:$0x3900] =	vst v63  }
0xad: {  	_ = 	snop  }
0xae: {  	[spmem:s2] =	stream.indirect.scatter.add.f32 [tilespmem:s15], [sflag:$0x1], $0x10, s30, s16, $0xb8;
	[tilespmem:$0x3900] =	vst v63  }
0xaf: {  	_ = 	snop  }
0xb0: {  	[spmem:s2] =	stream.indirect.scatter.add.f32 [tilespmem:s15], [sflag:$0x1], $0x10, s31, s16, $0xb8;
	[tilespmem:$0x3900] =	vst v63  }
0xb1: {  	_ = 	snop  }
0xb2: {  	[spmem:s2] =	stream.indirect.scatter.add.f32 [tilespmem:s15], [sflag:$0x1], $0x10, s0, s16, $0xb8;
	[tilespmem:$0x3900] =	vst v63  }
0xb3: {  	_ = 	snop  }
0xb4: {  	[spmem:s2] =	stream.indirect.scatter.add.f32 [tilespmem:s15], [sflag:$0x1], $0x10, s1, s16, $0xb8;
	[tilespmem:$0x3900] =	vst v63  }
0xb5: {  	_ = 	snop  }
0xb6: {  	[spmem:s2] =	stream.indirect.scatter.add.f32 [tilespmem:s15], [sflag:$0x1], $0x10, s6, s16, $0xb8;
	[tilespmem:$0x3900] =	vst v63  }
0xb7: {  	_ =	swait.ge [sflag:s7], $0x800  }
0xb8: {  	[sflag:s7] =	ssyncset.done $0x0  }
0xb9: {  	[sflag:s7] =	ssyncadd.s32 $0xFFFFF800  }
0xba: {  	_ =	swait.ge [sflag:s7], $0x800  }
0xbb: {  	[sflag:s7] =	ssyncset.done $0x0  }
0xbc: {  	[sflag:s7] =	ssyncadd.s32 $0xFFFFF800  }
0xbd: {  	_ =	swait.ge [sflag:s7], $0x800  }
0xbe: {  	[sflag:s7] =	ssyncset.done $0x0  }
0xbf: {  	[sflag:s7] =	ssyncadd.s32 $0xFFFFF800  }
0xc0: {  	_ =	swait.ge [sflag:s7], $0x800  }
0xc1: {  	[sflag:s7] =	ssyncset.done $0x0  }
0xc2: {  	[sflag:s7] =	ssyncadd.s32 $0xFFFFF800  }
0xc3: {  	_ =	swait.ge [sflag:s7], $0x800  }
0xc4: {  	[sflag:s7] =	ssyncset.done $0x0  }
0xc5: {  	[sflag:s7] =	ssyncadd.s32 $0xFFFFF800  }
0xc6: {  	_ =	swait.ge [sflag:s7], $0x800  }
0xc7: {  	[sflag:s7] =	ssyncset.done $0x0  }
0xc8: {  	[sflag:s7] =	ssyncadd.s32 $0xFFFFF800  }
0xc9: {  	_ =	swait.ge [sflag:s7], $0x800  }
0xca: {  	[sflag:s7] =	ssyncset.done $0x0  }
0xcb: {  	[sflag:s7] =	ssyncadd.s32 $0xFFFFF800  }
0xcc: {  	_ =	swait.ge [sflag:s7], $0x800  }
0xcd: {  	[sflag:s7] =	ssyncset.done $0x0  }
0xce: {  	[sflag:s7] =	ssyncadd.s32 $0xFFFFF800  }
0xcf: {  	_ =	swait.ge [sflag:s7], $0x800  }
0xd0: {  	[sflag:s7] =	ssyncset.done $0x0  }
0xd1: {  	[sflag:s7] =	ssyncadd.s32 $0xFFFFF800  }
0xd2: {  	_ =	swait.ge [sflag:s7], $0x800  }
0xd3: {  	[sflag:s7] =	ssyncset.done $0x0  }
0xd4: {  	[sflag:s7] =	ssyncadd.s32 $0xFFFFF800  }
0xd5: {  	_ =	swait.ge [sflag:s7], $0x800  }
0xd6: {  	[sflag:s7] =	ssyncset.done $0x0  }
0xd7: {  	[sflag:s7] =	ssyncadd.s32 $0xFFFFF800  }
0xd8: {  	_ =	swait.ge [sflag:s7], $0x800  }
0xd9: {  	[sflag:s7] =	ssyncset.done $0x0  }
0xda: {  	[sflag:s7] =	ssyncadd.s32 $0xFFFFF800  }
0xdb: {  	_ =	swait.ge [sflag:s7], $0x800  }
0xdc: {  	[sflag:s7] =	ssyncset.done $0x0  }
0xdd: {  	[sflag:s7] =	ssyncadd.s32 $0xFFFFF800  }
0xde: {  	_ =	swait.ge [sflag:s7], $0x800  }
0xdf: {  	[sflag:s7] =	ssyncset.done $0x0  }
0xe0: {  	[sflag:s7] =	ssyncadd.s32 $0xFFFFF800  }
0xe1: {  	_ =	swait.ge [sflag:s7], $0x800  }
0xe2: {  	[sflag:s7] =	ssyncset.done $0x0  }
0xe3: {  	[sflag:s7] =	ssyncadd.s32 $0xFFFFF800  }
0xe4: {  	_ =	swait.ge [sflag:s7], $0x800  }
0xe5: {  	[sflag:s7] =	ssyncset.done $0x0  }
0xe6: {  	[sflag:s7] =	ssyncadd.s32 $0xFFFFF800  }
0xe7: {  	_ =	swait.ge [sflag:s7], $0x800  }
0xe8: {  	[sflag:s7] =	ssyncset.done $0x0  }
0xe9: {  	[sflag:s7] =	ssyncadd.s32 $0xFFFFF800  }
0xea: {  	_ =	swait.ge [sflag:s7], $0x800  }
0xeb: {  	[sflag:s7] =	ssyncset.done $0x0  }
0xec: {  	[sflag:s7] =	ssyncadd.s32 $0xFFFFF800  }
0xed: {  	_ =	swait.ge [sflag:s7], $0x800  }
0xee: {  	s8 =	simm.s32 $0x130;
	s10 =	simm.s32 $0x260;
	[sflag:s7] =	ssyncset.done $0x0  }
.LBB2_3:
0xef: {  	s9 =	sadd.s32 s8, s12  }
0xf0: {  	[sflag:s7] =	ssyncadd.s32 $0xFFFFF800;
	s8 =	smov.u32 s10;
	s4 =	sadd.s32 $0x130, s10  }
0xf1: {  	[tilespmem:s3], [sflag:$0x2] =	stream.linear.gather [hbm4b:s9+s3], $0x980, $0x38;
	[tilespmem:$0x3900] =	vst v63  }
0xf2: {  	p1 =	seq.s32 s10, $0x850;
	_ =	swait.ge [sflag:s14], $0x980  }
0xf3: {  	[sflag:s14] =	ssyncset.done $0x0  }
0xf4: {  	[sflag:s14] =	ssyncadd.s32 $0xFFFFF680  }
0xf5: {  	[spmem:s2] =	stream.indirect.scatter.add.f32 [tilespmem:s15], [sflag:$0x1], $0x10, s3, s16, $0xb8;
	[tilespmem:$0x3900] =	vst v63  }
0xf6: {  	_ = 	snop  }
0xf7: {  	[spmem:s2] =	stream.indirect.scatter.add.f32 [tilespmem:s15], [sflag:$0x1], $0x10, s16, s16, $0xb8;
	[tilespmem:$0x3900] =	vst v63  }
0xf8: {  	_ = 	snop  }
0xf9: {  	[spmem:s2] =	stream.indirect.scatter.add.f32 [tilespmem:s15], [sflag:$0x1], $0x10, s17, s16, $0xb8;
	[tilespmem:$0x3900] =	vst v63  }
0xfa: {  	_ = 	snop  }
0xfb: {  	[spmem:s2] =	stream.indirect.scatter.add.f32 [tilespmem:s15], [sflag:$0x1], $0x10, s18, s16, $0xb8;
	[tilespmem:$0x3900] =	vst v63  }
0xfc: {  	_ = 	snop  }
0xfd: {  	[spmem:s2] =	stream.indirect.scatter.add.f32 [tilespmem:s15], [sflag:$0x1], $0x10, s19, s16, $0xb8;
	[tilespmem:$0x3900] =	vst v63  }
0xfe: {  	_ = 	snop  }
0xff: {  	[spmem:s2] =	stream.indirect.scatter.add.f32 [tilespmem:s15], [sflag:$0x1], $0x10, s20, s16, $0xb8;
	[tilespmem:$0x3900] =	vst v63  }
0x100: {  	_ = 	snop  }
0x101: {  	[spmem:s2] =	stream.indirect.scatter.add.f32 [tilespmem:s15], [sflag:$0x1], $0x10, s21, s16, $0xb8;
	[tilespmem:$0x3900] =	vst v63  }
0x102: {  	_ = 	snop  }
0x103: {  	[spmem:s2] =	stream.indirect.scatter.add.f32 [tilespmem:s15], [sflag:$0x1], $0x10, s22, s16, $0xb8;
	[tilespmem:$0x3900] =	vst v63  }
0x104: {  	_ = 	snop  }
0x105: {  	[spmem:s2] =	stream.indirect.scatter.add.f32 [tilespmem:s15], [sflag:$0x1], $0x10, s23, s16, $0xb8;
	[tilespmem:$0x3900] =	vst v63  }
0x106: {  	_ = 	snop  }
0x107: {  	[spmem:s2] =	stream.indirect.scatter.add.f32 [tilespmem:s15], [sflag:$0x1], $0x10, s24, s16, $0xb8;
	[tilespmem:$0x3900] =	vst v63  }
0x108: {  	_ = 	snop  }
0x109: {  	[spmem:s2] =	stream.indirect.scatter.add.f32 [tilespmem:s15], [sflag:$0x1], $0x10, s25, s16, $0xb8;
	[tilespmem:$0x3900] =	vst v63  }
0x10a: {  	_ = 	snop  }
0x10b: {  	[spmem:s2] =	stream.indirect.scatter.add.f32 [tilespmem:s15], [sflag:$0x1], $0x10, s26, s16, $0xb8;
	[tilespmem:$0x3900] =	vst v63  }
0x10c: {  	_ = 	snop  }
0x10d: {  	[spmem:s2] =	stream.indirect.scatter.add.f32 [tilespmem:s15], [sflag:$0x1], $0x10, s28, s16, $0xb8;
	[tilespmem:$0x3900] =	vst v63  }
0x10e: {  	_ = 	snop  }
0x10f: {  	[spmem:s2] =	stream.indirect.scatter.add.f32 [tilespmem:s15], [sflag:$0x1], $0x10, s29, s16, $0xb8;
	[tilespmem:$0x3900] =	vst v63  }
0x110: {  	_ = 	snop  }
0x111: {  	[spmem:s2] =	stream.indirect.scatter.add.f32 [tilespmem:s15], [sflag:$0x1], $0x10, s30, s16, $0xb8;
	[tilespmem:$0x3900] =	vst v63  }
0x112: {  	_ = 	snop  }
0x113: {  	[spmem:s2] =	stream.indirect.scatter.add.f32 [tilespmem:s15], [sflag:$0x1], $0x10, s31, s16, $0xb8;
	[tilespmem:$0x3900] =	vst v63  }
0x114: {  	_ = 	snop  }
0x115: {  	[spmem:s2] =	stream.indirect.scatter.add.f32 [tilespmem:s15], [sflag:$0x1], $0x10, s0, s16, $0xb8;
	[tilespmem:$0x3900] =	vst v63  }
0x116: {  	_ = 	snop  }
0x117: {  	[spmem:s2] =	stream.indirect.scatter.add.f32 [tilespmem:s15], [sflag:$0x1], $0x10, s1, s16, $0xb8;
	[tilespmem:$0x3900] =	vst v63  }
0x118: {  	_ = 	snop  }
0x119: {  	[spmem:s2] =	stream.indirect.scatter.add.f32 [tilespmem:s15], [sflag:$0x1], $0x10, s6, s16, $0xb8;
	[tilespmem:$0x3900] =	vst v63  }
0x11a: {  	_ =	swait.ge [sflag:s7], $0x800  }
0x11b: {  	[sflag:s7] =	ssyncset.done $0x0  }
0x11c: {  	[sflag:s7] =	ssyncadd.s32 $0xFFFFF800  }
0x11d: {  	_ =	swait.ge [sflag:s7], $0x800  }
0x11e: {  	[sflag:s7] =	ssyncset.done $0x0  }
0x11f: {  	[sflag:s7] =	ssyncadd.s32 $0xFFFFF800  }
0x120: {  	_ =	swait.ge [sflag:s7], $0x800  }
0x121: {  	[sflag:s7] =	ssyncset.done $0x0  }
0x122: {  	[sflag:s7] =	ssyncadd.s32 $0xFFFFF800  }
0x123: {  	_ =	swait.ge [sflag:s7], $0x800  }
0x124: {  	[sflag:s7] =	ssyncset.done $0x0  }
0x125: {  	[sflag:s7] =	ssyncadd.s32 $0xFFFFF800  }
0x126: {  	_ =	swait.ge [sflag:s7], $0x800  }
0x127: {  	[sflag:s7] =	ssyncset.done $0x0  }
0x128: {  	[sflag:s7] =	ssyncadd.s32 $0xFFFFF800  }
0x129: {  	_ =	swait.ge [sflag:s7], $0x800  }
0x12a: {  	[sflag:s7] =	ssyncset.done $0x0  }
0x12b: {  	[sflag:s7] =	ssyncadd.s32 $0xFFFFF800  }
0x12c: {  	_ =	swait.ge [sflag:s7], $0x800  }
0x12d: {  	[sflag:s7] =	ssyncset.done $0x0  }
0x12e: {  	[sflag:s7] =	ssyncadd.s32 $0xFFFFF800  }
0x12f: {  	_ =	swait.ge [sflag:s7], $0x800  }
0x130: {  	[sflag:s7] =	ssyncset.done $0x0  }
0x131: {  	[sflag:s7] =	ssyncadd.s32 $0xFFFFF800  }
0x132: {  	_ =	swait.ge [sflag:s7], $0x800  }
0x133: {  	[sflag:s7] =	ssyncset.done $0x0  }
0x134: {  	[sflag:s7] =	ssyncadd.s32 $0xFFFFF800  }
0x135: {  	_ =	swait.ge [sflag:s7], $0x800  }
0x136: {  	[sflag:s7] =	ssyncset.done $0x0  }
0x137: {  	[sflag:s7] =	ssyncadd.s32 $0xFFFFF800  }
0x138: {  	_ =	swait.ge [sflag:s7], $0x800  }
0x139: {  	[sflag:s7] =	ssyncset.done $0x0  }
0x13a: {  	[sflag:s7] =	ssyncadd.s32 $0xFFFFF800  }
0x13b: {  	_ =	swait.ge [sflag:s7], $0x800  }
0x13c: {  	[sflag:s7] =	ssyncset.done $0x0  }
0x13d: {  	[sflag:s7] =	ssyncadd.s32 $0xFFFFF800  }
0x13e: {  	_ =	swait.ge [sflag:s7], $0x800  }
0x13f: {  	[sflag:s7] =	ssyncset.done $0x0  }
0x140: {  	[sflag:s7] =	ssyncadd.s32 $0xFFFFF800  }
0x141: {  	_ =	swait.ge [sflag:s7], $0x800  }
0x142: {  	[sflag:s7] =	ssyncset.done $0x0  }
0x143: {  	[sflag:s7] =	ssyncadd.s32 $0xFFFFF800  }
0x144: {  	_ =	swait.ge [sflag:s7], $0x800  }
0x145: {  	[sflag:s7] =	ssyncset.done $0x0  }
0x146: {  	[sflag:s7] =	ssyncadd.s32 $0xFFFFF800  }
0x147: {  	_ =	swait.ge [sflag:s7], $0x800  }
0x148: {  	[sflag:s7] =	ssyncset.done $0x0  }
0x149: {  	[sflag:s7] =	ssyncadd.s32 $0xFFFFF800  }
0x14a: {  	_ =	swait.ge [sflag:s7], $0x800  }
0x14b: {  	[sflag:s7] =	ssyncset.done $0x0  }
0x14c: {  	[sflag:s7] =	ssyncadd.s32 $0xFFFFF800  }
.Ltmp3:
0x14d: {  	_ =	swait.ge [sflag:s7], $0x800;
	(pc) =	sbr.rel @!p1 .LBB2_3-.Ltmp3, $4  }
0x14e: {  	[sflag:s7] =	ssyncset.done $0x0  }
0x14f: {  	[sflag:s7] =	ssyncadd.s32 $0xFFFFF800  }
0x150: {  	_ =	swait.ge [sflag:s7], $0x800  }
0x151: {  	s10 =	smov.u32 s4;
	[sflag:s7] =	ssyncset.done $0x0  }
0x152: {  	s4 =	sadd.s32 s8, s12;
	[sflag:s7] =	ssyncadd.s32 $0xFFFFF800  }
0x153: {  	[tilespmem:s3], [sflag:$0x2] =	stream.linear.gather [hbm4b:s4+s3], $0x980, $0x38;
	[tilespmem:$0x3900] =	vst v63  }
0x154: {  	_ =	swait.ge [sflag:s14], $0x980  }
0x155: {  	[sflag:s14] =	ssyncset.done $0x0  }
0x156: {  	[sflag:s14] =	ssyncadd.s32 $0xFFFFF680  }
0x157: {  	[spmem:s2] =	stream.indirect.scatter.add.f32 [tilespmem:s15], [sflag:$0x1], $0x10, s3, s16, $0xb8;
	[tilespmem:$0x3900] =	vst v63  }
0x158: {  	_ = 	snop  }
0x159: {  	[spmem:s2] =	stream.indirect.scatter.add.f32 [tilespmem:s15], [sflag:$0x1], $0x10, s16, s16, $0xb8;
	[tilespmem:$0x3900] =	vst v63  }
0x15a: {  	_ = 	snop  }
0x15b: {  	[spmem:s2] =	stream.indirect.scatter.add.f32 [tilespmem:s15], [sflag:$0x1], $0x10, s17, s16, $0xb8;
	[tilespmem:$0x3900] =	vst v63  }
0x15c: {  	_ = 	snop  }
0x15d: {  	[spmem:s2] =	stream.indirect.scatter.add.f32 [tilespmem:s15], [sflag:$0x1], $0x10, s18, s16, $0xb8;
	[tilespmem:$0x3900] =	vst v63  }
0x15e: {  	_ = 	snop  }
0x15f: {  	[spmem:s2] =	stream.indirect.scatter.add.f32 [tilespmem:s15], [sflag:$0x1], $0x10, s19, s16, $0xb8;
	[tilespmem:$0x3900] =	vst v63  }
0x160: {  	_ = 	snop  }
0x161: {  	[spmem:s2] =	stream.indirect.scatter.add.f32 [tilespmem:s15], [sflag:$0x1], $0x10, s20, s16, $0xb8;
	[tilespmem:$0x3900] =	vst v63  }
0x162: {  	_ = 	snop  }
0x163: {  	[spmem:s2] =	stream.indirect.scatter.add.f32 [tilespmem:s15], [sflag:$0x1], $0x10, s21, s16, $0xb8;
	[tilespmem:$0x3900] =	vst v63  }
0x164: {  	_ = 	snop  }
0x165: {  	[spmem:s2] =	stream.indirect.scatter.add.f32 [tilespmem:s15], [sflag:$0x1], $0x10, s22, s16, $0xb8;
	[tilespmem:$0x3900] =	vst v63  }
0x166: {  	_ = 	snop  }
0x167: {  	[spmem:s2] =	stream.indirect.scatter.add.f32 [tilespmem:s15], [sflag:$0x1], $0x10, s23, s16, $0xb8;
	[tilespmem:$0x3900] =	vst v63  }
0x168: {  	_ = 	snop  }
0x169: {  	[spmem:s2] =	stream.indirect.scatter.add.f32 [tilespmem:s15], [sflag:$0x1], $0x10, s24, s16, $0xb8;
	[tilespmem:$0x3900] =	vst v63  }
0x16a: {  	_ = 	snop  }
0x16b: {  	[spmem:s2] =	stream.indirect.scatter.add.f32 [tilespmem:s15], [sflag:$0x1], $0x10, s25, s16, $0xb8;
	[tilespmem:$0x3900] =	vst v63  }
0x16c: {  	_ = 	snop  }
0x16d: {  	[spmem:s2] =	stream.indirect.scatter.add.f32 [tilespmem:s15], [sflag:$0x1], $0x10, s26, s16, $0xb8;
	[tilespmem:$0x3900] =	vst v63  }
0x16e: {  	_ = 	snop  }
0x16f: {  	[spmem:s2] =	stream.indirect.scatter.add.f32 [tilespmem:s15], [sflag:$0x1], $0x10, s28, s16, $0xb8;
	[tilespmem:$0x3900] =	vst v63  }
0x170: {  	_ = 	snop  }
0x171: {  	[spmem:s2] =	stream.indirect.scatter.add.f32 [tilespmem:s15], [sflag:$0x1], $0x10, s29, s16, $0xb8;
	[tilespmem:$0x3900] =	vst v63  }
0x172: {  	_ = 	snop  }
0x173: {  	[spmem:s2] =	stream.indirect.scatter.add.f32 [tilespmem:s15], [sflag:$0x1], $0x10, s30, s16, $0xb8;
	[tilespmem:$0x3900] =	vst v63  }
0x174: {  	_ = 	snop  }
0x175: {  	[spmem:s2] =	stream.indirect.scatter.add.f32 [tilespmem:s15], [sflag:$0x1], $0x10, s31, s16, $0xb8;
	[tilespmem:$0x3900] =	vst v63  }
0x176: {  	_ = 	snop  }
0x177: {  	[spmem:s2] =	stream.indirect.scatter.add.f32 [tilespmem:s15], [sflag:$0x1], $0x10, s0, s16, $0xb8;
	[tilespmem:$0x3900] =	vst v63  }
0x178: {  	_ = 	snop  }
0x179: {  	[spmem:s2] =	stream.indirect.scatter.add.f32 [tilespmem:s15], [sflag:$0x1], $0x10, s1, s16, $0xb8;
	[tilespmem:$0x3900] =	vst v63  }
0x17a: {  	_ = 	snop  }
0x17b: {  	[spmem:s2] =	stream.indirect.scatter.add.f32 [tilespmem:s15], [sflag:$0x1], $0x10, s6, s16, $0xb8;
	[tilespmem:$0x3900] =	vst v63  }
0x17c: {  	_ =	swait.ge [sflag:s7], $0x800  }
0x17d: {  	[sflag:s7] =	ssyncset.done $0x0  }
0x17e: {  	[sflag:s7] =	ssyncadd.s32 $0xFFFFF800  }
0x17f: {  	_ =	swait.ge [sflag:s7], $0x800  }
0x180: {  	[sflag:s7] =	ssyncset.done $0x0  }
0x181: {  	[sflag:s7] =	ssyncadd.s32 $0xFFFFF800  }
0x182: {  	_ =	swait.ge [sflag:s7], $0x800  }
0x183: {  	[sflag:s7] =	ssyncset.done $0x0  }
0x184: {  	[sflag:s7] =	ssyncadd.s32 $0xFFFFF800  }
0x185: {  	_ =	swait.ge [sflag:s7], $0x800  }
0x186: {  	[sflag:s7] =	ssyncset.done $0x0  }
0x187: {  	[sflag:s7] =	ssyncadd.s32 $0xFFFFF800  }
0x188: {  	_ =	swait.ge [sflag:s7], $0x800  }
0x189: {  	[sflag:s7] =	ssyncset.done $0x0  }
0x18a: {  	[sflag:s7] =	ssyncadd.s32 $0xFFFFF800  }
0x18b: {  	_ =	swait.ge [sflag:s7], $0x800  }
0x18c: {  	[sflag:s7] =	ssyncset.done $0x0  }
0x18d: {  	[sflag:s7] =	ssyncadd.s32 $0xFFFFF800  }
0x18e: {  	_ =	swait.ge [sflag:s7], $0x800  }
0x18f: {  	[sflag:s7] =	ssyncset.done $0x0  }
0x190: {  	[sflag:s7] =	ssyncadd.s32 $0xFFFFF800  }
0x191: {  	_ =	swait.ge [sflag:s7], $0x800  }
0x192: {  	[sflag:s7] =	ssyncset.done $0x0  }
0x193: {  	[sflag:s7] =	ssyncadd.s32 $0xFFFFF800  }
0x194: {  	_ =	swait.ge [sflag:s7], $0x800  }
0x195: {  	[sflag:s7] =	ssyncset.done $0x0  }
0x196: {  	[sflag:s7] =	ssyncadd.s32 $0xFFFFF800  }
0x197: {  	_ =	swait.ge [sflag:s7], $0x800  }
0x198: {  	[sflag:s7] =	ssyncset.done $0x0  }
0x199: {  	[sflag:s7] =	ssyncadd.s32 $0xFFFFF800  }
0x19a: {  	_ =	swait.ge [sflag:s7], $0x800  }
0x19b: {  	[sflag:s7] =	ssyncset.done $0x0  }
0x19c: {  	[sflag:s7] =	ssyncadd.s32 $0xFFFFF800  }
0x19d: {  	_ =	swait.ge [sflag:s7], $0x800  }
0x19e: {  	[sflag:s7] =	ssyncset.done $0x0  }
0x19f: {  	[sflag:s7] =	ssyncadd.s32 $0xFFFFF800  }
0x1a0: {  	_ =	swait.ge [sflag:s7], $0x800  }
0x1a1: {  	[sflag:s7] =	ssyncset.done $0x0  }
0x1a2: {  	[sflag:s7] =	ssyncadd.s32 $0xFFFFF800  }
0x1a3: {  	_ =	swait.ge [sflag:s7], $0x800  }
0x1a4: {  	[sflag:s7] =	ssyncset.done $0x0  }
0x1a5: {  	[sflag:s7] =	ssyncadd.s32 $0xFFFFF800  }
0x1a6: {  	_ =	swait.ge [sflag:s7], $0x800  }
0x1a7: {  	[sflag:s7] =	ssyncset.done $0x0  }
0x1a8: {  	[sflag:s7] =	ssyncadd.s32 $0xFFFFF800  }
0x1a9: {  	_ =	swait.ge [sflag:s7], $0x800  }
0x1aa: {  	[sflag:s7] =	ssyncset.done $0x0  }
0x1ab: {  	[sflag:s7] =	ssyncadd.s32 $0xFFFFF800  }
0x1ac: {  	_ =	swait.ge [sflag:s7], $0x800  }
0x1ad: {  	[sflag:s7] =	ssyncset.done $0x0  }
0x1ae: {  	[sflag:s7] =	ssyncadd.s32 $0xFFFFF800  }
0x1af: {  	_ =	swait.ge [sflag:s7], $0x800  }
.Ltmp4:
0x1b0: {  	[sflag:s7] =	ssyncset.done $0x0;
	(pc) =	sbr.rel .LBB2_8-.Ltmp4, $4  }
0x1b1: {  	[sflag:s7] =	ssyncadd.s32 $0xFFFFF800  }
0x1b2: {  	_ =	swait.ge [sflag:s7], $0x800  }
0x1b3: {  	[sflag:s7] =	ssyncset.done $0x0  }
0x1b4: {  	s4 =	rddreg [dreg:$0x5];
	[sflag:s7] =	ssyncadd.s32 $0xFFFFF800  }
.LBB2_5:
0x1b5: {  	s4 =	sadd.s32 $0x0, s11  }
0x1b6: {  	[tilespmem:s3], [sflag:$0x2] =	stream.linear.gather [hbm4b:s4+s3], $0x980, $0x38;
	[tilespmem:$0x3900] =	vst v63  }
0x1b7: {  	_ =	swait.ge [sflag:s14], $0x980  }
0x1b8: {  	[sflag:s14] =	ssyncset.done $0x0  }
0x1b9: {  	[sflag:s14] =	ssyncadd.s32 $0xFFFFF680  }
0x1ba: {  	[spmem:s2] =	stream.indirect.scatter.add.f32 [tilespmem:s15], [sflag:$0x1], $0x10, s3, s16, $0xb8;
	[tilespmem:$0x3900] =	vst v63  }
0x1bb: {  	_ = 	snop  }
0x1bc: {  	[spmem:s2] =	stream.indirect.scatter.add.f32 [tilespmem:s15], [sflag:$0x1], $0x10, s16, s16, $0xb8;
	[tilespmem:$0x3900] =	vst v63  }
0x1bd: {  	_ = 	snop  }
0x1be: {  	[spmem:s2] =	stream.indirect.scatter.add.f32 [tilespmem:s15], [sflag:$0x1], $0x10, s17, s16, $0xb8;
	[tilespmem:$0x3900] =	vst v63  }
0x1bf: {  	_ = 	snop  }
0x1c0: {  	[spmem:s2] =	stream.indirect.scatter.add.f32 [tilespmem:s15], [sflag:$0x1], $0x10, s18, s16, $0xb8;
	[tilespmem:$0x3900] =	vst v63  }
0x1c1: {  	_ = 	snop  }
0x1c2: {  	[spmem:s2] =	stream.indirect.scatter.add.f32 [tilespmem:s15], [sflag:$0x1], $0x10, s19, s16, $0xb8;
	[tilespmem:$0x3900] =	vst v63  }
0x1c3: {  	_ = 	snop  }
0x1c4: {  	[spmem:s2] =	stream.indirect.scatter.add.f32 [tilespmem:s15], [sflag:$0x1], $0x10, s20, s16, $0xb8;
	[tilespmem:$0x3900] =	vst v63  }
0x1c5: {  	_ = 	snop  }
0x1c6: {  	[spmem:s2] =	stream.indirect.scatter.add.f32 [tilespmem:s15], [sflag:$0x1], $0x10, s21, s16, $0xb8;
	[tilespmem:$0x3900] =	vst v63  }
0x1c7: {  	_ = 	snop  }
0x1c8: {  	[spmem:s2] =	stream.indirect.scatter.add.f32 [tilespmem:s15], [sflag:$0x1], $0x10, s22, s16, $0xb8;
	[tilespmem:$0x3900] =	vst v63  }
0x1c9: {  	_ = 	snop  }
0x1ca: {  	[spmem:s2] =	stream.indirect.scatter.add.f32 [tilespmem:s15], [sflag:$0x1], $0x10, s23, s16, $0xb8;
	[tilespmem:$0x3900] =	vst v63  }
0x1cb: {  	_ = 	snop  }
0x1cc: {  	[spmem:s2] =	stream.indirect.scatter.add.f32 [tilespmem:s15], [sflag:$0x1], $0x10, s24, s16, $0xb8;
	[tilespmem:$0x3900] =	vst v63  }
0x1cd: {  	_ = 	snop  }
0x1ce: {  	[spmem:s2] =	stream.indirect.scatter.add.f32 [tilespmem:s15], [sflag:$0x1], $0x10, s25, s16, $0xb8;
	[tilespmem:$0x3900] =	vst v63  }
0x1cf: {  	_ = 	snop  }
0x1d0: {  	[spmem:s2] =	stream.indirect.scatter.add.f32 [tilespmem:s15], [sflag:$0x1], $0x10, s26, s16, $0xb8;
	[tilespmem:$0x3900] =	vst v63  }
0x1d1: {  	_ = 	snop  }
0x1d2: {  	[spmem:s2] =	stream.indirect.scatter.add.f32 [tilespmem:s15], [sflag:$0x1], $0x10, s28, s16, $0xb8;
	[tilespmem:$0x3900] =	vst v63  }
0x1d3: {  	_ = 	snop  }
0x1d4: {  	[spmem:s2] =	stream.indirect.scatter.add.f32 [tilespmem:s15], [sflag:$0x1], $0x10, s29, s16, $0xb8;
	[tilespmem:$0x3900] =	vst v63  }
0x1d5: {  	_ = 	snop  }
0x1d6: {  	[spmem:s2] =	stream.indirect.scatter.add.f32 [tilespmem:s15], [sflag:$0x1], $0x10, s30, s16, $0xb8;
	[tilespmem:$0x3900] =	vst v63  }
0x1d7: {  	_ = 	snop  }
0x1d8: {  	[spmem:s2] =	stream.indirect.scatter.add.f32 [tilespmem:s15], [sflag:$0x1], $0x10, s31, s16, $0xb8;
	[tilespmem:$0x3900] =	vst v63  }
0x1d9: {  	_ = 	snop  }
0x1da: {  	[spmem:s2] =	stream.indirect.scatter.add.f32 [tilespmem:s15], [sflag:$0x1], $0x10, s0, s16, $0xb8;
	[tilespmem:$0x3900] =	vst v63  }
0x1db: {  	_ = 	snop  }
0x1dc: {  	[spmem:s2] =	stream.indirect.scatter.add.f32 [tilespmem:s15], [sflag:$0x1], $0x10, s1, s16, $0xb8;
	[tilespmem:$0x3900] =	vst v63  }
0x1dd: {  	_ = 	snop  }
0x1de: {  	[spmem:s2] =	stream.indirect.scatter.add.f32 [tilespmem:s15], [sflag:$0x1], $0x10, s6, s16, $0xb8;
	[tilespmem:$0x3900] =	vst v63  }
0x1df: {  	_ =	swait.ge [sflag:s7], $0x800  }
0x1e0: {  	[sflag:s7] =	ssyncset.done $0x0  }
0x1e1: {  	[sflag:s7] =	ssyncadd.s32 $0xFFFFF800  }
0x1e2: {  	_ =	swait.ge [sflag:s7], $0x800  }
0x1e3: {  	[sflag:s7] =	ssyncset.done $0x0  }
0x1e4: {  	[sflag:s7] =	ssyncadd.s32 $0xFFFFF800  }
0x1e5: {  	_ =	swait.ge [sflag:s7], $0x800  }
0x1e6: {  	[sflag:s7] =	ssyncset.done $0x0  }
0x1e7: {  	[sflag:s7] =	ssyncadd.s32 $0xFFFFF800  }
0x1e8: {  	_ =	swait.ge [sflag:s7], $0x800  }
0x1e9: {  	[sflag:s7] =	ssyncset.done $0x0  }
0x1ea: {  	[sflag:s7] =	ssyncadd.s32 $0xFFFFF800  }
0x1eb: {  	_ =	swait.ge [sflag:s7], $0x800  }
0x1ec: {  	[sflag:s7] =	ssyncset.done $0x0  }
0x1ed: {  	[sflag:s7] =	ssyncadd.s32 $0xFFFFF800  }
0x1ee: {  	_ =	swait.ge [sflag:s7], $0x800  }
0x1ef: {  	[sflag:s7] =	ssyncset.done $0x0  }
0x1f0: {  	[sflag:s7] =	ssyncadd.s32 $0xFFFFF800  }
0x1f1: {  	_ =	swait.ge [sflag:s7], $0x800  }
0x1f2: {  	[sflag:s7] =	ssyncset.done $0x0  }
0x1f3: {  	[sflag:s7] =	ssyncadd.s32 $0xFFFFF800  }
0x1f4: {  	_ =	swait.ge [sflag:s7], $0x800  }
0x1f5: {  	[sflag:s7] =	ssyncset.done $0x0  }
0x1f6: {  	[sflag:s7] =	ssyncadd.s32 $0xFFFFF800  }
0x1f7: {  	_ =	swait.ge [sflag:s7], $0x800  }
0x1f8: {  	[sflag:s7] =	ssyncset.done $0x0  }
0x1f9: {  	[sflag:s7] =	ssyncadd.s32 $0xFFFFF800  }
0x1fa: {  	_ =	swait.ge [sflag:s7], $0x800  }
0x1fb: {  	[sflag:s7] =	ssyncset.done $0x0  }
0x1fc: {  	[sflag:s7] =	ssyncadd.s32 $0xFFFFF800  }
0x1fd: {  	_ =	swait.ge [sflag:s7], $0x800  }
0x1fe: {  	[sflag:s7] =	ssyncset.done $0x0  }
0x1ff: {  	[sflag:s7] =	ssyncadd.s32 $0xFFFFF800  }
0x200: {  	_ =	swait.ge [sflag:s7], $0x800  }
0x201: {  	[sflag:s7] =	ssyncset.done $0x0  }
0x202: {  	[sflag:s7] =	ssyncadd.s32 $0xFFFFF800  }
0x203: {  	_ =	swait.ge [sflag:s7], $0x800  }
0x204: {  	[sflag:s7] =	ssyncset.done $0x0  }
0x205: {  	[sflag:s7] =	ssyncadd.s32 $0xFFFFF800  }
0x206: {  	_ =	swait.ge [sflag:s7], $0x800  }
0x207: {  	[sflag:s7] =	ssyncset.done $0x0  }
0x208: {  	[sflag:s7] =	ssyncadd.s32 $0xFFFFF800  }
0x209: {  	_ =	swait.ge [sflag:s7], $0x800  }
0x20a: {  	[sflag:s7] =	ssyncset.done $0x0  }
0x20b: {  	[sflag:s7] =	ssyncadd.s32 $0xFFFFF800  }
0x20c: {  	_ =	swait.ge [sflag:s7], $0x800  }
0x20d: {  	[sflag:s7] =	ssyncset.done $0x0  }
0x20e: {  	[sflag:s7] =	ssyncadd.s32 $0xFFFFF800  }
0x20f: {  	_ =	swait.ge [sflag:s7], $0x800  }
0x210: {  	[sflag:s7] =	ssyncset.done $0x0  }
0x211: {  	[sflag:s7] =	ssyncadd.s32 $0xFFFFF800  }
0x212: {  	_ =	swait.ge [sflag:s7], $0x800  }
0x213: {  	[sflag:s7] =	ssyncset.done $0x0  }
0x214: {  	[sflag:s7] =	ssyncadd.s32 $0xFFFFF800  }
0x215: {  	_ =	swait.ge [sflag:s7], $0x800  }
0x216: {  	s8 =	simm.s32 $0x130;
	s4 =	simm.s32 $0x260;
	[sflag:s7] =	ssyncset.done $0x0  }
.LBB2_6:
0x217: {  	s9 =	sadd.s32 s8, s11  }
0x218: {  	[sflag:s7] =	ssyncadd.s32 $0xFFFFF800;
	s8 =	smov.u32 s4;
	s10 =	sadd.s32 $0x130, s4  }
0x219: {  	[tilespmem:s3], [sflag:$0x2] =	stream.linear.gather [hbm4b:s9+s3], $0x980, $0x38;
	[tilespmem:$0x3900] =	vst v63  }
0x21a: {  	p1 =	sne.s32 s4, $0x850;
	_ =	swait.ge [sflag:s14], $0x980  }
0x21b: {  	[sflag:s14] =	ssyncset.done $0x0  }
0x21c: {  	[sflag:s14] =	ssyncadd.s32 $0xFFFFF680  }
0x21d: {  	[spmem:s2] =	stream.indirect.scatter.add.f32 [tilespmem:s15], [sflag:$0x1], $0x10, s3, s16, $0xb8;
	[tilespmem:$0x3900] =	vst v63  }
0x21e: {  	_ = 	snop  }
0x21f: {  	[spmem:s2] =	stream.indirect.scatter.add.f32 [tilespmem:s15], [sflag:$0x1], $0x10, s16, s16, $0xb8;
	[tilespmem:$0x3900] =	vst v63  }
0x220: {  	_ = 	snop  }
0x221: {  	[spmem:s2] =	stream.indirect.scatter.add.f32 [tilespmem:s15], [sflag:$0x1], $0x10, s17, s16, $0xb8;
	[tilespmem:$0x3900] =	vst v63  }
0x222: {  	_ = 	snop  }
0x223: {  	[spmem:s2] =	stream.indirect.scatter.add.f32 [tilespmem:s15], [sflag:$0x1], $0x10, s18, s16, $0xb8;
	[tilespmem:$0x3900] =	vst v63  }
0x224: {  	_ = 	snop  }
0x225: {  	[spmem:s2] =	stream.indirect.scatter.add.f32 [tilespmem:s15], [sflag:$0x1], $0x10, s19, s16, $0xb8;
	[tilespmem:$0x3900] =	vst v63  }
0x226: {  	_ = 	snop  }
0x227: {  	[spmem:s2] =	stream.indirect.scatter.add.f32 [tilespmem:s15], [sflag:$0x1], $0x10, s20, s16, $0xb8;
	[tilespmem:$0x3900] =	vst v63  }
0x228: {  	_ = 	snop  }
0x229: {  	[spmem:s2] =	stream.indirect.scatter.add.f32 [tilespmem:s15], [sflag:$0x1], $0x10, s21, s16, $0xb8;
	[tilespmem:$0x3900] =	vst v63  }
0x22a: {  	_ = 	snop  }
0x22b: {  	[spmem:s2] =	stream.indirect.scatter.add.f32 [tilespmem:s15], [sflag:$0x1], $0x10, s22, s16, $0xb8;
	[tilespmem:$0x3900] =	vst v63  }
0x22c: {  	_ = 	snop  }
0x22d: {  	[spmem:s2] =	stream.indirect.scatter.add.f32 [tilespmem:s15], [sflag:$0x1], $0x10, s23, s16, $0xb8;
	[tilespmem:$0x3900] =	vst v63  }
0x22e: {  	_ = 	snop  }
0x22f: {  	[spmem:s2] =	stream.indirect.scatter.add.f32 [tilespmem:s15], [sflag:$0x1], $0x10, s24, s16, $0xb8;
	[tilespmem:$0x3900] =	vst v63  }
0x230: {  	_ = 	snop  }
0x231: {  	[spmem:s2] =	stream.indirect.scatter.add.f32 [tilespmem:s15], [sflag:$0x1], $0x10, s25, s16, $0xb8;
	[tilespmem:$0x3900] =	vst v63  }
0x232: {  	_ = 	snop  }
0x233: {  	[spmem:s2] =	stream.indirect.scatter.add.f32 [tilespmem:s15], [sflag:$0x1], $0x10, s26, s16, $0xb8;
	[tilespmem:$0x3900] =	vst v63  }
0x234: {  	_ = 	snop  }
0x235: {  	[spmem:s2] =	stream.indirect.scatter.add.f32 [tilespmem:s15], [sflag:$0x1], $0x10, s28, s16, $0xb8;
	[tilespmem:$0x3900] =	vst v63  }
0x236: {  	_ = 	snop  }
0x237: {  	[spmem:s2] =	stream.indirect.scatter.add.f32 [tilespmem:s15], [sflag:$0x1], $0x10, s29, s16, $0xb8;
	[tilespmem:$0x3900] =	vst v63  }
0x238: {  	_ = 	snop  }
0x239: {  	[spmem:s2] =	stream.indirect.scatter.add.f32 [tilespmem:s15], [sflag:$0x1], $0x10, s30, s16, $0xb8;
	[tilespmem:$0x3900] =	vst v63  }
0x23a: {  	_ = 	snop  }
0x23b: {  	[spmem:s2] =	stream.indirect.scatter.add.f32 [tilespmem:s15], [sflag:$0x1], $0x10, s31, s16, $0xb8;
	[tilespmem:$0x3900] =	vst v63  }
0x23c: {  	_ = 	snop  }
0x23d: {  	[spmem:s2] =	stream.indirect.scatter.add.f32 [tilespmem:s15], [sflag:$0x1], $0x10, s0, s16, $0xb8;
	[tilespmem:$0x3900] =	vst v63  }
0x23e: {  	_ = 	snop  }
0x23f: {  	[spmem:s2] =	stream.indirect.scatter.add.f32 [tilespmem:s15], [sflag:$0x1], $0x10, s1, s16, $0xb8;
	[tilespmem:$0x3900] =	vst v63  }
0x240: {  	_ = 	snop  }
0x241: {  	[spmem:s2] =	stream.indirect.scatter.add.f32 [tilespmem:s15], [sflag:$0x1], $0x10, s6, s16, $0xb8;
	[tilespmem:$0x3900] =	vst v63  }
0x242: {  	_ =	swait.ge [sflag:s7], $0x800  }
0x243: {  	[sflag:s7] =	ssyncset.done $0x0  }
0x244: {  	[sflag:s7] =	ssyncadd.s32 $0xFFFFF800  }
0x245: {  	_ =	swait.ge [sflag:s7], $0x800  }
0x246: {  	[sflag:s7] =	ssyncset.done $0x0  }
0x247: {  	[sflag:s7] =	ssyncadd.s32 $0xFFFFF800  }
0x248: {  	_ =	swait.ge [sflag:s7], $0x800  }
0x249: {  	[sflag:s7] =	ssyncset.done $0x0  }
0x24a: {  	[sflag:s7] =	ssyncadd.s32 $0xFFFFF800  }
0x24b: {  	_ =	swait.ge [sflag:s7], $0x800  }
0x24c: {  	[sflag:s7] =	ssyncset.done $0x0  }
0x24d: {  	[sflag:s7] =	ssyncadd.s32 $0xFFFFF800  }
0x24e: {  	_ =	swait.ge [sflag:s7], $0x800  }
0x24f: {  	[sflag:s7] =	ssyncset.done $0x0  }
0x250: {  	[sflag:s7] =	ssyncadd.s32 $0xFFFFF800  }
0x251: {  	_ =	swait.ge [sflag:s7], $0x800  }
0x252: {  	[sflag:s7] =	ssyncset.done $0x0  }
0x253: {  	[sflag:s7] =	ssyncadd.s32 $0xFFFFF800  }
0x254: {  	_ =	swait.ge [sflag:s7], $0x800  }
0x255: {  	[sflag:s7] =	ssyncset.done $0x0  }
0x256: {  	[sflag:s7] =	ssyncadd.s32 $0xFFFFF800  }
0x257: {  	_ =	swait.ge [sflag:s7], $0x800  }
0x258: {  	[sflag:s7] =	ssyncset.done $0x0  }
0x259: {  	[sflag:s7] =	ssyncadd.s32 $0xFFFFF800  }
0x25a: {  	_ =	swait.ge [sflag:s7], $0x800  }
0x25b: {  	[sflag:s7] =	ssyncset.done $0x0  }
0x25c: {  	[sflag:s7] =	ssyncadd.s32 $0xFFFFF800  }
0x25d: {  	_ =	swait.ge [sflag:s7], $0x800  }
0x25e: {  	[sflag:s7] =	ssyncset.done $0x0  }
0x25f: {  	[sflag:s7] =	ssyncadd.s32 $0xFFFFF800  }
0x260: {  	_ =	swait.ge [sflag:s7], $0x800  }
0x261: {  	[sflag:s7] =	ssyncset.done $0x0  }
0x262: {  	[sflag:s7] =	ssyncadd.s32 $0xFFFFF800  }
0x263: {  	_ =	swait.ge [sflag:s7], $0x800  }
0x264: {  	[sflag:s7] =	ssyncset.done $0x0  }
0x265: {  	[sflag:s7] =	ssyncadd.s32 $0xFFFFF800  }
0x266: {  	_ =	swait.ge [sflag:s7], $0x800  }
0x267: {  	[sflag:s7] =	ssyncset.done $0x0  }
0x268: {  	[sflag:s7] =	ssyncadd.s32 $0xFFFFF800  }
0x269: {  	_ =	swait.ge [sflag:s7], $0x800  }
0x26a: {  	[sflag:s7] =	ssyncset.done $0x0  }
0x26b: {  	[sflag:s7] =	ssyncadd.s32 $0xFFFFF800  }
0x26c: {  	_ =	swait.ge [sflag:s7], $0x800  }
0x26d: {  	[sflag:s7] =	ssyncset.done $0x0  }
0x26e: {  	[sflag:s7] =	ssyncadd.s32 $0xFFFFF800  }
0x26f: {  	_ =	swait.ge [sflag:s7], $0x800  }
0x270: {  	[sflag:s7] =	ssyncset.done $0x0  }
0x271: {  	[sflag:s7] =	ssyncadd.s32 $0xFFFFF800  }
0x272: {  	_ =	swait.ge [sflag:s7], $0x800  }
0x273: {  	[sflag:s7] =	ssyncset.done $0x0  }
0x274: {  	[sflag:s7] =	ssyncadd.s32 $0xFFFFF800  }
.Ltmp5:
0x275: {  	_ =	swait.ge [sflag:s7], $0x800;
	(pc) =	sbr.rel @p1 .LBB2_6-.Ltmp5, $4  }
0x276: {  	[sflag:s7] =	ssyncset.done $0x0  }
0x277: {  	[sflag:s7] =	ssyncadd.s32 $0xFFFFF800  }
0x278: {  	_ =	swait.ge [sflag:s7], $0x800  }
0x279: {  	s4 =	smov.u32 s10;
	[sflag:s7] =	ssyncset.done $0x0  }
.Ltmp6:
0x27a: {  	_ = 	snop;
	(pc) =	sbr.rel .LBB2_7-.Ltmp6, $1  }
0x27b: {  	_ =	sdelay $0x3  }
.LBB2_9:
0x27c: {  	_ =	sfence.sel $0x180000  }
0x27d: {  	[bflag:$0x0] =	sbarrier.arrive $0xFFFF  }
0x27e: {  	_ =	strace $0x9000004A  }
0x27f: {  	s0 =	stileid.u32;
	[bflag:$0x2] =	sbarrier.arrive $0xFFFF  }
0x280: {  	p0 =	sne.s32 s0, $0x0;
	s0 =	rddreg [dreg:$0x2]  }
0x281: {  	s0 =	sadd.s32 @!p0 $0x100000, s0  }
0x282: {  	[sflag:s0] =	ssyncadd.tile.s32 @!p0 $0x1;
	_ =	shalt  }
.Lfunc_end2:
_tile_overlayer_lowered:
.L_overlay_start_2:
0x283: {  	(tag) =	ssettag $0x2  }
0x284: {  	s0 =	rddreg [dreg:$0x0];
	s2 =	stileid.u32  }
0x285: {  	s1 =	rddreg [dreg:$0x1];
	p0 =	sne.s32 s2, $0x0  }
0x286: {  	s3 =	rddreg [dreg:$0x2];
	[bflag:$0x3] =	sbarrier.arrive $0xFFFF;
	s2 =	simm.s32 @!p0 $0x1C02  }
0x287: {  	[timem:s3], [sflag:s2] =	dma.local @!p0 [hbm:s0], s1  }
0x288: {  	s0 =	simm.s32 @!p0 $0x2  }
0x289: {  	_ =	swait.ge @!p0 [sflag:s0], s1  }
0x28a: {  	s1 =	ssub.s32 @!p0 $0x0, s1;
	[sflag:s0] =	ssyncset.done @!p0 $0x0  }
0x28b: {  	[sflag:s0] =	ssyncadd.s32 @!p0 s1  }
0x28c: {  	[bflag:$0x3] =	sbarrier.arrive $0xFFFF  }
0x28d: {  	_ =	shalt  }

</sc_bundles>
